<compile_context>
chip_gen: v7x
topology: tpu7x:2x2x1
jax: 0.10.2.dev20260603
libtpu: 0.0.44.dev20260713+nightly
codegen_flags: <defaults>
</compile_context>

<pallas_src>
import functools

import jax
import jax.numpy as jnp
from jax import lax
from jax.experimental import pallas as pl
from jax.experimental.pallas import tpu as pltpu
from jax.experimental.pallas import tpu_sc as plsc

N = 10000
E = 320000
H = 128
HH = H // 2
NUM_LAYERS_ = 4

NC = 2
NS = 16
NW = NC * NS
CH = 80
EPW = E // NW
NCHUNK = EPW // CH
EPS = E // NS
NCHUNK2 = EPS // CH
NP = 10240
RPT = NP // NS

_mesh = plsc.VectorSubcoreMesh(core_axis_name="c", subcore_axis_name="s")


@functools.partial(
    pl.kernel,
    out_type=(
        jax.ShapeDtypeStruct((NW, NCHUNK, CH), jnp.int32),
        jax.ShapeDtypeStruct((NC, NP), jnp.float32),
    ),
    mesh=_mesh,
    scratch_types=[
        pltpu.VMEM((NCHUNK, CH), jnp.int32),
        pltpu.VMEM((NCHUNK, CH), jnp.int32),
        pltpu.VMEM((CH,), jnp.float32),
        pltpu.VMEM((RPT,), jnp.float32),
        pltpu.VMEM_SHARED((NP,), jnp.float32),
    ],
)
def _sc_deg(row3, col3, col2_out, deg_out, row_v, col_v, ones_v, zb_v, acc):
    c = lax.axis_index("c")
    s = lax.axis_index("s")
    w = c * NS + s
    pltpu.sync_copy(row3.at[w], row_v)
    pltpu.sync_copy(col3.at[w], col_v)

    for k in range(CH // 16):
        ones_v[pl.ds(k * 16, 16)] = jnp.full((16,), 1.0, jnp.float32)

    def zfill(i, _):
        zb_v[pl.ds(i * 16, 16)] = jnp.zeros((16,), jnp.float32)
        return 0

    lax.fori_loop(0, RPT // 16, zfill, 0, unroll=8)
    pltpu.sync_copy(zb_v, acc.at[pl.ds(s * RPT, RPT)])

    def rewrite(j, _):
        for k in range(CH // 16):
            r16 = row_v[j, pl.ds(k * 16, 16)]
            c16 = col_v[j, pl.ds(k * 16, 16)]
            col_v[j, pl.ds(k * 16, 16)] = jnp.where(r16 == c16, N, c16)
        return 0

    lax.fori_loop(0, NCHUNK, rewrite, 0)
    pltpu.sync_copy(col_v, col2_out.at[w])
    plsc.subcore_barrier()

    def body(j, _):
        pltpu.sync_copy(ones_v, acc.at[col_v.at[j]], add=True)
        return 0

    lax.fori_loop(0, NCHUNK, body, 0)
    plsc.subcore_barrier()
    pltpu.sync_copy(acc.at[pl.ds(s * RPT, RPT)], deg_out.at[c, pl.ds(s * RPT, RPT)])


SB = 25
NSTAGE = NCHUNK // SB


NR = 4


@functools.partial(
    pl.kernel,
    out_type=jax.ShapeDtypeStruct((NC, NP, H), jnp.float32),
    mesh=_mesh,
    scratch_types=[
        pltpu.VMEM((SB, CH), jnp.int32),
        pltpu.VMEM((SB, CH), jnp.int32),
        pltpu.VMEM((CH, H), jnp.float32),
        pltpu.VMEM((CH, H), jnp.float32),
        pltpu.VMEM((CH, H), jnp.float32),
        pltpu.VMEM((CH, H), jnp.float32),
        pltpu.SemaphoreType.DMA,
        pltpu.SemaphoreType.DMA,
        pltpu.SemaphoreType.DMA,
        pltpu.SemaphoreType.DMA,
        pltpu.SemaphoreType.DMA,
        pltpu.SemaphoreType.DMA,
        pltpu.SemaphoreType.DMA,
        pltpu.SemaphoreType.DMA,
        pltpu.VMEM_SHARED((NP, H), jnp.float32),
    ],
)
def _sc_agg(hp, row3, col23, u_out, row_v, col_v,
            g0, g1, g2, g3, gs0, gs1, gs2, gs3, ss0, ss1, ss2, ss3, acc):
    c = lax.axis_index("c")
    s = lax.axis_index("s")
    w = c * NS + s
    gbufs = (g0, g1, g2, g3)
    gsems = (gs0, gs1, gs2, gs3)
    ssems = (ss0, ss1, ss2, ss3)
    pltpu.sync_copy(row3.at[w, 0], row_v)
    pltpu.sync_copy(col23.at[w, 0], col_v)
    for b in range(1, NR):
        pltpu.async_copy(hp.at[row_v.at[b]], gbufs[b], gsems[b])

    def zrow(i, _):
        for k in range(H // 16):
            g0[i, pl.ds(k * 16, 16)] = jnp.zeros((16,), jnp.float32)
        return 0

    lax.fori_loop(0, CH, zrow, 0, unroll=2)
    for t in range(RPT // CH):
        pltpu.sync_copy(g0, acc.at[pl.ds(s * RPT + t * CH, CH)])
    pltpu.async_copy(hp.at[row_v.at[0]], g0, gs0)
    plsc.subcore_barrier()

    def stage(st, _):
        @pl.when(st > 0)
        def _():
            pltpu.sync_copy(row3.at[w, st], row_v)
            pltpu.sync_copy(col23.at[w, st], col_v)

            for b in range(NR):
                pltpu.async_copy(hp.at[row_v.at[b]], gbufs[b], gsems[b])

        def body(j, _):
            @pl.when(j >= 1)
            def _():
                for b in range(NR):
                    @pl.when((j - 1) % NR == b)
                    def _():
                        pltpu.make_async_copy(
                            gbufs[b], acc.at[col_v.at[j - 1]], ssems[b]).wait()

                        @pl.when(j + NR - 1 < SB)
                        def _():
                            pltpu.async_copy(
                                hp.at[row_v.at[j + NR - 1]], gbufs[b], gsems[b])

            for b in range(NR):
                @pl.when(j % NR == b)
                def _():
                    pltpu.make_async_copy(
                        hp.at[row_v.at[j]], gbufs[b], gsems[b]).wait()
                    pltpu.async_copy(
                        gbufs[b], acc.at[col_v.at[j]], ssems[b], add=True)

            return 0

        lax.fori_loop(0, SB, body, 0)
        for b in range(NR):
            if (SB - 1) % NR == b:
                pltpu.make_async_copy(
                    gbufs[b], acc.at[col_v.at[SB - 1]], ssems[b]).wait()
        return 0

    lax.fori_loop(0, NSTAGE, stage, 0)
    plsc.subcore_barrier()
    pltpu.sync_copy(acc.at[pl.ds(s * RPT, RPT)], u_out.at[c, pl.ds(s * RPT, RPT)])


_RB = 10000


def _tc_proj_body(x_ref, wi_ref, b_ref, deg_ref, wa_ref, wpr_ref,
                  h_ref, hp_ref, dis_ref, wp_ref, at_ref):
    i = pl.program_id(0)

    @pl.when(i == 0)
    def _():
        r = lax.broadcasted_iota(jnp.int32, (H, H), 0)
        col = lax.broadcasted_iota(jnp.int32, (H, H), 1)
        eye = (r == col).astype(jnp.float32)
        w0 = jnp.where(col > r, wpr_ref[:, :H], 0.0)
        w0t = lax.dot_general(w0, eye, (((0,), (0,)), ((), ())),
                              preferred_element_type=jnp.float32)
        w0s = w0 + w0t
        q = wpr_ref[:, H:H + 1]
        rr = wpr_ref[:, H + 1:H + 2]
        d = q * jnp.sum(jnp.abs(w0s), axis=1, keepdims=True) + rr
        wp_ref[...] = w0s + eye * d
        wa = wa_ref[...]
        wat = lax.dot_general(wa, eye, (((0,), (0,)), ((), ())),
                              preferred_element_type=jnp.float32)
        at_ref[...] = wat - wa

    deg = deg_ref[...]
    dis = jnp.where(deg > 0, lax.rsqrt(jnp.maximum(deg, 1e-30)), 0.0)
    dis_ref[...] = dis
    hb = lax.dot_general(x_ref[...], wi_ref[...], (((1,), (1,)), ((), ())),
                         preferred_element_type=jnp.float32)
    hb = jnp.maximum(hb + b_ref[...], 0.0)
    h_ref[...] = hb
    hp_ref[...] = dis * hb


_tc_proj = pl.pallas_call(
    _tc_proj_body,
    grid=(N // _RB,),
    in_specs=[
        pl.BlockSpec((_RB, H), lambda i: (i, 0)),
        pl.BlockSpec((H, H), lambda i: (0, 0)),
        pl.BlockSpec((1, H), lambda i: (0, 0)),
        pl.BlockSpec((_RB, 1), lambda i: (i, 0)),
        pl.BlockSpec((H, H), lambda i: (0, 0)),
        pl.BlockSpec((H, H + 2), lambda i: (0, 0)),
    ],
    out_specs=(
        pl.BlockSpec((_RB, H), lambda i: (i, 0)),
        pl.BlockSpec((_RB, H), lambda i: (i, 0)),
        pl.BlockSpec((_RB, 1), lambda i: (i, 0)),
        pl.BlockSpec((H, H), lambda i: (0, 0)),
        pl.BlockSpec((H, H), lambda i: (0, 0)),
    ),
    out_shape=(
        jax.ShapeDtypeStruct((N, H), jnp.float32),
        jax.ShapeDtypeStruct((N, H), jnp.float32),
        jax.ShapeDtypeStruct((N, 1), jnp.float32),
        jax.ShapeDtypeStruct((H, H), jnp.float32),
        jax.ShapeDtypeStruct((H, H), jnp.float32),
    ),
)


def _tc_update_body(h_ref, u0_ref, u1_ref, dis_ref, wp_ref, at_ref,
                    hn_ref, hp_ref):
    usum = u0_ref[...] + u1_ref[...]
    agg = dis_ref[...] * lax.dot_general(
        usum, wp_ref[...], (((1,), (0,)), ((), ())),
        preferred_element_type=jnp.float32)
    t = jnp.maximum(lax.dot_general(
        h_ref[...], at_ref[...], (((1,), (0,)), ((), ())),
        preferred_element_type=jnp.float32), 0.0)
    hn = h_ref[...] + jnp.maximum(jnp.tanh(agg - t), 0.0)
    hn_ref[...] = hn
    hp_ref[...] = dis_ref[...] * hn


_tc_update = pl.pallas_call(
    _tc_update_body,
    grid=(N // _RB,),
    in_specs=[
        pl.BlockSpec((_RB, H), lambda i: (i, 0)),
        pl.BlockSpec((_RB, H), lambda i: (i, 0)),
        pl.BlockSpec((_RB, H), lambda i: (i, 0)),
        pl.BlockSpec((_RB, 1), lambda i: (i, 0)),
        pl.BlockSpec((H, H), lambda i: (0, 0)),
        pl.BlockSpec((H, H), lambda i: (0, 0)),
    ],
    out_specs=(
        pl.BlockSpec((_RB, H), lambda i: (i, 0)),
        pl.BlockSpec((_RB, H), lambda i: (i, 0)),
    ),
    out_shape=(
        jax.ShapeDtypeStruct((N, H), jnp.float32),
        jax.ShapeDtypeStruct((N, H), jnp.float32),
    ),
)


def kernel(x, edge_index, W_in, b_in, W_anti, W_pair):
    row3 = edge_index[0].reshape(NW, NCHUNK, CH)
    col3 = edge_index[1].reshape(NW, NCHUNK, CH)

    col23, deg2 = _sc_deg(row3, col3)
    deg_col = (deg2[0] + deg2[1])[:N].reshape(N, 1)

    row4 = row3.reshape(NW, NSTAGE, SB, CH)
    col24 = col23.reshape(NW, NSTAGE, SB, CH)

    h, hp, dis, Wp, A_T = _tc_proj(x, W_in, b_in.reshape(1, H), deg_col,
                                   W_anti, W_pair)
    for _ in range(NUM_LAYERS_):
        u = _sc_agg(hp, row4, col24)
        h, hp = _tc_update(h, u[0, :N], u[1, :N], dis, Wp, A_T)
    return h

# --- scband reference (transcript-rebuilt; emitter-appended) ---
"""Pipeline reference for scband-weight-shared-sas-87608742904000 (READ-ONLY COPY).

The authoritative reference and input builder live on the scoring server;
editing this copy changes nothing except your own understanding.
"""

import jax, jax.numpy as jnp
import numpy as np

N_NODES = 10000
N_EDGES = 320000
D_IN = 128
H = 128
NUM_LAYERS = 4


def setup_inputs(seed: int = 0) -> dict:
    key = jax.random.key(seed)
    k = jax.random.split(key, 6)
    x = jax.random.normal(k[0], (N_NODES, D_IN), dtype=jnp.float32)
    edge_index = jax.random.randint(k[1], (2, N_EDGES), 0, N_NODES, dtype=jnp.int32)
    # input_proj: Linear(in_channels -> hidden_channels)
    W_in = jax.random.normal(k[2], (H, D_IN), dtype=jnp.float32) * (1.0 / np.sqrt(D_IN))
    b_in = jnp.zeros((H,), dtype=jnp.float32)
    # AntiSymmetric raw weight [H, H]
    W_anti = jax.random.normal(k[3], (H, H), dtype=jnp.float32) * (1.0 / np.sqrt(H))
    # Pairwise raw weight [H, H+2] (parametrized into symmetric [H, H])
    W_pair = jax.random.normal(k[4], (H, H + 2), dtype=jnp.float32) * (1.0 / np.sqrt(H + 2))
    return {"x": x, "edge_index": edge_index, "W_in": W_in, "b_in": b_in, "W_anti": W_anti, "W_pair": W_pair}


def _pairwise_weight(W):
    W0 = jnp.triu(W[:, :-2], 1)
    W0 = W0 + W0.T
    q = W[:, -2]
    r = W[:, -1]
    w_diag = jnp.diag(q * jnp.sum(jnp.abs(W0), axis=1) + r)
    return W0 + w_diag


def reference(x, edge_index, W_in, b_in, W_anti, W_pair):
    n = x.shape[0]
    row = edge_index[0]
    col = edge_index[1]
    # remove_self_loops: equivalent to zeroing their message norm
    mask = (row != col).astype(jnp.float32)
    deg = jax.ops.segment_sum(mask, col, num_segments=n)
    deg_inv_sqrt = jnp.where(deg > 0, deg ** -0.5, 0.0)
    norm = deg_inv_sqrt[row] * deg_inv_sqrt[col] * mask

    Wp = _pairwise_weight(W_pair)  # symmetric [H, H]
    # antisym_W = W - W.T; forward uses x @ antisym_W.T = x @ (W.T - W)
    antisym_T = W_anti.T - W_anti

    h = jax.nn.relu(x @ W_in.T + b_in)
    # dropout skipped (eval mode)
    for _ in range(NUM_LAYERS):
        out = h @ Wp.T
        msgs = norm[:, None] * out[row]
        agg = jax.ops.segment_sum(msgs, col, num_segments=n)
        delta = -jax.nn.relu(h @ antisym_T) + agg
        h = h + jax.nn.relu(jnp.tanh(delta))
    return h

if __name__ == "__main__":
    import jax
    _d = setup_inputs()
    print(jax.jit(kernel)(*tuple(_d.values())))

</pallas_src>

<mosaic_0001>
#map = affine_map<(d0, d1) -> (0, 0)>
#map1 = affine_map<(d0, d1) -> (0, 0, 0, 0)>
#map2 = affine_map<(d0, d1) -> (0, 0, 0)>
module attributes {stable_mosaic.version = 14 : i64} {
  func.func @_sc_agg(%arg0: i32, %arg1: i32, %arg2: memref<10000x128xf32, #tpu.memory_space<hbm>>, %arg3: memref<32x5x25x80xi32, #tpu.memory_space<hbm>>, %arg4: memref<32x5x25x80xi32, #tpu.memory_space<hbm>>, %arg5: memref<2x10240x128xf32, #tpu.memory_space<hbm>>, %arg6: memref<25x80xi32, #tpu.memory_space<vmem>>, %arg7: memref<25x80xi32, #tpu.memory_space<vmem>>, %arg8: memref<80x128xf32, #tpu.memory_space<vmem>>, %arg9: memref<80x128xf32, #tpu.memory_space<vmem>>, %arg10: memref<80x128xf32, #tpu.memory_space<vmem>>, %arg11: memref<80x128xf32, #tpu.memory_space<vmem>>, %arg12: memref<!tpu.dma_semaphore, #tpu.memory_space<semaphore_mem>>, %arg13: memref<!tpu.dma_semaphore, #tpu.memory_space<semaphore_mem>>, %arg14: memref<!tpu.dma_semaphore, #tpu.memory_space<semaphore_mem>>, %arg15: memref<!tpu.dma_semaphore, #tpu.memory_space<semaphore_mem>>, %arg16: memref<!tpu.dma_semaphore, #tpu.memory_space<semaphore_mem>>, %arg17: memref<!tpu.dma_semaphore, #tpu.memory_space<semaphore_mem>>, %arg18: memref<!tpu.dma_semaphore, #tpu.memory_space<semaphore_mem>>, %arg19: memref<!tpu.dma_semaphore, #tpu.memory_space<semaphore_mem>>, %arg20: memref<10240x128xf32, #tpu.memory_space<vmem_shared>>) attributes {dimension_semantics = [#tpu.dimension_semantics<core_parallel>, #tpu.dimension_semantics<subcore_parallel>], iteration_bounds = array<i64: 2, 16>, scalar_prefetch = 0 : i64, scratch_operands = 15 : i64, tpu.core_type = #tpu.core_type<sc_vector_subcore>, window_params = [{transform_indices = #map}, {transform_indices = #map1}, {transform_indices = #map1}, {transform_indices = #map2}]} {
    %mul3A = arith.constant 16 : i32
    %mul3A_0 = arith.muli %arg0, %mul3A : i32
    %add3A = arith.addi %mul3A_0, %arg1 : i32
    %run_scoped3A = arith.constant 0 : i32
    "tpu.region"() ({
      %run_scoped3A_79 = tpu.sem_alloc : memref<!tpu.dma_semaphore, #tpu.memory_space<semaphore_mem>>
      %dma_start3A_80 = arith.constant 0 : i32
      %dma_start3A_81 = arith.constant 0 : i32
      %dma_start3A_82 = tpu.memref_slice %arg3[%add3A, %run_scoped3A, %dma_start3A_80, %dma_start3A_81] : memref<32x5x25x80xi32, #tpu.memory_space<hbm>> -> memref<1x1x25x80xi32, #tpu.memory_space<hbm>>
      %dma_start3A_83 = tpu.memref_squeeze %dma_start3A_82 : memref<1x1x25x80xi32, #tpu.memory_space<hbm>> -> memref<25x80xi32, #tpu.memory_space<hbm>>
      %dma_start3A_84 = arith.constant 0 : i32
      %dma_start3A_85 = arith.constant 0 : i32
      %dma_start3A_86 = tpu.memref_slice %arg3[%add3A, %run_scoped3A, %dma_start3A_84, %dma_start3A_85] : memref<32x5x25x80xi32, #tpu.memory_space<hbm>> -> memref<1x1x25x80xi32, #tpu.memory_space<hbm>>
      %dma_start3A_87 = tpu.memref_squeeze %dma_start3A_86 : memref<1x1x25x80xi32, #tpu.memory_space<hbm>> -> memref<25x80xi32, #tpu.memory_space<hbm>>
      tpu.enqueue_dma source(%dma_start3A_87 : memref<25x80xi32, #tpu.memory_space<hbm>>) target(%arg6 : memref<25x80xi32, #tpu.memory_space<vmem>>) target_semaphore(%run_scoped3A_79 : memref<!tpu.dma_semaphore, #tpu.memory_space<semaphore_mem>>)
      %dma_wait3A = arith.constant 0 : i32
      %dma_wait3A_88 = arith.constant 0 : i32
      %dma_wait3A_89 = tpu.memref_slice %arg3[%add3A, %run_scoped3A, %dma_wait3A, %dma_wait3A_88] : memref<32x5x25x80xi32, #tpu.memory_space<hbm>> -> memref<1x1x25x80xi32, #tpu.memory_space<hbm>>
      %dma_wait3A_90 = tpu.memref_squeeze %dma_wait3A_89 : memref<1x1x25x80xi32, #tpu.memory_space<hbm>> -> memref<25x80xi32, #tpu.memory_space<hbm>>
      %dma_wait3A_91 = arith.constant 0 : i32
      %dma_wait3A_92 = arith.constant 0 : i32
      %dma_wait3A_93 = tpu.memref_slice %arg3[%add3A, %run_scoped3A, %dma_wait3A_91, %dma_wait3A_92] : memref<32x5x25x80xi32, #tpu.memory_space<hbm>> -> memref<1x1x25x80xi32, #tpu.memory_space<hbm>>
      %dma_wait3A_94 = tpu.memref_squeeze %dma_wait3A_93 : memref<1x1x25x80xi32, #tpu.memory_space<hbm>> -> memref<25x80xi32, #tpu.memory_space<hbm>>
      tpu.wait_dma2 semaphore(%run_scoped3A_79 : memref<!tpu.dma_semaphore, #tpu.memory_space<semaphore_mem>>) src(%dma_wait3A_94 : memref<25x80xi32, #tpu.memory_space<hbm>>) dst(%arg6 : memref<25x80xi32, #tpu.memory_space<vmem>>)
      tpu.yield
    }) : () -> ()
    %run_scoped3A_1 = arith.constant 0 : i32
    "tpu.region"() ({
      %run_scoped3A_79 = tpu.sem_alloc : memref<!tpu.dma_semaphore, #tpu.memory_space<semaphore_mem>>
      %dma_start3A_80 = arith.constant 0 : i32
      %dma_start3A_81 = arith.constant 0 : i32
      %dma_start3A_82 = tpu.memref_slice %arg4[%add3A, %run_scoped3A_1, %dma_start3A_80, %dma_start3A_81] : memref<32x5x25x80xi32, #tpu.memory_space<hbm>> -> memref<1x1x25x80xi32, #tpu.memory_space<hbm>>
      %dma_start3A_83 = tpu.memref_squeeze %dma_start3A_82 : memref<1x1x25x80xi32, #tpu.memory_space<hbm>> -> memref<25x80xi32, #tpu.memory_space<hbm>>
      %dma_start3A_84 = arith.constant 0 : i32
      %dma_start3A_85 = arith.constant 0 : i32
      %dma_start3A_86 = tpu.memref_slice %arg4[%add3A, %run_scoped3A_1, %dma_start3A_84, %dma_start3A_85] : memref<32x5x25x80xi32, #tpu.memory_space<hbm>> -> memref<1x1x25x80xi32, #tpu.memory_space<hbm>>
      %dma_start3A_87 = tpu.memref_squeeze %dma_start3A_86 : memref<1x1x25x80xi32, #tpu.memory_space<hbm>> -> memref<25x80xi32, #tpu.memory_space<hbm>>
      tpu.enqueue_dma source(%dma_start3A_87 : memref<25x80xi32, #tpu.memory_space<hbm>>) target(%arg7 : memref<25x80xi32, #tpu.memory_space<vmem>>) target_semaphore(%run_scoped3A_79 : memref<!tpu.dma_semaphore, #tpu.memory_space<semaphore_mem>>)
      %dma_wait3A = arith.constant 0 : i32
      %dma_wait3A_88 = arith.constant 0 : i32
      %dma_wait3A_89 = tpu.memref_slice %arg4[%add3A, %run_scoped3A_1, %dma_wait3A, %dma_wait3A_88] : memref<32x5x25x80xi32, #tpu.memory_space<hbm>> -> memref<1x1x25x80xi32, #tpu.memory_space<hbm>>
      %dma_wait3A_90 = tpu.memref_squeeze %dma_wait3A_89 : memref<1x1x25x80xi32, #tpu.memory_space<hbm>> -> memref<25x80xi32, #tpu.memory_space<hbm>>
      %dma_wait3A_91 = arith.constant 0 : i32
      %dma_wait3A_92 = arith.constant 0 : i32
      %dma_wait3A_93 = tpu.memref_slice %arg4[%add3A, %run_scoped3A_1, %dma_wait3A_91, %dma_wait3A_92] : memref<32x5x25x80xi32, #tpu.memory_space<hbm>> -> memref<1x1x25x80xi32, #tpu.memory_space<hbm>>
      %dma_wait3A_94 = tpu.memref_squeeze %dma_wait3A_93 : memref<1x1x25x80xi32, #tpu.memory_space<hbm>> -> memref<25x80xi32, #tpu.memory_space<hbm>>
      tpu.wait_dma2 semaphore(%run_scoped3A_79 : memref<!tpu.dma_semaphore, #tpu.memory_space<semaphore_mem>>) src(%dma_wait3A_94 : memref<25x80xi32, #tpu.memory_space<hbm>>) dst(%arg7 : memref<25x80xi32, #tpu.memory_space<vmem>>)
      tpu.yield
    }) : () -> ()
    %dma_start3A = arith.constant 1 : i32
    %dma_start3A_2 = arith.constant 0 : i32
    %dma_start3A_3 = tpu.memref_slice %arg6[%dma_start3A, %dma_start3A_2] : memref<25x80xi32, #tpu.memory_space<vmem>> -> memref<1x80xi32, #tpu.memory_space<vmem>>
    %dma_start3A_4 = tpu.memref_squeeze %dma_start3A_3 : memref<1x80xi32, #tpu.memory_space<vmem>> -> memref<80xi32, #tpu.memory_space<vmem>>
    %dma_start3A_5 = arith.constant 0 : i32
    %dma_start3A_6 = arith.constant 0 : i32
    %dma_start3A_7 = tpu.memref_slice %arg2[%dma_start3A_5, %dma_start3A_6] : memref<10000x128xf32, #tpu.memory_space<hbm>> -> memref<10000x128xf32, #tpu.memory_space<hbm>>
    tpu.enqueue_indirect_dma source(%dma_start3A_7 : memref<10000x128xf32, #tpu.memory_space<hbm>>) target(%arg9 : memref<80x128xf32, #tpu.memory_space<vmem>>) offsets(%dma_start3A_4 : memref<80xi32, #tpu.memory_space<vmem>>) semaphore(%arg13 : memref<!tpu.dma_semaphore, #tpu.memory_space<semaphore_mem>>)
    %dma_start3A_8 = arith.constant 2 : i32
    %dma_start3A_9 = arith.constant 0 : i32
    %dma_start3A_10 = tpu.memref_slice %arg6[%dma_start3A_8, %dma_start3A_9] : memref<25x80xi32, #tpu.memory_space<vmem>> -> memref<1x80xi32, #tpu.memory_space<vmem>>
    %dma_start3A_11 = tpu.memref_squeeze %dma_start3A_10 : memref<1x80xi32, #tpu.memory_space<vmem>> -> memref<80xi32, #tpu.memory_space<vmem>>
    %dma_start3A_12 = arith.constant 0 : i32
    %dma_start3A_13 = arith.constant 0 : i32
    %dma_start3A_14 = tpu.memref_slice %arg2[%dma_start3A_12, %dma_start3A_13] : memref<10000x128xf32, #tpu.memory_space<hbm>> -> memref<10000x128xf32, #tpu.memory_space<hbm>>
    tpu.enqueue_indirect_dma source(%dma_start3A_14 : memref<10000x128xf32, #tpu.memory_space<hbm>>) target(%arg10 : memref<80x128xf32, #tpu.memory_space<vmem>>) offsets(%dma_start3A_11 : memref<80xi32, #tpu.memory_space<vmem>>) semaphore(%arg14 : memref<!tpu.dma_semaphore, #tpu.memory_space<semaphore_mem>>)
    %dma_start3A_15 = arith.constant 3 : i32
    %dma_start3A_16 = arith.constant 0 : i32
    %dma_start3A_17 = tpu.memref_slice %arg6[%dma_start3A_15, %dma_start3A_16] : memref<25x80xi32, #tpu.memory_space<vmem>> -> memref<1x80xi32, #tpu.memory_space<vmem>>
    %dma_start3A_18 = tpu.memref_squeeze %dma_start3A_17 : memref<1x80xi32, #tpu.memory_space<vmem>> -> memref<80xi32, #tpu.memory_space<vmem>>
    %dma_start3A_19 = arith.constant 0 : i32
    %dma_start3A_20 = arith.constant 0 : i32
    %dma_start3A_21 = tpu.memref_slice %arg2[%dma_start3A_19, %dma_start3A_20] : memref<10000x128xf32, #tpu.memory_space<hbm>> -> memref<10000x128xf32, #tpu.memory_space<hbm>>
    tpu.enqueue_indirect_dma source(%dma_start3A_21 : memref<10000x128xf32, #tpu.memory_space<hbm>>) target(%arg11 : memref<80x128xf32, #tpu.memory_space<vmem>>) offsets(%dma_start3A_18 : memref<80xi32, #tpu.memory_space<vmem>>) semaphore(%arg15 : memref<!tpu.dma_semaphore, #tpu.memory_space<semaphore_mem>>)
    %scan3A = arith.constant 0 : i32
    %scan3A_22 = arith.constant 0 : i32
    %scan3A_23 = arith.constant 80 : i32
    %scan3A_24 = arith.addi %scan3A_22, %scan3A_23 : i32
    %scan3A_25 = arith.constant 2 : i32
    %scan3A_26 = scf.for %scan3A_79 = %scan3A_22 to %scan3A_24 step %scan3A_25 iter_args(%scan3A_80 = %scan3A) -> (i32)  : i32 {
      %broadcast_in_dim3A = arith.constant 0.000000e+00 : f32
      %broadcast_in_dim3A_81 = vector.broadcast %broadcast_in_dim3A : f32 to vector<16xf32>
      %swap3A = arith.index_cast %scan3A_79 : i32 to index
      %swap3A_82 = arith.constant 0 : index
      %swap3A_83 = tpu.vector_load %arg8[%swap3A, %swap3A_82] {strides = array<i32>} : memref<80x128xf32, #tpu.memory_space<vmem>>, vector<1x16xf32>,
      %swap3A_84 = vector.shape_cast %swap3A_83 : vector<1x16xf32> to vector<16xf32>
      %swap3A_85 = vector.shape_cast %broadcast_in_dim3A_81 : vector<16xf32> to vector<1x16xf32>
      tpu.vector_store %arg8[%swap3A, %swap3A_82], %swap3A_85 {strides = array<i32>} : memref<80x128xf32, #tpu.memory_space<vmem>>, vector<1x16xf32>,
      %broadcast_in_dim3A_86 = arith.constant 0.000000e+00 : f32
      %broadcast_in_dim3A_87 = vector.broadcast %broadcast_in_dim3A_86 : f32 to vector<16xf32>
      %swap3A_88 = arith.index_cast %scan3A_79 : i32 to index
      %swap3A_89 = arith.constant 16 : index
      %swap3A_90 = tpu.vector_load %arg8[%swap3A_88, %swap3A_89] {strides = array<i32>} : memref<80x128xf32, #tpu.memory_space<vmem>>, vector<1x16xf32>,
      %swap3A_91 = vector.shape_cast %swap3A_90 : vector<1x16xf32> to vector<16xf32>
      %swap3A_92 = vector.shape_cast %broadcast_in_dim3A_87 : vector<16xf32> to vector<1x16xf32>
      tpu.vector_store %arg8[%swap3A_88, %swap3A_89], %swap3A_92 {strides = array<i32>} : memref<80x128xf32, #tpu.memory_space<vmem>>, vector<1x16xf32>,
      %broadcast_in_dim3A_93 = arith.constant 0.000000e+00 : f32
      %broadcast_in_dim3A_94 = vector.broadcast %broadcast_in_dim3A_93 : f32 to vector<16xf32>
      %swap3A_95 = arith.index_cast %scan3A_79 : i32 to index
      %swap3A_96 = arith.constant 32 : index
      %swap3A_97 = tpu.vector_load %arg8[%swap3A_95, %swap3A_96] {strides = array<i32>} : memref<80x128xf32, #tpu.memory_space<vmem>>, vector<1x16xf32>,
      %swap3A_98 = vector.shape_cast %swap3A_97 : vector<1x16xf32> to vector<16xf32>
      %swap3A_99 = vector.shape_cast %broadcast_in_dim3A_94 : vector<16xf32> to vector<1x16xf32>
      tpu.vector_store %arg8[%swap3A_95, %swap3A_96], %swap3A_99 {strides = array<i32>} : memref<80x128xf32, #tpu.memory_space<vmem>>, vector<1x16xf32>,
      %broadcast_in_dim3A_100 = arith.constant 0.000000e+00 : f32
      %broadcast_in_dim3A_101 = vector.broadcast %broadcast_in_dim3A_100 : f32 to vector<16xf32>
      %swap3A_102 = arith.index_cast %scan3A_79 : i32 to index
      %swap3A_103 = arith.constant 48 : index
      %swap3A_104 = tpu.vector_load %arg8[%swap3A_102, %swap3A_103] {strides = array<i32>} : memref<80x128xf32, #tpu.memory_space<vmem>>, vector<1x16xf32>,
      %swap3A_105 = vector.shape_cast %swap3A_104 : vector<1x16xf32> to vector<16xf32>
      %swap3A_106 = vector.shape_cast %broadcast_in_dim3A_101 : vector<16xf32> to vector<1x16xf32>
      tpu.vector_store %arg8[%swap3A_102, %swap3A_103], %swap3A_106 {strides = array<i32>} : memref<80x128xf32, #tpu.memory_space<vmem>>, vector<1x16xf32>,
      %broadcast_in_dim3A_107 = arith.constant 0.000000e+00 : f32
      %broadcast_in_dim3A_108 = vector.broadcast %broadcast_in_dim3A_107 : f32 to vector<16xf32>
      %swap3A_109 = arith.index_cast %scan3A_79 : i32 to index
      %swap3A_110 = arith.constant 64 : index
      %swap3A_111 = tpu.vector_load %arg8[%swap3A_109, %swap3A_110] {strides = array<i32>} : memref<80x128xf32, #tpu.memory_space<vmem>>, vector<1x16xf32>,
      %swap3A_112 = vector.shape_cast %swap3A_111 : vector<1x16xf32> to vector<16xf32>
      %swap3A_113 = vector.shape_cast %broadcast_in_dim3A_108 : vector<16xf32> to vector<1x16xf32>
      tpu.vector_store %arg8[%swap3A_109, %swap3A_110], %swap3A_113 {strides = array<i32>} : memref<80x128xf32, #tpu.memory_space<vmem>>, vector<1x16xf32>,
      %broadcast_in_dim3A_114 = arith.constant 0.000000e+00 : f32
      %broadcast_in_dim3A_115 = vector.broadcast %broadcast_in_dim3A_114 : f32 to vector<16xf32>
      %swap3A_116 = arith.index_cast %scan3A_79 : i32 to index
      %swap3A_117 = arith.constant 80 : index
      %swap3A_118 = tpu.vector_load %arg8[%swap3A_116, %swap3A_117] {strides = array<i32>} : memref<80x128xf32, #tpu.memory_space<vmem>>, vector<1x16xf32>,
      %swap3A_119 = vector.shape_cast %swap3A_118 : vector<1x16xf32> to vector<16xf32>
      %swap3A_120 = vector.shape_cast %broadcast_in_dim3A_115 : vector<16xf32> to vector<1x16xf32>
      tpu.vector_store %arg8[%swap3A_116, %swap3A_117], %swap3A_120 {strides = array<i32>} : memref<80x128xf32, #tpu.memory_space<vmem>>, vector<1x16xf32>,
      %broadcast_in_dim3A_121 = arith.constant 0.000000e+00 : f32
      %broadcast_in_dim3A_122 = vector.broadcast %broadcast_in_dim3A_121 : f32 to vector<16xf32>
      %swap3A_123 = arith.index_cast %scan3A_79 : i32 to index
      %swap3A_124 = arith.constant 96 : index
      %swap3A_125 = tpu.vector_load %arg8[%swap3A_123, %swap3A_124] {strides = array<i32>} : memref<80x128xf32, #tpu.memory_space<vmem>>, vector<1x16xf32>,
      %swap3A_126 = vector.shape_cast %swap3A_125 : vector<1x16xf32> to vector<16xf32>
      %swap3A_127 = vector.shape_cast %broadcast_in_dim3A_122 : vector<16xf32> to vector<1x16xf32>
      tpu.vector_store %arg8[%swap3A_123, %swap3A_124], %swap3A_127 {strides = array<i32>} : memref<80x128xf32, #tpu.memory_space<vmem>>, vector<1x16xf32>,
      %broadcast_in_dim3A_128 = arith.constant 0.000000e+00 : f32
      %broadcast_in_dim3A_129 = vector.broadcast %broadcast_in_dim3A_128 : f32 to vector<16xf32>
      %swap3A_130 = arith.index_cast %scan3A_79 : i32 to index
      %swap3A_131 = arith.constant 112 : index
      %swap3A_132 = tpu.vector_load %arg8[%swap3A_130, %swap3A_131] {strides = array<i32>} : memref<80x128xf32, #tpu.memory_space<vmem>>, vector<1x16xf32>,
      %swap3A_133 = vector.shape_cast %swap3A_132 : vector<1x16xf32> to vector<16xf32>
      %swap3A_134 = vector.shape_cast %broadcast_in_dim3A_129 : vector<16xf32> to vector<1x16xf32>
      tpu.vector_store %arg8[%swap3A_130, %swap3A_131], %swap3A_134 {strides = array<i32>} : memref<80x128xf32, #tpu.memory_space<vmem>>, vector<1x16xf32>,
      %scan3A_135 = arith.constant 0 : i32
      %scan3A_136 = arith.constant 1 : i32
      %scan3A_137 = arith.addi %scan3A_79, %scan3A_136 : i32
      %broadcast_in_dim3A_138 = arith.constant 0.000000e+00 : f32
      %broadcast_in_dim3A_139 = vector.broadcast %broadcast_in_dim3A_138 : f32 to vector<16xf32>
      %swap3A_140 = arith.index_cast %scan3A_137 : i32 to index
      %swap3A_141 = arith.constant 0 : index
      %swap3A_142 = tpu.vector_load %arg8[%swap3A_140, %swap3A_141] {strides = array<i32>} : memref<80x128xf32, #tpu.memory_space<vmem>>, vector<1x16xf32>,
      %swap3A_143 = vector.shape_cast %swap3A_142 : vector<1x16xf32> to vector<16xf32>
      %swap3A_144 = vector.shape_cast %broadcast_in_dim3A_139 : vector<16xf32> to vector<1x16xf32>
      tpu.vector_store %arg8[%swap3A_140, %swap3A_141], %swap3A_144 {strides = array<i32>} : memref<80x128xf32, #tpu.memory_space<vmem>>, vector<1x16xf32>,
      %broadcast_in_dim3A_145 = arith.constant 0.000000e+00 : f32
      %broadcast_in_dim3A_146 = vector.broadcast %broadcast_in_dim3A_145 : f32 to vector<16xf32>
      %swap3A_147 = arith.index_cast %scan3A_137 : i32 to index
      %swap3A_148 = arith.constant 16 : index
      %swap3A_149 = tpu.vector_load %arg8[%swap3A_147, %swap3A_148] {strides = array<i32>} : memref<80x128xf32, #tpu.memory_space<vmem>>, vector<1x16xf32>,
      %swap3A_150 = vector.shape_cast %swap3A_149 : vector<1x16xf32> to vector<16xf32>
      %swap3A_151 = vector.shape_cast %broadcast_in_dim3A_146 : vector<16xf32> to vector<1x16xf32>
      tpu.vector_store %arg8[%swap3A_147, %swap3A_148], %swap3A_151 {strides = array<i32>} : memref<80x128xf32, #tpu.memory_space<vmem>>, vector<1x16xf32>,
      %broadcast_in_dim3A_152 = arith.constant 0.000000e+00 : f32
      %broadcast_in_dim3A_153 = vector.broadcast %broadcast_in_dim3A_152 : f32 to vector<16xf32>
      %swap3A_154 = arith.index_cast %scan3A_137 : i32 to index
      %swap3A_155 = arith.constant 32 : index
      %swap3A_156 = tpu.vector_load %arg8[%swap3A_154, %swap3A_155] {strides = array<i32>} : memref<80x128xf32, #tpu.memory_space<vmem>>, vector<1x16xf32>,
      %swap3A_157 = vector.shape_cast %swap3A_156 : vector<1x16xf32> to vector<16xf32>
      %swap3A_158 = vector.shape_cast %broadcast_in_dim3A_153 : vector<16xf32> to vector<1x16xf32>
      tpu.vector_store %arg8[%swap3A_154, %swap3A_155], %swap3A_158 {strides = array<i32>} : memref<80x128xf32, #tpu.memory_space<vmem>>, vector<1x16xf32>,
      %broadcast_in_dim3A_159 = arith.constant 0.000000e+00 : f32
      %broadcast_in_dim3A_160 = vector.broadcast %broadcast_in_dim3A_159 : f32 to vector<16xf32>
      %swap3A_161 = arith.index_cast %scan3A_137 : i32 to index
      %swap3A_162 = arith.constant 48 : index
      %swap3A_163 = tpu.vector_load %arg8[%swap3A_161, %swap3A_162] {strides = array<i32>} : memref<80x128xf32, #tpu.memory_space<vmem>>, vector<1x16xf32>,
      %swap3A_164 = vector.shape_cast %swap3A_163 : vector<1x16xf32> to vector<16xf32>
      %swap3A_165 = vector.shape_cast %broadcast_in_dim3A_160 : vector<16xf32> to vector<1x16xf32>
      tpu.vector_store %arg8[%swap3A_161, %swap3A_162], %swap3A_165 {strides = array<i32>} : memref<80x128xf32, #tpu.memory_space<vmem>>, vector<1x16xf32>,
      %broadcast_in_dim3A_166 = arith.constant 0.000000e+00 : f32
      %broadcast_in_dim3A_167 = vector.broadcast %broadcast_in_dim3A_166 : f32 to vector<16xf32>
      %swap3A_168 = arith.index_cast %scan3A_137 : i32 to index
      %swap3A_169 = arith.constant 64 : index
      %swap3A_170 = tpu.vector_load %arg8[%swap3A_168, %swap3A_169] {strides = array<i32>} : memref<80x128xf32, #tpu.memory_space<vmem>>, vector<1x16xf32>,
      %swap3A_171 = vector.shape_cast %swap3A_170 : vector<1x16xf32> to vector<16xf32>
      %swap3A_172 = vector.shape_cast %broadcast_in_dim3A_167 : vector<16xf32> to vector<1x16xf32>
      tpu.vector_store %arg8[%swap3A_168, %swap3A_169], %swap3A_172 {strides = array<i32>} : memref<80x128xf32, #tpu.memory_space<vmem>>, vector<1x16xf32>,
      %broadcast_in_dim3A_173 = arith.constant 0.000000e+00 : f32
      %broadcast_in_dim3A_174 = vector.broadcast %broadcast_in_dim3A_173 : f32 to vector<16xf32>
      %swap3A_175 = arith.index_cast %scan3A_137 : i32 to index
      %swap3A_176 = arith.constant 80 : index
      %swap3A_177 = tpu.vector_load %arg8[%swap3A_175, %swap3A_176] {strides = array<i32>} : memref<80x128xf32, #tpu.memory_space<vmem>>, vector<1x16xf32>,
      %swap3A_178 = vector.shape_cast %swap3A_177 : vector<1x16xf32> to vector<16xf32>
      %swap3A_179 = vector.shape_cast %broadcast_in_dim3A_174 : vector<16xf32> to vector<1x16xf32>
      tpu.vector_store %arg8[%swap3A_175, %swap3A_176], %swap3A_179 {strides = array<i32>} : memref<80x128xf32, #tpu.memory_space<vmem>>, vector<1x16xf32>,
      %broadcast_in_dim3A_180 = arith.constant 0.000000e+00 : f32
      %broadcast_in_dim3A_181 = vector.broadcast %broadcast_in_dim3A_180 : f32 to vector<16xf32>
      %swap3A_182 = arith.index_cast %scan3A_137 : i32 to index
      %swap3A_183 = arith.constant 96 : index
      %swap3A_184 = tpu.vector_load %arg8[%swap3A_182, %swap3A_183] {strides = array<i32>} : memref<80x128xf32, #tpu.memory_space<vmem>>, vector<1x16xf32>,
      %swap3A_185 = vector.shape_cast %swap3A_184 : vector<1x16xf32> to vector<16xf32>
      %swap3A_186 = vector.shape_cast %broadcast_in_dim3A_181 : vector<16xf32> to vector<1x16xf32>
      tpu.vector_store %arg8[%swap3A_182, %swap3A_183], %swap3A_186 {strides = array<i32>} : memref<80x128xf32, #tpu.memory_space<vmem>>, vector<1x16xf32>,
      %broadcast_in_dim3A_187 = arith.constant 0.000000e+00 : f32
      %broadcast_in_dim3A_188 = vector.broadcast %broadcast_in_dim3A_187 : f32 to vector<16xf32>
      %swap3A_189 = arith.index_cast %scan3A_137 : i32 to index
      %swap3A_190 = arith.constant 112 : index
      %swap3A_191 = tpu.vector_load %arg8[%swap3A_189, %swap3A_190] {strides = array<i32>} : memref<80x128xf32, #tpu.memory_space<vmem>>, vector<1x16xf32>,
      %swap3A_192 = vector.shape_cast %swap3A_191 : vector<1x16xf32> to vector<16xf32>
      %swap3A_193 = vector.shape_cast %broadcast_in_dim3A_188 : vector<16xf32> to vector<1x16xf32>
      tpu.vector_store %arg8[%swap3A_189, %swap3A_190], %swap3A_193 {strides = array<i32>} : memref<80x128xf32, #tpu.memory_space<vmem>>, vector<1x16xf32>,
      %scan3A_194 = arith.constant 0 : i32
      scf.yield %scan3A_194 : i32
    }
    %scan3A_27 = arith.constant 80 : i32
    %mul3A_28 = arith.constant 640 : i32
    %mul3A_29 = arith.muli %arg1, %mul3A_28 : i32
    %add3A_30 = arith.constant 0 : i32
    %add3A_31 = arith.addi %mul3A_29, %add3A_30 : i32
    "tpu.region"() ({
      %run_scoped3A_79 = tpu.sem_alloc : memref<!tpu.dma_semaphore, #tpu.memory_space<semaphore_mem>>
      %dma_start3A_80 = arith.constant 0 : i32
      %dma_start3A_81 = tpu.memref_slice %arg20[%add3A_31, %dma_start3A_80] : memref<10240x128xf32, #tpu.memory_space<vmem_shared>> -> memref<80x128xf32, #tpu.memory_space<vmem_shared>>
      %dma_start3A_82 = arith.constant 0 : i32
      %dma_start3A_83 = tpu.memref_slice %arg20[%add3A_31, %dma_start3A_82] : memref<10240x128xf32, #tpu.memory_space<vmem_shared>> -> memref<80x128xf32, #tpu.memory_space<vmem_shared>>
      tpu.enqueue_dma source(%arg8 : memref<80x128xf32, #tpu.memory_space<vmem>>) target(%dma_start3A_83 : memref<80x128xf32, #tpu.memory_space<vmem_shared>>) target_semaphore(%run_scoped3A_79 : memref<!tpu.dma_semaphore, #tpu.memory_space<semaphore_mem>>)
      %dma_wait3A = arith.constant 0 : i32
      %dma_wait3A_84 = tpu.memref_slice %arg20[%add3A_31, %dma_wait3A] : memref<10240x128xf32, #tpu.memory_space<vmem_shared>> -> memref<80x128xf32, #tpu.memory_space<vmem_shared>>
      %dma_wait3A_85 = arith.constant 0 : i32
      %dma_wait3A_86 = tpu.memref_slice %arg20[%add3A_31, %dma_wait3A_85] : memref<10240x128xf32, #tpu.memory_space<vmem_shared>> -> memref<80x128xf32, #tpu.memory_space<vmem_shared>>
      tpu.wait_dma2 semaphore(%run_scoped3A_79 : memref<!tpu.dma_semaphore, #tpu.memory_space<semaphore_mem>>) src(%arg8 : memref<80x128xf32, #tpu.memory_space<vmem>>) dst(%dma_wait3A_86 : memref<80x128xf32, #tpu.memory_space<vmem_shared>>)
      tpu.yield
    }) : () -> ()
    %mul3A_32 = arith.constant 640 : i32
    %mul3A_33 = arith.muli %arg1, %mul3A_32 : i32
    %add3A_34 = arith.constant 80 : i32
    %add3A_35 = arith.addi %mul3A_33, %add3A_34 : i32
    "tpu.region"() ({
      %run_scoped3A_79 = tpu.sem_alloc : memref<!tpu.dma_semaphore, #tpu.memory_space<semaphore_mem>>
      %dma_start3A_80 = arith.constant 0 : i32
      %dma_start3A_81 = tpu.memref_slice %arg20[%add3A_35, %dma_start3A_80] : memref<10240x128xf32, #tpu.memory_space<vmem_shared>> -> memref<80x128xf32, #tpu.memory_space<vmem_shared>>
      %dma_start3A_82 = arith.constant 0 : i32
      %dma_start3A_83 = tpu.memref_slice %arg20[%add3A_35, %dma_start3A_82] : memref<10240x128xf32, #tpu.memory_space<vmem_shared>> -> memref<80x128xf32, #tpu.memory_space<vmem_shared>>
      tpu.enqueue_dma source(%arg8 : memref<80x128xf32, #tpu.memory_space<vmem>>) target(%dma_start3A_83 : memref<80x128xf32, #tpu.memory_space<vmem_shared>>) target_semaphore(%run_scoped3A_79 : memref<!tpu.dma_semaphore, #tpu.memory_space<semaphore_mem>>)
      %dma_wait3A = arith.constant 0 : i32
      %dma_wait3A_84 = tpu.memref_slice %arg20[%add3A_35, %dma_wait3A] : memref<10240x128xf32, #tpu.memory_space<vmem_shared>> -> memref<80x128xf32, #tpu.memory_space<vmem_shared>>
      %dma_wait3A_85 = arith.constant 0 : i32
      %dma_wait3A_86 = tpu.memref_slice %arg20[%add3A_35, %dma_wait3A_85] : memref<10240x128xf32, #tpu.memory_space<vmem_shared>> -> memref<80x128xf32, #tpu.memory_space<vmem_shared>>
      tpu.wait_dma2 semaphore(%run_scoped3A_79 : memref<!tpu.dma_semaphore, #tpu.memory_space<semaphore_mem>>) src(%arg8 : memref<80x128xf32, #tpu.memory_space<vmem>>) dst(%dma_wait3A_86 : memref<80x128xf32, #tpu.memory_space<vmem_shared>>)
      tpu.yield
    }) : () -> ()
    %mul3A_36 = arith.constant 640 : i32
    %mul3A_37 = arith.muli %arg1, %mul3A_36 : i32
    %add3A_38 = arith.constant 160 : i32
    %add3A_39 = arith.addi %mul3A_37, %add3A_38 : i32
    "tpu.region"() ({
      %run_scoped3A_79 = tpu.sem_alloc : memref<!tpu.dma_semaphore, #tpu.memory_space<semaphore_mem>>
      %dma_start3A_80 = arith.constant 0 : i32
      %dma_start3A_81 = tpu.memref_slice %arg20[%add3A_39, %dma_start3A_80] : memref<10240x128xf32, #tpu.memory_space<vmem_shared>> -> memref<80x128xf32, #tpu.memory_space<vmem_shared>>
      %dma_start3A_82 = arith.constant 0 : i32
      %dma_start3A_83 = tpu.memref_slice %arg20[%add3A_39, %dma_start3A_82] : memref<10240x128xf32, #tpu.memory_space<vmem_shared>> -> memref<80x128xf32, #tpu.memory_space<vmem_shared>>
      tpu.enqueue_dma source(%arg8 : memref<80x128xf32, #tpu.memory_space<vmem>>) target(%dma_start3A_83 : memref<80x128xf32, #tpu.memory_space<vmem_shared>>) target_semaphore(%run_scoped3A_79 : memref<!tpu.dma_semaphore, #tpu.memory_space<semaphore_mem>>)
      %dma_wait3A = arith.constant 0 : i32
      %dma_wait3A_84 = tpu.memref_slice %arg20[%add3A_39, %dma_wait3A] : memref<10240x128xf32, #tpu.memory_space<vmem_shared>> -> memref<80x128xf32, #tpu.memory_space<vmem_shared>>
      %dma_wait3A_85 = arith.constant 0 : i32
      %dma_wait3A_86 = tpu.memref_slice %arg20[%add3A_39, %dma_wait3A_85] : memref<10240x128xf32, #tpu.memory_space<vmem_shared>> -> memref<80x128xf32, #tpu.memory_space<vmem_shared>>
      tpu.wait_dma2 semaphore(%run_scoped3A_79 : memref<!tpu.dma_semaphore, #tpu.memory_space<semaphore_mem>>) src(%arg8 : memref<80x128xf32, #tpu.memory_space<vmem>>) dst(%dma_wait3A_86 : memref<80x128xf32, #tpu.memory_space<vmem_shared>>)
      tpu.yield
    }) : () -> ()
    %mul3A_40 = arith.constant 640 : i32
    %mul3A_41 = arith.muli %arg1, %mul3A_40 : i32
    %add3A_42 = arith.constant 240 : i32
    %add3A_43 = arith.addi %mul3A_41, %add3A_42 : i32
    "tpu.region"() ({
      %run_scoped3A_79 = tpu.sem_alloc : memref<!tpu.dma_semaphore, #tpu.memory_space<semaphore_mem>>
      %dma_start3A_80 = arith.constant 0 : i32
      %dma_start3A_81 = tpu.memref_slice %arg20[%add3A_43, %dma_start3A_80] : memref<10240x128xf32, #tpu.memory_space<vmem_shared>> -> memref<80x128xf32, #tpu.memory_space<vmem_shared>>
      %dma_start3A_82 = arith.constant 0 : i32
      %dma_start3A_83 = tpu.memref_slice %arg20[%add3A_43, %dma_start3A_82] : memref<10240x128xf32, #tpu.memory_space<vmem_shared>> -> memref<80x128xf32, #tpu.memory_space<vmem_shared>>
      tpu.enqueue_dma source(%arg8 : memref<80x128xf32, #tpu.memory_space<vmem>>) target(%dma_start3A_83 : memref<80x128xf32, #tpu.memory_space<vmem_shared>>) target_semaphore(%run_scoped3A_79 : memref<!tpu.dma_semaphore, #tpu.memory_space<semaphore_mem>>)
      %dma_wait3A = arith.constant 0 : i32
      %dma_wait3A_84 = tpu.memref_slice %arg20[%add3A_43, %dma_wait3A] : memref<10240x128xf32, #tpu.memory_space<vmem_shared>> -> memref<80x128xf32, #tpu.memory_space<vmem_shared>>
      %dma_wait3A_85 = arith.constant 0 : i32
      %dma_wait3A_86 = tpu.memref_slice %arg20[%add3A_43, %dma_wait3A_85] : memref<10240x128xf32, #tpu.memory_space<vmem_shared>> -> memref<80x128xf32, #tpu.memory_space<vmem_shared>>
      tpu.wait_dma2 semaphore(%run_scoped3A_79 : memref<!tpu.dma_semaphore, #tpu.memory_space<semaphore_mem>>) src(%arg8 : memref<80x128xf32, #tpu.memory_space<vmem>>) dst(%dma_wait3A_86 : memref<80x128xf32, #tpu.memory_space<vmem_shared>>)
      tpu.yield
    }) : () -> ()
    %mul3A_44 = arith.constant 640 : i32
    %mul3A_45 = arith.muli %arg1, %mul3A_44 : i32
    %add3A_46 = arith.constant 320 : i32
    %add3A_47 = arith.addi %mul3A_45, %add3A_46 : i32
    "tpu.region"() ({
      %run_scoped3A_79 = tpu.sem_alloc : memref<!tpu.dma_semaphore, #tpu.memory_space<semaphore_mem>>
      %dma_start3A_80 = arith.constant 0 : i32
      %dma_start3A_81 = tpu.memref_slice %arg20[%add3A_47, %dma_start3A_80] : memref<10240x128xf32, #tpu.memory_space<vmem_shared>> -> memref<80x128xf32, #tpu.memory_space<vmem_shared>>
      %dma_start3A_82 = arith.constant 0 : i32
      %dma_start3A_83 = tpu.memref_slice %arg20[%add3A_47, %dma_start3A_82] : memref<10240x128xf32, #tpu.memory_space<vmem_shared>> -> memref<80x128xf32, #tpu.memory_space<vmem_shared>>
      tpu.enqueue_dma source(%arg8 : memref<80x128xf32, #tpu.memory_space<vmem>>) target(%dma_start3A_83 : memref<80x128xf32, #tpu.memory_space<vmem_shared>>) target_semaphore(%run_scoped3A_79 : memref<!tpu.dma_semaphore, #tpu.memory_space<semaphore_mem>>)
      %dma_wait3A = arith.constant 0 : i32
      %dma_wait3A_84 = tpu.memref_slice %arg20[%add3A_47, %dma_wait3A] : memref<10240x128xf32, #tpu.memory_space<vmem_shared>> -> memref<80x128xf32, #tpu.memory_space<vmem_shared>>
      %dma_wait3A_85 = arith.constant 0 : i32
      %dma_wait3A_86 = tpu.memref_slice %arg20[%add3A_47, %dma_wait3A_85] : memref<10240x128xf32, #tpu.memory_space<vmem_shared>> -> memref<80x128xf32, #tpu.memory_space<vmem_shared>>
      tpu.wait_dma2 semaphore(%run_scoped3A_79 : memref<!tpu.dma_semaphore, #tpu.memory_space<semaphore_mem>>) src(%arg8 : memref<80x128xf32, #tpu.memory_space<vmem>>) dst(%dma_wait3A_86 : memref<80x128xf32, #tpu.memory_space<vmem_shared>>)
      tpu.yield
    }) : () -> ()
    %mul3A_48 = arith.constant 640 : i32
    %mul3A_49 = arith.muli %arg1, %mul3A_48 : i32
    %add3A_50 = arith.constant 400 : i32
    %add3A_51 = arith.addi %mul3A_49, %add3A_50 : i32
    "tpu.region"() ({
      %run_scoped3A_79 = tpu.sem_alloc : memref<!tpu.dma_semaphore, #tpu.memory_space<semaphore_mem>>
      %dma_start3A_80 = arith.constant 0 : i32
      %dma_start3A_81 = tpu.memref_slice %arg20[%add3A_51, %dma_start3A_80] : memref<10240x128xf32, #tpu.memory_space<vmem_shared>> -> memref<80x128xf32, #tpu.memory_space<vmem_shared>>
      %dma_start3A_82 = arith.constant 0 : i32
      %dma_start3A_83 = tpu.memref_slice %arg20[%add3A_51, %dma_start3A_82] : memref<10240x128xf32, #tpu.memory_space<vmem_shared>> -> memref<80x128xf32, #tpu.memory_space<vmem_shared>>
      tpu.enqueue_dma source(%arg8 : memref<80x128xf32, #tpu.memory_space<vmem>>) target(%dma_start3A_83 : memref<80x128xf32, #tpu.memory_space<vmem_shared>>) target_semaphore(%run_scoped3A_79 : memref<!tpu.dma_semaphore, #tpu.memory_space<semaphore_mem>>)
      %dma_wait3A = arith.constant 0 : i32
      %dma_wait3A_84 = tpu.memref_slice %arg20[%add3A_51, %dma_wait3A] : memref<10240x128xf32, #tpu.memory_space<vmem_shared>> -> memref<80x128xf32, #tpu.memory_space<vmem_shared>>
      %dma_wait3A_85 = arith.constant 0 : i32
      %dma_wait3A_86 = tpu.memref_slice %arg20[%add3A_51, %dma_wait3A_85] : memref<10240x128xf32, #tpu.memory_space<vmem_shared>> -> memref<80x128xf32, #tpu.memory_space<vmem_shared>>
      tpu.wait_dma2 semaphore(%run_scoped3A_79 : memref<!tpu.dma_semaphore, #tpu.memory_space<semaphore_mem>>) src(%arg8 : memref<80x128xf32, #tpu.memory_space<vmem>>) dst(%dma_wait3A_86 : memref<80x128xf32, #tpu.memory_space<vmem_shared>>)
      tpu.yield
    }) : () -> ()
    %mul3A_52 = arith.constant 640 : i32
    %mul3A_53 = arith.muli %arg1, %mul3A_52 : i32
    %add3A_54 = arith.constant 480 : i32
    %add3A_55 = arith.addi %mul3A_53, %add3A_54 : i32
    "tpu.region"() ({
      %run_scoped3A_79 = tpu.sem_alloc : memref<!tpu.dma_semaphore, #tpu.memory_space<semaphore_mem>>
      %dma_start3A_80 = arith.constant 0 : i32
      %dma_start3A_81 = tpu.memref_slice %arg20[%add3A_55, %dma_start3A_80] : memref<10240x128xf32, #tpu.memory_space<vmem_shared>> -> memref<80x128xf32, #tpu.memory_space<vmem_shared>>
      %dma_start3A_82 = arith.constant 0 : i32
      %dma_start3A_83 = tpu.memref_slice %arg20[%add3A_55, %dma_start3A_82] : memref<10240x128xf32, #tpu.memory_space<vmem_shared>> -> memref<80x128xf32, #tpu.memory_space<vmem_shared>>
      tpu.enqueue_dma source(%arg8 : memref<80x128xf32, #tpu.memory_space<vmem>>) target(%dma_start3A_83 : memref<80x128xf32, #tpu.memory_space<vmem_shared>>) target_semaphore(%run_scoped3A_79 : memref<!tpu.dma_semaphore, #tpu.memory_space<semaphore_mem>>)
      %dma_wait3A = arith.constant 0 : i32
      %dma_wait3A_84 = tpu.memref_slice %arg20[%add3A_55, %dma_wait3A] : memref<10240x128xf32, #tpu.memory_space<vmem_shared>> -> memref<80x128xf32, #tpu.memory_space<vmem_shared>>
      %dma_wait3A_85 = arith.constant 0 : i32
      %dma_wait3A_86 = tpu.memref_slice %arg20[%add3A_55, %dma_wait3A_85] : memref<10240x128xf32, #tpu.memory_space<vmem_shared>> -> memref<80x128xf32, #tpu.memory_space<vmem_shared>>
      tpu.wait_dma2 semaphore(%run_scoped3A_79 : memref<!tpu.dma_semaphore, #tpu.memory_space<semaphore_mem>>) src(%arg8 : memref<80x128xf32, #tpu.memory_space<vmem>>) dst(%dma_wait3A_86 : memref<80x128xf32, #tpu.memory_space<vmem_shared>>)
      tpu.yield
    }) : () -> ()
    %mul3A_56 = arith.constant 640 : i32
    %mul3A_57 = arith.muli %arg1, %mul3A_56 : i32
    %add3A_58 = arith.constant 560 : i32
    %add3A_59 = arith.addi %mul3A_57, %add3A_58 : i32
    "tpu.region"() ({
      %run_scoped3A_79 = tpu.sem_alloc : memref<!tpu.dma_semaphore, #tpu.memory_space<semaphore_mem>>
      %dma_start3A_80 = arith.constant 0 : i32
      %dma_start3A_81 = tpu.memref_slice %arg20[%add3A_59, %dma_start3A_80] : memref<10240x128xf32, #tpu.memory_space<vmem_shared>> -> memref<80x128xf32, #tpu.memory_space<vmem_shared>>
      %dma_start3A_82 = arith.constant 0 : i32
      %dma_start3A_83 = tpu.memref_slice %arg20[%add3A_59, %dma_start3A_82] : memref<10240x128xf32, #tpu.memory_space<vmem_shared>> -> memref<80x128xf32, #tpu.memory_space<vmem_shared>>
      tpu.enqueue_dma source(%arg8 : memref<80x128xf32, #tpu.memory_space<vmem>>) target(%dma_start3A_83 : memref<80x128xf32, #tpu.memory_space<vmem_shared>>) target_semaphore(%run_scoped3A_79 : memref<!tpu.dma_semaphore, #tpu.memory_space<semaphore_mem>>)
      %dma_wait3A = arith.constant 0 : i32
      %dma_wait3A_84 = tpu.memref_slice %arg20[%add3A_59, %dma_wait3A] : memref<10240x128xf32, #tpu.memory_space<vmem_shared>> -> memref<80x128xf32, #tpu.memory_space<vmem_shared>>
      %dma_wait3A_85 = arith.constant 0 : i32
      %dma_wait3A_86 = tpu.memref_slice %arg20[%add3A_59, %dma_wait3A_85] : memref<10240x128xf32, #tpu.memory_space<vmem_shared>> -> memref<80x128xf32, #tpu.memory_space<vmem_shared>>
      tpu.wait_dma2 semaphore(%run_scoped3A_79 : memref<!tpu.dma_semaphore, #tpu.memory_space<semaphore_mem>>) src(%arg8 : memref<80x128xf32, #tpu.memory_space<vmem>>) dst(%dma_wait3A_86 : memref<80x128xf32, #tpu.memory_space<vmem_shared>>)
      tpu.yield
    }) : () -> ()
    %dma_start3A_60 = arith.constant 0 : i32
    %dma_start3A_61 = arith.constant 0 : i32
    %dma_start3A_62 = tpu.memref_slice %arg6[%dma_start3A_60, %dma_start3A_61] : memref<25x80xi32, #tpu.memory_space<vmem>> -> memref<1x80xi32, #tpu.memory_space<vmem>>
    %dma_start3A_63 = tpu.memref_squeeze %dma_start3A_62 : memref<1x80xi32, #tpu.memory_space<vmem>> -> memref<80xi32, #tpu.memory_space<vmem>>
    %dma_start3A_64 = arith.constant 0 : i32
    %dma_start3A_65 = arith.constant 0 : i32
    %dma_start3A_66 = tpu.memref_slice %arg2[%dma_start3A_64, %dma_start3A_65] : memref<10000x128xf32, #tpu.memory_space<hbm>> -> memref<10000x128xf32, #tpu.memory_space<hbm>>
    tpu.enqueue_indirect_dma source(%dma_start3A_66 : memref<10000x128xf32, #tpu.memory_space<hbm>>) target(%arg8 : memref<80x128xf32, #tpu.memory_space<vmem>>) offsets(%dma_start3A_63 : memref<80xi32, #tpu.memory_space<vmem>>) semaphore(%arg12 : memref<!tpu.dma_semaphore, #tpu.memory_space<semaphore_mem>>)
    %barrier3A = arith.constant 0 : index
    tpu.barrier barrier_id(%barrier3A)
    %scan3A_67 = arith.constant 0 : i32
    %scan3A_68 = arith.constant 0 : i32
    %scan3A_69 = arith.constant 5 : i32
    %scan3A_70 = arith.addi %scan3A_68, %scan3A_69 : i32
    %scan3A_71 = arith.constant 1 : i32
    %scan3A_72 = scf.for %scan3A_79 = %scan3A_68 to %scan3A_70 step %scan3A_71 iter_args(%scan3A_80 = %scan3A_67) -> (i32)  : i32 {
      %gt3A = arith.constant 0 : i32
      %gt3A_81 = arith.cmpi sgt, %scan3A_79, %gt3A : i32
      %convert_element_type3A = arith.extui %gt3A_81 : i1 to i32
      %cond3A = arith.constant 0 : i32
      %cond3A_82 = arith.cmpi ne, %convert_element_type3A, %cond3A : i32
      scf.if %cond3A_82 {
        "tpu.region"() ({
          %run_scoped3A_125 = tpu.sem_alloc : memref<!tpu.dma_semaphore, #tpu.memory_space<semaphore_mem>>
          %dma_start3A_126 = arith.constant 0 : i32
          %dma_start3A_127 = arith.constant 0 : i32
          %dma_start3A_128 = tpu.memref_slice %arg3[%add3A, %scan3A_79, %dma_start3A_126, %dma_start3A_127] : memref<32x5x25x80xi32, #tpu.memory_space<hbm>> -> memref<1x1x25x80xi32, #tpu.memory_space<hbm>>
          %dma_start3A_129 = tpu.memref_squeeze %dma_start3A_128 : memref<1x1x25x80xi32, #tpu.memory_space<hbm>> -> memref<25x80xi32, #tpu.memory_space<hbm>>
          %dma_start3A_130 = arith.constant 0 : i32
          %dma_start3A_131 = arith.constant 0 : i32
          %dma_start3A_132 = tpu.memref_slice %arg3[%add3A, %scan3A_79, %dma_start3A_130, %dma_start3A_131] : memref<32x5x25x80xi32, #tpu.memory_space<hbm>> -> memref<1x1x25x80xi32, #tpu.memory_space<hbm>>
          %dma_start3A_133 = tpu.memref_squeeze %dma_start3A_132 : memref<1x1x25x80xi32, #tpu.memory_space<hbm>> -> memref<25x80xi32, #tpu.memory_space<hbm>>
          tpu.enqueue_dma source(%dma_start3A_133 : memref<25x80xi32, #tpu.memory_space<hbm>>) target(%arg6 : memref<25x80xi32, #tpu.memory_space<vmem>>) target_semaphore(%run_scoped3A_125 : memref<!tpu.dma_semaphore, #tpu.memory_space<semaphore_mem>>)
          %dma_wait3A_134 = arith.constant 0 : i32
          %dma_wait3A_135 = arith.constant 0 : i32
          %dma_wait3A_136 = tpu.memref_slice %arg3[%add3A, %scan3A_79, %dma_wait3A_134, %dma_wait3A_135] : memref<32x5x25x80xi32, #tpu.memory_space<hbm>> -> memref<1x1x25x80xi32, #tpu.memory_space<hbm>>
          %dma_wait3A_137 = tpu.memref_squeeze %dma_wait3A_136 : memref<1x1x25x80xi32, #tpu.memory_space<hbm>> -> memref<25x80xi32, #tpu.memory_space<hbm>>
          %dma_wait3A_138 = arith.constant 0 : i32
          %dma_wait3A_139 = arith.constant 0 : i32
          %dma_wait3A_140 = tpu.memref_slice %arg3[%add3A, %scan3A_79, %dma_wait3A_138, %dma_wait3A_139] : memref<32x5x25x80xi32, #tpu.memory_space<hbm>> -> memref<1x1x25x80xi32, #tpu.memory_space<hbm>>
          %dma_wait3A_141 = tpu.memref_squeeze %dma_wait3A_140 : memref<1x1x25x80xi32, #tpu.memory_space<hbm>> -> memref<25x80xi32, #tpu.memory_space<hbm>>
          tpu.wait_dma2 semaphore(%run_scoped3A_125 : memref<!tpu.dma_semaphore, #tpu.memory_space<semaphore_mem>>) src(%dma_wait3A_141 : memref<25x80xi32, #tpu.memory_space<hbm>>) dst(%arg6 : memref<25x80xi32, #tpu.memory_space<vmem>>)
          tpu.yield
        }) : () -> ()
        "tpu.region"() ({
          %run_scoped3A_125 = tpu.sem_alloc : memref<!tpu.dma_semaphore, #tpu.memory_space<semaphore_mem>>
          %dma_start3A_126 = arith.constant 0 : i32
          %dma_start3A_127 = arith.constant 0 : i32
          %dma_start3A_128 = tpu.memref_slice %arg4[%add3A, %scan3A_79, %dma_start3A_126, %dma_start3A_127] : memref<32x5x25x80xi32, #tpu.memory_space<hbm>> -> memref<1x1x25x80xi32, #tpu.memory_space<hbm>>
          %dma_start3A_129 = tpu.memref_squeeze %dma_start3A_128 : memref<1x1x25x80xi32, #tpu.memory_space<hbm>> -> memref<25x80xi32, #tpu.memory_space<hbm>>
          %dma_start3A_130 = arith.constant 0 : i32
          %dma_start3A_131 = arith.constant 0 : i32
          %dma_start3A_132 = tpu.memref_slice %arg4[%add3A, %scan3A_79, %dma_start3A_130, %dma_start3A_131] : memref<32x5x25x80xi32, #tpu.memory_space<hbm>> -> memref<1x1x25x80xi32, #tpu.memory_space<hbm>>
          %dma_start3A_133 = tpu.memref_squeeze %dma_start3A_132 : memref<1x1x25x80xi32, #tpu.memory_space<hbm>> -> memref<25x80xi32, #tpu.memory_space<hbm>>
          tpu.enqueue_dma source(%dma_start3A_133 : memref<25x80xi32, #tpu.memory_space<hbm>>) target(%arg7 : memref<25x80xi32, #tpu.memory_space<vmem>>) target_semaphore(%run_scoped3A_125 : memref<!tpu.dma_semaphore, #tpu.memory_space<semaphore_mem>>)
          %dma_wait3A_134 = arith.constant 0 : i32
          %dma_wait3A_135 = arith.constant 0 : i32
          %dma_wait3A_136 = tpu.memref_slice %arg4[%add3A, %scan3A_79, %dma_wait3A_134, %dma_wait3A_135] : memref<32x5x25x80xi32, #tpu.memory_space<hbm>> -> memref<1x1x25x80xi32, #tpu.memory_space<hbm>>
          %dma_wait3A_137 = tpu.memref_squeeze %dma_wait3A_136 : memref<1x1x25x80xi32, #tpu.memory_space<hbm>> -> memref<25x80xi32, #tpu.memory_space<hbm>>
          %dma_wait3A_138 = arith.constant 0 : i32
          %dma_wait3A_139 = arith.constant 0 : i32
          %dma_wait3A_140 = tpu.memref_slice %arg4[%add3A, %scan3A_79, %dma_wait3A_138, %dma_wait3A_139] : memref<32x5x25x80xi32, #tpu.memory_space<hbm>> -> memref<1x1x25x80xi32, #tpu.memory_space<hbm>>
          %dma_wait3A_141 = tpu.memref_squeeze %dma_wait3A_140 : memref<1x1x25x80xi32, #tpu.memory_space<hbm>> -> memref<25x80xi32, #tpu.memory_space<hbm>>
          tpu.wait_dma2 semaphore(%run_scoped3A_125 : memref<!tpu.dma_semaphore, #tpu.memory_space<semaphore_mem>>) src(%dma_wait3A_141 : memref<25x80xi32, #tpu.memory_space<hbm>>) dst(%arg7 : memref<25x80xi32, #tpu.memory_space<vmem>>)
          tpu.yield
        }) : () -> ()
        %dma_start3A_97 = arith.constant 0 : i32
        %dma_start3A_98 = arith.constant 0 : i32
        %dma_start3A_99 = tpu.memref_slice %arg6[%dma_start3A_97, %dma_start3A_98] : memref<25x80xi32, #tpu.memory_space<vmem>> -> memref<1x80xi32, #tpu.memory_space<vmem>>
        %dma_start3A_100 = tpu.memref_squeeze %dma_start3A_99 : memref<1x80xi32, #tpu.memory_space<vmem>> -> memref<80xi32, #tpu.memory_space<vmem>>
        %dma_start3A_101 = arith.constant 0 : i32
        %dma_start3A_102 = arith.constant 0 : i32
        %dma_start3A_103 = tpu.memref_slice %arg2[%dma_start3A_101, %dma_start3A_102] : memref<10000x128xf32, #tpu.memory_space<hbm>> -> memref<10000x128xf32, #tpu.memory_space<hbm>>
        tpu.enqueue_indirect_dma source(%dma_start3A_103 : memref<10000x128xf32, #tpu.memory_space<hbm>>) target(%arg8 : memref<80x128xf32, #tpu.memory_space<vmem>>) offsets(%dma_start3A_100 : memref<80xi32, #tpu.memory_space<vmem>>) semaphore(%arg12 : memref<!tpu.dma_semaphore, #tpu.memory_space<semaphore_mem>>)
        %dma_start3A_104 = arith.constant 1 : i32
        %dma_start3A_105 = arith.constant 0 : i32
        %dma_start3A_106 = tpu.memref_slice %arg6[%dma_start3A_104, %dma_start3A_105] : memref<25x80xi32, #tpu.memory_space<vmem>> -> memref<1x80xi32, #tpu.memory_space<vmem>>
        %dma_start3A_107 = tpu.memref_squeeze %dma_start3A_106 : memref<1x80xi32, #tpu.memory_space<vmem>> -> memref<80xi32, #tpu.memory_space<vmem>>
        %dma_start3A_108 = arith.constant 0 : i32
        %dma_start3A_109 = arith.constant 0 : i32
        %dma_start3A_110 = tpu.memref_slice %arg2[%dma_start3A_108, %dma_start3A_109] : memref<10000x128xf32, #tpu.memory_space<hbm>> -> memref<10000x128xf32, #tpu.memory_space<hbm>>
        tpu.enqueue_indirect_dma source(%dma_start3A_110 : memref<10000x128xf32, #tpu.memory_space<hbm>>) target(%arg9 : memref<80x128xf32, #tpu.memory_space<vmem>>) offsets(%dma_start3A_107 : memref<80xi32, #tpu.memory_space<vmem>>) semaphore(%arg13 : memref<!tpu.dma_semaphore, #tpu.memory_space<semaphore_mem>>)
        %dma_start3A_111 = arith.constant 2 : i32
        %dma_start3A_112 = arith.constant 0 : i32
        %dma_start3A_113 = tpu.memref_slice %arg6[%dma_start3A_111, %dma_start3A_112] : memref<25x80xi32, #tpu.memory_space<vmem>> -> memref<1x80xi32, #tpu.memory_space<vmem>>
        %dma_start3A_114 = tpu.memref_squeeze %dma_start3A_113 : memref<1x80xi32, #tpu.memory_space<vmem>> -> memref<80xi32, #tpu.memory_space<vmem>>
        %dma_start3A_115 = arith.constant 0 : i32
        %dma_start3A_116 = arith.constant 0 : i32
        %dma_start3A_117 = tpu.memref_slice %arg2[%dma_start3A_115, %dma_start3A_116] : memref<10000x128xf32, #tpu.memory_space<hbm>> -> memref<10000x128xf32, #tpu.memory_space<hbm>>
        tpu.enqueue_indirect_dma source(%dma_start3A_117 : memref<10000x128xf32, #tpu.memory_space<hbm>>) target(%arg10 : memref<80x128xf32, #tpu.memory_space<vmem>>) offsets(%dma_start3A_114 : memref<80xi32, #tpu.memory_space<vmem>>) semaphore(%arg14 : memref<!tpu.dma_semaphore, #tpu.memory_space<semaphore_mem>>)
        %dma_start3A_118 = arith.constant 3 : i32
        %dma_start3A_119 = arith.constant 0 : i32
        %dma_start3A_120 = tpu.memref_slice %arg6[%dma_start3A_118, %dma_start3A_119] : memref<25x80xi32, #tpu.memory_space<vmem>> -> memref<1x80xi32, #tpu.memory_space<vmem>>
        %dma_start3A_121 = tpu.memref_squeeze %dma_start3A_120 : memref<1x80xi32, #tpu.memory_space<vmem>> -> memref<80xi32, #tpu.memory_space<vmem>>
        %dma_start3A_122 = arith.constant 0 : i32
        %dma_start3A_123 = arith.constant 0 : i32
        %dma_start3A_124 = tpu.memref_slice %arg2[%dma_start3A_122, %dma_start3A_123] : memref<10000x128xf32, #tpu.memory_space<hbm>> -> memref<10000x128xf32, #tpu.memory_space<hbm>>
        tpu.enqueue_indirect_dma source(%dma_start3A_124 : memref<10000x128xf32, #tpu.memory_space<hbm>>) target(%arg11 : memref<80x128xf32, #tpu.memory_space<vmem>>) offsets(%dma_start3A_121 : memref<80xi32, #tpu.memory_space<vmem>>) semaphore(%arg15 : memref<!tpu.dma_semaphore, #tpu.memory_space<semaphore_mem>>)
      } else {
      }
      %scan3A_83 = arith.constant 0 : i32
      %scan3A_84 = arith.constant 0 : i32
      %scan3A_85 = arith.constant 25 : i32
      %scan3A_86 = arith.addi %scan3A_84, %scan3A_85 : i32
      %scan3A_87 = arith.constant 1 : i32
      %scan3A_88 = scf.for %scan3A_97 = %scan3A_84 to %scan3A_86 step %scan3A_87 iter_args(%scan3A_98 = %scan3A_83) -> (i32)  : i32 {
        %ge3A = arith.constant 1 : i32
        %ge3A_99 = arith.cmpi sge, %scan3A_97, %ge3A : i32
        %convert_element_type3A_100 = arith.extui %ge3A_99 : i1 to i32
        %cond3A_101 = arith.constant 0 : i32
        %cond3A_102 = arith.cmpi ne, %convert_element_type3A_100, %cond3A_101 : i32
        scf.if %cond3A_102 {
          %sub3A = arith.constant 1 : i32
          %sub3A_181 = arith.subi %scan3A_97, %sub3A : i32
          %jit3A_182 = arith.constant 4 : i32
          %eq3A_183 = arith.constant 0 : i32
          %eq3A_184 = arith.cmpi eq, %jit3A_182, %eq3A_183 : i32
          %jit3A_185 = arith.constant 1 : i32
          %select_n3A_186 = arith.select %eq3A_184, %jit3A_185, %jit3A_182 : i32
          %rem3A_187 = arith.remsi %sub3A_181, %select_n3A_186 : i32
          %ne3A_188 = arith.constant 0 : i32
          %ne3A_189 = arith.cmpi ne, %rem3A_187, %ne3A_188 : i32
          %lt3A_190 = arith.constant 0 : i32
          %lt3A_191 = arith.cmpi slt, %rem3A_187, %lt3A_190 : i32
          %lt3A_192 = arith.constant 0 : i32
          %lt3A_193 = arith.cmpi slt, %select_n3A_186, %lt3A_192 : i32
          %ne3A_194 = arith.xori %lt3A_191, %lt3A_193 : i1
          %and3A_195 = arith.andi %ne3A_194, %ne3A_189 : i1
          %add3A_196 = arith.addi %rem3A_187, %select_n3A_186 : i32
          %select_n3A_197 = arith.select %and3A_195, %add3A_196, %rem3A_187 : i32
          %eq3A_198 = arith.constant 0 : i32
          %eq3A_199 = arith.cmpi eq, %select_n3A_197, %eq3A_198 : i32
          %convert_element_type3A_200 = arith.extui %eq3A_199 : i1 to i32
          %cond3A_201 = arith.constant 0 : i32
          %cond3A_202 = arith.cmpi ne, %convert_element_type3A_200, %cond3A_201 : i32
          scf.if %cond3A_202 {
            %sub3A_272 = arith.constant 1 : i32
            %sub3A_273 = arith.subi %scan3A_97, %sub3A_272 : i32
            %dma_wait3A_274 = arith.constant 0 : i32
            %dma_wait3A_275 = tpu.memref_slice %arg7[%sub3A_273, %dma_wait3A_274] : memref<25x80xi32, #tpu.memory_space<vmem>> -> memref<1x80xi32, #tpu.memory_space<vmem>>
            %dma_wait3A_276 = tpu.memref_squeeze %dma_wait3A_275 : memref<1x80xi32, #tpu.memory_space<vmem>> -> memref<80xi32, #tpu.memory_space<vmem>>
            %dma_wait3A_277 = arith.constant 0 : i32
            %dma_wait3A_278 = arith.constant 0 : i32
            %dma_wait3A_279 = tpu.memref_slice %arg20[%dma_wait3A_277, %dma_wait3A_278] : memref<10240x128xf32, #tpu.memory_space<vmem_shared>> -> memref<10240x128xf32, #tpu.memory_space<vmem_shared>>
            tpu.wait_indirect_dma semaphore(%arg16 : memref<!tpu.dma_semaphore, #tpu.memory_space<semaphore_mem>>) src(%arg8 : memref<80x128xf32, #tpu.memory_space<vmem>>) dst(%dma_wait3A_279 : memref<10240x128xf32, #tpu.memory_space<vmem_shared>>)
            %add3A_280 = arith.constant 4 : i32
            %add3A_281 = arith.addi %scan3A_97, %add3A_280 : i32
            %sub3A_282 = arith.constant 1 : i32
            %sub3A_283 = arith.subi %add3A_281, %sub3A_282 : i32
            %lt3A_284 = arith.constant 25 : i32
            %lt3A_285 = arith.cmpi slt, %sub3A_283, %lt3A_284 : i32
            %convert_element_type3A_286 = arith.extui %lt3A_285 : i1 to i32
            %cond3A_287 = arith.constant 0 : i32
            %cond3A_288 = arith.cmpi ne, %convert_element_type3A_286, %cond3A_287 : i32
            scf.if %cond3A_288 {
              %add3A_289 = arith.constant 4 : i32
              %add3A_290 = arith.addi %scan3A_97, %add3A_289 : i32
              %sub3A_291 = arith.constant 1 : i32
              %sub3A_292 = arith.subi %add3A_290, %sub3A_291 : i32
              %dma_start3A_293 = arith.constant 0 : i32
              %dma_start3A_294 = tpu.memref_slice %arg6[%sub3A_292, %dma_start3A_293] : memref<25x80xi32, #tpu.memory_space<vmem>> -> memref<1x80xi32, #tpu.memory_space<vmem>>
              %dma_start3A_295 = tpu.memref_squeeze %dma_start3A_294 : memref<1x80xi32, #tpu.memory_space<vmem>> -> memref<80xi32, #tpu.memory_space<vmem>>
              %dma_start3A_296 = arith.constant 0 : i32
              %dma_start3A_297 = arith.constant 0 : i32
              %dma_start3A_298 = tpu.memref_slice %arg2[%dma_start3A_296, %dma_start3A_297] : memref<10000x128xf32, #tpu.memory_space<hbm>> -> memref<10000x128xf32, #tpu.memory_space<hbm>>
              tpu.enqueue_indirect_dma source(%dma_start3A_298 : memref<10000x128xf32, #tpu.memory_space<hbm>>) target(%arg8 : memref<80x128xf32, #tpu.memory_space<vmem>>) offsets(%dma_start3A_295 : memref<80xi32, #tpu.memory_space<vmem>>) semaphore(%arg12 : memref<!tpu.dma_semaphore, #tpu.memory_space<semaphore_mem>>)
            } else {
            }
          } else {
          }
          %sub3A_203 = arith.constant 1 : i32
          %sub3A_204 = arith.subi %scan3A_97, %sub3A_203 : i32
          %jit3A_205 = arith.constant 4 : i32
          %eq3A_206 = arith.constant 0 : i32
          %eq3A_207 = arith.cmpi eq, %jit3A_205, %eq3A_206 : i32
          %jit3A_208 = arith.constant 1 : i32
          %select_n3A_209 = arith.select %eq3A_207, %jit3A_208, %jit3A_205 : i32
          %rem3A_210 = arith.remsi %sub3A_204, %select_n3A_209 : i32
          %ne3A_211 = arith.constant 0 : i32
          %ne3A_212 = arith.cmpi ne, %rem3A_210, %ne3A_211 : i32
          %lt3A_213 = arith.constant 0 : i32
          %lt3A_214 = arith.cmpi slt, %rem3A_210, %lt3A_213 : i32
          %lt3A_215 = arith.constant 0 : i32
          %lt3A_216 = arith.cmpi slt, %select_n3A_209, %lt3A_215 : i32
          %ne3A_217 = arith.xori %lt3A_214, %lt3A_216 : i1
          %and3A_218 = arith.andi %ne3A_217, %ne3A_212 : i1
          %add3A_219 = arith.addi %rem3A_210, %select_n3A_209 : i32
          %select_n3A_220 = arith.select %and3A_218, %add3A_219, %rem3A_210 : i32
          %eq3A_221 = arith.constant 1 : i32
          %eq3A_222 = arith.cmpi eq, %select_n3A_220, %eq3A_221 : i32
          %convert_element_type3A_223 = arith.extui %eq3A_222 : i1 to i32
          %cond3A_224 = arith.constant 0 : i32
          %cond3A_225 = arith.cmpi ne, %convert_element_type3A_223, %cond3A_224 : i32
          scf.if %cond3A_225 {
            %sub3A_272 = arith.constant 1 : i32
            %sub3A_273 = arith.subi %scan3A_97, %sub3A_272 : i32
            %dma_wait3A_274 = arith.constant 0 : i32
            %dma_wait3A_275 = tpu.memref_slice %arg7[%sub3A_273, %dma_wait3A_274] : memref<25x80xi32, #tpu.memory_space<vmem>> -> memref<1x80xi32, #tpu.memory_space<vmem>>
            %dma_wait3A_276 = tpu.memref_squeeze %dma_wait3A_275 : memref<1x80xi32, #tpu.memory_space<vmem>> -> memref<80xi32, #tpu.memory_space<vmem>>
            %dma_wait3A_277 = arith.constant 0 : i32
            %dma_wait3A_278 = arith.constant 0 : i32
            %dma_wait3A_279 = tpu.memref_slice %arg20[%dma_wait3A_277, %dma_wait3A_278] : memref<10240x128xf32, #tpu.memory_space<vmem_shared>> -> memref<10240x128xf32, #tpu.memory_space<vmem_shared>>
            tpu.wait_indirect_dma semaphore(%arg17 : memref<!tpu.dma_semaphore, #tpu.memory_space<semaphore_mem>>) src(%arg9 : memref<80x128xf32, #tpu.memory_space<vmem>>) dst(%dma_wait3A_279 : memref<10240x128xf32, #tpu.memory_space<vmem_shared>>)
            %add3A_280 = arith.constant 4 : i32
            %add3A_281 = arith.addi %scan3A_97, %add3A_280 : i32
            %sub3A_282 = arith.constant 1 : i32
            %sub3A_283 = arith.subi %add3A_281, %sub3A_282 : i32
            %lt3A_284 = arith.constant 25 : i32
            %lt3A_285 = arith.cmpi slt, %sub3A_283, %lt3A_284 : i32
            %convert_element_type3A_286 = arith.extui %lt3A_285 : i1 to i32
            %cond3A_287 = arith.constant 0 : i32
            %cond3A_288 = arith.cmpi ne, %convert_element_type3A_286, %cond3A_287 : i32
            scf.if %cond3A_288 {
              %add3A_289 = arith.constant 4 : i32
              %add3A_290 = arith.addi %scan3A_97, %add3A_289 : i32
              %sub3A_291 = arith.constant 1 : i32
              %sub3A_292 = arith.subi %add3A_290, %sub3A_291 : i32
              %dma_start3A_293 = arith.constant 0 : i32
              %dma_start3A_294 = tpu.memref_slice %arg6[%sub3A_292, %dma_start3A_293] : memref<25x80xi32, #tpu.memory_space<vmem>> -> memref<1x80xi32, #tpu.memory_space<vmem>>
              %dma_start3A_295 = tpu.memref_squeeze %dma_start3A_294 : memref<1x80xi32, #tpu.memory_space<vmem>> -> memref<80xi32, #tpu.memory_space<vmem>>
              %dma_start3A_296 = arith.constant 0 : i32
              %dma_start3A_297 = arith.constant 0 : i32
              %dma_start3A_298 = tpu.memref_slice %arg2[%dma_start3A_296, %dma_start3A_297] : memref<10000x128xf32, #tpu.memory_space<hbm>> -> memref<10000x128xf32, #tpu.memory_space<hbm>>
              tpu.enqueue_indirect_dma source(%dma_start3A_298 : memref<10000x128xf32, #tpu.memory_space<hbm>>) target(%arg9 : memref<80x128xf32, #tpu.memory_space<vmem>>) offsets(%dma_start3A_295 : memref<80xi32, #tpu.memory_space<vmem>>) semaphore(%arg13 : memref<!tpu.dma_semaphore, #tpu.memory_space<semaphore_mem>>)
            } else {
            }
          } else {
          }
          %sub3A_226 = arith.constant 1 : i32
          %sub3A_227 = arith.subi %scan3A_97, %sub3A_226 : i32
          %jit3A_228 = arith.constant 4 : i32
          %eq3A_229 = arith.constant 0 : i32
          %eq3A_230 = arith.cmpi eq, %jit3A_228, %eq3A_229 : i32
          %jit3A_231 = arith.constant 1 : i32
          %select_n3A_232 = arith.select %eq3A_230, %jit3A_231, %jit3A_228 : i32
          %rem3A_233 = arith.remsi %sub3A_227, %select_n3A_232 : i32
          %ne3A_234 = arith.constant 0 : i32
          %ne3A_235 = arith.cmpi ne, %rem3A_233, %ne3A_234 : i32
          %lt3A_236 = arith.constant 0 : i32
          %lt3A_237 = arith.cmpi slt, %rem3A_233, %lt3A_236 : i32
          %lt3A_238 = arith.constant 0 : i32
          %lt3A_239 = arith.cmpi slt, %select_n3A_232, %lt3A_238 : i32
          %ne3A_240 = arith.xori %lt3A_237, %lt3A_239 : i1
          %and3A_241 = arith.andi %ne3A_240, %ne3A_235 : i1
          %add3A_242 = arith.addi %rem3A_233, %select_n3A_232 : i32
          %select_n3A_243 = arith.select %and3A_241, %add3A_242, %rem3A_233 : i32
          %eq3A_244 = arith.constant 2 : i32
          %eq3A_245 = arith.cmpi eq, %select_n3A_243, %eq3A_244 : i32
          %convert_element_type3A_246 = arith.extui %eq3A_245 : i1 to i32
          %cond3A_247 = arith.constant 0 : i32
          %cond3A_248 = arith.cmpi ne, %convert_element_type3A_246, %cond3A_247 : i32
          scf.if %cond3A_248 {
            %sub3A_272 = arith.constant 1 : i32
            %sub3A_273 = arith.subi %scan3A_97, %sub3A_272 : i32
            %dma_wait3A_274 = arith.constant 0 : i32
            %dma_wait3A_275 = tpu.memref_slice %arg7[%sub3A_273, %dma_wait3A_274] : memref<25x80xi32, #tpu.memory_space<vmem>> -> memref<1x80xi32, #tpu.memory_space<vmem>>
            %dma_wait3A_276 = tpu.memref_squeeze %dma_wait3A_275 : memref<1x80xi32, #tpu.memory_space<vmem>> -> memref<80xi32, #tpu.memory_space<vmem>>
            %dma_wait3A_277 = arith.constant 0 : i32
            %dma_wait3A_278 = arith.constant 0 : i32
            %dma_wait3A_279 = tpu.memref_slice %arg20[%dma_wait3A_277, %dma_wait3A_278] : memref<10240x128xf32, #tpu.memory_space<vmem_shared>> -> memref<10240x128xf32, #tpu.memory_space<vmem_shared>>
            tpu.wait_indirect_dma semaphore(%arg18 : memref<!tpu.dma_semaphore, #tpu.memory_space<semaphore_mem>>) src(%arg10 : memref<80x128xf32, #tpu.memory_space<vmem>>) dst(%dma_wait3A_279 : memref<10240x128xf32, #tpu.memory_space<vmem_shared>>)
            %add3A_280 = arith.constant 4 : i32
            %add3A_281 = arith.addi %scan3A_97, %add3A_280 : i32
            %sub3A_282 = arith.constant 1 : i32
            %sub3A_283 = arith.subi %add3A_281, %sub3A_282 : i32
            %lt3A_284 = arith.constant 25 : i32
            %lt3A_285 = arith.cmpi slt, %sub3A_283, %lt3A_284 : i32
            %convert_element_type3A_286 = arith.extui %lt3A_285 : i1 to i32
            %cond3A_287 = arith.constant 0 : i32
            %cond3A_288 = arith.cmpi ne, %convert_element_type3A_286, %cond3A_287 : i32
            scf.if %cond3A_288 {
              %add3A_289 = arith.constant 4 : i32
              %add3A_290 = arith.addi %scan3A_97, %add3A_289 : i32
              %sub3A_291 = arith.constant 1 : i32
              %sub3A_292 = arith.subi %add3A_290, %sub3A_291 : i32
              %dma_start3A_293 = arith.constant 0 : i32
              %dma_start3A_294 = tpu.memref_slice %arg6[%sub3A_292, %dma_start3A_293] : memref<25x80xi32, #tpu.memory_space<vmem>> -> memref<1x80xi32, #tpu.memory_space<vmem>>
              %dma_start3A_295 = tpu.memref_squeeze %dma_start3A_294 : memref<1x80xi32, #tpu.memory_space<vmem>> -> memref<80xi32, #tpu.memory_space<vmem>>
              %dma_start3A_296 = arith.constant 0 : i32
              %dma_start3A_297 = arith.constant 0 : i32
              %dma_start3A_298 = tpu.memref_slice %arg2[%dma_start3A_296, %dma_start3A_297] : memref<10000x128xf32, #tpu.memory_space<hbm>> -> memref<10000x128xf32, #tpu.memory_space<hbm>>
              tpu.enqueue_indirect_dma source(%dma_start3A_298 : memref<10000x128xf32, #tpu.memory_space<hbm>>) target(%arg10 : memref<80x128xf32, #tpu.memory_space<vmem>>) offsets(%dma_start3A_295 : memref<80xi32, #tpu.memory_space<vmem>>) semaphore(%arg14 : memref<!tpu.dma_semaphore, #tpu.memory_space<semaphore_mem>>)
            } else {
            }
          } else {
          }
          %sub3A_249 = arith.constant 1 : i32
          %sub3A_250 = arith.subi %scan3A_97, %sub3A_249 : i32
          %jit3A_251 = arith.constant 4 : i32
          %eq3A_252 = arith.constant 0 : i32
          %eq3A_253 = arith.cmpi eq, %jit3A_251, %eq3A_252 : i32
          %jit3A_254 = arith.constant 1 : i32
          %select_n3A_255 = arith.select %eq3A_253, %jit3A_254, %jit3A_251 : i32
          %rem3A_256 = arith.remsi %sub3A_250, %select_n3A_255 : i32
          %ne3A_257 = arith.constant 0 : i32
          %ne3A_258 = arith.cmpi ne, %rem3A_256, %ne3A_257 : i32
          %lt3A_259 = arith.constant 0 : i32
          %lt3A_260 = arith.cmpi slt, %rem3A_256, %lt3A_259 : i32
          %lt3A_261 = arith.constant 0 : i32
          %lt3A_262 = arith.cmpi slt, %select_n3A_255, %lt3A_261 : i32
          %ne3A_263 = arith.xori %lt3A_260, %lt3A_262 : i1
          %and3A_264 = arith.andi %ne3A_263, %ne3A_258 : i1
          %add3A_265 = arith.addi %rem3A_256, %select_n3A_255 : i32
          %select_n3A_266 = arith.select %and3A_264, %add3A_265, %rem3A_256 : i32
          %eq3A_267 = arith.constant 3 : i32
          %eq3A_268 = arith.cmpi eq, %select_n3A_266, %eq3A_267 : i32
          %convert_element_type3A_269 = arith.extui %eq3A_268 : i1 to i32
          %cond3A_270 = arith.constant 0 : i32
          %cond3A_271 = arith.cmpi ne, %convert_element_type3A_269, %cond3A_270 : i32
          scf.if %cond3A_271 {
            %sub3A_272 = arith.constant 1 : i32
            %sub3A_273 = arith.subi %scan3A_97, %sub3A_272 : i32
            %dma_wait3A_274 = arith.constant 0 : i32
            %dma_wait3A_275 = tpu.memref_slice %arg7[%sub3A_273, %dma_wait3A_274] : memref<25x80xi32, #tpu.memory_space<vmem>> -> memref<1x80xi32, #tpu.memory_space<vmem>>
            %dma_wait3A_276 = tpu.memref_squeeze %dma_wait3A_275 : memref<1x80xi32, #tpu.memory_space<vmem>> -> memref<80xi32, #tpu.memory_space<vmem>>
            %dma_wait3A_277 = arith.constant 0 : i32
            %dma_wait3A_278 = arith.constant 0 : i32
            %dma_wait3A_279 = tpu.memref_slice %arg20[%dma_wait3A_277, %dma_wait3A_278] : memref<10240x128xf32, #tpu.memory_space<vmem_shared>> -> memref<10240x128xf32, #tpu.memory_space<vmem_shared>>
            tpu.wait_indirect_dma semaphore(%arg19 : memref<!tpu.dma_semaphore, #tpu.memory_space<semaphore_mem>>) src(%arg11 : memref<80x128xf32, #tpu.memory_space<vmem>>) dst(%dma_wait3A_279 : memref<10240x128xf32, #tpu.memory_space<vmem_shared>>)
            %add3A_280 = arith.constant 4 : i32
            %add3A_281 = arith.addi %scan3A_97, %add3A_280 : i32
            %sub3A_282 = arith.constant 1 : i32
            %sub3A_283 = arith.subi %add3A_281, %sub3A_282 : i32
            %lt3A_284 = arith.constant 25 : i32
            %lt3A_285 = arith.cmpi slt, %sub3A_283, %lt3A_284 : i32
            %convert_element_type3A_286 = arith.extui %lt3A_285 : i1 to i32
            %cond3A_287 = arith.constant 0 : i32
            %cond3A_288 = arith.cmpi ne, %convert_element_type3A_286, %cond3A_287 : i32
            scf.if %cond3A_288 {
              %add3A_289 = arith.constant 4 : i32
              %add3A_290 = arith.addi %scan3A_97, %add3A_289 : i32
              %sub3A_291 = arith.constant 1 : i32
              %sub3A_292 = arith.subi %add3A_290, %sub3A_291 : i32
              %dma_start3A_293 = arith.constant 0 : i32
              %dma_start3A_294 = tpu.memref_slice %arg6[%sub3A_292, %dma_start3A_293] : memref<25x80xi32, #tpu.memory_space<vmem>> -> memref<1x80xi32, #tpu.memory_space<vmem>>
              %dma_start3A_295 = tpu.memref_squeeze %dma_start3A_294 : memref<1x80xi32, #tpu.memory_space<vmem>> -> memref<80xi32, #tpu.memory_space<vmem>>
              %dma_start3A_296 = arith.constant 0 : i32
              %dma_start3A_297 = arith.constant 0 : i32
              %dma_start3A_298 = tpu.memref_slice %arg2[%dma_start3A_296, %dma_start3A_297] : memref<10000x128xf32, #tpu.memory_space<hbm>> -> memref<10000x128xf32, #tpu.memory_space<hbm>>
              tpu.enqueue_indirect_dma source(%dma_start3A_298 : memref<10000x128xf32, #tpu.memory_space<hbm>>) target(%arg11 : memref<80x128xf32, #tpu.memory_space<vmem>>) offsets(%dma_start3A_295 : memref<80xi32, #tpu.memory_space<vmem>>) semaphore(%arg15 : memref<!tpu.dma_semaphore, #tpu.memory_space<semaphore_mem>>)
            } else {
            }
          } else {
          }
        } else {
        }
        %jit3A = arith.constant 4 : i32
        %eq3A = arith.constant 0 : i32
        %eq3A_103 = arith.cmpi eq, %jit3A, %eq3A : i32
        %jit3A_104 = arith.constant 1 : i32
        %select_n3A = arith.select %eq3A_103, %jit3A_104, %jit3A : i32
        %rem3A = arith.remsi %scan3A_97, %select_n3A : i32
        %ne3A = arith.constant 0 : i32
        %ne3A_105 = arith.cmpi ne, %rem3A, %ne3A : i32
        %lt3A = arith.constant 0 : i32
        %lt3A_106 = arith.cmpi slt, %rem3A, %lt3A : i32
        %lt3A_107 = arith.constant 0 : i32
        %lt3A_108 = arith.cmpi slt, %select_n3A, %lt3A_107 : i32
        %ne3A_109 = arith.xori %lt3A_106, %lt3A_108 : i1
        %and3A = arith.andi %ne3A_109, %ne3A_105 : i1
        %add3A_110 = arith.addi %rem3A, %select_n3A : i32
        %select_n3A_111 = arith.select %and3A, %add3A_110, %rem3A : i32
        %eq3A_112 = arith.constant 0 : i32
        %eq3A_113 = arith.cmpi eq, %select_n3A_111, %eq3A_112 : i32
        %convert_element_type3A_114 = arith.extui %eq3A_113 : i1 to i32
        %cond3A_115 = arith.constant 0 : i32
        %cond3A_116 = arith.cmpi ne, %convert_element_type3A_114, %cond3A_115 : i32
        scf.if %cond3A_116 {
          %dma_wait3A_181 = arith.constant 0 : i32
          %dma_wait3A_182 = tpu.memref_slice %arg6[%scan3A_97, %dma_wait3A_181] : memref<25x80xi32, #tpu.memory_space<vmem>> -> memref<1x80xi32, #tpu.memory_space<vmem>>
          %dma_wait3A_183 = tpu.memref_squeeze %dma_wait3A_182 : memref<1x80xi32, #tpu.memory_space<vmem>> -> memref<80xi32, #tpu.memory_space<vmem>>
          %dma_wait3A_184 = arith.constant 0 : i32
          %dma_wait3A_185 = arith.constant 0 : i32
          %dma_wait3A_186 = tpu.memref_slice %arg2[%dma_wait3A_184, %dma_wait3A_185] : memref<10000x128xf32, #tpu.memory_space<hbm>> -> memref<10000x128xf32, #tpu.memory_space<hbm>>
          tpu.wait_indirect_dma semaphore(%arg12 : memref<!tpu.dma_semaphore, #tpu.memory_space<semaphore_mem>>) src(%dma_wait3A_186 : memref<10000x128xf32, #tpu.memory_space<hbm>>) dst(%arg8 : memref<80x128xf32, #tpu.memory_space<vmem>>)
          %dma_start3A_187 = arith.constant 0 : i32
          %dma_start3A_188 = tpu.memref_slice %arg7[%scan3A_97, %dma_start3A_187] : memref<25x80xi32, #tpu.memory_space<vmem>> -> memref<1x80xi32, #tpu.memory_space<vmem>>
          %dma_start3A_189 = tpu.memref_squeeze %dma_start3A_188 : memref<1x80xi32, #tpu.memory_space<vmem>> -> memref<80xi32, #tpu.memory_space<vmem>>
          %dma_start3A_190 = arith.constant 0 : i32
          %dma_start3A_191 = arith.constant 0 : i32
          %dma_start3A_192 = tpu.memref_slice %arg20[%dma_start3A_190, %dma_start3A_191] : memref<10240x128xf32, #tpu.memory_space<vmem_shared>> -> memref<10240x128xf32, #tpu.memory_space<vmem_shared>>
          tpu.enqueue_indirect_dma source(%arg8 : memref<80x128xf32, #tpu.memory_space<vmem>>) target(%dma_start3A_192 : memref<10240x128xf32, #tpu.memory_space<vmem_shared>>) offsets(%dma_start3A_189 : memref<80xi32, #tpu.memory_space<vmem>>) semaphore(%arg16 : memref<!tpu.dma_semaphore, #tpu.memory_space<semaphore_mem>>) {add = true}
        } else {
        }
        %jit3A_117 = arith.constant 4 : i32
        %eq3A_118 = arith.constant 0 : i32
        %eq3A_119 = arith.cmpi eq, %jit3A_117, %eq3A_118 : i32
        %jit3A_120 = arith.constant 1 : i32
        %select_n3A_121 = arith.select %eq3A_119, %jit3A_120, %jit3A_117 : i32
        %rem3A_122 = arith.remsi %scan3A_97, %select_n3A_121 : i32
        %ne3A_123 = arith.constant 0 : i32
        %ne3A_124 = arith.cmpi ne, %rem3A_122, %ne3A_123 : i32
        %lt3A_125 = arith.constant 0 : i32
        %lt3A_126 = arith.cmpi slt, %rem3A_122, %lt3A_125 : i32
        %lt3A_127 = arith.constant 0 : i32
        %lt3A_128 = arith.cmpi slt, %select_n3A_121, %lt3A_127 : i32
        %ne3A_129 = arith.xori %lt3A_126, %lt3A_128 : i1
        %and3A_130 = arith.andi %ne3A_129, %ne3A_124 : i1
        %add3A_131 = arith.addi %rem3A_122, %select_n3A_121 : i32
        %select_n3A_132 = arith.select %and3A_130, %add3A_131, %rem3A_122 : i32
        %eq3A_133 = arith.constant 1 : i32
        %eq3A_134 = arith.cmpi eq, %select_n3A_132, %eq3A_133 : i32
        %convert_element_type3A_135 = arith.extui %eq3A_134 : i1 to i32
        %cond3A_136 = arith.constant 0 : i32
        %cond3A_137 = arith.cmpi ne, %convert_element_type3A_135, %cond3A_136 : i32
        scf.if %cond3A_137 {
          %dma_wait3A_181 = arith.constant 0 : i32
          %dma_wait3A_182 = tpu.memref_slice %arg6[%scan3A_97, %dma_wait3A_181] : memref<25x80xi32, #tpu.memory_space<vmem>> -> memref<1x80xi32, #tpu.memory_space<vmem>>
          %dma_wait3A_183 = tpu.memref_squeeze %dma_wait3A_182 : memref<1x80xi32, #tpu.memory_space<vmem>> -> memref<80xi32, #tpu.memory_space<vmem>>
          %dma_wait3A_184 = arith.constant 0 : i32
          %dma_wait3A_185 = arith.constant 0 : i32
          %dma_wait3A_186 = tpu.memref_slice %arg2[%dma_wait3A_184, %dma_wait3A_185] : memref<10000x128xf32, #tpu.memory_space<hbm>> -> memref<10000x128xf32, #tpu.memory_space<hbm>>
          tpu.wait_indirect_dma semaphore(%arg13 : memref<!tpu.dma_semaphore, #tpu.memory_space<semaphore_mem>>) src(%dma_wait3A_186 : memref<10000x128xf32, #tpu.memory_space<hbm>>) dst(%arg9 : memref<80x128xf32, #tpu.memory_space<vmem>>)
          %dma_start3A_187 = arith.constant 0 : i32
          %dma_start3A_188 = tpu.memref_slice %arg7[%scan3A_97, %dma_start3A_187] : memref<25x80xi32, #tpu.memory_space<vmem>> -> memref<1x80xi32, #tpu.memory_space<vmem>>
          %dma_start3A_189 = tpu.memref_squeeze %dma_start3A_188 : memref<1x80xi32, #tpu.memory_space<vmem>> -> memref<80xi32, #tpu.memory_space<vmem>>
          %dma_start3A_190 = arith.constant 0 : i32
          %dma_start3A_191 = arith.constant 0 : i32
          %dma_start3A_192 = tpu.memref_slice %arg20[%dma_start3A_190, %dma_start3A_191] : memref<10240x128xf32, #tpu.memory_space<vmem_shared>> -> memref<10240x128xf32, #tpu.memory_space<vmem_shared>>
          tpu.enqueue_indirect_dma source(%arg9 : memref<80x128xf32, #tpu.memory_space<vmem>>) target(%dma_start3A_192 : memref<10240x128xf32, #tpu.memory_space<vmem_shared>>) offsets(%dma_start3A_189 : memref<80xi32, #tpu.memory_space<vmem>>) semaphore(%arg17 : memref<!tpu.dma_semaphore, #tpu.memory_space<semaphore_mem>>) {add = true}
        } else {
        }
        %jit3A_138 = arith.constant 4 : i32
        %eq3A_139 = arith.constant 0 : i32
        %eq3A_140 = arith.cmpi eq, %jit3A_138, %eq3A_139 : i32
        %jit3A_141 = arith.constant 1 : i32
        %select_n3A_142 = arith.select %eq3A_140, %jit3A_141, %jit3A_138 : i32
        %rem3A_143 = arith.remsi %scan3A_97, %select_n3A_142 : i32
        %ne3A_144 = arith.constant 0 : i32
        %ne3A_145 = arith.cmpi ne, %rem3A_143, %ne3A_144 : i32
        %lt3A_146 = arith.constant 0 : i32
        %lt3A_147 = arith.cmpi slt, %rem3A_143, %lt3A_146 : i32
        %lt3A_148 = arith.constant 0 : i32
        %lt3A_149 = arith.cmpi slt, %select_n3A_142, %lt3A_148 : i32
        %ne3A_150 = arith.xori %lt3A_147, %lt3A_149 : i1
        %and3A_151 = arith.andi %ne3A_150, %ne3A_145 : i1
        %add3A_152 = arith.addi %rem3A_143, %select_n3A_142 : i32
        %select_n3A_153 = arith.select %and3A_151, %add3A_152, %rem3A_143 : i32
        %eq3A_154 = arith.constant 2 : i32
        %eq3A_155 = arith.cmpi eq, %select_n3A_153, %eq3A_154 : i32
        %convert_element_type3A_156 = arith.extui %eq3A_155 : i1 to i32
        %cond3A_157 = arith.constant 0 : i32
        %cond3A_158 = arith.cmpi ne, %convert_element_type3A_156, %cond3A_157 : i32
        scf.if %cond3A_158 {
          %dma_wait3A_181 = arith.constant 0 : i32
          %dma_wait3A_182 = tpu.memref_slice %arg6[%scan3A_97, %dma_wait3A_181] : memref<25x80xi32, #tpu.memory_space<vmem>> -> memref<1x80xi32, #tpu.memory_space<vmem>>
          %dma_wait3A_183 = tpu.memref_squeeze %dma_wait3A_182 : memref<1x80xi32, #tpu.memory_space<vmem>> -> memref<80xi32, #tpu.memory_space<vmem>>
          %dma_wait3A_184 = arith.constant 0 : i32
          %dma_wait3A_185 = arith.constant 0 : i32
          %dma_wait3A_186 = tpu.memref_slice %arg2[%dma_wait3A_184, %dma_wait3A_185] : memref<10000x128xf32, #tpu.memory_space<hbm>> -> memref<10000x128xf32, #tpu.memory_space<hbm>>
          tpu.wait_indirect_dma semaphore(%arg14 : memref<!tpu.dma_semaphore, #tpu.memory_space<semaphore_mem>>) src(%dma_wait3A_186 : memref<10000x128xf32, #tpu.memory_space<hbm>>) dst(%arg10 : memref<80x128xf32, #tpu.memory_space<vmem>>)
          %dma_start3A_187 = arith.constant 0 : i32
          %dma_start3A_188 = tpu.memref_slice %arg7[%scan3A_97, %dma_start3A_187] : memref<25x80xi32, #tpu.memory_space<vmem>> -> memref<1x80xi32, #tpu.memory_space<vmem>>
          %dma_start3A_189 = tpu.memref_squeeze %dma_start3A_188 : memref<1x80xi32, #tpu.memory_space<vmem>> -> memref<80xi32, #tpu.memory_space<vmem>>
          %dma_start3A_190 = arith.constant 0 : i32
          %dma_start3A_191 = arith.constant 0 : i32
          %dma_start3A_192 = tpu.memref_slice %arg20[%dma_start3A_190, %dma_start3A_191] : memref<10240x128xf32, #tpu.memory_space<vmem_shared>> -> memref<10240x128xf32, #tpu.memory_space<vmem_shared>>
          tpu.enqueue_indirect_dma source(%arg10 : memref<80x128xf32, #tpu.memory_space<vmem>>) target(%dma_start3A_192 : memref<10240x128xf32, #tpu.memory_space<vmem_shared>>) offsets(%dma_start3A_189 : memref<80xi32, #tpu.memory_space<vmem>>) semaphore(%arg18 : memref<!tpu.dma_semaphore, #tpu.memory_space<semaphore_mem>>) {add = true}
        } else {
        }
        %jit3A_159 = arith.constant 4 : i32
        %eq3A_160 = arith.constant 0 : i32
        %eq3A_161 = arith.cmpi eq, %jit3A_159, %eq3A_160 : i32
        %jit3A_162 = arith.constant 1 : i32
        %select_n3A_163 = arith.select %eq3A_161, %jit3A_162, %jit3A_159 : i32
        %rem3A_164 = arith.remsi %scan3A_97, %select_n3A_163 : i32
        %ne3A_165 = arith.constant 0 : i32
        %ne3A_166 = arith.cmpi ne, %rem3A_164, %ne3A_165 : i32
        %lt3A_167 = arith.constant 0 : i32
        %lt3A_168 = arith.cmpi slt, %rem3A_164, %lt3A_167 : i32
        %lt3A_169 = arith.constant 0 : i32
        %lt3A_170 = arith.cmpi slt, %select_n3A_163, %lt3A_169 : i32
        %ne3A_171 = arith.xori %lt3A_168, %lt3A_170 : i1
        %and3A_172 = arith.andi %ne3A_171, %ne3A_166 : i1
        %add3A_173 = arith.addi %rem3A_164, %select_n3A_163 : i32
        %select_n3A_174 = arith.select %and3A_172, %add3A_173, %rem3A_164 : i32
        %eq3A_175 = arith.constant 3 : i32
        %eq3A_176 = arith.cmpi eq, %select_n3A_174, %eq3A_175 : i32
        %convert_element_type3A_177 = arith.extui %eq3A_176 : i1 to i32
        %cond3A_178 = arith.constant 0 : i32
        %cond3A_179 = arith.cmpi ne, %convert_element_type3A_177, %cond3A_178 : i32
        scf.if %cond3A_179 {
          %dma_wait3A_181 = arith.constant 0 : i32
          %dma_wait3A_182 = tpu.memref_slice %arg6[%scan3A_97, %dma_wait3A_181] : memref<25x80xi32, #tpu.memory_space<vmem>> -> memref<1x80xi32, #tpu.memory_space<vmem>>
          %dma_wait3A_183 = tpu.memref_squeeze %dma_wait3A_182 : memref<1x80xi32, #tpu.memory_space<vmem>> -> memref<80xi32, #tpu.memory_space<vmem>>
          %dma_wait3A_184 = arith.constant 0 : i32
          %dma_wait3A_185 = arith.constant 0 : i32
          %dma_wait3A_186 = tpu.memref_slice %arg2[%dma_wait3A_184, %dma_wait3A_185] : memref<10000x128xf32, #tpu.memory_space<hbm>> -> memref<10000x128xf32, #tpu.memory_space<hbm>>
          tpu.wait_indirect_dma semaphore(%arg15 : memref<!tpu.dma_semaphore, #tpu.memory_space<semaphore_mem>>) src(%dma_wait3A_186 : memref<10000x128xf32, #tpu.memory_space<hbm>>) dst(%arg11 : memref<80x128xf32, #tpu.memory_space<vmem>>)
          %dma_start3A_187 = arith.constant 0 : i32
          %dma_start3A_188 = tpu.memref_slice %arg7[%scan3A_97, %dma_start3A_187] : memref<25x80xi32, #tpu.memory_space<vmem>> -> memref<1x80xi32, #tpu.memory_space<vmem>>
          %dma_start3A_189 = tpu.memref_squeeze %dma_start3A_188 : memref<1x80xi32, #tpu.memory_space<vmem>> -> memref<80xi32, #tpu.memory_space<vmem>>
          %dma_start3A_190 = arith.constant 0 : i32
          %dma_start3A_191 = arith.constant 0 : i32
          %dma_start3A_192 = tpu.memref_slice %arg20[%dma_start3A_190, %dma_start3A_191] : memref<10240x128xf32, #tpu.memory_space<vmem_shared>> -> memref<10240x128xf32, #tpu.memory_space<vmem_shared>>
          tpu.enqueue_indirect_dma source(%arg11 : memref<80x128xf32, #tpu.memory_space<vmem>>) target(%dma_start3A_192 : memref<10240x128xf32, #tpu.memory_space<vmem_shared>>) offsets(%dma_start3A_189 : memref<80xi32, #tpu.memory_space<vmem>>) semaphore(%arg19 : memref<!tpu.dma_semaphore, #tpu.memory_space<semaphore_mem>>) {add = true}
        } else {
        }
        %scan3A_180 = arith.constant 0 : i32
        scf.yield %scan3A_180 : i32
      }
      %scan3A_89 = arith.constant 25 : i32
      %dma_wait3A = arith.constant 24 : i32
      %dma_wait3A_90 = arith.constant 0 : i32
      %dma_wait3A_91 = tpu.memref_slice %arg7[%dma_wait3A, %dma_wait3A_90] : memref<25x80xi32, #tpu.memory_space<vmem>> -> memref<1x80xi32, #tpu.memory_space<vmem>>
      %dma_wait3A_92 = tpu.memref_squeeze %dma_wait3A_91 : memref<1x80xi32, #tpu.memory_space<vmem>> -> memref<80xi32, #tpu.memory_space<vmem>>
      %dma_wait3A_93 = arith.constant 0 : i32
      %dma_wait3A_94 = arith.constant 0 : i32
      %dma_wait3A_95 = tpu.memref_slice %arg20[%dma_wait3A_93, %dma_wait3A_94] : memref<10240x128xf32, #tpu.memory_space<vmem_shared>> -> memref<10240x128xf32, #tpu.memory_space<vmem_shared>>
      tpu.wait_indirect_dma semaphore(%arg16 : memref<!tpu.dma_semaphore, #tpu.memory_space<semaphore_mem>>) src(%arg8 : memref<80x128xf32, #tpu.memory_space<vmem>>) dst(%dma_wait3A_95 : memref<10240x128xf32, #tpu.memory_space<vmem_shared>>)
      %scan3A_96 = arith.constant 0 : i32
      scf.yield %scan3A_96 : i32
    }
    %scan3A_73 = arith.constant 5 : i32
    %barrier3A_74 = arith.constant 0 : index
    tpu.barrier barrier_id(%barrier3A_74)
    %mul3A_75 = arith.constant 640 : i32
    %mul3A_76 = arith.muli %arg1, %mul3A_75 : i32
    %mul3A_77 = arith.constant 640 : i32
    %mul3A_78 = arith.muli %arg1, %mul3A_77 : i32
    "tpu.region"() ({
      %run_scoped3A_79 = tpu.sem_alloc : memref<!tpu.dma_semaphore, #tpu.memory_space<semaphore_mem>>
      %dma_start3A_80 = arith.constant 0 : i32
      %dma_start3A_81 = tpu.memref_slice %arg5[%arg0, %mul3A_78, %dma_start3A_80] : memref<2x10240x128xf32, #tpu.memory_space<hbm>> -> memref<1x640x128xf32, #tpu.memory_space<hbm>>
      %dma_start3A_82 = tpu.memref_squeeze %dma_start3A_81 : memref<1x640x128xf32, #tpu.memory_space<hbm>> -> memref<640x128xf32, #tpu.memory_space<hbm>>
      %dma_start3A_83 = arith.constant 0 : i32
      %dma_start3A_84 = tpu.memref_slice %arg20[%mul3A_76, %dma_start3A_83] : memref<10240x128xf32, #tpu.memory_space<vmem_shared>> -> memref<640x128xf32, #tpu.memory_space<vmem_shared>>
      tpu.enqueue_dma source(%dma_start3A_84 : memref<640x128xf32, #tpu.memory_space<vmem_shared>>) target(%dma_start3A_82 : memref<640x128xf32, #tpu.memory_space<hbm>>) target_semaphore(%run_scoped3A_79 : memref<!tpu.dma_semaphore, #tpu.memory_space<semaphore_mem>>)
      %dma_wait3A = arith.constant 0 : i32
      %dma_wait3A_85 = tpu.memref_slice %arg5[%arg0, %mul3A_78, %dma_wait3A] : memref<2x10240x128xf32, #tpu.memory_space<hbm>> -> memref<1x640x128xf32, #tpu.memory_space<hbm>>
      %dma_wait3A_86 = tpu.memref_squeeze %dma_wait3A_85 : memref<1x640x128xf32, #tpu.memory_space<hbm>> -> memref<640x128xf32, #tpu.memory_space<hbm>>
      %dma_wait3A_87 = arith.constant 0 : i32
      %dma_wait3A_88 = tpu.memref_slice %arg20[%mul3A_76, %dma_wait3A_87] : memref<10240x128xf32, #tpu.memory_space<vmem_shared>> -> memref<640x128xf32, #tpu.memory_space<vmem_shared>>
      tpu.wait_dma2 semaphore(%run_scoped3A_79 : memref<!tpu.dma_semaphore, #tpu.memory_space<semaphore_mem>>) src(%dma_wait3A_88 : memref<640x128xf32, #tpu.memory_space<vmem_shared>>) dst(%dma_wait3A_86 : memref<640x128xf32, #tpu.memory_space<hbm>>)
      tpu.yield
    }) : () -> ()
    return
  }
}

#map = affine_map<(d0, d1) -> (0, 0, 0)>
#map1 = affine_map<(d0, d1) -> (0, 0)>
module attributes {stable_mosaic.version = 14 : i64} {
  func.func @_sc_deg(%arg0: i32, %arg1: i32, %arg2: memref<32x125x80xi32, #tpu.memory_space<hbm>>, %arg3: memref<32x125x80xi32, #tpu.memory_space<hbm>>, %arg4: memref<32x125x80xi32, #tpu.memory_space<hbm>>, %arg5: memref<2x10240xf32, #tpu.memory_space<hbm>>, %arg6: memref<125x80xi32, #tpu.memory_space<vmem>>, %arg7: memref<125x80xi32, #tpu.memory_space<vmem>>, %arg8: memref<80xf32, #tpu.memory_space<vmem>>, %arg9: memref<640xf32, #tpu.memory_space<vmem>>, %arg10: memref<10240xf32, #tpu.memory_space<vmem_shared>>) attributes {dimension_semantics = [#tpu.dimension_semantics<core_parallel>, #tpu.dimension_semantics<subcore_parallel>], iteration_bounds = array<i64: 2, 16>, scalar_prefetch = 0 : i64, scratch_operands = 5 : i64, tpu.core_type = #tpu.core_type<sc_vector_subcore>, window_params = [{transform_indices = #map}, {transform_indices = #map}, {transform_indices = #map}, {transform_indices = #map1}]} {
    %mul3A = arith.constant 16 : i32
    %mul3A_0 = arith.muli %arg0, %mul3A : i32
    %add3A = arith.addi %mul3A_0, %arg1 : i32
    "tpu.region"() ({
      %run_scoped3A = tpu.sem_alloc : memref<!tpu.dma_semaphore, #tpu.memory_space<semaphore_mem>>
      %dma_start3A = arith.constant 0 : i32
      %dma_start3A_56 = arith.constant 0 : i32
      %dma_start3A_57 = tpu.memref_slice %arg2[%add3A, %dma_start3A, %dma_start3A_56] : memref<32x125x80xi32, #tpu.memory_space<hbm>> -> memref<1x125x80xi32, #tpu.memory_space<hbm>>
      %dma_start3A_58 = tpu.memref_squeeze %dma_start3A_57 : memref<1x125x80xi32, #tpu.memory_space<hbm>> -> memref<125x80xi32, #tpu.memory_space<hbm>>
      %dma_start3A_59 = arith.constant 0 : i32
      %dma_start3A_60 = arith.constant 0 : i32
      %dma_start3A_61 = tpu.memref_slice %arg2[%add3A, %dma_start3A_59, %dma_start3A_60] : memref<32x125x80xi32, #tpu.memory_space<hbm>> -> memref<1x125x80xi32, #tpu.memory_space<hbm>>
      %dma_start3A_62 = tpu.memref_squeeze %dma_start3A_61 : memref<1x125x80xi32, #tpu.memory_space<hbm>> -> memref<125x80xi32, #tpu.memory_space<hbm>>
      tpu.enqueue_dma source(%dma_start3A_62 : memref<125x80xi32, #tpu.memory_space<hbm>>) target(%arg6 : memref<125x80xi32, #tpu.memory_space<vmem>>) target_semaphore(%run_scoped3A : memref<!tpu.dma_semaphore, #tpu.memory_space<semaphore_mem>>)
      %dma_wait3A = arith.constant 0 : i32
      %dma_wait3A_63 = arith.constant 0 : i32
      %dma_wait3A_64 = tpu.memref_slice %arg2[%add3A, %dma_wait3A, %dma_wait3A_63] : memref<32x125x80xi32, #tpu.memory_space<hbm>> -> memref<1x125x80xi32, #tpu.memory_space<hbm>>
      %dma_wait3A_65 = tpu.memref_squeeze %dma_wait3A_64 : memref<1x125x80xi32, #tpu.memory_space<hbm>> -> memref<125x80xi32, #tpu.memory_space<hbm>>
      %dma_wait3A_66 = arith.constant 0 : i32
      %dma_wait3A_67 = arith.constant 0 : i32
      %dma_wait3A_68 = tpu.memref_slice %arg2[%add3A, %dma_wait3A_66, %dma_wait3A_67] : memref<32x125x80xi32, #tpu.memory_space<hbm>> -> memref<1x125x80xi32, #tpu.memory_space<hbm>>
      %dma_wait3A_69 = tpu.memref_squeeze %dma_wait3A_68 : memref<1x125x80xi32, #tpu.memory_space<hbm>> -> memref<125x80xi32, #tpu.memory_space<hbm>>
      tpu.wait_dma2 semaphore(%run_scoped3A : memref<!tpu.dma_semaphore, #tpu.memory_space<semaphore_mem>>) src(%dma_wait3A_69 : memref<125x80xi32, #tpu.memory_space<hbm>>) dst(%arg6 : memref<125x80xi32, #tpu.memory_space<vmem>>)
      tpu.yield
    }) : () -> ()
    "tpu.region"() ({
      %run_scoped3A = tpu.sem_alloc : memref<!tpu.dma_semaphore, #tpu.memory_space<semaphore_mem>>
      %dma_start3A = arith.constant 0 : i32
      %dma_start3A_56 = arith.constant 0 : i32
      %dma_start3A_57 = tpu.memref_slice %arg3[%add3A, %dma_start3A, %dma_start3A_56] : memref<32x125x80xi32, #tpu.memory_space<hbm>> -> memref<1x125x80xi32, #tpu.memory_space<hbm>>
      %dma_start3A_58 = tpu.memref_squeeze %dma_start3A_57 : memref<1x125x80xi32, #tpu.memory_space<hbm>> -> memref<125x80xi32, #tpu.memory_space<hbm>>
      %dma_start3A_59 = arith.constant 0 : i32
      %dma_start3A_60 = arith.constant 0 : i32
      %dma_start3A_61 = tpu.memref_slice %arg3[%add3A, %dma_start3A_59, %dma_start3A_60] : memref<32x125x80xi32, #tpu.memory_space<hbm>> -> memref<1x125x80xi32, #tpu.memory_space<hbm>>
      %dma_start3A_62 = tpu.memref_squeeze %dma_start3A_61 : memref<1x125x80xi32, #tpu.memory_space<hbm>> -> memref<125x80xi32, #tpu.memory_space<hbm>>
      tpu.enqueue_dma source(%dma_start3A_62 : memref<125x80xi32, #tpu.memory_space<hbm>>) target(%arg7 : memref<125x80xi32, #tpu.memory_space<vmem>>) target_semaphore(%run_scoped3A : memref<!tpu.dma_semaphore, #tpu.memory_space<semaphore_mem>>)
      %dma_wait3A = arith.constant 0 : i32
      %dma_wait3A_63 = arith.constant 0 : i32
      %dma_wait3A_64 = tpu.memref_slice %arg3[%add3A, %dma_wait3A, %dma_wait3A_63] : memref<32x125x80xi32, #tpu.memory_space<hbm>> -> memref<1x125x80xi32, #tpu.memory_space<hbm>>
      %dma_wait3A_65 = tpu.memref_squeeze %dma_wait3A_64 : memref<1x125x80xi32, #tpu.memory_space<hbm>> -> memref<125x80xi32, #tpu.memory_space<hbm>>
      %dma_wait3A_66 = arith.constant 0 : i32
      %dma_wait3A_67 = arith.constant 0 : i32
      %dma_wait3A_68 = tpu.memref_slice %arg3[%add3A, %dma_wait3A_66, %dma_wait3A_67] : memref<32x125x80xi32, #tpu.memory_space<hbm>> -> memref<1x125x80xi32, #tpu.memory_space<hbm>>
      %dma_wait3A_69 = tpu.memref_squeeze %dma_wait3A_68 : memref<1x125x80xi32, #tpu.memory_space<hbm>> -> memref<125x80xi32, #tpu.memory_space<hbm>>
      tpu.wait_dma2 semaphore(%run_scoped3A : memref<!tpu.dma_semaphore, #tpu.memory_space<semaphore_mem>>) src(%dma_wait3A_69 : memref<125x80xi32, #tpu.memory_space<hbm>>) dst(%arg7 : memref<125x80xi32, #tpu.memory_space<vmem>>)
      tpu.yield
    }) : () -> ()
    %broadcast_in_dim3A = arith.constant 1.000000e+00 : f32
    %broadcast_in_dim3A_1 = vector.broadcast %broadcast_in_dim3A : f32 to vector<16xf32>
    %swap3A = arith.constant 0 : index
    %swap3A_2 = tpu.vector_load %arg8[%swap3A] {strides = array<i32>} : memref<80xf32, #tpu.memory_space<vmem>>, vector<16xf32>,
    %swap3A_3 = vector.shape_cast %swap3A_2 : vector<16xf32> to vector<16xf32>
    %swap3A_4 = vector.shape_cast %broadcast_in_dim3A_1 : vector<16xf32> to vector<16xf32>
    tpu.vector_store %arg8[%swap3A], %swap3A_4 {strides = array<i32>} : memref<80xf32, #tpu.memory_space<vmem>>, vector<16xf32>,
    %broadcast_in_dim3A_5 = arith.constant 1.000000e+00 : f32
    %broadcast_in_dim3A_6 = vector.broadcast %broadcast_in_dim3A_5 : f32 to vector<16xf32>
    %swap3A_7 = arith.constant 16 : index
    %swap3A_8 = tpu.vector_load %arg8[%swap3A_7] {strides = array<i32>} : memref<80xf32, #tpu.memory_space<vmem>>, vector<16xf32>,
    %swap3A_9 = vector.shape_cast %swap3A_8 : vector<16xf32> to vector<16xf32>
    %swap3A_10 = vector.shape_cast %broadcast_in_dim3A_6 : vector<16xf32> to vector<16xf32>
    tpu.vector_store %arg8[%swap3A_7], %swap3A_10 {strides = array<i32>} : memref<80xf32, #tpu.memory_space<vmem>>, vector<16xf32>,
    %broadcast_in_dim3A_11 = arith.constant 1.000000e+00 : f32
    %broadcast_in_dim3A_12 = vector.broadcast %broadcast_in_dim3A_11 : f32 to vector<16xf32>
    %swap3A_13 = arith.constant 32 : index
    %swap3A_14 = tpu.vector_load %arg8[%swap3A_13] {strides = array<i32>} : memref<80xf32, #tpu.memory_space<vmem>>, vector<16xf32>,
    %swap3A_15 = vector.shape_cast %swap3A_14 : vector<16xf32> to vector<16xf32>
    %swap3A_16 = vector.shape_cast %broadcast_in_dim3A_12 : vector<16xf32> to vector<16xf32>
    tpu.vector_store %arg8[%swap3A_13], %swap3A_16 {strides = array<i32>} : memref<80xf32, #tpu.memory_space<vmem>>, vector<16xf32>,
    %broadcast_in_dim3A_17 = arith.constant 1.000000e+00 : f32
    %broadcast_in_dim3A_18 = vector.broadcast %broadcast_in_dim3A_17 : f32 to vector<16xf32>
    %swap3A_19 = arith.constant 48 : index
    %swap3A_20 = tpu.vector_load %arg8[%swap3A_19] {strides = array<i32>} : memref<80xf32, #tpu.memory_space<vmem>>, vector<16xf32>,
    %swap3A_21 = vector.shape_cast %swap3A_20 : vector<16xf32> to vector<16xf32>
    %swap3A_22 = vector.shape_cast %broadcast_in_dim3A_18 : vector<16xf32> to vector<16xf32>
    tpu.vector_store %arg8[%swap3A_19], %swap3A_22 {strides = array<i32>} : memref<80xf32, #tpu.memory_space<vmem>>, vector<16xf32>,
    %broadcast_in_dim3A_23 = arith.constant 1.000000e+00 : f32
    %broadcast_in_dim3A_24 = vector.broadcast %broadcast_in_dim3A_23 : f32 to vector<16xf32>
    %swap3A_25 = arith.constant 64 : index
    %swap3A_26 = tpu.vector_load %arg8[%swap3A_25] {strides = array<i32>} : memref<80xf32, #tpu.memory_space<vmem>>, vector<16xf32>,
    %swap3A_27 = vector.shape_cast %swap3A_26 : vector<16xf32> to vector<16xf32>
    %swap3A_28 = vector.shape_cast %broadcast_in_dim3A_24 : vector<16xf32> to vector<16xf32>
    tpu.vector_store %arg8[%swap3A_25], %swap3A_28 {strides = array<i32>} : memref<80xf32, #tpu.memory_space<vmem>>, vector<16xf32>,
    %scan3A = arith.constant 0 : i32
    %scan3A_29 = arith.constant 0 : i32
    %scan3A_30 = arith.constant 40 : i32
    %scan3A_31 = arith.addi %scan3A_29, %scan3A_30 : i32
    %scan3A_32 = arith.constant 8 : i32
    %scan3A_33 = scf.for %scan3A_56 = %scan3A_29 to %scan3A_31 step %scan3A_32 iter_args(%scan3A_57 = %scan3A) -> (i32)  : i32 {
      %broadcast_in_dim3A_58 = arith.constant 0.000000e+00 : f32
      %broadcast_in_dim3A_59 = vector.broadcast %broadcast_in_dim3A_58 : f32 to vector<16xf32>
      %mul3A_60 = arith.constant 16 : i32
      %mul3A_61 = arith.muli %scan3A_56, %mul3A_60 : i32
      %swap3A_62 = arith.index_cast %mul3A_61 : i32 to index
      %swap3A_63 = tpu.vector_load %arg9[%swap3A_62] {strides = array<i32>} : memref<640xf32, #tpu.memory_space<vmem>>, vector<16xf32>,
      %swap3A_64 = vector.shape_cast %swap3A_63 : vector<16xf32> to vector<16xf32>
      %swap3A_65 = vector.shape_cast %broadcast_in_dim3A_59 : vector<16xf32> to vector<16xf32>
      tpu.vector_store %arg9[%swap3A_62], %swap3A_65 {strides = array<i32>} : memref<640xf32, #tpu.memory_space<vmem>>, vector<16xf32>,
      %scan3A_66 = arith.constant 0 : i32
      %scan3A_67 = arith.constant 1 : i32
      %scan3A_68 = arith.addi %scan3A_56, %scan3A_67 : i32
      %broadcast_in_dim3A_69 = arith.constant 0.000000e+00 : f32
      %broadcast_in_dim3A_70 = vector.broadcast %broadcast_in_dim3A_69 : f32 to vector<16xf32>
      %mul3A_71 = arith.constant 16 : i32
      %mul3A_72 = arith.muli %scan3A_68, %mul3A_71 : i32
      %swap3A_73 = arith.index_cast %mul3A_72 : i32 to index
      %swap3A_74 = tpu.vector_load %arg9[%swap3A_73] {strides = array<i32>} : memref<640xf32, #tpu.memory_space<vmem>>, vector<16xf32>,
      %swap3A_75 = vector.shape_cast %swap3A_74 : vector<16xf32> to vector<16xf32>
      %swap3A_76 = vector.shape_cast %broadcast_in_dim3A_70 : vector<16xf32> to vector<16xf32>
      tpu.vector_store %arg9[%swap3A_73], %swap3A_76 {strides = array<i32>} : memref<640xf32, #tpu.memory_space<vmem>>, vector<16xf32>,
      %scan3A_77 = arith.constant 0 : i32
      %scan3A_78 = arith.constant 2 : i32
      %scan3A_79 = arith.addi %scan3A_56, %scan3A_78 : i32
      %broadcast_in_dim3A_80 = arith.constant 0.000000e+00 : f32
      %broadcast_in_dim3A_81 = vector.broadcast %broadcast_in_dim3A_80 : f32 to vector<16xf32>
      %mul3A_82 = arith.constant 16 : i32
      %mul3A_83 = arith.muli %scan3A_79, %mul3A_82 : i32
      %swap3A_84 = arith.index_cast %mul3A_83 : i32 to index
      %swap3A_85 = tpu.vector_load %arg9[%swap3A_84] {strides = array<i32>} : memref<640xf32, #tpu.memory_space<vmem>>, vector<16xf32>,
      %swap3A_86 = vector.shape_cast %swap3A_85 : vector<16xf32> to vector<16xf32>
      %swap3A_87 = vector.shape_cast %broadcast_in_dim3A_81 : vector<16xf32> to vector<16xf32>
      tpu.vector_store %arg9[%swap3A_84], %swap3A_87 {strides = array<i32>} : memref<640xf32, #tpu.memory_space<vmem>>, vector<16xf32>,
      %scan3A_88 = arith.constant 0 : i32
      %scan3A_89 = arith.constant 3 : i32
      %scan3A_90 = arith.addi %scan3A_56, %scan3A_89 : i32
      %broadcast_in_dim3A_91 = arith.constant 0.000000e+00 : f32
      %broadcast_in_dim3A_92 = vector.broadcast %broadcast_in_dim3A_91 : f32 to vector<16xf32>
      %mul3A_93 = arith.constant 16 : i32
      %mul3A_94 = arith.muli %scan3A_90, %mul3A_93 : i32
      %swap3A_95 = arith.index_cast %mul3A_94 : i32 to index
      %swap3A_96 = tpu.vector_load %arg9[%swap3A_95] {strides = array<i32>} : memref<640xf32, #tpu.memory_space<vmem>>, vector<16xf32>,
      %swap3A_97 = vector.shape_cast %swap3A_96 : vector<16xf32> to vector<16xf32>
      %swap3A_98 = vector.shape_cast %broadcast_in_dim3A_92 : vector<16xf32> to vector<16xf32>
      tpu.vector_store %arg9[%swap3A_95], %swap3A_98 {strides = array<i32>} : memref<640xf32, #tpu.memory_space<vmem>>, vector<16xf32>,
      %scan3A_99 = arith.constant 0 : i32
      %scan3A_100 = arith.constant 4 : i32
      %scan3A_101 = arith.addi %scan3A_56, %scan3A_100 : i32
      %broadcast_in_dim3A_102 = arith.constant 0.000000e+00 : f32
      %broadcast_in_dim3A_103 = vector.broadcast %broadcast_in_dim3A_102 : f32 to vector<16xf32>
      %mul3A_104 = arith.constant 16 : i32
      %mul3A_105 = arith.muli %scan3A_101, %mul3A_104 : i32
      %swap3A_106 = arith.index_cast %mul3A_105 : i32 to index
      %swap3A_107 = tpu.vector_load %arg9[%swap3A_106] {strides = array<i32>} : memref<640xf32, #tpu.memory_space<vmem>>, vector<16xf32>,
      %swap3A_108 = vector.shape_cast %swap3A_107 : vector<16xf32> to vector<16xf32>
      %swap3A_109 = vector.shape_cast %broadcast_in_dim3A_103 : vector<16xf32> to vector<16xf32>
      tpu.vector_store %arg9[%swap3A_106], %swap3A_109 {strides = array<i32>} : memref<640xf32, #tpu.memory_space<vmem>>, vector<16xf32>,
      %scan3A_110 = arith.constant 0 : i32
      %scan3A_111 = arith.constant 5 : i32
      %scan3A_112 = arith.addi %scan3A_56, %scan3A_111 : i32
      %broadcast_in_dim3A_113 = arith.constant 0.000000e+00 : f32
      %broadcast_in_dim3A_114 = vector.broadcast %broadcast_in_dim3A_113 : f32 to vector<16xf32>
      %mul3A_115 = arith.constant 16 : i32
      %mul3A_116 = arith.muli %scan3A_112, %mul3A_115 : i32
      %swap3A_117 = arith.index_cast %mul3A_116 : i32 to index
      %swap3A_118 = tpu.vector_load %arg9[%swap3A_117] {strides = array<i32>} : memref<640xf32, #tpu.memory_space<vmem>>, vector<16xf32>,
      %swap3A_119 = vector.shape_cast %swap3A_118 : vector<16xf32> to vector<16xf32>
      %swap3A_120 = vector.shape_cast %broadcast_in_dim3A_114 : vector<16xf32> to vector<16xf32>
      tpu.vector_store %arg9[%swap3A_117], %swap3A_120 {strides = array<i32>} : memref<640xf32, #tpu.memory_space<vmem>>, vector<16xf32>,
      %scan3A_121 = arith.constant 0 : i32
      %scan3A_122 = arith.constant 6 : i32
      %scan3A_123 = arith.addi %scan3A_56, %scan3A_122 : i32
      %broadcast_in_dim3A_124 = arith.constant 0.000000e+00 : f32
      %broadcast_in_dim3A_125 = vector.broadcast %broadcast_in_dim3A_124 : f32 to vector<16xf32>
      %mul3A_126 = arith.constant 16 : i32
      %mul3A_127 = arith.muli %scan3A_123, %mul3A_126 : i32
      %swap3A_128 = arith.index_cast %mul3A_127 : i32 to index
      %swap3A_129 = tpu.vector_load %arg9[%swap3A_128] {strides = array<i32>} : memref<640xf32, #tpu.memory_space<vmem>>, vector<16xf32>,
      %swap3A_130 = vector.shape_cast %swap3A_129 : vector<16xf32> to vector<16xf32>
      %swap3A_131 = vector.shape_cast %broadcast_in_dim3A_125 : vector<16xf32> to vector<16xf32>
      tpu.vector_store %arg9[%swap3A_128], %swap3A_131 {strides = array<i32>} : memref<640xf32, #tpu.memory_space<vmem>>, vector<16xf32>,
      %scan3A_132 = arith.constant 0 : i32
      %scan3A_133 = arith.constant 7 : i32
      %scan3A_134 = arith.addi %scan3A_56, %scan3A_133 : i32
      %broadcast_in_dim3A_135 = arith.constant 0.000000e+00 : f32
      %broadcast_in_dim3A_136 = vector.broadcast %broadcast_in_dim3A_135 : f32 to vector<16xf32>
      %mul3A_137 = arith.constant 16 : i32
      %mul3A_138 = arith.muli %scan3A_134, %mul3A_137 : i32
      %swap3A_139 = arith.index_cast %mul3A_138 : i32 to index
      %swap3A_140 = tpu.vector_load %arg9[%swap3A_139] {strides = array<i32>} : memref<640xf32, #tpu.memory_space<vmem>>, vector<16xf32>,
      %swap3A_141 = vector.shape_cast %swap3A_140 : vector<16xf32> to vector<16xf32>
      %swap3A_142 = vector.shape_cast %broadcast_in_dim3A_136 : vector<16xf32> to vector<16xf32>
      tpu.vector_store %arg9[%swap3A_139], %swap3A_142 {strides = array<i32>} : memref<640xf32, #tpu.memory_space<vmem>>, vector<16xf32>,
      %scan3A_143 = arith.constant 0 : i32
      scf.yield %scan3A_143 : i32
    }
    %scan3A_34 = arith.constant 40 : i32
    %mul3A_35 = arith.constant 640 : i32
    %mul3A_36 = arith.muli %arg1, %mul3A_35 : i32
    "tpu.region"() ({
      %run_scoped3A = tpu.sem_alloc : memref<!tpu.dma_semaphore, #tpu.memory_space<semaphore_mem>>
      %dma_start3A = tpu.memref_slice %arg10[%mul3A_36] : memref<10240xf32, #tpu.memory_space<vmem_shared>> -> memref<640xf32, #tpu.memory_space<vmem_shared>>
      %dma_start3A_56 = tpu.memref_slice %arg10[%mul3A_36] : memref<10240xf32, #tpu.memory_space<vmem_shared>> -> memref<640xf32, #tpu.memory_space<vmem_shared>>
      tpu.enqueue_dma source(%arg9 : memref<640xf32, #tpu.memory_space<vmem>>) target(%dma_start3A_56 : memref<640xf32, #tpu.memory_space<vmem_shared>>) target_semaphore(%run_scoped3A : memref<!tpu.dma_semaphore, #tpu.memory_space<semaphore_mem>>)
      %dma_wait3A = tpu.memref_slice %arg10[%mul3A_36] : memref<10240xf32, #tpu.memory_space<vmem_shared>> -> memref<640xf32, #tpu.memory_space<vmem_shared>>
      %dma_wait3A_57 = tpu.memref_slice %arg10[%mul3A_36] : memref<10240xf32, #tpu.memory_space<vmem_shared>> -> memref<640xf32, #tpu.memory_space<vmem_shared>>
      tpu.wait_dma2 semaphore(%run_scoped3A : memref<!tpu.dma_semaphore, #tpu.memory_space<semaphore_mem>>) src(%arg9 : memref<640xf32, #tpu.memory_space<vmem>>) dst(%dma_wait3A_57 : memref<640xf32, #tpu.memory_space<vmem_shared>>)
      tpu.yield
    }) : () -> ()
    %scan3A_37 = arith.constant 0 : i32
    %scan3A_38 = arith.constant 0 : i32
    %scan3A_39 = arith.constant 125 : i32
    %scan3A_40 = arith.addi %scan3A_38, %scan3A_39 : i32
    %scan3A_41 = arith.constant 1 : i32
    %scan3A_42 = scf.for %scan3A_56 = %scan3A_38 to %scan3A_40 step %scan3A_41 iter_args(%scan3A_57 = %scan3A_37) -> (i32)  : i32 {
      %get3A = arith.index_cast %scan3A_56 : i32 to index
      %get3A_58 = arith.constant 0 : index
      %get3A_59 = tpu.vector_load %arg6[%get3A, %get3A_58] {strides = array<i32>} : memref<125x80xi32, #tpu.memory_space<vmem>>, vector<1x16xi32>,
      %get3A_60 = vector.shape_cast %get3A_59 : vector<1x16xi32> to vector<16xi32>
      %get3A_61 = arith.index_cast %scan3A_56 : i32 to index
      %get3A_62 = arith.constant 0 : index
      %get3A_63 = tpu.vector_load %arg7[%get3A_61, %get3A_62] {strides = array<i32>} : memref<125x80xi32, #tpu.memory_space<vmem>>, vector<1x16xi32>,
      %get3A_64 = vector.shape_cast %get3A_63 : vector<1x16xi32> to vector<16xi32>
      %eq3A = arith.cmpi eq, %get3A_60, %get3A_64 : vector<16xi32>
      %jit3A = arith.constant 10000 : i32
      %broadcast_in_dim3A_65 = vector.broadcast %jit3A : i32 to vector<16xi32>
      %select_n3A = arith.select %eq3A, %broadcast_in_dim3A_65, %get3A_64 : vector<16xi1>, vector<16xi32>
      %swap3A_66 = arith.index_cast %scan3A_56 : i32 to index
      %swap3A_67 = arith.constant 0 : index
      %swap3A_68 = tpu.vector_load %arg7[%swap3A_66, %swap3A_67] {strides = array<i32>} : memref<125x80xi32, #tpu.memory_space<vmem>>, vector<1x16xi32>,
      %swap3A_69 = vector.shape_cast %swap3A_68 : vector<1x16xi32> to vector<16xi32>
      %swap3A_70 = vector.shape_cast %select_n3A : vector<16xi32> to vector<1x16xi32>
      tpu.vector_store %arg7[%swap3A_66, %swap3A_67], %swap3A_70 {strides = array<i32>} : memref<125x80xi32, #tpu.memory_space<vmem>>, vector<1x16xi32>,
      %get3A_71 = arith.index_cast %scan3A_56 : i32 to index
      %get3A_72 = arith.constant 16 : index
      %get3A_73 = tpu.vector_load %arg6[%get3A_71, %get3A_72] {strides = array<i32>} : memref<125x80xi32, #tpu.memory_space<vmem>>, vector<1x16xi32>,
      %get3A_74 = vector.shape_cast %get3A_73 : vector<1x16xi32> to vector<16xi32>
      %get3A_75 = arith.index_cast %scan3A_56 : i32 to index
      %get3A_76 = arith.constant 16 : index
      %get3A_77 = tpu.vector_load %arg7[%get3A_75, %get3A_76] {strides = array<i32>} : memref<125x80xi32, #tpu.memory_space<vmem>>, vector<1x16xi32>,
      %get3A_78 = vector.shape_cast %get3A_77 : vector<1x16xi32> to vector<16xi32>
      %eq3A_79 = arith.cmpi eq, %get3A_74, %get3A_78 : vector<16xi32>
      %jit3A_80 = arith.constant 10000 : i32
      %broadcast_in_dim3A_81 = vector.broadcast %jit3A_80 : i32 to vector<16xi32>
      %select_n3A_82 = arith.select %eq3A_79, %broadcast_in_dim3A_81, %get3A_78 : vector<16xi1>, vector<16xi32>
      %swap3A_83 = arith.index_cast %scan3A_56 : i32 to index
      %swap3A_84 = arith.constant 16 : index
      %swap3A_85 = tpu.vector_load %arg7[%swap3A_83, %swap3A_84] {strides = array<i32>} : memref<125x80xi32, #tpu.memory_space<vmem>>, vector<1x16xi32>,
      %swap3A_86 = vector.shape_cast %swap3A_85 : vector<1x16xi32> to vector<16xi32>
      %swap3A_87 = vector.shape_cast %select_n3A_82 : vector<16xi32> to vector<1x16xi32>
      tpu.vector_store %arg7[%swap3A_83, %swap3A_84], %swap3A_87 {strides = array<i32>} : memref<125x80xi32, #tpu.memory_space<vmem>>, vector<1x16xi32>,
      %get3A_88 = arith.index_cast %scan3A_56 : i32 to index
      %get3A_89 = arith.constant 32 : index
      %get3A_90 = tpu.vector_load %arg6[%get3A_88, %get3A_89] {strides = array<i32>} : memref<125x80xi32, #tpu.memory_space<vmem>>, vector<1x16xi32>,
      %get3A_91 = vector.shape_cast %get3A_90 : vector<1x16xi32> to vector<16xi32>
      %get3A_92 = arith.index_cast %scan3A_56 : i32 to index
      %get3A_93 = arith.constant 32 : index
      %get3A_94 = tpu.vector_load %arg7[%get3A_92, %get3A_93] {strides = array<i32>} : memref<125x80xi32, #tpu.memory_space<vmem>>, vector<1x16xi32>,
      %get3A_95 = vector.shape_cast %get3A_94 : vector<1x16xi32> to vector<16xi32>
      %eq3A_96 = arith.cmpi eq, %get3A_91, %get3A_95 : vector<16xi32>
      %jit3A_97 = arith.constant 10000 : i32
      %broadcast_in_dim3A_98 = vector.broadcast %jit3A_97 : i32 to vector<16xi32>
      %select_n3A_99 = arith.select %eq3A_96, %broadcast_in_dim3A_98, %get3A_95 : vector<16xi1>, vector<16xi32>
      %swap3A_100 = arith.index_cast %scan3A_56 : i32 to index
      %swap3A_101 = arith.constant 32 : index
      %swap3A_102 = tpu.vector_load %arg7[%swap3A_100, %swap3A_101] {strides = array<i32>} : memref<125x80xi32, #tpu.memory_space<vmem>>, vector<1x16xi32>,
      %swap3A_103 = vector.shape_cast %swap3A_102 : vector<1x16xi32> to vector<16xi32>
      %swap3A_104 = vector.shape_cast %select_n3A_99 : vector<16xi32> to vector<1x16xi32>
      tpu.vector_store %arg7[%swap3A_100, %swap3A_101], %swap3A_104 {strides = array<i32>} : memref<125x80xi32, #tpu.memory_space<vmem>>, vector<1x16xi32>,
      %get3A_105 = arith.index_cast %scan3A_56 : i32 to index
      %get3A_106 = arith.constant 48 : index
      %get3A_107 = tpu.vector_load %arg6[%get3A_105, %get3A_106] {strides = array<i32>} : memref<125x80xi32, #tpu.memory_space<vmem>>, vector<1x16xi32>,
      %get3A_108 = vector.shape_cast %get3A_107 : vector<1x16xi32> to vector<16xi32>
      %get3A_109 = arith.index_cast %scan3A_56 : i32 to index
      %get3A_110 = arith.constant 48 : index
      %get3A_111 = tpu.vector_load %arg7[%get3A_109, %get3A_110] {strides = array<i32>} : memref<125x80xi32, #tpu.memory_space<vmem>>, vector<1x16xi32>,
      %get3A_112 = vector.shape_cast %get3A_111 : vector<1x16xi32> to vector<16xi32>
      %eq3A_113 = arith.cmpi eq, %get3A_108, %get3A_112 : vector<16xi32>
      %jit3A_114 = arith.constant 10000 : i32
      %broadcast_in_dim3A_115 = vector.broadcast %jit3A_114 : i32 to vector<16xi32>
      %select_n3A_116 = arith.select %eq3A_113, %broadcast_in_dim3A_115, %get3A_112 : vector<16xi1>, vector<16xi32>
      %swap3A_117 = arith.index_cast %scan3A_56 : i32 to index
      %swap3A_118 = arith.constant 48 : index
      %swap3A_119 = tpu.vector_load %arg7[%swap3A_117, %swap3A_118] {strides = array<i32>} : memref<125x80xi32, #tpu.memory_space<vmem>>, vector<1x16xi32>,
      %swap3A_120 = vector.shape_cast %swap3A_119 : vector<1x16xi32> to vector<16xi32>
      %swap3A_121 = vector.shape_cast %select_n3A_116 : vector<16xi32> to vector<1x16xi32>
      tpu.vector_store %arg7[%swap3A_117, %swap3A_118], %swap3A_121 {strides = array<i32>} : memref<125x80xi32, #tpu.memory_space<vmem>>, vector<1x16xi32>,
      %get3A_122 = arith.index_cast %scan3A_56 : i32 to index
      %get3A_123 = arith.constant 64 : index
      %get3A_124 = tpu.vector_load %arg6[%get3A_122, %get3A_123] {strides = array<i32>} : memref<125x80xi32, #tpu.memory_space<vmem>>, vector<1x16xi32>,
      %get3A_125 = vector.shape_cast %get3A_124 : vector<1x16xi32> to vector<16xi32>
      %get3A_126 = arith.index_cast %scan3A_56 : i32 to index
      %get3A_127 = arith.constant 64 : index
      %get3A_128 = tpu.vector_load %arg7[%get3A_126, %get3A_127] {strides = array<i32>} : memref<125x80xi32, #tpu.memory_space<vmem>>, vector<1x16xi32>,
      %get3A_129 = vector.shape_cast %get3A_128 : vector<1x16xi32> to vector<16xi32>
      %eq3A_130 = arith.cmpi eq, %get3A_125, %get3A_129 : vector<16xi32>
      %jit3A_131 = arith.constant 10000 : i32
      %broadcast_in_dim3A_132 = vector.broadcast %jit3A_131 : i32 to vector<16xi32>
      %select_n3A_133 = arith.select %eq3A_130, %broadcast_in_dim3A_132, %get3A_129 : vector<16xi1>, vector<16xi32>
      %swap3A_134 = arith.index_cast %scan3A_56 : i32 to index
      %swap3A_135 = arith.constant 64 : index
      %swap3A_136 = tpu.vector_load %arg7[%swap3A_134, %swap3A_135] {strides = array<i32>} : memref<125x80xi32, #tpu.memory_space<vmem>>, vector<1x16xi32>,
      %swap3A_137 = vector.shape_cast %swap3A_136 : vector<1x16xi32> to vector<16xi32>
      %swap3A_138 = vector.shape_cast %select_n3A_133 : vector<16xi32> to vector<1x16xi32>
      tpu.vector_store %arg7[%swap3A_134, %swap3A_135], %swap3A_138 {strides = array<i32>} : memref<125x80xi32, #tpu.memory_space<vmem>>, vector<1x16xi32>,
      %scan3A_139 = arith.constant 0 : i32
      scf.yield %scan3A_139 : i32
    }
    %scan3A_43 = arith.constant 125 : i32
    "tpu.region"() ({
      %run_scoped3A = tpu.sem_alloc : memref<!tpu.dma_semaphore, #tpu.memory_space<semaphore_mem>>
      %dma_start3A = arith.constant 0 : i32
      %dma_start3A_56 = arith.constant 0 : i32
      %dma_start3A_57 = tpu.memref_slice %arg4[%add3A, %dma_start3A, %dma_start3A_56] : memref<32x125x80xi32, #tpu.memory_space<hbm>> -> memref<1x125x80xi32, #tpu.memory_space<hbm>>
      %dma_start3A_58 = tpu.memref_squeeze %dma_start3A_57 : memref<1x125x80xi32, #tpu.memory_space<hbm>> -> memref<125x80xi32, #tpu.memory_space<hbm>>
      %dma_start3A_59 = arith.constant 0 : i32
      %dma_start3A_60 = arith.constant 0 : i32
      %dma_start3A_61 = tpu.memref_slice %arg4[%add3A, %dma_start3A_59, %dma_start3A_60] : memref<32x125x80xi32, #tpu.memory_space<hbm>> -> memref<1x125x80xi32, #tpu.memory_space<hbm>>
      %dma_start3A_62 = tpu.memref_squeeze %dma_start3A_61 : memref<1x125x80xi32, #tpu.memory_space<hbm>> -> memref<125x80xi32, #tpu.memory_space<hbm>>
      tpu.enqueue_dma source(%arg7 : memref<125x80xi32, #tpu.memory_space<vmem>>) target(%dma_start3A_62 : memref<125x80xi32, #tpu.memory_space<hbm>>) target_semaphore(%run_scoped3A : memref<!tpu.dma_semaphore, #tpu.memory_space<semaphore_mem>>)
      %dma_wait3A = arith.constant 0 : i32
      %dma_wait3A_63 = arith.constant 0 : i32
      %dma_wait3A_64 = tpu.memref_slice %arg4[%add3A, %dma_wait3A, %dma_wait3A_63] : memref<32x125x80xi32, #tpu.memory_space<hbm>> -> memref<1x125x80xi32, #tpu.memory_space<hbm>>
      %dma_wait3A_65 = tpu.memref_squeeze %dma_wait3A_64 : memref<1x125x80xi32, #tpu.memory_space<hbm>> -> memref<125x80xi32, #tpu.memory_space<hbm>>
      %dma_wait3A_66 = arith.constant 0 : i32
      %dma_wait3A_67 = arith.constant 0 : i32
      %dma_wait3A_68 = tpu.memref_slice %arg4[%add3A, %dma_wait3A_66, %dma_wait3A_67] : memref<32x125x80xi32, #tpu.memory_space<hbm>> -> memref<1x125x80xi32, #tpu.memory_space<hbm>>
      %dma_wait3A_69 = tpu.memref_squeeze %dma_wait3A_68 : memref<1x125x80xi32, #tpu.memory_space<hbm>> -> memref<125x80xi32, #tpu.memory_space<hbm>>
      tpu.wait_dma2 semaphore(%run_scoped3A : memref<!tpu.dma_semaphore, #tpu.memory_space<semaphore_mem>>) src(%arg7 : memref<125x80xi32, #tpu.memory_space<vmem>>) dst(%dma_wait3A_69 : memref<125x80xi32, #tpu.memory_space<hbm>>)
      tpu.yield
    }) : () -> ()
    %barrier3A = arith.constant 0 : index
    tpu.barrier barrier_id(%barrier3A)
    %scan3A_44 = arith.constant 0 : i32
    %scan3A_45 = arith.constant 0 : i32
    %scan3A_46 = arith.constant 125 : i32
    %scan3A_47 = arith.addi %scan3A_45, %scan3A_46 : i32
    %scan3A_48 = arith.constant 1 : i32
    %scan3A_49 = scf.for %scan3A_56 = %scan3A_45 to %scan3A_47 step %scan3A_48 iter_args(%scan3A_57 = %scan3A_44) -> (i32)  : i32 {
      "tpu.region"() ({
        %run_scoped3A = tpu.sem_alloc : memref<!tpu.dma_semaphore, #tpu.memory_space<semaphore_mem>>
        %dma_start3A = arith.constant 0 : i32
        %dma_start3A_59 = tpu.memref_slice %arg7[%scan3A_56, %dma_start3A] : memref<125x80xi32, #tpu.memory_space<vmem>> -> memref<1x80xi32, #tpu.memory_space<vmem>>
        %dma_start3A_60 = tpu.memref_squeeze %dma_start3A_59 : memref<1x80xi32, #tpu.memory_space<vmem>> -> memref<80xi32, #tpu.memory_space<vmem>>
        %dma_start3A_61 = arith.constant 0 : i32
        %dma_start3A_62 = tpu.memref_slice %arg10[%dma_start3A_61] : memref<10240xf32, #tpu.memory_space<vmem_shared>> -> memref<10240xf32, #tpu.memory_space<vmem_shared>>
        tpu.enqueue_indirect_dma source(%arg8 : memref<80xf32, #tpu.memory_space<vmem>>) target(%dma_start3A_62 : memref<10240xf32, #tpu.memory_space<vmem_shared>>) offsets(%dma_start3A_60 : memref<80xi32, #tpu.memory_space<vmem>>) semaphore(%run_scoped3A : memref<!tpu.dma_semaphore, #tpu.memory_space<semaphore_mem>>) {add = true}
        %dma_wait3A = arith.constant 0 : i32
        %dma_wait3A_63 = tpu.memref_slice %arg7[%scan3A_56, %dma_wait3A] : memref<125x80xi32, #tpu.memory_space<vmem>> -> memref<1x80xi32, #tpu.memory_space<vmem>>
        %dma_wait3A_64 = tpu.memref_squeeze %dma_wait3A_63 : memref<1x80xi32, #tpu.memory_space<vmem>> -> memref<80xi32, #tpu.memory_space<vmem>>
        %dma_wait3A_65 = arith.constant 0 : i32
        %dma_wait3A_66 = tpu.memref_slice %arg10[%dma_wait3A_65] : memref<10240xf32, #tpu.memory_space<vmem_shared>> -> memref<10240xf32, #tpu.memory_space<vmem_shared>>
        tpu.wait_indirect_dma semaphore(%run_scoped3A : memref<!tpu.dma_semaphore, #tpu.memory_space<semaphore_mem>>) src(%arg8 : memref<80xf32, #tpu.memory_space<vmem>>) dst(%dma_wait3A_66 : memref<10240xf32, #tpu.memory_space<vmem_shared>>)
        tpu.yield
      }) : () -> ()
      %scan3A_58 = arith.constant 0 : i32
      scf.yield %scan3A_58 : i32
    }
    %scan3A_50 = arith.constant 125 : i32
    %barrier3A_51 = arith.constant 0 : index
    tpu.barrier barrier_id(%barrier3A_51)
    %mul3A_52 = arith.constant 640 : i32
    %mul3A_53 = arith.muli %arg1, %mul3A_52 : i32
    %mul3A_54 = arith.constant 640 : i32
    %mul3A_55 = arith.muli %arg1, %mul3A_54 : i32
    "tpu.region"() ({
      %run_scoped3A = tpu.sem_alloc : memref<!tpu.dma_semaphore, #tpu.memory_space<semaphore_mem>>
      %dma_start3A = tpu.memref_slice %arg5[%arg0, %mul3A_55] : memref<2x10240xf32, #tpu.memory_space<hbm>> -> memref<1x640xf32, #tpu.memory_space<hbm>>
      %dma_start3A_56 = tpu.memref_squeeze %dma_start3A : memref<1x640xf32, #tpu.memory_space<hbm>> -> memref<640xf32, #tpu.memory_space<hbm>>
      %dma_start3A_57 = tpu.memref_slice %arg10[%mul3A_53] : memref<10240xf32, #tpu.memory_space<vmem_shared>> -> memref<640xf32, #tpu.memory_space<vmem_shared>>
      tpu.enqueue_dma source(%dma_start3A_57 : memref<640xf32, #tpu.memory_space<vmem_shared>>) target(%dma_start3A_56 : memref<640xf32, #tpu.memory_space<hbm>>) target_semaphore(%run_scoped3A : memref<!tpu.dma_semaphore, #tpu.memory_space<semaphore_mem>>)
      %dma_wait3A = tpu.memref_slice %arg5[%arg0, %mul3A_55] : memref<2x10240xf32, #tpu.memory_space<hbm>> -> memref<1x640xf32, #tpu.memory_space<hbm>>
      %dma_wait3A_58 = tpu.memref_squeeze %dma_wait3A : memref<1x640xf32, #tpu.memory_space<hbm>> -> memref<640xf32, #tpu.memory_space<hbm>>
      %dma_wait3A_59 = tpu.memref_slice %arg10[%mul3A_53] : memref<10240xf32, #tpu.memory_space<vmem_shared>> -> memref<640xf32, #tpu.memory_space<vmem_shared>>
      tpu.wait_dma2 semaphore(%run_scoped3A : memref<!tpu.dma_semaphore, #tpu.memory_space<semaphore_mem>>) src(%dma_wait3A_59 : memref<640xf32, #tpu.memory_space<vmem_shared>>) dst(%dma_wait3A_58 : memref<640xf32, #tpu.memory_space<hbm>>)
      tpu.yield
    }) : () -> ()
    return
  }
}

#map = affine_map<(d0, d1) -> (0, 0)>
#map1 = affine_map<(d0, d1) -> (0, 0, 0, 0)>
#map2 = affine_map<(d0, d1) -> (0, 0, 0)>
module attributes {stable_mosaic.version = 14 : i64} {
  func.func @_sc_agg(%arg0: i32, %arg1: i32, %arg2: memref<10000x128xf32, #tpu.memory_space<hbm>>, %arg3: memref<32x5x25x80xi32, #tpu.memory_space<hbm>>, %arg4: memref<32x5x25x80xi32, #tpu.memory_space<hbm>>, %arg5: memref<2x10240x128xf32, #tpu.memory_space<hbm>>, %arg6: memref<25x80xi32, #tpu.memory_space<vmem>>, %arg7: memref<25x80xi32, #tpu.memory_space<vmem>>, %arg8: memref<80x128xf32, #tpu.memory_space<vmem>>, %arg9: memref<80x128xf32, #tpu.memory_space<vmem>>, %arg10: memref<80x128xf32, #tpu.memory_space<vmem>>, %arg11: memref<80x128xf32, #tpu.memory_space<vmem>>, %arg12: memref<!tpu.dma_semaphore, #tpu.memory_space<semaphore_mem>>, %arg13: memref<!tpu.dma_semaphore, #tpu.memory_space<semaphore_mem>>, %arg14: memref<!tpu.dma_semaphore, #tpu.memory_space<semaphore_mem>>, %arg15: memref<!tpu.dma_semaphore, #tpu.memory_space<semaphore_mem>>, %arg16: memref<!tpu.dma_semaphore, #tpu.memory_space<semaphore_mem>>, %arg17: memref<!tpu.dma_semaphore, #tpu.memory_space<semaphore_mem>>, %arg18: memref<!tpu.dma_semaphore, #tpu.memory_space<semaphore_mem>>, %arg19: memref<!tpu.dma_semaphore, #tpu.memory_space<semaphore_mem>>, %arg20: memref<10240x128xf32, #tpu.memory_space<vmem_shared>>) attributes {dimension_semantics = [#tpu.dimension_semantics<core_parallel>, #tpu.dimension_semantics<subcore_parallel>], iteration_bounds = array<i64: 2, 16>, scalar_prefetch = 0 : i64, scratch_operands = 15 : i64, tpu.core_type = #tpu.core_type<sc_vector_subcore>, window_params = [{transform_indices = #map}, {transform_indices = #map1}, {transform_indices = #map1}, {transform_indices = #map2}]} {
    %mul3A = arith.constant 16 : i32
    %mul3A_0 = arith.muli %arg0, %mul3A : i32
    %add3A = arith.addi %mul3A_0, %arg1 : i32
    %run_scoped3A = arith.constant 0 : i32
    "tpu.region"() ({
      %run_scoped3A_79 = tpu.sem_alloc : memref<!tpu.dma_semaphore, #tpu.memory_space<semaphore_mem>>
      %dma_start3A_80 = arith.constant 0 : i32
      %dma_start3A_81 = arith.constant 0 : i32
      %dma_start3A_82 = tpu.memref_slice %arg3[%add3A, %run_scoped3A, %dma_start3A_80, %dma_start3A_81] : memref<32x5x25x80xi32, #tpu.memory_space<hbm>> -> memref<1x1x25x80xi32, #tpu.memory_space<hbm>>
      %dma_start3A_83 = tpu.memref_squeeze %dma_start3A_82 : memref<1x1x25x80xi32, #tpu.memory_space<hbm>> -> memref<25x80xi32, #tpu.memory_space<hbm>>
      %dma_start3A_84 = arith.constant 0 : i32
      %dma_start3A_85 = arith.constant 0 : i32
      %dma_start3A_86 = tpu.memref_slice %arg3[%add3A, %run_scoped3A, %dma_start3A_84, %dma_start3A_85] : memref<32x5x25x80xi32, #tpu.memory_space<hbm>> -> memref<1x1x25x80xi32, #tpu.memory_space<hbm>>
      %dma_start3A_87 = tpu.memref_squeeze %dma_start3A_86 : memref<1x1x25x80xi32, #tpu.memory_space<hbm>> -> memref<25x80xi32, #tpu.memory_space<hbm>>
      tpu.enqueue_dma source(%dma_start3A_87 : memref<25x80xi32, #tpu.memory_space<hbm>>) target(%arg6 : memref<25x80xi32, #tpu.memory_space<vmem>>) target_semaphore(%run_scoped3A_79 : memref<!tpu.dma_semaphore, #tpu.memory_space<semaphore_mem>>)
      %dma_wait3A = arith.constant 0 : i32
      %dma_wait3A_88 = arith.constant 0 : i32
      %dma_wait3A_89 = tpu.memref_slice %arg3[%add3A, %run_scoped3A, %dma_wait3A, %dma_wait3A_88] : memref<32x5x25x80xi32, #tpu.memory_space<hbm>> -> memref<1x1x25x80xi32, #tpu.memory_space<hbm>>
      %dma_wait3A_90 = tpu.memref_squeeze %dma_wait3A_89 : memref<1x1x25x80xi32, #tpu.memory_space<hbm>> -> memref<25x80xi32, #tpu.memory_space<hbm>>
      %dma_wait3A_91 = arith.constant 0 : i32
      %dma_wait3A_92 = arith.constant 0 : i32
      %dma_wait3A_93 = tpu.memref_slice %arg3[%add3A, %run_scoped3A, %dma_wait3A_91, %dma_wait3A_92] : memref<32x5x25x80xi32, #tpu.memory_space<hbm>> -> memref<1x1x25x80xi32, #tpu.memory_space<hbm>>
      %dma_wait3A_94 = tpu.memref_squeeze %dma_wait3A_93 : memref<1x1x25x80xi32, #tpu.memory_space<hbm>> -> memref<25x80xi32, #tpu.memory_space<hbm>>
      tpu.wait_dma2 semaphore(%run_scoped3A_79 : memref<!tpu.dma_semaphore, #tpu.memory_space<semaphore_mem>>) src(%dma_wait3A_94 : memref<25x80xi32, #tpu.memory_space<hbm>>) dst(%arg6 : memref<25x80xi32, #tpu.memory_space<vmem>>)
      tpu.yield
    }) : () -> ()
    %run_scoped3A_1 = arith.constant 0 : i32
    "tpu.region"() ({
      %run_scoped3A_79 = tpu.sem_alloc : memref<!tpu.dma_semaphore, #tpu.memory_space<semaphore_mem>>
      %dma_start3A_80 = arith.constant 0 : i32
      %dma_start3A_81 = arith.constant 0 : i32
      %dma_start3A_82 = tpu.memref_slice %arg4[%add3A, %run_scoped3A_1, %dma_start3A_80, %dma_start3A_81] : memref<32x5x25x80xi32, #tpu.memory_space<hbm>> -> memref<1x1x25x80xi32, #tpu.memory_space<hbm>>
      %dma_start3A_83 = tpu.memref_squeeze %dma_start3A_82 : memref<1x1x25x80xi32, #tpu.memory_space<hbm>> -> memref<25x80xi32, #tpu.memory_space<hbm>>
      %dma_start3A_84 = arith.constant 0 : i32
      %dma_start3A_85 = arith.constant 0 : i32
      %dma_start3A_86 = tpu.memref_slice %arg4[%add3A, %run_scoped3A_1, %dma_start3A_84, %dma_start3A_85] : memref<32x5x25x80xi32, #tpu.memory_space<hbm>> -> memref<1x1x25x80xi32, #tpu.memory_space<hbm>>
      %dma_start3A_87 = tpu.memref_squeeze %dma_start3A_86 : memref<1x1x25x80xi32, #tpu.memory_space<hbm>> -> memref<25x80xi32, #tpu.memory_space<hbm>>
      tpu.enqueue_dma source(%dma_start3A_87 : memref<25x80xi32, #tpu.memory_space<hbm>>) target(%arg7 : memref<25x80xi32, #tpu.memory_space<vmem>>) target_semaphore(%run_scoped3A_79 : memref<!tpu.dma_semaphore, #tpu.memory_space<semaphore_mem>>)
      %dma_wait3A = arith.constant 0 : i32
      %dma_wait3A_88 = arith.constant 0 : i32
      %dma_wait3A_89 = tpu.memref_slice %arg4[%add3A, %run_scoped3A_1, %dma_wait3A, %dma_wait3A_88] : memref<32x5x25x80xi32, #tpu.memory_space<hbm>> -> memref<1x1x25x80xi32, #tpu.memory_space<hbm>>
      %dma_wait3A_90 = tpu.memref_squeeze %dma_wait3A_89 : memref<1x1x25x80xi32, #tpu.memory_space<hbm>> -> memref<25x80xi32, #tpu.memory_space<hbm>>
      %dma_wait3A_91 = arith.constant 0 : i32
      %dma_wait3A_92 = arith.constant 0 : i32
      %dma_wait3A_93 = tpu.memref_slice %arg4[%add3A, %run_scoped3A_1, %dma_wait3A_91, %dma_wait3A_92] : memref<32x5x25x80xi32, #tpu.memory_space<hbm>> -> memref<1x1x25x80xi32, #tpu.memory_space<hbm>>
      %dma_wait3A_94 = tpu.memref_squeeze %dma_wait3A_93 : memref<1x1x25x80xi32, #tpu.memory_space<hbm>> -> memref<25x80xi32, #tpu.memory_space<hbm>>
      tpu.wait_dma2 semaphore(%run_scoped3A_79 : memref<!tpu.dma_semaphore, #tpu.memory_space<semaphore_mem>>) src(%dma_wait3A_94 : memref<25x80xi32, #tpu.memory_space<hbm>>) dst(%arg7 : memref<25x80xi32, #tpu.memory_space<vmem>>)
      tpu.yield
    }) : () -> ()
    %dma_start3A = arith.constant 1 : i32
    %dma_start3A_2 = arith.constant 0 : i32
    %dma_start3A_3 = tpu.memref_slice %arg6[%dma_start3A, %dma_start3A_2] : memref<25x80xi32, #tpu.memory_space<vmem>> -> memref<1x80xi32, #tpu.memory_space<vmem>>
    %dma_start3A_4 = tpu.memref_squeeze %dma_start3A_3 : memref<1x80xi32, #tpu.memory_space<vmem>> -> memref<80xi32, #tpu.memory_space<vmem>>
    %dma_start3A_5 = arith.constant 0 : i32
    %dma_start3A_6 = arith.constant 0 : i32
    %dma_start3A_7 = tpu.memref_slice %arg2[%dma_start3A_5, %dma_start3A_6] : memref<10000x128xf32, #tpu.memory_space<hbm>> -> memref<10000x128xf32, #tpu.memory_space<hbm>>
    tpu.enqueue_indirect_dma source(%dma_start3A_7 : memref<10000x128xf32, #tpu.memory_space<hbm>>) target(%arg9 : memref<80x128xf32, #tpu.memory_space<vmem>>) offsets(%dma_start3A_4 : memref<80xi32, #tpu.memory_space<vmem>>) semaphore(%arg13 : memref<!tpu.dma_semaphore, #tpu.memory_space<semaphore_mem>>)
    %dma_start3A_8 = arith.constant 2 : i32
    %dma_start3A_9 = arith.constant 0 : i32
    %dma_start3A_10 = tpu.memref_slice %arg6[%dma_start3A_8, %dma_start3A_9] : memref<25x80xi32, #tpu.memory_space<vmem>> -> memref<1x80xi32, #tpu.memory_space<vmem>>
    %dma_start3A_11 = tpu.memref_squeeze %dma_start3A_10 : memref<1x80xi32, #tpu.memory_space<vmem>> -> memref<80xi32, #tpu.memory_space<vmem>>
    %dma_start3A_12 = arith.constant 0 : i32
    %dma_start3A_13 = arith.constant 0 : i32
    %dma_start3A_14 = tpu.memref_slice %arg2[%dma_start3A_12, %dma_start3A_13] : memref<10000x128xf32, #tpu.memory_space<hbm>> -> memref<10000x128xf32, #tpu.memory_space<hbm>>
    tpu.enqueue_indirect_dma source(%dma_start3A_14 : memref<10000x128xf32, #tpu.memory_space<hbm>>) target(%arg10 : memref<80x128xf32, #tpu.memory_space<vmem>>) offsets(%dma_start3A_11 : memref<80xi32, #tpu.memory_space<vmem>>) semaphore(%arg14 : memref<!tpu.dma_semaphore, #tpu.memory_space<semaphore_mem>>)
    %dma_start3A_15 = arith.constant 3 : i32
    %dma_start3A_16 = arith.constant 0 : i32
    %dma_start3A_17 = tpu.memref_slice %arg6[%dma_start3A_15, %dma_start3A_16] : memref<25x80xi32, #tpu.memory_space<vmem>> -> memref<1x80xi32, #tpu.memory_space<vmem>>
    %dma_start3A_18 = tpu.memref_squeeze %dma_start3A_17 : memref<1x80xi32, #tpu.memory_space<vmem>> -> memref<80xi32, #tpu.memory_space<vmem>>
    %dma_start3A_19 = arith.constant 0 : i32
    %dma_start3A_20 = arith.constant 0 : i32
    %dma_start3A_21 = tpu.memref_slice %arg2[%dma_start3A_19, %dma_start3A_20] : memref<10000x128xf32, #tpu.memory_space<hbm>> -> memref<10000x128xf32, #tpu.memory_space<hbm>>
    tpu.enqueue_indirect_dma source(%dma_start3A_21 : memref<10000x128xf32, #tpu.memory_space<hbm>>) target(%arg11 : memref<80x128xf32, #tpu.memory_space<vmem>>) offsets(%dma_start3A_18 : memref<80xi32, #tpu.memory_space<vmem>>) semaphore(%arg15 : memref<!tpu.dma_semaphore, #tpu.memory_space<semaphore_mem>>)
    %scan3A = arith.constant 0 : i32
    %scan3A_22 = arith.constant 0 : i32
    %scan3A_23 = arith.constant 80 : i32
    %scan3A_24 = arith.addi %scan3A_22, %scan3A_23 : i32
    %scan3A_25 = arith.constant 2 : i32
    %scan3A_26 = scf.for %scan3A_79 = %scan3A_22 to %scan3A_24 step %scan3A_25 iter_args(%scan3A_80 = %scan3A) -> (i32)  : i32 {
      %broadcast_in_dim3A = arith.constant 0.000000e+00 : f32
      %broadcast_in_dim3A_81 = vector.broadcast %broadcast_in_dim3A : f32 to vector<16xf32>
      %swap3A = arith.index_cast %scan3A_79 : i32 to index
      %swap3A_82 = arith.constant 0 : index
      %swap3A_83 = tpu.vector_load %arg8[%swap3A, %swap3A_82] {strides = array<i32>} : memref<80x128xf32, #tpu.memory_space<vmem>>, vector<1x16xf32>,
      %swap3A_84 = vector.shape_cast %swap3A_83 : vector<1x16xf32> to vector<16xf32>
      %swap3A_85 = vector.shape_cast %broadcast_in_dim3A_81 : vector<16xf32> to vector<1x16xf32>
      tpu.vector_store %arg8[%swap3A, %swap3A_82], %swap3A_85 {strides = array<i32>} : memref<80x128xf32, #tpu.memory_space<vmem>>, vector<1x16xf32>,
      %broadcast_in_dim3A_86 = arith.constant 0.000000e+00 : f32
      %broadcast_in_dim3A_87 = vector.broadcast %broadcast_in_dim3A_86 : f32 to vector<16xf32>
      %swap3A_88 = arith.index_cast %scan3A_79 : i32 to index
      %swap3A_89 = arith.constant 16 : index
      %swap3A_90 = tpu.vector_load %arg8[%swap3A_88, %swap3A_89] {strides = array<i32>} : memref<80x128xf32, #tpu.memory_space<vmem>>, vector<1x16xf32>,
      %swap3A_91 = vector.shape_cast %swap3A_90 : vector<1x16xf32> to vector<16xf32>
      %swap3A_92 = vector.shape_cast %broadcast_in_dim3A_87 : vector<16xf32> to vector<1x16xf32>
      tpu.vector_store %arg8[%swap3A_88, %swap3A_89], %swap3A_92 {strides = array<i32>} : memref<80x128xf32, #tpu.memory_space<vmem>>, vector<1x16xf32>,
      %broadcast_in_dim3A_93 = arith.constant 0.000000e+00 : f32
      %broadcast_in_dim3A_94 = vector.broadcast %broadcast_in_dim3A_93 : f32 to vector<16xf32>
      %swap3A_95 = arith.index_cast %scan3A_79 : i32 to index
      %swap3A_96 = arith.constant 32 : index
      %swap3A_97 = tpu.vector_load %arg8[%swap3A_95, %swap3A_96] {strides = array<i32>} : memref<80x128xf32, #tpu.memory_space<vmem>>, vector<1x16xf32>,
      %swap3A_98 = vector.shape_cast %swap3A_97 : vector<1x16xf32> to vector<16xf32>
      %swap3A_99 = vector.shape_cast %broadcast_in_dim3A_94 : vector<16xf32> to vector<1x16xf32>
      tpu.vector_store %arg8[%swap3A_95, %swap3A_96], %swap3A_99 {strides = array<i32>} : memref<80x128xf32, #tpu.memory_space<vmem>>, vector<1x16xf32>,
      %broadcast_in_dim3A_100 = arith.constant 0.000000e+00 : f32
      %broadcast_in_dim3A_101 = vector.broadcast %broadcast_in_dim3A_100 : f32 to vector<16xf32>
      %swap3A_102 = arith.index_cast %scan3A_79 : i32 to index
      %swap3A_103 = arith.constant 48 : index
      %swap3A_104 = tpu.vector_load %arg8[%swap3A_102, %swap3A_103] {strides = array<i32>} : memref<80x128xf32, #tpu.memory_space<vmem>>, vector<1x16xf32>,
      %swap3A_105 = vector.shape_cast %swap3A_104 : vector<1x16xf32> to vector<16xf32>
      %swap3A_106 = vector.shape_cast %broadcast_in_dim3A_101 : vector<16xf32> to vector<1x16xf32>
      tpu.vector_store %arg8[%swap3A_102, %swap3A_103], %swap3A_106 {strides = array<i32>} : memref<80x128xf32, #tpu.memory_space<vmem>>, vector<1x16xf32>,
      %broadcast_in_dim3A_107 = arith.constant 0.000000e+00 : f32
      %broadcast_in_dim3A_108 = vector.broadcast %broadcast_in_dim3A_107 : f32 to vector<16xf32>
      %swap3A_109 = arith.index_cast %scan3A_79 : i32 to index
      %swap3A_110 = arith.constant 64 : index
      %swap3A_111 = tpu.vector_load %arg8[%swap3A_109, %swap3A_110] {strides = array<i32>} : memref<80x128xf32, #tpu.memory_space<vmem>>, vector<1x16xf32>,
      %swap3A_112 = vector.shape_cast %swap3A_111 : vector<1x16xf32> to vector<16xf32>
      %swap3A_113 = vector.shape_cast %broadcast_in_dim3A_108 : vector<16xf32> to vector<1x16xf32>
      tpu.vector_store %arg8[%swap3A_109, %swap3A_110], %swap3A_113 {strides = array<i32>} : memref<80x128xf32, #tpu.memory_space<vmem>>, vector<1x16xf32>,
      %broadcast_in_dim3A_114 = arith.constant 0.000000e+00 : f32
      %broadcast_in_dim3A_115 = vector.broadcast %broadcast_in_dim3A_114 : f32 to vector<16xf32>
      %swap3A_116 = arith.index_cast %scan3A_79 : i32 to index
      %swap3A_117 = arith.constant 80 : index
      %swap3A_118 = tpu.vector_load %arg8[%swap3A_116, %swap3A_117] {strides = array<i32>} : memref<80x128xf32, #tpu.memory_space<vmem>>, vector<1x16xf32>,
      %swap3A_119 = vector.shape_cast %swap3A_118 : vector<1x16xf32> to vector<16xf32>
      %swap3A_120 = vector.shape_cast %broadcast_in_dim3A_115 : vector<16xf32> to vector<1x16xf32>
      tpu.vector_store %arg8[%swap3A_116, %swap3A_117], %swap3A_120 {strides = array<i32>} : memref<80x128xf32, #tpu.memory_space<vmem>>, vector<1x16xf32>,
      %broadcast_in_dim3A_121 = arith.constant 0.000000e+00 : f32
      %broadcast_in_dim3A_122 = vector.broadcast %broadcast_in_dim3A_121 : f32 to vector<16xf32>
      %swap3A_123 = arith.index_cast %scan3A_79 : i32 to index
      %swap3A_124 = arith.constant 96 : index
      %swap3A_125 = tpu.vector_load %arg8[%swap3A_123, %swap3A_124] {strides = array<i32>} : memref<80x128xf32, #tpu.memory_space<vmem>>, vector<1x16xf32>,
      %swap3A_126 = vector.shape_cast %swap3A_125 : vector<1x16xf32> to vector<16xf32>
      %swap3A_127 = vector.shape_cast %broadcast_in_dim3A_122 : vector<16xf32> to vector<1x16xf32>
      tpu.vector_store %arg8[%swap3A_123, %swap3A_124], %swap3A_127 {strides = array<i32>} : memref<80x128xf32, #tpu.memory_space<vmem>>, vector<1x16xf32>,
      %broadcast_in_dim3A_128 = arith.constant 0.000000e+00 : f32
      %broadcast_in_dim3A_129 = vector.broadcast %broadcast_in_dim3A_128 : f32 to vector<16xf32>
      %swap3A_130 = arith.index_cast %scan3A_79 : i32 to index
      %swap3A_131 = arith.constant 112 : index
      %swap3A_132 = tpu.vector_load %arg8[%swap3A_130, %swap3A_131] {strides = array<i32>} : memref<80x128xf32, #tpu.memory_space<vmem>>, vector<1x16xf32>,
      %swap3A_133 = vector.shape_cast %swap3A_132 : vector<1x16xf32> to vector<16xf32>
      %swap3A_134 = vector.shape_cast %broadcast_in_dim3A_129 : vector<16xf32> to vector<1x16xf32>
      tpu.vector_store %arg8[%swap3A_130, %swap3A_131], %swap3A_134 {strides = array<i32>} : memref<80x128xf32, #tpu.memory_space<vmem>>, vector<1x16xf32>,
      %scan3A_135 = arith.constant 0 : i32
      %scan3A_136 = arith.constant 1 : i32
      %scan3A_137 = arith.addi %scan3A_79, %scan3A_136 : i32
      %broadcast_in_dim3A_138 = arith.constant 0.000000e+00 : f32
      %broadcast_in_dim3A_139 = vector.broadcast %broadcast_in_dim3A_138 : f32 to vector<16xf32>
      %swap3A_140 = arith.index_cast %scan3A_137 : i32 to index
      %swap3A_141 = arith.constant 0 : index
      %swap3A_142 = tpu.vector_load %arg8[%swap3A_140, %swap3A_141] {strides = array<i32>} : memref<80x128xf32, #tpu.memory_space<vmem>>, vector<1x16xf32>,
      %swap3A_143 = vector.shape_cast %swap3A_142 : vector<1x16xf32> to vector<16xf32>
      %swap3A_144 = vector.shape_cast %broadcast_in_dim3A_139 : vector<16xf32> to vector<1x16xf32>
      tpu.vector_store %arg8[%swap3A_140, %swap3A_141], %swap3A_144 {strides = array<i32>} : memref<80x128xf32, #tpu.memory_space<vmem>>, vector<1x16xf32>,
      %broadcast_in_dim3A_145 = arith.constant 0.000000e+00 : f32
      %broadcast_in_dim3A_146 = vector.broadcast %broadcast_in_dim3A_145 : f32 to vector<16xf32>
      %swap3A_147 = arith.index_cast %scan3A_137 : i32 to index
      %swap3A_148 = arith.constant 16 : index
      %swap3A_149 = tpu.vector_load %arg8[%swap3A_147, %swap3A_148] {strides = array<i32>} : memref<80x128xf32, #tpu.memory_space<vmem>>, vector<1x16xf32>,
      %swap3A_150 = vector.shape_cast %swap3A_149 : vector<1x16xf32> to vector<16xf32>
      %swap3A_151 = vector.shape_cast %broadcast_in_dim3A_146 : vector<16xf32> to vector<1x16xf32>
      tpu.vector_store %arg8[%swap3A_147, %swap3A_148], %swap3A_151 {strides = array<i32>} : memref<80x128xf32, #tpu.memory_space<vmem>>, vector<1x16xf32>,
      %broadcast_in_dim3A_152 = arith.constant 0.000000e+00 : f32
      %broadcast_in_dim3A_153 = vector.broadcast %broadcast_in_dim3A_152 : f32 to vector<16xf32>
      %swap3A_154 = arith.index_cast %scan3A_137 : i32 to index
      %swap3A_155 = arith.constant 32 : index
      %swap3A_156 = tpu.vector_load %arg8[%swap3A_154, %swap3A_155] {strides = array<i32>} : memref<80x128xf32, #tpu.memory_space<vmem>>, vector<1x16xf32>,
      %swap3A_157 = vector.shape_cast %swap3A_156 : vector<1x16xf32> to vector<16xf32>
      %swap3A_158 = vector.shape_cast %broadcast_in_dim3A_153 : vector<16xf32> to vector<1x16xf32>
      tpu.vector_store %arg8[%swap3A_154, %swap3A_155], %swap3A_158 {strides = array<i32>} : memref<80x128xf32, #tpu.memory_space<vmem>>, vector<1x16xf32>,
      %broadcast_in_dim3A_159 = arith.constant 0.000000e+00 : f32
      %broadcast_in_dim3A_160 = vector.broadcast %broadcast_in_dim3A_159 : f32 to vector<16xf32>
      %swap3A_161 = arith.index_cast %scan3A_137 : i32 to index
      %swap3A_162 = arith.constant 48 : index
      %swap3A_163 = tpu.vector_load %arg8[%swap3A_161, %swap3A_162] {strides = array<i32>} : memref<80x128xf32, #tpu.memory_space<vmem>>, vector<1x16xf32>,
      %swap3A_164 = vector.shape_cast %swap3A_163 : vector<1x16xf32> to vector<16xf32>
      %swap3A_165 = vector.shape_cast %broadcast_in_dim3A_160 : vector<16xf32> to vector<1x16xf32>
      tpu.vector_store %arg8[%swap3A_161, %swap3A_162], %swap3A_165 {strides = array<i32>} : memref<80x128xf32, #tpu.memory_space<vmem>>, vector<1x16xf32>,
      %broadcast_in_dim3A_166 = arith.constant 0.000000e+00 : f32
      %broadcast_in_dim3A_167 = vector.broadcast %broadcast_in_dim3A_166 : f32 to vector<16xf32>
      %swap3A_168 = arith.index_cast %scan3A_137 : i32 to index
      %swap3A_169 = arith.constant 64 : index
      %swap3A_170 = tpu.vector_load %arg8[%swap3A_168, %swap3A_169] {strides = array<i32>} : memref<80x128xf32, #tpu.memory_space<vmem>>, vector<1x16xf32>,
      %swap3A_171 = vector.shape_cast %swap3A_170 : vector<1x16xf32> to vector<16xf32>
      %swap3A_172 = vector.shape_cast %broadcast_in_dim3A_167 : vector<16xf32> to vector<1x16xf32>
      tpu.vector_store %arg8[%swap3A_168, %swap3A_169], %swap3A_172 {strides = array<i32>} : memref<80x128xf32, #tpu.memory_space<vmem>>, vector<1x16xf32>,
      %broadcast_in_dim3A_173 = arith.constant 0.000000e+00 : f32
      %broadcast_in_dim3A_174 = vector.broadcast %broadcast_in_dim3A_173 : f32 to vector<16xf32>
      %swap3A_175 = arith.index_cast %scan3A_137 : i32 to index
      %swap3A_176 = arith.constant 80 : index
      %swap3A_177 = tpu.vector_load %arg8[%swap3A_175, %swap3A_176] {strides = array<i32>} : memref<80x128xf32, #tpu.memory_space<vmem>>, vector<1x16xf32>,
      %swap3A_178 = vector.shape_cast %swap3A_177 : vector<1x16xf32> to vector<16xf32>
      %swap3A_179 = vector.shape_cast %broadcast_in_dim3A_174 : vector<16xf32> to vector<1x16xf32>
      tpu.vector_store %arg8[%swap3A_175, %swap3A_176], %swap3A_179 {strides = array<i32>} : memref<80x128xf32, #tpu.memory_space<vmem>>, vector<1x16xf32>,
      %broadcast_in_dim3A_180 = arith.constant 0.000000e+00 : f32
      %broadcast_in_dim3A_181 = vector.broadcast %broadcast_in_dim3A_180 : f32 to vector<16xf32>
      %swap3A_182 = arith.index_cast %scan3A_137 : i32 to index
      %swap3A_183 = arith.constant 96 : index
      %swap3A_184 = tpu.vector_load %arg8[%swap3A_182, %swap3A_183] {strides = array<i32>} : memref<80x128xf32, #tpu.memory_space<vmem>>, vector<1x16xf32>,
      %swap3A_185 = vector.shape_cast %swap3A_184 : vector<1x16xf32> to vector<16xf32>
      %swap3A_186 = vector.shape_cast %broadcast_in_dim3A_181 : vector<16xf32> to vector<1x16xf32>
      tpu.vector_store %arg8[%swap3A_182, %swap3A_183], %swap3A_186 {strides = array<i32>} : memref<80x128xf32, #tpu.memory_space<vmem>>, vector<1x16xf32>,
      %broadcast_in_dim3A_187 = arith.constant 0.000000e+00 : f32
      %broadcast_in_dim3A_188 = vector.broadcast %broadcast_in_dim3A_187 : f32 to vector<16xf32>
      %swap3A_189 = arith.index_cast %scan3A_137 : i32 to index
      %swap3A_190 = arith.constant 112 : index
      %swap3A_191 = tpu.vector_load %arg8[%swap3A_189, %swap3A_190] {strides = array<i32>} : memref<80x128xf32, #tpu.memory_space<vmem>>, vector<1x16xf32>,
      %swap3A_192 = vector.shape_cast %swap3A_191 : vector<1x16xf32> to vector<16xf32>
      %swap3A_193 = vector.shape_cast %broadcast_in_dim3A_188 : vector<16xf32> to vector<1x16xf32>
      tpu.vector_store %arg8[%swap3A_189, %swap3A_190], %swap3A_193 {strides = array<i32>} : memref<80x128xf32, #tpu.memory_space<vmem>>, vector<1x16xf32>,
      %scan3A_194 = arith.constant 0 : i32
      scf.yield %scan3A_194 : i32
    }
    %scan3A_27 = arith.constant 80 : i32
    %mul3A_28 = arith.constant 640 : i32
    %mul3A_29 = arith.muli %arg1, %mul3A_28 : i32
    %add3A_30 = arith.constant 0 : i32
    %add3A_31 = arith.addi %mul3A_29, %add3A_30 : i32
    "tpu.region"() ({
      %run_scoped3A_79 = tpu.sem_alloc : memref<!tpu.dma_semaphore, #tpu.memory_space<semaphore_mem>>
      %dma_start3A_80 = arith.constant 0 : i32
      %dma_start3A_81 = tpu.memref_slice %arg20[%add3A_31, %dma_start3A_80] : memref<10240x128xf32, #tpu.memory_space<vmem_shared>> -> memref<80x128xf32, #tpu.memory_space<vmem_shared>>
      %dma_start3A_82 = arith.constant 0 : i32
      %dma_start3A_83 = tpu.memref_slice %arg20[%add3A_31, %dma_start3A_82] : memref<10240x128xf32, #tpu.memory_space<vmem_shared>> -> memref<80x128xf32, #tpu.memory_space<vmem_shared>>
      tpu.enqueue_dma source(%arg8 : memref<80x128xf32, #tpu.memory_space<vmem>>) target(%dma_start3A_83 : memref<80x128xf32, #tpu.memory_space<vmem_shared>>) target_semaphore(%run_scoped3A_79 : memref<!tpu.dma_semaphore, #tpu.memory_space<semaphore_mem>>)
      %dma_wait3A = arith.constant 0 : i32
      %dma_wait3A_84 = tpu.memref_slice %arg20[%add3A_31, %dma_wait3A] : memref<10240x128xf32, #tpu.memory_space<vmem_shared>> -> memref<80x128xf32, #tpu.memory_space<vmem_shared>>
      %dma_wait3A_85 = arith.constant 0 : i32
      %dma_wait3A_86 = tpu.memref_slice %arg20[%add3A_31, %dma_wait3A_85] : memref<10240x128xf32, #tpu.memory_space<vmem_shared>> -> memref<80x128xf32, #tpu.memory_space<vmem_shared>>
      tpu.wait_dma2 semaphore(%run_scoped3A_79 : memref<!tpu.dma_semaphore, #tpu.memory_space<semaphore_mem>>) src(%arg8 : memref<80x128xf32, #tpu.memory_space<vmem>>) dst(%dma_wait3A_86 : memref<80x128xf32, #tpu.memory_space<vmem_shared>>)
      tpu.yield
    }) : () -> ()
    %mul3A_32 = arith.constant 640 : i32
    %mul3A_33 = arith.muli %arg1, %mul3A_32 : i32
    %add3A_34 = arith.constant 80 : i32
    %add3A_35 = arith.addi %mul3A_33, %add3A_34 : i32
    "tpu.region"() ({
      %run_scoped3A_79 = tpu.sem_alloc : memref<!tpu.dma_semaphore, #tpu.memory_space<semaphore_mem>>
      %dma_start3A_80 = arith.constant 0 : i32
      %dma_start3A_81 = tpu.memref_slice %arg20[%add3A_35, %dma_start3A_80] : memref<10240x128xf32, #tpu.memory_space<vmem_shared>> -> memref<80x128xf32, #tpu.memory_space<vmem_shared>>
      %dma_start3A_82 = arith.constant 0 : i32
      %dma_start3A_83 = tpu.memref_slice %arg20[%add3A_35, %dma_start3A_82] : memref<10240x128xf32, #tpu.memory_space<vmem_shared>> -> memref<80x128xf32, #tpu.memory_space<vmem_shared>>
      tpu.enqueue_dma source(%arg8 : memref<80x128xf32, #tpu.memory_space<vmem>>) target(%dma_start3A_83 : memref<80x128xf32, #tpu.memory_space<vmem_shared>>) target_semaphore(%run_scoped3A_79 : memref<!tpu.dma_semaphore, #tpu.memory_space<semaphore_mem>>)
      %dma_wait3A = arith.constant 0 : i32
      %dma_wait3A_84 = tpu.memref_slice %arg20[%add3A_35, %dma_wait3A] : memref<10240x128xf32, #tpu.memory_space<vmem_shared>> -> memref<80x128xf32, #tpu.memory_space<vmem_shared>>
      %dma_wait3A_85 = arith.constant 0 : i32
      %dma_wait3A_86 = tpu.memref_slice %arg20[%add3A_35, %dma_wait3A_85] : memref<10240x128xf32, #tpu.memory_space<vmem_shared>> -> memref<80x128xf32, #tpu.memory_space<vmem_shared>>
      tpu.wait_dma2 semaphore(%run_scoped3A_79 : memref<!tpu.dma_semaphore, #tpu.memory_space<semaphore_mem>>) src(%arg8 : memref<80x128xf32, #tpu.memory_space<vmem>>) dst(%dma_wait3A_86 : memref<80x128xf32, #tpu.memory_space<vmem_shared>>)
      tpu.yield
    }) : () -> ()
    %mul3A_36 = arith.constant 640 : i32
    %mul3A_37 = arith.muli %arg1, %mul3A_36 : i32
    %add3A_38 = arith.constant 160 : i32
    %add3A_39 = arith.addi %mul3A_37, %add3A_38 : i32
    "tpu.region"() ({
      %run_scoped3A_79 = tpu.sem_alloc : memref<!tpu.dma_semaphore, #tpu.memory_space<semaphore_mem>>
      %dma_start3A_80 = arith.constant 0 : i32
      %dma_start3A_81 = tpu.memref_slice %arg20[%add3A_39, %dma_start3A_80] : memref<10240x128xf32, #tpu.memory_space<vmem_shared>> -> memref<80x128xf32, #tpu.memory_space<vmem_shared>>
      %dma_start3A_82 = arith.constant 0 : i32
      %dma_start3A_83 = tpu.memref_slice %arg20[%add3A_39, %dma_start3A_82] : memref<10240x128xf32, #tpu.memory_space<vmem_shared>> -> memref<80x128xf32, #tpu.memory_space<vmem_shared>>
      tpu.enqueue_dma source(%arg8 : memref<80x128xf32, #tpu.memory_space<vmem>>) target(%dma_start3A_83 : memref<80x128xf32, #tpu.memory_space<vmem_shared>>) target_semaphore(%run_scoped3A_79 : memref<!tpu.dma_semaphore, #tpu.memory_space<semaphore_mem>>)
      %dma_wait3A = arith.constant 0 : i32
      %dma_wait3A_84 = tpu.memref_slice %arg20[%add3A_39, %dma_wait3A] : memref<10240x128xf32, #tpu.memory_space<vmem_shared>> -> memref<80x128xf32, #tpu.memory_space<vmem_shared>>
      %dma_wait3A_85 = arith.constant 0 : i32
      %dma_wait3A_86 = tpu.memref_slice %arg20[%add3A_39, %dma_wait3A_85] : memref<10240x128xf32, #tpu.memory_space<vmem_shared>> -> memref<80x128xf32, #tpu.memory_space<vmem_shared>>
      tpu.wait_dma2 semaphore(%run_scoped3A_79 : memref<!tpu.dma_semaphore, #tpu.memory_space<semaphore_mem>>) src(%arg8 : memref<80x128xf32, #tpu.memory_space<vmem>>) dst(%dma_wait3A_86 : memref<80x128xf32, #tpu.memory_space<vmem_shared>>)
      tpu.yield
    }) : () -> ()
    %mul3A_40 = arith.constant 640 : i32
    %mul3A_41 = arith.muli %arg1, %mul3A_40 : i32
    %add3A_42 = arith.constant 240 : i32
    %add3A_43 = arith.addi %mul3A_41, %add3A_42 : i32
    "tpu.region"() ({
      %run_scoped3A_79 = tpu.sem_alloc : memref<!tpu.dma_semaphore, #tpu.memory_space<semaphore_mem>>
      %dma_start3A_80 = arith.constant 0 : i32
      %dma_start3A_81 = tpu.memref_slice %arg20[%add3A_43, %dma_start3A_80] : memref<10240x128xf32, #tpu.memory_space<vmem_shared>> -> memref<80x128xf32, #tpu.memory_space<vmem_shared>>
      %dma_start3A_82 = arith.constant 0 : i32
      %dma_start3A_83 = tpu.memref_slice %arg20[%add3A_43, %dma_start3A_82] : memref<10240x128xf32, #tpu.memory_space<vmem_shared>> -> memref<80x128xf32, #tpu.memory_space<vmem_shared>>
      tpu.enqueue_dma source(%arg8 : memref<80x128xf32, #tpu.memory_space<vmem>>) target(%dma_start3A_83 : memref<80x128xf32, #tpu.memory_space<vmem_shared>>) target_semaphore(%run_scoped3A_79 : memref<!tpu.dma_semaphore, #tpu.memory_space<semaphore_mem>>)
      %dma_wait3A = arith.constant 0 : i32
      %dma_wait3A_84 = tpu.memref_slice %arg20[%add3A_43, %dma_wait3A] : memref<10240x128xf32, #tpu.memory_space<vmem_shared>> -> memref<80x128xf32, #tpu.memory_space<vmem_shared>>
      %dma_wait3A_85 = arith.constant 0 : i32
      %dma_wait3A_86 = tpu.memref_slice %arg20[%add3A_43, %dma_wait3A_85] : memref<10240x128xf32, #tpu.memory_space<vmem_shared>> -> memref<80x128xf32, #tpu.memory_space<vmem_shared>>
      tpu.wait_dma2 semaphore(%run_scoped3A_79 : memref<!tpu.dma_semaphore, #tpu.memory_space<semaphore_mem>>) src(%arg8 : memref<80x128xf32, #tpu.memory_space<vmem>>) dst(%dma_wait3A_86 : memref<80x128xf32, #tpu.memory_space<vmem_shared>>)
      tpu.yield
    }) : () -> ()
    %mul3A_44 = arith.constant 640 : i32
    %mul3A_45 = arith.muli %arg1, %mul3A_44 : i32
    %add3A_46 = arith.constant 320 : i32
    %add3A_47 = arith.addi %mul3A_45, %add3A_46 : i32
    "tpu.region"() ({
      %run_scoped3A_79 = tpu.sem_alloc : memref<!tpu.dma_semaphore, #tpu.memory_space<semaphore_mem>>
      %dma_start3A_80 = arith.constant 0 : i32
      %dma_start3A_81 = tpu.memref_slice %arg20[%add3A_47, %dma_start3A_80] : memref<10240x128xf32, #tpu.memory_space<vmem_shared>> -> memref<80x128xf32, #tpu.memory_space<vmem_shared>>
      %dma_start3A_82 = arith.constant 0 : i32
      %dma_start3A_83 = tpu.memref_slice %arg20[%add3A_47, %dma_start3A_82] : memref<10240x128xf32, #tpu.memory_space<vmem_shared>> -> memref<80x128xf32, #tpu.memory_space<vmem_shared>>
      tpu.enqueue_dma source(%arg8 : memref<80x128xf32, #tpu.memory_space<vmem>>) target(%dma_start3A_83 : memref<80x128xf32, #tpu.memory_space<vmem_shared>>) target_semaphore(%run_scoped3A_79 : memref<!tpu.dma_semaphore, #tpu.memory_space<semaphore_mem>>)
      %dma_wait3A = arith.constant 0 : i32
      %dma_wait3A_84 = tpu.memref_slice %arg20[%add3A_47, %dma_wait3A] : memref<10240x128xf32, #tpu.memory_space<vmem_shared>> -> memref<80x128xf32, #tpu.memory_space<vmem_shared>>
      %dma_wait3A_85 = arith.constant 0 : i32
      %dma_wait3A_86 = tpu.memref_slice %arg20[%add3A_47, %dma_wait3A_85] : memref<10240x128xf32, #tpu.memory_space<vmem_shared>> -> memref<80x128xf32, #tpu.memory_space<vmem_shared>>
      tpu.wait_dma2 semaphore(%run_scoped3A_79 : memref<!tpu.dma_semaphore, #tpu.memory_space<semaphore_mem>>) src(%arg8 : memref<80x128xf32, #tpu.memory_space<vmem>>) dst(%dma_wait3A_86 : memref<80x128xf32, #tpu.memory_space<vmem_shared>>)
      tpu.yield
    }) : () -> ()
    %mul3A_48 = arith.constant 640 : i32
    %mul3A_49 = arith.muli %arg1, %mul3A_48 : i32
    %add3A_50 = arith.constant 400 : i32
    %add3A_51 = arith.addi %mul3A_49, %add3A_50 : i32
    "tpu.region"() ({
      %run_scoped3A_79 = tpu.sem_alloc : memref<!tpu.dma_semaphore, #tpu.memory_space<semaphore_mem>>
      %dma_start3A_80 = arith.constant 0 : i32
      %dma_start3A_81 = tpu.memref_slice %arg20[%add3A_51, %dma_start3A_80] : memref<10240x128xf32, #tpu.memory_space<vmem_shared>> -> memref<80x128xf32, #tpu.memory_space<vmem_shared>>
      %dma_start3A_82 = arith.constant 0 : i32
      %dma_start3A_83 = tpu.memref_slice %arg20[%add3A_51, %dma_start3A_82] : memref<10240x128xf32, #tpu.memory_space<vmem_shared>> -> memref<80x128xf32, #tpu.memory_space<vmem_shared>>
      tpu.enqueue_dma source(%arg8 : memref<80x128xf32, #tpu.memory_space<vmem>>) target(%dma_start3A_83 : memref<80x128xf32, #tpu.memory_space<vmem_shared>>) target_semaphore(%run_scoped3A_79 : memref<!tpu.dma_semaphore, #tpu.memory_space<semaphore_mem>>)
      %dma_wait3A = arith.constant 0 : i32
      %dma_wait3A_84 = tpu.memref_slice %arg20[%add3A_51, %dma_wait3A] : memref<10240x128xf32, #tpu.memory_space<vmem_shared>> -> memref<80x128xf32, #tpu.memory_space<vmem_shared>>
      %dma_wait3A_85 = arith.constant 0 : i32
      %dma_wait3A_86 = tpu.memref_slice %arg20[%add3A_51, %dma_wait3A_85] : memref<10240x128xf32, #tpu.memory_space<vmem_shared>> -> memref<80x128xf32, #tpu.memory_space<vmem_shared>>
      tpu.wait_dma2 semaphore(%run_scoped3A_79 : memref<!tpu.dma_semaphore, #tpu.memory_space<semaphore_mem>>) src(%arg8 : memref<80x128xf32, #tpu.memory_space<vmem>>) dst(%dma_wait3A_86 : memref<80x128xf32, #tpu.memory_space<vmem_shared>>)
      tpu.yield
    }) : () -> ()
    %mul3A_52 = arith.constant 640 : i32
    %mul3A_53 = arith.muli %arg1, %mul3A_52 : i32
    %add3A_54 = arith.constant 480 : i32
    %add3A_55 = arith.addi %mul3A_53, %add3A_54 : i32
    "tpu.region"() ({
      %run_scoped3A_79 = tpu.sem_alloc : memref<!tpu.dma_semaphore, #tpu.memory_space<semaphore_mem>>
      %dma_start3A_80 = arith.constant 0 : i32
      %dma_start3A_81 = tpu.memref_slice %arg20[%add3A_55, %dma_start3A_80] : memref<10240x128xf32, #tpu.memory_space<vmem_shared>> -> memref<80x128xf32, #tpu.memory_space<vmem_shared>>
      %dma_start3A_82 = arith.constant 0 : i32
      %dma_start3A_83 = tpu.memref_slice %arg20[%add3A_55, %dma_start3A_82] : memref<10240x128xf32, #tpu.memory_space<vmem_shared>> -> memref<80x128xf32, #tpu.memory_space<vmem_shared>>
      tpu.enqueue_dma source(%arg8 : memref<80x128xf32, #tpu.memory_space<vmem>>) target(%dma_start3A_83 : memref<80x128xf32, #tpu.memory_space<vmem_shared>>) target_semaphore(%run_scoped3A_79 : memref<!tpu.dma_semaphore, #tpu.memory_space<semaphore_mem>>)
      %dma_wait3A = arith.constant 0 : i32
      %dma_wait3A_84 = tpu.memref_slice %arg20[%add3A_55, %dma_wait3A] : memref<10240x128xf32, #tpu.memory_space<vmem_shared>> -> memref<80x128xf32, #tpu.memory_space<vmem_shared>>
      %dma_wait3A_85 = arith.constant 0 : i32
      %dma_wait3A_86 = tpu.memref_slice %arg20[%add3A_55, %dma_wait3A_85] : memref<10240x128xf32, #tpu.memory_space<vmem_shared>> -> memref<80x128xf32, #tpu.memory_space<vmem_shared>>
      tpu.wait_dma2 semaphore(%run_scoped3A_79 : memref<!tpu.dma_semaphore, #tpu.memory_space<semaphore_mem>>) src(%arg8 : memref<80x128xf32, #tpu.memory_space<vmem>>) dst(%dma_wait3A_86 : memref<80x128xf32, #tpu.memory_space<vmem_shared>>)
      tpu.yield
    }) : () -> ()
    %mul3A_56 = arith.constant 640 : i32
    %mul3A_57 = arith.muli %arg1, %mul3A_56 : i32
    %add3A_58 = arith.constant 560 : i32
    %add3A_59 = arith.addi %mul3A_57, %add3A_58 : i32
    "tpu.region"() ({
      %run_scoped3A_79 = tpu.sem_alloc : memref<!tpu.dma_semaphore, #tpu.memory_space<semaphore_mem>>
      %dma_start3A_80 = arith.constant 0 : i32
      %dma_start3A_81 = tpu.memref_slice %arg20[%add3A_59, %dma_start3A_80] : memref<10240x128xf32, #tpu.memory_space<vmem_shared>> -> memref<80x128xf32, #tpu.memory_space<vmem_shared>>
      %dma_start3A_82 = arith.constant 0 : i32
      %dma_start3A_83 = tpu.memref_slice %arg20[%add3A_59, %dma_start3A_82] : memref<10240x128xf32, #tpu.memory_space<vmem_shared>> -> memref<80x128xf32, #tpu.memory_space<vmem_shared>>
      tpu.enqueue_dma source(%arg8 : memref<80x128xf32, #tpu.memory_space<vmem>>) target(%dma_start3A_83 : memref<80x128xf32, #tpu.memory_space<vmem_shared>>) target_semaphore(%run_scoped3A_79 : memref<!tpu.dma_semaphore, #tpu.memory_space<semaphore_mem>>)
      %dma_wait3A = arith.constant 0 : i32
      %dma_wait3A_84 = tpu.memref_slice %arg20[%add3A_59, %dma_wait3A] : memref<10240x128xf32, #tpu.memory_space<vmem_shared>> -> memref<80x128xf32, #tpu.memory_space<vmem_shared>>
      %dma_wait3A_85 = arith.constant 0 : i32
      %dma_wait3A_86 = tpu.memref_slice %arg20[%add3A_59, %dma_wait3A_85] : memref<10240x128xf32, #tpu.memory_space<vmem_shared>> -> memref<80x128xf32, #tpu.memory_space<vmem_shared>>
      tpu.wait_dma2 semaphore(%run_scoped3A_79 : memref<!tpu.dma_semaphore, #tpu.memory_space<semaphore_mem>>) src(%arg8 : memref<80x128xf32, #tpu.memory_space<vmem>>) dst(%dma_wait3A_86 : memref<80x128xf32, #tpu.memory_space<vmem_shared>>)
      tpu.yield
    }) : () -> ()
    %dma_start3A_60 = arith.constant 0 : i32
    %dma_start3A_61 = arith.constant 0 : i32
    %dma_start3A_62 = tpu.memref_slice %arg6[%dma_start3A_60, %dma_start3A_61] : memref<25x80xi32, #tpu.memory_space<vmem>> -> memref<1x80xi32, #tpu.memory_space<vmem>>
    %dma_start3A_63 = tpu.memref_squeeze %dma_start3A_62 : memref<1x80xi32, #tpu.memory_space<vmem>> -> memref<80xi32, #tpu.memory_space<vmem>>
    %dma_start3A_64 = arith.constant 0 : i32
    %dma_start3A_65 = arith.constant 0 : i32
    %dma_start3A_66 = tpu.memref_slice %arg2[%dma_start3A_64, %dma_start3A_65] : memref<10000x128xf32, #tpu.memory_space<hbm>> -> memref<10000x128xf32, #tpu.memory_space<hbm>>
    tpu.enqueue_indirect_dma source(%dma_start3A_66 : memref<10000x128xf32, #tpu.memory_space<hbm>>) target(%arg8 : memref<80x128xf32, #tpu.memory_space<vmem>>) offsets(%dma_start3A_63 : memref<80xi32, #tpu.memory_space<vmem>>) semaphore(%arg12 : memref<!tpu.dma_semaphore, #tpu.memory_space<semaphore_mem>>)
    %barrier3A = arith.constant 0 : index
    tpu.barrier barrier_id(%barrier3A)
    %scan3A_67 = arith.constant 0 : i32
    %scan3A_68 = arith.constant 0 : i32
    %scan3A_69 = arith.constant 5 : i32
    %scan3A_70 = arith.addi %scan3A_68, %scan3A_69 : i32
    %scan3A_71 = arith.constant 1 : i32
    %scan3A_72 = scf.for %scan3A_79 = %scan3A_68 to %scan3A_70 step %scan3A_71 iter_args(%scan3A_80 = %scan3A_67) -> (i32)  : i32 {
      %gt3A = arith.constant 0 : i32
      %gt3A_81 = arith.cmpi sgt, %scan3A_79, %gt3A : i32
      %convert_element_type3A = arith.extui %gt3A_81 : i1 to i32
      %cond3A = arith.constant 0 : i32
      %cond3A_82 = arith.cmpi ne, %convert_element_type3A, %cond3A : i32
      scf.if %cond3A_82 {
        "tpu.region"() ({
          %run_scoped3A_125 = tpu.sem_alloc : memref<!tpu.dma_semaphore, #tpu.memory_space<semaphore_mem>>
          %dma_start3A_126 = arith.constant 0 : i32
          %dma_start3A_127 = arith.constant 0 : i32
          %dma_start3A_128 = tpu.memref_slice %arg3[%add3A, %scan3A_79, %dma_start3A_126, %dma_start3A_127] : memref<32x5x25x80xi32, #tpu.memory_space<hbm>> -> memref<1x1x25x80xi32, #tpu.memory_space<hbm>>
          %dma_start3A_129 = tpu.memref_squeeze %dma_start3A_128 : memref<1x1x25x80xi32, #tpu.memory_space<hbm>> -> memref<25x80xi32, #tpu.memory_space<hbm>>
          %dma_start3A_130 = arith.constant 0 : i32
          %dma_start3A_131 = arith.constant 0 : i32
          %dma_start3A_132 = tpu.memref_slice %arg3[%add3A, %scan3A_79, %dma_start3A_130, %dma_start3A_131] : memref<32x5x25x80xi32, #tpu.memory_space<hbm>> -> memref<1x1x25x80xi32, #tpu.memory_space<hbm>>
          %dma_start3A_133 = tpu.memref_squeeze %dma_start3A_132 : memref<1x1x25x80xi32, #tpu.memory_space<hbm>> -> memref<25x80xi32, #tpu.memory_space<hbm>>
          tpu.enqueue_dma source(%dma_start3A_133 : memref<25x80xi32, #tpu.memory_space<hbm>>) target(%arg6 : memref<25x80xi32, #tpu.memory_space<vmem>>) target_semaphore(%run_scoped3A_125 : memref<!tpu.dma_semaphore, #tpu.memory_space<semaphore_mem>>)
          %dma_wait3A_134 = arith.constant 0 : i32
          %dma_wait3A_135 = arith.constant 0 : i32
          %dma_wait3A_136 = tpu.memref_slice %arg3[%add3A, %scan3A_79, %dma_wait3A_134, %dma_wait3A_135] : memref<32x5x25x80xi32, #tpu.memory_space<hbm>> -> memref<1x1x25x80xi32, #tpu.memory_space<hbm>>
          %dma_wait3A_137 = tpu.memref_squeeze %dma_wait3A_136 : memref<1x1x25x80xi32, #tpu.memory_space<hbm>> -> memref<25x80xi32, #tpu.memory_space<hbm>>
          %dma_wait3A_138 = arith.constant 0 : i32
          %dma_wait3A_139 = arith.constant 0 : i32
          %dma_wait3A_140 = tpu.memref_slice %arg3[%add3A, %scan3A_79, %dma_wait3A_138, %dma_wait3A_139] : memref<32x5x25x80xi32, #tpu.memory_space<hbm>> -> memref<1x1x25x80xi32, #tpu.memory_space<hbm>>
          %dma_wait3A_141 = tpu.memref_squeeze %dma_wait3A_140 : memref<1x1x25x80xi32, #tpu.memory_space<hbm>> -> memref<25x80xi32, #tpu.memory_space<hbm>>
          tpu.wait_dma2 semaphore(%run_scoped3A_125 : memref<!tpu.dma_semaphore, #tpu.memory_space<semaphore_mem>>) src(%dma_wait3A_141 : memref<25x80xi32, #tpu.memory_space<hbm>>) dst(%arg6 : memref<25x80xi32, #tpu.memory_space<vmem>>)
          tpu.yield
        }) : () -> ()
        "tpu.region"() ({
          %run_scoped3A_125 = tpu.sem_alloc : memref<!tpu.dma_semaphore, #tpu.memory_space<semaphore_mem>>
          %dma_start3A_126 = arith.constant 0 : i32
          %dma_start3A_127 = arith.constant 0 : i32
          %dma_start3A_128 = tpu.memref_slice %arg4[%add3A, %scan3A_79, %dma_start3A_126, %dma_start3A_127] : memref<32x5x25x80xi32, #tpu.memory_space<hbm>> -> memref<1x1x25x80xi32, #tpu.memory_space<hbm>>
          %dma_start3A_129 = tpu.memref_squeeze %dma_start3A_128 : memref<1x1x25x80xi32, #tpu.memory_space<hbm>> -> memref<25x80xi32, #tpu.memory_space<hbm>>
          %dma_start3A_130 = arith.constant 0 : i32
          %dma_start3A_131 = arith.constant 0 : i32
          %dma_start3A_132 = tpu.memref_slice %arg4[%add3A, %scan3A_79, %dma_start3A_130, %dma_start3A_131] : memref<32x5x25x80xi32, #tpu.memory_space<hbm>> -> memref<1x1x25x80xi32, #tpu.memory_space<hbm>>
          %dma_start3A_133 = tpu.memref_squeeze %dma_start3A_132 : memref<1x1x25x80xi32, #tpu.memory_space<hbm>> -> memref<25x80xi32, #tpu.memory_space<hbm>>
          tpu.enqueue_dma source(%dma_start3A_133 : memref<25x80xi32, #tpu.memory_space<hbm>>) target(%arg7 : memref<25x80xi32, #tpu.memory_space<vmem>>) target_semaphore(%run_scoped3A_125 : memref<!tpu.dma_semaphore, #tpu.memory_space<semaphore_mem>>)
          %dma_wait3A_134 = arith.constant 0 : i32
          %dma_wait3A_135 = arith.constant 0 : i32
          %dma_wait3A_136 = tpu.memref_slice %arg4[%add3A, %scan3A_79, %dma_wait3A_134, %dma_wait3A_135] : memref<32x5x25x80xi32, #tpu.memory_space<hbm>> -> memref<1x1x25x80xi32, #tpu.memory_space<hbm>>
          %dma_wait3A_137 = tpu.memref_squeeze %dma_wait3A_136 : memref<1x1x25x80xi32, #tpu.memory_space<hbm>> -> memref<25x80xi32, #tpu.memory_space<hbm>>
          %dma_wait3A_138 = arith.constant 0 : i32
          %dma_wait3A_139 = arith.constant 0 : i32
          %dma_wait3A_140 = tpu.memref_slice %arg4[%add3A, %scan3A_79, %dma_wait3A_138, %dma_wait3A_139] : memref<32x5x25x80xi32, #tpu.memory_space<hbm>> -> memref<1x1x25x80xi32, #tpu.memory_space<hbm>>
          %dma_wait3A_141 = tpu.memref_squeeze %dma_wait3A_140 : memref<1x1x25x80xi32, #tpu.memory_space<hbm>> -> memref<25x80xi32, #tpu.memory_space<hbm>>
          tpu.wait_dma2 semaphore(%run_scoped3A_125 : memref<!tpu.dma_semaphore, #tpu.memory_space<semaphore_mem>>) src(%dma_wait3A_141 : memref<25x80xi32, #tpu.memory_space<hbm>>) dst(%arg7 : memref<25x80xi32, #tpu.memory_space<vmem>>)
          tpu.yield
        }) : () -> ()
        %dma_start3A_97 = arith.constant 0 : i32
        %dma_start3A_98 = arith.constant 0 : i32
        %dma_start3A_99 = tpu.memref_slice %arg6[%dma_start3A_97, %dma_start3A_98] : memref<25x80xi32, #tpu.memory_space<vmem>> -> memref<1x80xi32, #tpu.memory_space<vmem>>
        %dma_start3A_100 = tpu.memref_squeeze %dma_start3A_99 : memref<1x80xi32, #tpu.memory_space<vmem>> -> memref<80xi32, #tpu.memory_space<vmem>>
        %dma_start3A_101 = arith.constant 0 : i32
        %dma_start3A_102 = arith.constant 0 : i32
        %dma_start3A_103 = tpu.memref_slice %arg2[%dma_start3A_101, %dma_start3A_102] : memref<10000x128xf32, #tpu.memory_space<hbm>> -> memref<10000x128xf32, #tpu.memory_space<hbm>>
        tpu.enqueue_indirect_dma source(%dma_start3A_103 : memref<10000x128xf32, #tpu.memory_space<hbm>>) target(%arg8 : memref<80x128xf32, #tpu.memory_space<vmem>>) offsets(%dma_start3A_100 : memref<80xi32, #tpu.memory_space<vmem>>) semaphore(%arg12 : memref<!tpu.dma_semaphore, #tpu.memory_space<semaphore_mem>>)
        %dma_start3A_104 = arith.constant 1 : i32
        %dma_start3A_105 = arith.constant 0 : i32
        %dma_start3A_106 = tpu.memref_slice %arg6[%dma_start3A_104, %dma_start3A_105] : memref<25x80xi32, #tpu.memory_space<vmem>> -> memref<1x80xi32, #tpu.memory_space<vmem>>
        %dma_start3A_107 = tpu.memref_squeeze %dma_start3A_106 : memref<1x80xi32, #tpu.memory_space<vmem>> -> memref<80xi32, #tpu.memory_space<vmem>>
        %dma_start3A_108 = arith.constant 0 : i32
        %dma_start3A_109 = arith.constant 0 : i32
        %dma_start3A_110 = tpu.memref_slice %arg2[%dma_start3A_108, %dma_start3A_109] : memref<10000x128xf32, #tpu.memory_space<hbm>> -> memref<10000x128xf32, #tpu.memory_space<hbm>>
        tpu.enqueue_indirect_dma source(%dma_start3A_110 : memref<10000x128xf32, #tpu.memory_space<hbm>>) target(%arg9 : memref<80x128xf32, #tpu.memory_space<vmem>>) offsets(%dma_start3A_107 : memref<80xi32, #tpu.memory_space<vmem>>) semaphore(%arg13 : memref<!tpu.dma_semaphore, #tpu.memory_space<semaphore_mem>>)
        %dma_start3A_111 = arith.constant 2 : i32
        %dma_start3A_112 = arith.constant 0 : i32
        %dma_start3A_113 = tpu.memref_slice %arg6[%dma_start3A_111, %dma_start3A_112] : memref<25x80xi32, #tpu.memory_space<vmem>> -> memref<1x80xi32, #tpu.memory_space<vmem>>
        %dma_start3A_114 = tpu.memref_squeeze %dma_start3A_113 : memref<1x80xi32, #tpu.memory_space<vmem>> -> memref<80xi32, #tpu.memory_space<vmem>>
        %dma_start3A_115 = arith.constant 0 : i32
        %dma_start3A_116 = arith.constant 0 : i32
        %dma_start3A_117 = tpu.memref_slice %arg2[%dma_start3A_115, %dma_start3A_116] : memref<10000x128xf32, #tpu.memory_space<hbm>> -> memref<10000x128xf32, #tpu.memory_space<hbm>>
        tpu.enqueue_indirect_dma source(%dma_start3A_117 : memref<10000x128xf32, #tpu.memory_space<hbm>>) target(%arg10 : memref<80x128xf32, #tpu.memory_space<vmem>>) offsets(%dma_start3A_114 : memref<80xi32, #tpu.memory_space<vmem>>) semaphore(%arg14 : memref<!tpu.dma_semaphore, #tpu.memory_space<semaphore_mem>>)
        %dma_start3A_118 = arith.constant 3 : i32
        %dma_start3A_119 = arith.constant 0 : i32
        %dma_start3A_120 = tpu.memref_slice %arg6[%dma_start3A_118, %dma_start3A_119] : memref<25x80xi32, #tpu.memory_space<vmem>> -> memref<1x80xi32, #tpu.memory_space<vmem>>
        %dma_start3A_121 = tpu.memref_squeeze %dma_start3A_120 : memref<1x80xi32, #tpu.memory_space<vmem>> -> memref<80xi32, #tpu.memory_space<vmem>>
        %dma_start3A_122 = arith.constant 0 : i32
        %dma_start3A_123 = arith.constant 0 : i32
        %dma_start3A_124 = tpu.memref_slice %arg2[%dma_start3A_122, %dma_start3A_123] : memref<10000x128xf32, #tpu.memory_space<hbm>> -> memref<10000x128xf32, #tpu.memory_space<hbm>>
        tpu.enqueue_indirect_dma source(%dma_start3A_124 : memref<10000x128xf32, #tpu.memory_space<hbm>>) target(%arg11 : memref<80x128xf32, #tpu.memory_space<vmem>>) offsets(%dma_start3A_121 : memref<80xi32, #tpu.memory_space<vmem>>) semaphore(%arg15 : memref<!tpu.dma_semaphore, #tpu.memory_space<semaphore_mem>>)
      } else {
      }
      %scan3A_83 = arith.constant 0 : i32
      %scan3A_84 = arith.constant 0 : i32
      %scan3A_85 = arith.constant 25 : i32
      %scan3A_86 = arith.addi %scan3A_84, %scan3A_85 : i32
      %scan3A_87 = arith.constant 1 : i32
      %scan3A_88 = scf.for %scan3A_97 = %scan3A_84 to %scan3A_86 step %scan3A_87 iter_args(%scan3A_98 = %scan3A_83) -> (i32)  : i32 {
        %ge3A = arith.constant 1 : i32
        %ge3A_99 = arith.cmpi sge, %scan3A_97, %ge3A : i32
        %convert_element_type3A_100 = arith.extui %ge3A_99 : i1 to i32
        %cond3A_101 = arith.constant 0 : i32
        %cond3A_102 = arith.cmpi ne, %convert_element_type3A_100, %cond3A_101 : i32
        scf.if %cond3A_102 {
          %sub3A = arith.constant 1 : i32
          %sub3A_181 = arith.subi %scan3A_97, %sub3A : i32
          %jit3A_182 = arith.constant 4 : i32
          %eq3A_183 = arith.constant 0 : i32
          %eq3A_184 = arith.cmpi eq, %jit3A_182, %eq3A_183 : i32
          %jit3A_185 = arith.constant 1 : i32
          %select_n3A_186 = arith.select %eq3A_184, %jit3A_185, %jit3A_182 : i32
          %rem3A_187 = arith.remsi %sub3A_181, %select_n3A_186 : i32
          %ne3A_188 = arith.constant 0 : i32
          %ne3A_189 = arith.cmpi ne, %rem3A_187, %ne3A_188 : i32
          %lt3A_190 = arith.constant 0 : i32
          %lt3A_191 = arith.cmpi slt, %rem3A_187, %lt3A_190 : i32
          %lt3A_192 = arith.constant 0 : i32
          %lt3A_193 = arith.cmpi slt, %select_n3A_186, %lt3A_192 : i32
          %ne3A_194 = arith.xori %lt3A_191, %lt3A_193 : i1
          %and3A_195 = arith.andi %ne3A_194, %ne3A_189 : i1
          %add3A_196 = arith.addi %rem3A_187, %select_n3A_186 : i32
          %select_n3A_197 = arith.select %and3A_195, %add3A_196, %rem3A_187 : i32
          %eq3A_198 = arith.constant 0 : i32
          %eq3A_199 = arith.cmpi eq, %select_n3A_197, %eq3A_198 : i32
          %convert_element_type3A_200 = arith.extui %eq3A_199 : i1 to i32
          %cond3A_201 = arith.constant 0 : i32
          %cond3A_202 = arith.cmpi ne, %convert_element_type3A_200, %cond3A_201 : i32
          scf.if %cond3A_202 {
            %sub3A_272 = arith.constant 1 : i32
            %sub3A_273 = arith.subi %scan3A_97, %sub3A_272 : i32
            %dma_wait3A_274 = arith.constant 0 : i32
            %dma_wait3A_275 = tpu.memref_slice %arg7[%sub3A_273, %dma_wait3A_274] : memref<25x80xi32, #tpu.memory_space<vmem>> -> memref<1x80xi32, #tpu.memory_space<vmem>>
            %dma_wait3A_276 = tpu.memref_squeeze %dma_wait3A_275 : memref<1x80xi32, #tpu.memory_space<vmem>> -> memref<80xi32, #tpu.memory_space<vmem>>
            %dma_wait3A_277 = arith.constant 0 : i32
            %dma_wait3A_278 = arith.constant 0 : i32
            %dma_wait3A_279 = tpu.memref_slice %arg20[%dma_wait3A_277, %dma_wait3A_278] : memref<10240x128xf32, #tpu.memory_space<vmem_shared>> -> memref<10240x128xf32, #tpu.memory_space<vmem_shared>>
            tpu.wait_indirect_dma semaphore(%arg16 : memref<!tpu.dma_semaphore, #tpu.memory_space<semaphore_mem>>) src(%arg8 : memref<80x128xf32, #tpu.memory_space<vmem>>) dst(%dma_wait3A_279 : memref<10240x128xf32, #tpu.memory_space<vmem_shared>>)
            %add3A_280 = arith.constant 4 : i32
            %add3A_281 = arith.addi %scan3A_97, %add3A_280 : i32
            %sub3A_282 = arith.constant 1 : i32
            %sub3A_283 = arith.subi %add3A_281, %sub3A_282 : i32
            %lt3A_284 = arith.constant 25 : i32
            %lt3A_285 = arith.cmpi slt, %sub3A_283, %lt3A_284 : i32
            %convert_element_type3A_286 = arith.extui %lt3A_285 : i1 to i32
            %cond3A_287 = arith.constant 0 : i32
            %cond3A_288 = arith.cmpi ne, %convert_element_type3A_286, %cond3A_287 : i32
            scf.if %cond3A_288 {
              %add3A_289 = arith.constant 4 : i32
              %add3A_290 = arith.addi %scan3A_97, %add3A_289 : i32
              %sub3A_291 = arith.constant 1 : i32
              %sub3A_292 = arith.subi %add3A_290, %sub3A_291 : i32
              %dma_start3A_293 = arith.constant 0 : i32
              %dma_start3A_294 = tpu.memref_slice %arg6[%sub3A_292, %dma_start3A_293] : memref<25x80xi32, #tpu.memory_space<vmem>> -> memref<1x80xi32, #tpu.memory_space<vmem>>
              %dma_start3A_295 = tpu.memref_squeeze %dma_start3A_294 : memref<1x80xi32, #tpu.memory_space<vmem>> -> memref<80xi32, #tpu.memory_space<vmem>>
              %dma_start3A_296 = arith.constant 0 : i32
              %dma_start3A_297 = arith.constant 0 : i32
              %dma_start3A_298 = tpu.memref_slice %arg2[%dma_start3A_296, %dma_start3A_297] : memref<10000x128xf32, #tpu.memory_space<hbm>> -> memref<10000x128xf32, #tpu.memory_space<hbm>>
              tpu.enqueue_indirect_dma source(%dma_start3A_298 : memref<10000x128xf32, #tpu.memory_space<hbm>>) target(%arg8 : memref<80x128xf32, #tpu.memory_space<vmem>>) offsets(%dma_start3A_295 : memref<80xi32, #tpu.memory_space<vmem>>) semaphore(%arg12 : memref<!tpu.dma_semaphore, #tpu.memory_space<semaphore_mem>>)
            } else {
            }
          } else {
          }
          %sub3A_203 = arith.constant 1 : i32
          %sub3A_204 = arith.subi %scan3A_97, %sub3A_203 : i32
          %jit3A_205 = arith.constant 4 : i32
          %eq3A_206 = arith.constant 0 : i32
          %eq3A_207 = arith.cmpi eq, %jit3A_205, %eq3A_206 : i32
          %jit3A_208 = arith.constant 1 : i32
          %select_n3A_209 = arith.select %eq3A_207, %jit3A_208, %jit3A_205 : i32
          %rem3A_210 = arith.remsi %sub3A_204, %select_n3A_209 : i32
          %ne3A_211 = arith.constant 0 : i32
          %ne3A_212 = arith.cmpi ne, %rem3A_210, %ne3A_211 : i32
          %lt3A_213 = arith.constant 0 : i32
          %lt3A_214 = arith.cmpi slt, %rem3A_210, %lt3A_213 : i32
          %lt3A_215 = arith.constant 0 : i32
          %lt3A_216 = arith.cmpi slt, %select_n3A_209, %lt3A_215 : i32
          %ne3A_217 = arith.xori %lt3A_214, %lt3A_216 : i1
          %and3A_218 = arith.andi %ne3A_217, %ne3A_212 : i1
          %add3A_219 = arith.addi %rem3A_210, %select_n3A_209 : i32
          %select_n3A_220 = arith.select %and3A_218, %add3A_219, %rem3A_210 : i32
          %eq3A_221 = arith.constant 1 : i32
          %eq3A_222 = arith.cmpi eq, %select_n3A_220, %eq3A_221 : i32
          %convert_element_type3A_223 = arith.extui %eq3A_222 : i1 to i32
          %cond3A_224 = arith.constant 0 : i32
          %cond3A_225 = arith.cmpi ne, %convert_element_type3A_223, %cond3A_224 : i32
          scf.if %cond3A_225 {
            %sub3A_272 = arith.constant 1 : i32
            %sub3A_273 = arith.subi %scan3A_97, %sub3A_272 : i32
            %dma_wait3A_274 = arith.constant 0 : i32
            %dma_wait3A_275 = tpu.memref_slice %arg7[%sub3A_273, %dma_wait3A_274] : memref<25x80xi32, #tpu.memory_space<vmem>> -> memref<1x80xi32, #tpu.memory_space<vmem>>
            %dma_wait3A_276 = tpu.memref_squeeze %dma_wait3A_275 : memref<1x80xi32, #tpu.memory_space<vmem>> -> memref<80xi32, #tpu.memory_space<vmem>>
            %dma_wait3A_277 = arith.constant 0 : i32
            %dma_wait3A_278 = arith.constant 0 : i32
            %dma_wait3A_279 = tpu.memref_slice %arg20[%dma_wait3A_277, %dma_wait3A_278] : memref<10240x128xf32, #tpu.memory_space<vmem_shared>> -> memref<10240x128xf32, #tpu.memory_space<vmem_shared>>
            tpu.wait_indirect_dma semaphore(%arg17 : memref<!tpu.dma_semaphore, #tpu.memory_space<semaphore_mem>>) src(%arg9 : memref<80x128xf32, #tpu.memory_space<vmem>>) dst(%dma_wait3A_279 : memref<10240x128xf32, #tpu.memory_space<vmem_shared>>)
            %add3A_280 = arith.constant 4 : i32
            %add3A_281 = arith.addi %scan3A_97, %add3A_280 : i32
            %sub3A_282 = arith.constant 1 : i32
            %sub3A_283 = arith.subi %add3A_281, %sub3A_282 : i32
            %lt3A_284 = arith.constant 25 : i32
            %lt3A_285 = arith.cmpi slt, %sub3A_283, %lt3A_284 : i32
            %convert_element_type3A_286 = arith.extui %lt3A_285 : i1 to i32
            %cond3A_287 = arith.constant 0 : i32
            %cond3A_288 = arith.cmpi ne, %convert_element_type3A_286, %cond3A_287 : i32
            scf.if %cond3A_288 {
              %add3A_289 = arith.constant 4 : i32
              %add3A_290 = arith.addi %scan3A_97, %add3A_289 : i32
              %sub3A_291 = arith.constant 1 : i32
              %sub3A_292 = arith.subi %add3A_290, %sub3A_291 : i32
              %dma_start3A_293 = arith.constant 0 : i32
              %dma_start3A_294 = tpu.memref_slice %arg6[%sub3A_292, %dma_start3A_293] : memref<25x80xi32, #tpu.memory_space<vmem>> -> memref<1x80xi32, #tpu.memory_space<vmem>>
              %dma_start3A_295 = tpu.memref_squeeze %dma_start3A_294 : memref<1x80xi32, #tpu.memory_space<vmem>> -> memref<80xi32, #tpu.memory_space<vmem>>
              %dma_start3A_296 = arith.constant 0 : i32
              %dma_start3A_297 = arith.constant 0 : i32
              %dma_start3A_298 = tpu.memref_slice %arg2[%dma_start3A_296, %dma_start3A_297] : memref<10000x128xf32, #tpu.memory_space<hbm>> -> memref<10000x128xf32, #tpu.memory_space<hbm>>
              tpu.enqueue_indirect_dma source(%dma_start3A_298 : memref<10000x128xf32, #tpu.memory_space<hbm>>) target(%arg9 : memref<80x128xf32, #tpu.memory_space<vmem>>) offsets(%dma_start3A_295 : memref<80xi32, #tpu.memory_space<vmem>>) semaphore(%arg13 : memref<!tpu.dma_semaphore, #tpu.memory_space<semaphore_mem>>)
            } else {
            }
          } else {
          }
          %sub3A_226 = arith.constant 1 : i32
          %sub3A_227 = arith.subi %scan3A_97, %sub3A_226 : i32
          %jit3A_228 = arith.constant 4 : i32
          %eq3A_229 = arith.constant 0 : i32
          %eq3A_230 = arith.cmpi eq, %jit3A_228, %eq3A_229 : i32
          %jit3A_231 = arith.constant 1 : i32
          %select_n3A_232 = arith.select %eq3A_230, %jit3A_231, %jit3A_228 : i32
          %rem3A_233 = arith.remsi %sub3A_227, %select_n3A_232 : i32
          %ne3A_234 = arith.constant 0 : i32
          %ne3A_235 = arith.cmpi ne, %rem3A_233, %ne3A_234 : i32
          %lt3A_236 = arith.constant 0 : i32
          %lt3A_237 = arith.cmpi slt, %rem3A_233, %lt3A_236 : i32
          %lt3A_238 = arith.constant 0 : i32
          %lt3A_239 = arith.cmpi slt, %select_n3A_232, %lt3A_238 : i32
          %ne3A_240 = arith.xori %lt3A_237, %lt3A_239 : i1
          %and3A_241 = arith.andi %ne3A_240, %ne3A_235 : i1
          %add3A_242 = arith.addi %rem3A_233, %select_n3A_232 : i32
          %select_n3A_243 = arith.select %and3A_241, %add3A_242, %rem3A_233 : i32
          %eq3A_244 = arith.constant 2 : i32
          %eq3A_245 = arith.cmpi eq, %select_n3A_243, %eq3A_244 : i32
          %convert_element_type3A_246 = arith.extui %eq3A_245 : i1 to i32
          %cond3A_247 = arith.constant 0 : i32
          %cond3A_248 = arith.cmpi ne, %convert_element_type3A_246, %cond3A_247 : i32
          scf.if %cond3A_248 {
            %sub3A_272 = arith.constant 1 : i32
            %sub3A_273 = arith.subi %scan3A_97, %sub3A_272 : i32
            %dma_wait3A_274 = arith.constant 0 : i32
            %dma_wait3A_275 = tpu.memref_slice %arg7[%sub3A_273, %dma_wait3A_274] : memref<25x80xi32, #tpu.memory_space<vmem>> -> memref<1x80xi32, #tpu.memory_space<vmem>>
            %dma_wait3A_276 = tpu.memref_squeeze %dma_wait3A_275 : memref<1x80xi32, #tpu.memory_space<vmem>> -> memref<80xi32, #tpu.memory_space<vmem>>
            %dma_wait3A_277 = arith.constant 0 : i32
            %dma_wait3A_278 = arith.constant 0 : i32
            %dma_wait3A_279 = tpu.memref_slice %arg20[%dma_wait3A_277, %dma_wait3A_278] : memref<10240x128xf32, #tpu.memory_space<vmem_shared>> -> memref<10240x128xf32, #tpu.memory_space<vmem_shared>>
            tpu.wait_indirect_dma semaphore(%arg18 : memref<!tpu.dma_semaphore, #tpu.memory_space<semaphore_mem>>) src(%arg10 : memref<80x128xf32, #tpu.memory_space<vmem>>) dst(%dma_wait3A_279 : memref<10240x128xf32, #tpu.memory_space<vmem_shared>>)
            %add3A_280 = arith.constant 4 : i32
            %add3A_281 = arith.addi %scan3A_97, %add3A_280 : i32
            %sub3A_282 = arith.constant 1 : i32
            %sub3A_283 = arith.subi %add3A_281, %sub3A_282 : i32
            %lt3A_284 = arith.constant 25 : i32
            %lt3A_285 = arith.cmpi slt, %sub3A_283, %lt3A_284 : i32
            %convert_element_type3A_286 = arith.extui %lt3A_285 : i1 to i32
            %cond3A_287 = arith.constant 0 : i32
            %cond3A_288 = arith.cmpi ne, %convert_element_type3A_286, %cond3A_287 : i32
            scf.if %cond3A_288 {
              %add3A_289 = arith.constant 4 : i32
              %add3A_290 = arith.addi %scan3A_97, %add3A_289 : i32
              %sub3A_291 = arith.constant 1 : i32
              %sub3A_292 = arith.subi %add3A_290, %sub3A_291 : i32
              %dma_start3A_293 = arith.constant 0 : i32
              %dma_start3A_294 = tpu.memref_slice %arg6[%sub3A_292, %dma_start3A_293] : memref<25x80xi32, #tpu.memory_space<vmem>> -> memref<1x80xi32, #tpu.memory_space<vmem>>
              %dma_start3A_295 = tpu.memref_squeeze %dma_start3A_294 : memref<1x80xi32, #tpu.memory_space<vmem>> -> memref<80xi32, #tpu.memory_space<vmem>>
              %dma_start3A_296 = arith.constant 0 : i32
              %dma_start3A_297 = arith.constant 0 : i32
              %dma_start3A_298 = tpu.memref_slice %arg2[%dma_start3A_296, %dma_start3A_297] : memref<10000x128xf32, #tpu.memory_space<hbm>> -> memref<10000x128xf32, #tpu.memory_space<hbm>>
              tpu.enqueue_indirect_dma source(%dma_start3A_298 : memref<10000x128xf32, #tpu.memory_space<hbm>>) target(%arg10 : memref<80x128xf32, #tpu.memory_space<vmem>>) offsets(%dma_start3A_295 : memref<80xi32, #tpu.memory_space<vmem>>) semaphore(%arg14 : memref<!tpu.dma_semaphore, #tpu.memory_space<semaphore_mem>>)
            } else {
            }
          } else {
          }
          %sub3A_249 = arith.constant 1 : i32
          %sub3A_250 = arith.subi %scan3A_97, %sub3A_249 : i32
          %jit3A_251 = arith.constant 4 : i32
          %eq3A_252 = arith.constant 0 : i32
          %eq3A_253 = arith.cmpi eq, %jit3A_251, %eq3A_252 : i32
          %jit3A_254 = arith.constant 1 : i32
          %select_n3A_255 = arith.select %eq3A_253, %jit3A_254, %jit3A_251 : i32
          %rem3A_256 = arith.remsi %sub3A_250, %select_n3A_255 : i32
          %ne3A_257 = arith.constant 0 : i32
          %ne3A_258 = arith.cmpi ne, %rem3A_256, %ne3A_257 : i32
          %lt3A_259 = arith.constant 0 : i32
          %lt3A_260 = arith.cmpi slt, %rem3A_256, %lt3A_259 : i32
          %lt3A_261 = arith.constant 0 : i32
          %lt3A_262 = arith.cmpi slt, %select_n3A_255, %lt3A_261 : i32
          %ne3A_263 = arith.xori %lt3A_260, %lt3A_262 : i1
          %and3A_264 = arith.andi %ne3A_263, %ne3A_258 : i1
          %add3A_265 = arith.addi %rem3A_256, %select_n3A_255 : i32
          %select_n3A_266 = arith.select %and3A_264, %add3A_265, %rem3A_256 : i32
          %eq3A_267 = arith.constant 3 : i32
          %eq3A_268 = arith.cmpi eq, %select_n3A_266, %eq3A_267 : i32
          %convert_element_type3A_269 = arith.extui %eq3A_268 : i1 to i32
          %cond3A_270 = arith.constant 0 : i32
          %cond3A_271 = arith.cmpi ne, %convert_element_type3A_269, %cond3A_270 : i32
          scf.if %cond3A_271 {
            %sub3A_272 = arith.constant 1 : i32
            %sub3A_273 = arith.subi %scan3A_97, %sub3A_272 : i32
            %dma_wait3A_274 = arith.constant 0 : i32
            %dma_wait3A_275 = tpu.memref_slice %arg7[%sub3A_273, %dma_wait3A_274] : memref<25x80xi32, #tpu.memory_space<vmem>> -> memref<1x80xi32, #tpu.memory_space<vmem>>
            %dma_wait3A_276 = tpu.memref_squeeze %dma_wait3A_275 : memref<1x80xi32, #tpu.memory_space<vmem>> -> memref<80xi32, #tpu.memory_space<vmem>>
            %dma_wait3A_277 = arith.constant 0 : i32
            %dma_wait3A_278 = arith.constant 0 : i32
            %dma_wait3A_279 = tpu.memref_slice %arg20[%dma_wait3A_277, %dma_wait3A_278] : memref<10240x128xf32, #tpu.memory_space<vmem_shared>> -> memref<10240x128xf32, #tpu.memory_space<vmem_shared>>
            tpu.wait_indirect_dma semaphore(%arg19 : memref<!tpu.dma_semaphore, #tpu.memory_space<semaphore_mem>>) src(%arg11 : memref<80x128xf32, #tpu.memory_space<vmem>>) dst(%dma_wait3A_279 : memref<10240x128xf32, #tpu.memory_space<vmem_shared>>)
            %add3A_280 = arith.constant 4 : i32
            %add3A_281 = arith.addi %scan3A_97, %add3A_280 : i32
            %sub3A_282 = arith.constant 1 : i32
            %sub3A_283 = arith.subi %add3A_281, %sub3A_282 : i32
            %lt3A_284 = arith.constant 25 : i32
            %lt3A_285 = arith.cmpi slt, %sub3A_283, %lt3A_284 : i32
            %convert_element_type3A_286 = arith.extui %lt3A_285 : i1 to i32
            %cond3A_287 = arith.constant 0 : i32
            %cond3A_288 = arith.cmpi ne, %convert_element_type3A_286, %cond3A_287 : i32
            scf.if %cond3A_288 {
              %add3A_289 = arith.constant 4 : i32
              %add3A_290 = arith.addi %scan3A_97, %add3A_289 : i32
              %sub3A_291 = arith.constant 1 : i32
              %sub3A_292 = arith.subi %add3A_290, %sub3A_291 : i32
              %dma_start3A_293 = arith.constant 0 : i32
              %dma_start3A_294 = tpu.memref_slice %arg6[%sub3A_292, %dma_start3A_293] : memref<25x80xi32, #tpu.memory_space<vmem>> -> memref<1x80xi32, #tpu.memory_space<vmem>>
              %dma_start3A_295 = tpu.memref_squeeze %dma_start3A_294 : memref<1x80xi32, #tpu.memory_space<vmem>> -> memref<80xi32, #tpu.memory_space<vmem>>
              %dma_start3A_296 = arith.constant 0 : i32
              %dma_start3A_297 = arith.constant 0 : i32
              %dma_start3A_298 = tpu.memref_slice %arg2[%dma_start3A_296, %dma_start3A_297] : memref<10000x128xf32, #tpu.memory_space<hbm>> -> memref<10000x128xf32, #tpu.memory_space<hbm>>
              tpu.enqueue_indirect_dma source(%dma_start3A_298 : memref<10000x128xf32, #tpu.memory_space<hbm>>) target(%arg11 : memref<80x128xf32, #tpu.memory_space<vmem>>) offsets(%dma_start3A_295 : memref<80xi32, #tpu.memory_space<vmem>>) semaphore(%arg15 : memref<!tpu.dma_semaphore, #tpu.memory_space<semaphore_mem>>)
            } else {
            }
          } else {
          }
        } else {
        }
        %jit3A = arith.constant 4 : i32
        %eq3A = arith.constant 0 : i32
        %eq3A_103 = arith.cmpi eq, %jit3A, %eq3A : i32
        %jit3A_104 = arith.constant 1 : i32
        %select_n3A = arith.select %eq3A_103, %jit3A_104, %jit3A : i32
        %rem3A = arith.remsi %scan3A_97, %select_n3A : i32
        %ne3A = arith.constant 0 : i32
        %ne3A_105 = arith.cmpi ne, %rem3A, %ne3A : i32
        %lt3A = arith.constant 0 : i32
        %lt3A_106 = arith.cmpi slt, %rem3A, %lt3A : i32
        %lt3A_107 = arith.constant 0 : i32
        %lt3A_108 = arith.cmpi slt, %select_n3A, %lt3A_107 : i32
        %ne3A_109 = arith.xori %lt3A_106, %lt3A_108 : i1
        %and3A = arith.andi %ne3A_109, %ne3A_105 : i1
        %add3A_110 = arith.addi %rem3A, %select_n3A : i32
        %select_n3A_111 = arith.select %and3A, %add3A_110, %rem3A : i32
        %eq3A_112 = arith.constant 0 : i32
        %eq3A_113 = arith.cmpi eq, %select_n3A_111, %eq3A_112 : i32
        %convert_element_type3A_114 = arith.extui %eq3A_113 : i1 to i32
        %cond3A_115 = arith.constant 0 : i32
        %cond3A_116 = arith.cmpi ne, %convert_element_type3A_114, %cond3A_115 : i32
        scf.if %cond3A_116 {
          %dma_wait3A_181 = arith.constant 0 : i32
          %dma_wait3A_182 = tpu.memref_slice %arg6[%scan3A_97, %dma_wait3A_181] : memref<25x80xi32, #tpu.memory_space<vmem>> -> memref<1x80xi32, #tpu.memory_space<vmem>>
          %dma_wait3A_183 = tpu.memref_squeeze %dma_wait3A_182 : memref<1x80xi32, #tpu.memory_space<vmem>> -> memref<80xi32, #tpu.memory_space<vmem>>
          %dma_wait3A_184 = arith.constant 0 : i32
          %dma_wait3A_185 = arith.constant 0 : i32
          %dma_wait3A_186 = tpu.memref_slice %arg2[%dma_wait3A_184, %dma_wait3A_185] : memref<10000x128xf32, #tpu.memory_space<hbm>> -> memref<10000x128xf32, #tpu.memory_space<hbm>>
          tpu.wait_indirect_dma semaphore(%arg12 : memref<!tpu.dma_semaphore, #tpu.memory_space<semaphore_mem>>) src(%dma_wait3A_186 : memref<10000x128xf32, #tpu.memory_space<hbm>>) dst(%arg8 : memref<80x128xf32, #tpu.memory_space<vmem>>)
          %dma_start3A_187 = arith.constant 0 : i32
          %dma_start3A_188 = tpu.memref_slice %arg7[%scan3A_97, %dma_start3A_187] : memref<25x80xi32, #tpu.memory_space<vmem>> -> memref<1x80xi32, #tpu.memory_space<vmem>>
          %dma_start3A_189 = tpu.memref_squeeze %dma_start3A_188 : memref<1x80xi32, #tpu.memory_space<vmem>> -> memref<80xi32, #tpu.memory_space<vmem>>
          %dma_start3A_190 = arith.constant 0 : i32
          %dma_start3A_191 = arith.constant 0 : i32
          %dma_start3A_192 = tpu.memref_slice %arg20[%dma_start3A_190, %dma_start3A_191] : memref<10240x128xf32, #tpu.memory_space<vmem_shared>> -> memref<10240x128xf32, #tpu.memory_space<vmem_shared>>
          tpu.enqueue_indirect_dma source(%arg8 : memref<80x128xf32, #tpu.memory_space<vmem>>) target(%dma_start3A_192 : memref<10240x128xf32, #tpu.memory_space<vmem_shared>>) offsets(%dma_start3A_189 : memref<80xi32, #tpu.memory_space<vmem>>) semaphore(%arg16 : memref<!tpu.dma_semaphore, #tpu.memory_space<semaphore_mem>>) {add = true}
        } else {
        }
        %jit3A_117 = arith.constant 4 : i32
        %eq3A_118 = arith.constant 0 : i32
        %eq3A_119 = arith.cmpi eq, %jit3A_117, %eq3A_118 : i32
        %jit3A_120 = arith.constant 1 : i32
        %select_n3A_121 = arith.select %eq3A_119, %jit3A_120, %jit3A_117 : i32
        %rem3A_122 = arith.remsi %scan3A_97, %select_n3A_121 : i32
        %ne3A_123 = arith.constant 0 : i32
        %ne3A_124 = arith.cmpi ne, %rem3A_122, %ne3A_123 : i32
        %lt3A_125 = arith.constant 0 : i32
        %lt3A_126 = arith.cmpi slt, %rem3A_122, %lt3A_125 : i32
        %lt3A_127 = arith.constant 0 : i32
        %lt3A_128 = arith.cmpi slt, %select_n3A_121, %lt3A_127 : i32
        %ne3A_129 = arith.xori %lt3A_126, %lt3A_128 : i1
        %and3A_130 = arith.andi %ne3A_129, %ne3A_124 : i1
        %add3A_131 = arith.addi %rem3A_122, %select_n3A_121 : i32
        %select_n3A_132 = arith.select %and3A_130, %add3A_131, %rem3A_122 : i32
        %eq3A_133 = arith.constant 1 : i32
        %eq3A_134 = arith.cmpi eq, %select_n3A_132, %eq3A_133 : i32
        %convert_element_type3A_135 = arith.extui %eq3A_134 : i1 to i32
        %cond3A_136 = arith.constant 0 : i32
        %cond3A_137 = arith.cmpi ne, %convert_element_type3A_135, %cond3A_136 : i32
        scf.if %cond3A_137 {
          %dma_wait3A_181 = arith.constant 0 : i32
          %dma_wait3A_182 = tpu.memref_slice %arg6[%scan3A_97, %dma_wait3A_181] : memref<25x80xi32, #tpu.memory_space<vmem>> -> memref<1x80xi32, #tpu.memory_space<vmem>>
          %dma_wait3A_183 = tpu.memref_squeeze %dma_wait3A_182 : memref<1x80xi32, #tpu.memory_space<vmem>> -> memref<80xi32, #tpu.memory_space<vmem>>
          %dma_wait3A_184 = arith.constant 0 : i32
          %dma_wait3A_185 = arith.constant 0 : i32
          %dma_wait3A_186 = tpu.memref_slice %arg2[%dma_wait3A_184, %dma_wait3A_185] : memref<10000x128xf32, #tpu.memory_space<hbm>> -> memref<10000x128xf32, #tpu.memory_space<hbm>>
          tpu.wait_indirect_dma semaphore(%arg13 : memref<!tpu.dma_semaphore, #tpu.memory_space<semaphore_mem>>) src(%dma_wait3A_186 : memref<10000x128xf32, #tpu.memory_space<hbm>>) dst(%arg9 : memref<80x128xf32, #tpu.memory_space<vmem>>)
          %dma_start3A_187 = arith.constant 0 : i32
          %dma_start3A_188 = tpu.memref_slice %arg7[%scan3A_97, %dma_start3A_187] : memref<25x80xi32, #tpu.memory_space<vmem>> -> memref<1x80xi32, #tpu.memory_space<vmem>>
          %dma_start3A_189 = tpu.memref_squeeze %dma_start3A_188 : memref<1x80xi32, #tpu.memory_space<vmem>> -> memref<80xi32, #tpu.memory_space<vmem>>
          %dma_start3A_190 = arith.constant 0 : i32
          %dma_start3A_191 = arith.constant 0 : i32
          %dma_start3A_192 = tpu.memref_slice %arg20[%dma_start3A_190, %dma_start3A_191] : memref<10240x128xf32, #tpu.memory_space<vmem_shared>> -> memref<10240x128xf32, #tpu.memory_space<vmem_shared>>
          tpu.enqueue_indirect_dma source(%arg9 : memref<80x128xf32, #tpu.memory_space<vmem>>) target(%dma_start3A_192 : memref<10240x128xf32, #tpu.memory_space<vmem_shared>>) offsets(%dma_start3A_189 : memref<80xi32, #tpu.memory_space<vmem>>) semaphore(%arg17 : memref<!tpu.dma_semaphore, #tpu.memory_space<semaphore_mem>>) {add = true}
        } else {
        }
        %jit3A_138 = arith.constant 4 : i32
        %eq3A_139 = arith.constant 0 : i32
        %eq3A_140 = arith.cmpi eq, %jit3A_138, %eq3A_139 : i32
        %jit3A_141 = arith.constant 1 : i32
        %select_n3A_142 = arith.select %eq3A_140, %jit3A_141, %jit3A_138 : i32
        %rem3A_143 = arith.remsi %scan3A_97, %select_n3A_142 : i32
        %ne3A_144 = arith.constant 0 : i32
        %ne3A_145 = arith.cmpi ne, %rem3A_143, %ne3A_144 : i32
        %lt3A_146 = arith.constant 0 : i32
        %lt3A_147 = arith.cmpi slt, %rem3A_143, %lt3A_146 : i32
        %lt3A_148 = arith.constant 0 : i32
        %lt3A_149 = arith.cmpi slt, %select_n3A_142, %lt3A_148 : i32
        %ne3A_150 = arith.xori %lt3A_147, %lt3A_149 : i1
        %and3A_151 = arith.andi %ne3A_150, %ne3A_145 : i1
        %add3A_152 = arith.addi %rem3A_143, %select_n3A_142 : i32
        %select_n3A_153 = arith.select %and3A_151, %add3A_152, %rem3A_143 : i32
        %eq3A_154 = arith.constant 2 : i32
        %eq3A_155 = arith.cmpi eq, %select_n3A_153, %eq3A_154 : i32
        %convert_element_type3A_156 = arith.extui %eq3A_155 : i1 to i32
        %cond3A_157 = arith.constant 0 : i32
        %cond3A_158 = arith.cmpi ne, %convert_element_type3A_156, %cond3A_157 : i32
        scf.if %cond3A_158 {
          %dma_wait3A_181 = arith.constant 0 : i32
          %dma_wait3A_182 = tpu.memref_slice %arg6[%scan3A_97, %dma_wait3A_181] : memref<25x80xi32, #tpu.memory_space<vmem>> -> memref<1x80xi32, #tpu.memory_space<vmem>>
          %dma_wait3A_183 = tpu.memref_squeeze %dma_wait3A_182 : memref<1x80xi32, #tpu.memory_space<vmem>> -> memref<80xi32, #tpu.memory_space<vmem>>
          %dma_wait3A_184 = arith.constant 0 : i32
          %dma_wait3A_185 = arith.constant 0 : i32
          %dma_wait3A_186 = tpu.memref_slice %arg2[%dma_wait3A_184, %dma_wait3A_185] : memref<10000x128xf32, #tpu.memory_space<hbm>> -> memref<10000x128xf32, #tpu.memory_space<hbm>>
          tpu.wait_indirect_dma semaphore(%arg14 : memref<!tpu.dma_semaphore, #tpu.memory_space<semaphore_mem>>) src(%dma_wait3A_186 : memref<10000x128xf32, #tpu.memory_space<hbm>>) dst(%arg10 : memref<80x128xf32, #tpu.memory_space<vmem>>)
          %dma_start3A_187 = arith.constant 0 : i32
          %dma_start3A_188 = tpu.memref_slice %arg7[%scan3A_97, %dma_start3A_187] : memref<25x80xi32, #tpu.memory_space<vmem>> -> memref<1x80xi32, #tpu.memory_space<vmem>>
          %dma_start3A_189 = tpu.memref_squeeze %dma_start3A_188 : memref<1x80xi32, #tpu.memory_space<vmem>> -> memref<80xi32, #tpu.memory_space<vmem>>
          %dma_start3A_190 = arith.constant 0 : i32
          %dma_start3A_191 = arith.constant 0 : i32
          %dma_start3A_192 = tpu.memref_slice %arg20[%dma_start3A_190, %dma_start3A_191] : memref<10240x128xf32, #tpu.memory_space<vmem_shared>> -> memref<10240x128xf32, #tpu.memory_space<vmem_shared>>
          tpu.enqueue_indirect_dma source(%arg10 : memref<80x128xf32, #tpu.memory_space<vmem>>) target(%dma_start3A_192 : memref<10240x128xf32, #tpu.memory_space<vmem_shared>>) offsets(%dma_start3A_189 : memref<80xi32, #tpu.memory_space<vmem>>) semaphore(%arg18 : memref<!tpu.dma_semaphore, #tpu.memory_space<semaphore_mem>>) {add = true}
        } else {
        }
        %jit3A_159 = arith.constant 4 : i32
        %eq3A_160 = arith.constant 0 : i32
        %eq3A_161 = arith.cmpi eq, %jit3A_159, %eq3A_160 : i32
        %jit3A_162 = arith.constant 1 : i32
        %select_n3A_163 = arith.select %eq3A_161, %jit3A_162, %jit3A_159 : i32
        %rem3A_164 = arith.remsi %scan3A_97, %select_n3A_163 : i32
        %ne3A_165 = arith.constant 0 : i32
        %ne3A_166 = arith.cmpi ne, %rem3A_164, %ne3A_165 : i32
        %lt3A_167 = arith.constant 0 : i32
        %lt3A_168 = arith.cmpi slt, %rem3A_164, %lt3A_167 : i32
        %lt3A_169 = arith.constant 0 : i32
        %lt3A_170 = arith.cmpi slt, %select_n3A_163, %lt3A_169 : i32
        %ne3A_171 = arith.xori %lt3A_168, %lt3A_170 : i1
        %and3A_172 = arith.andi %ne3A_171, %ne3A_166 : i1
        %add3A_173 = arith.addi %rem3A_164, %select_n3A_163 : i32
        %select_n3A_174 = arith.select %and3A_172, %add3A_173, %rem3A_164 : i32
        %eq3A_175 = arith.constant 3 : i32
        %eq3A_176 = arith.cmpi eq, %select_n3A_174, %eq3A_175 : i32
        %convert_element_type3A_177 = arith.extui %eq3A_176 : i1 to i32
        %cond3A_178 = arith.constant 0 : i32
        %cond3A_179 = arith.cmpi ne, %convert_element_type3A_177, %cond3A_178 : i32
        scf.if %cond3A_179 {
          %dma_wait3A_181 = arith.constant 0 : i32
          %dma_wait3A_182 = tpu.memref_slice %arg6[%scan3A_97, %dma_wait3A_181] : memref<25x80xi32, #tpu.memory_space<vmem>> -> memref<1x80xi32, #tpu.memory_space<vmem>>
          %dma_wait3A_183 = tpu.memref_squeeze %dma_wait3A_182 : memref<1x80xi32, #tpu.memory_space<vmem>> -> memref<80xi32, #tpu.memory_space<vmem>>
          %dma_wait3A_184 = arith.constant 0 : i32
          %dma_wait3A_185 = arith.constant 0 : i32
          %dma_wait3A_186 = tpu.memref_slice %arg2[%dma_wait3A_184, %dma_wait3A_185] : memref<10000x128xf32, #tpu.memory_space<hbm>> -> memref<10000x128xf32, #tpu.memory_space<hbm>>
          tpu.wait_indirect_dma semaphore(%arg15 : memref<!tpu.dma_semaphore, #tpu.memory_space<semaphore_mem>>) src(%dma_wait3A_186 : memref<10000x128xf32, #tpu.memory_space<hbm>>) dst(%arg11 : memref<80x128xf32, #tpu.memory_space<vmem>>)
          %dma_start3A_187 = arith.constant 0 : i32
          %dma_start3A_188 = tpu.memref_slice %arg7[%scan3A_97, %dma_start3A_187] : memref<25x80xi32, #tpu.memory_space<vmem>> -> memref<1x80xi32, #tpu.memory_space<vmem>>
          %dma_start3A_189 = tpu.memref_squeeze %dma_start3A_188 : memref<1x80xi32, #tpu.memory_space<vmem>> -> memref<80xi32, #tpu.memory_space<vmem>>
          %dma_start3A_190 = arith.constant 0 : i32
          %dma_start3A_191 = arith.constant 0 : i32
          %dma_start3A_192 = tpu.memref_slice %arg20[%dma_start3A_190, %dma_start3A_191] : memref<10240x128xf32, #tpu.memory_space<vmem_shared>> -> memref<10240x128xf32, #tpu.memory_space<vmem_shared>>
          tpu.enqueue_indirect_dma source(%arg11 : memref<80x128xf32, #tpu.memory_space<vmem>>) target(%dma_start3A_192 : memref<10240x128xf32, #tpu.memory_space<vmem_shared>>) offsets(%dma_start3A_189 : memref<80xi32, #tpu.memory_space<vmem>>) semaphore(%arg19 : memref<!tpu.dma_semaphore, #tpu.memory_space<semaphore_mem>>) {add = true}
        } else {
        }
        %scan3A_180 = arith.constant 0 : i32
        scf.yield %scan3A_180 : i32
      }
      %scan3A_89 = arith.constant 25 : i32
      %dma_wait3A = arith.constant 24 : i32
      %dma_wait3A_90 = arith.constant 0 : i32
      %dma_wait3A_91 = tpu.memref_slice %arg7[%dma_wait3A, %dma_wait3A_90] : memref<25x80xi32, #tpu.memory_space<vmem>> -> memref<1x80xi32, #tpu.memory_space<vmem>>
      %dma_wait3A_92 = tpu.memref_squeeze %dma_wait3A_91 : memref<1x80xi32, #tpu.memory_space<vmem>> -> memref<80xi32, #tpu.memory_space<vmem>>
      %dma_wait3A_93 = arith.constant 0 : i32
      %dma_wait3A_94 = arith.constant 0 : i32
      %dma_wait3A_95 = tpu.memref_slice %arg20[%dma_wait3A_93, %dma_wait3A_94] : memref<10240x128xf32, #tpu.memory_space<vmem_shared>> -> memref<10240x128xf32, #tpu.memory_space<vmem_shared>>
      tpu.wait_indirect_dma semaphore(%arg16 : memref<!tpu.dma_semaphore, #tpu.memory_space<semaphore_mem>>) src(%arg8 : memref<80x128xf32, #tpu.memory_space<vmem>>) dst(%dma_wait3A_95 : memref<10240x128xf32, #tpu.memory_space<vmem_shared>>)
      %scan3A_96 = arith.constant 0 : i32
      scf.yield %scan3A_96 : i32
    }
    %scan3A_73 = arith.constant 5 : i32
    %barrier3A_74 = arith.constant 0 : index
    tpu.barrier barrier_id(%barrier3A_74)
    %mul3A_75 = arith.constant 640 : i32
    %mul3A_76 = arith.muli %arg1, %mul3A_75 : i32
    %mul3A_77 = arith.constant 640 : i32
    %mul3A_78 = arith.muli %arg1, %mul3A_77 : i32
    "tpu.region"() ({
      %run_scoped3A_79 = tpu.sem_alloc : memref<!tpu.dma_semaphore, #tpu.memory_space<semaphore_mem>>
      %dma_start3A_80 = arith.constant 0 : i32
      %dma_start3A_81 = tpu.memref_slice %arg5[%arg0, %mul3A_78, %dma_start3A_80] : memref<2x10240x128xf32, #tpu.memory_space<hbm>> -> memref<1x640x128xf32, #tpu.memory_space<hbm>>
      %dma_start3A_82 = tpu.memref_squeeze %dma_start3A_81 : memref<1x640x128xf32, #tpu.memory_space<hbm>> -> memref<640x128xf32, #tpu.memory_space<hbm>>
      %dma_start3A_83 = arith.constant 0 : i32
      %dma_start3A_84 = tpu.memref_slice %arg20[%mul3A_76, %dma_start3A_83] : memref<10240x128xf32, #tpu.memory_space<vmem_shared>> -> memref<640x128xf32, #tpu.memory_space<vmem_shared>>
      tpu.enqueue_dma source(%dma_start3A_84 : memref<640x128xf32, #tpu.memory_space<vmem_shared>>) target(%dma_start3A_82 : memref<640x128xf32, #tpu.memory_space<hbm>>) target_semaphore(%run_scoped3A_79 : memref<!tpu.dma_semaphore, #tpu.memory_space<semaphore_mem>>)
      %dma_wait3A = arith.constant 0 : i32
      %dma_wait3A_85 = tpu.memref_slice %arg5[%arg0, %mul3A_78, %dma_wait3A] : memref<2x10240x128xf32, #tpu.memory_space<hbm>> -> memref<1x640x128xf32, #tpu.memory_space<hbm>>
      %dma_wait3A_86 = tpu.memref_squeeze %dma_wait3A_85 : memref<1x640x128xf32, #tpu.memory_space<hbm>> -> memref<640x128xf32, #tpu.memory_space<hbm>>
      %dma_wait3A_87 = arith.constant 0 : i32
      %dma_wait3A_88 = tpu.memref_slice %arg20[%mul3A_76, %dma_wait3A_87] : memref<10240x128xf32, #tpu.memory_space<vmem_shared>> -> memref<640x128xf32, #tpu.memory_space<vmem_shared>>
      tpu.wait_dma2 semaphore(%run_scoped3A_79 : memref<!tpu.dma_semaphore, #tpu.memory_space<semaphore_mem>>) src(%dma_wait3A_88 : memref<640x128xf32, #tpu.memory_space<vmem_shared>>) dst(%dma_wait3A_86 : memref<640x128xf32, #tpu.memory_space<hbm>>)
      tpu.yield
    }) : () -> ()
    return
  }
}

#map = affine_map<(d0, d1) -> (0, 0)>
#map1 = affine_map<(d0, d1) -> (0, 0, 0, 0)>
#map2 = affine_map<(d0, d1) -> (0, 0, 0)>
module attributes {stable_mosaic.version = 14 : i64} {
  func.func @_sc_agg(%arg0: i32, %arg1: i32, %arg2: memref<10000x128xf32, #tpu.memory_space<hbm>>, %arg3: memref<32x5x25x80xi32, #tpu.memory_space<hbm>>, %arg4: memref<32x5x25x80xi32, #tpu.memory_space<hbm>>, %arg5: memref<2x10240x128xf32, #tpu.memory_space<hbm>>, %arg6: memref<25x80xi32, #tpu.memory_space<vmem>>, %arg7: memref<25x80xi32, #tpu.memory_space<vmem>>, %arg8: memref<80x128xf32, #tpu.memory_space<vmem>>, %arg9: memref<80x128xf32, #tpu.memory_space<vmem>>, %arg10: memref<80x128xf32, #tpu.memory_space<vmem>>, %arg11: memref<80x128xf32, #tpu.memory_space<vmem>>, %arg12: memref<!tpu.dma_semaphore, #tpu.memory_space<semaphore_mem>>, %arg13: memref<!tpu.dma_semaphore, #tpu.memory_space<semaphore_mem>>, %arg14: memref<!tpu.dma_semaphore, #tpu.memory_space<semaphore_mem>>, %arg15: memref<!tpu.dma_semaphore, #tpu.memory_space<semaphore_mem>>, %arg16: memref<!tpu.dma_semaphore, #tpu.memory_space<semaphore_mem>>, %arg17: memref<!tpu.dma_semaphore, #tpu.memory_space<semaphore_mem>>, %arg18: memref<!tpu.dma_semaphore, #tpu.memory_space<semaphore_mem>>, %arg19: memref<!tpu.dma_semaphore, #tpu.memory_space<semaphore_mem>>, %arg20: memref<10240x128xf32, #tpu.memory_space<vmem_shared>>) attributes {dimension_semantics = [#tpu.dimension_semantics<core_parallel>, #tpu.dimension_semantics<subcore_parallel>], iteration_bounds = array<i64: 2, 16>, scalar_prefetch = 0 : i64, scratch_operands = 15 : i64, tpu.core_type = #tpu.core_type<sc_vector_subcore>, window_params = [{transform_indices = #map}, {transform_indices = #map1}, {transform_indices = #map1}, {transform_indices = #map2}]} {
    %mul3A = arith.constant 16 : i32
    %mul3A_0 = arith.muli %arg0, %mul3A : i32
    %add3A = arith.addi %mul3A_0, %arg1 : i32
    %run_scoped3A = arith.constant 0 : i32
    "tpu.region"() ({
      %run_scoped3A_79 = tpu.sem_alloc : memref<!tpu.dma_semaphore, #tpu.memory_space<semaphore_mem>>
      %dma_start3A_80 = arith.constant 0 : i32
      %dma_start3A_81 = arith.constant 0 : i32
      %dma_start3A_82 = tpu.memref_slice %arg3[%add3A, %run_scoped3A, %dma_start3A_80, %dma_start3A_81] : memref<32x5x25x80xi32, #tpu.memory_space<hbm>> -> memref<1x1x25x80xi32, #tpu.memory_space<hbm>>
      %dma_start3A_83 = tpu.memref_squeeze %dma_start3A_82 : memref<1x1x25x80xi32, #tpu.memory_space<hbm>> -> memref<25x80xi32, #tpu.memory_space<hbm>>
      %dma_start3A_84 = arith.constant 0 : i32
      %dma_start3A_85 = arith.constant 0 : i32
      %dma_start3A_86 = tpu.memref_slice %arg3[%add3A, %run_scoped3A, %dma_start3A_84, %dma_start3A_85] : memref<32x5x25x80xi32, #tpu.memory_space<hbm>> -> memref<1x1x25x80xi32, #tpu.memory_space<hbm>>
      %dma_start3A_87 = tpu.memref_squeeze %dma_start3A_86 : memref<1x1x25x80xi32, #tpu.memory_space<hbm>> -> memref<25x80xi32, #tpu.memory_space<hbm>>
      tpu.enqueue_dma source(%dma_start3A_87 : memref<25x80xi32, #tpu.memory_space<hbm>>) target(%arg6 : memref<25x80xi32, #tpu.memory_space<vmem>>) target_semaphore(%run_scoped3A_79 : memref<!tpu.dma_semaphore, #tpu.memory_space<semaphore_mem>>)
      %dma_wait3A = arith.constant 0 : i32
      %dma_wait3A_88 = arith.constant 0 : i32
      %dma_wait3A_89 = tpu.memref_slice %arg3[%add3A, %run_scoped3A, %dma_wait3A, %dma_wait3A_88] : memref<32x5x25x80xi32, #tpu.memory_space<hbm>> -> memref<1x1x25x80xi32, #tpu.memory_space<hbm>>
      %dma_wait3A_90 = tpu.memref_squeeze %dma_wait3A_89 : memref<1x1x25x80xi32, #tpu.memory_space<hbm>> -> memref<25x80xi32, #tpu.memory_space<hbm>>
      %dma_wait3A_91 = arith.constant 0 : i32
      %dma_wait3A_92 = arith.constant 0 : i32
      %dma_wait3A_93 = tpu.memref_slice %arg3[%add3A, %run_scoped3A, %dma_wait3A_91, %dma_wait3A_92] : memref<32x5x25x80xi32, #tpu.memory_space<hbm>> -> memref<1x1x25x80xi32, #tpu.memory_space<hbm>>
      %dma_wait3A_94 = tpu.memref_squeeze %dma_wait3A_93 : memref<1x1x25x80xi32, #tpu.memory_space<hbm>> -> memref<25x80xi32, #tpu.memory_space<hbm>>
      tpu.wait_dma2 semaphore(%run_scoped3A_79 : memref<!tpu.dma_semaphore, #tpu.memory_space<semaphore_mem>>) src(%dma_wait3A_94 : memref<25x80xi32, #tpu.memory_space<hbm>>) dst(%arg6 : memref<25x80xi32, #tpu.memory_space<vmem>>)
      tpu.yield
    }) : () -> ()
    %run_scoped3A_1 = arith.constant 0 : i32
    "tpu.region"() ({
      %run_scoped3A_79 = tpu.sem_alloc : memref<!tpu.dma_semaphore, #tpu.memory_space<semaphore_mem>>
      %dma_start3A_80 = arith.constant 0 : i32
      %dma_start3A_81 = arith.constant 0 : i32
      %dma_start3A_82 = tpu.memref_slice %arg4[%add3A, %run_scoped3A_1, %dma_start3A_80, %dma_start3A_81] : memref<32x5x25x80xi32, #tpu.memory_space<hbm>> -> memref<1x1x25x80xi32, #tpu.memory_space<hbm>>
      %dma_start3A_83 = tpu.memref_squeeze %dma_start3A_82 : memref<1x1x25x80xi32, #tpu.memory_space<hbm>> -> memref<25x80xi32, #tpu.memory_space<hbm>>
      %dma_start3A_84 = arith.constant 0 : i32
      %dma_start3A_85 = arith.constant 0 : i32
      %dma_start3A_86 = tpu.memref_slice %arg4[%add3A, %run_scoped3A_1, %dma_start3A_84, %dma_start3A_85] : memref<32x5x25x80xi32, #tpu.memory_space<hbm>> -> memref<1x1x25x80xi32, #tpu.memory_space<hbm>>
      %dma_start3A_87 = tpu.memref_squeeze %dma_start3A_86 : memref<1x1x25x80xi32, #tpu.memory_space<hbm>> -> memref<25x80xi32, #tpu.memory_space<hbm>>
      tpu.enqueue_dma source(%dma_start3A_87 : memref<25x80xi32, #tpu.memory_space<hbm>>) target(%arg7 : memref<25x80xi32, #tpu.memory_space<vmem>>) target_semaphore(%run_scoped3A_79 : memref<!tpu.dma_semaphore, #tpu.memory_space<semaphore_mem>>)
      %dma_wait3A = arith.constant 0 : i32
      %dma_wait3A_88 = arith.constant 0 : i32
      %dma_wait3A_89 = tpu.memref_slice %arg4[%add3A, %run_scoped3A_1, %dma_wait3A, %dma_wait3A_88] : memref<32x5x25x80xi32, #tpu.memory_space<hbm>> -> memref<1x1x25x80xi32, #tpu.memory_space<hbm>>
      %dma_wait3A_90 = tpu.memref_squeeze %dma_wait3A_89 : memref<1x1x25x80xi32, #tpu.memory_space<hbm>> -> memref<25x80xi32, #tpu.memory_space<hbm>>
      %dma_wait3A_91 = arith.constant 0 : i32
      %dma_wait3A_92 = arith.constant 0 : i32
      %dma_wait3A_93 = tpu.memref_slice %arg4[%add3A, %run_scoped3A_1, %dma_wait3A_91, %dma_wait3A_92] : memref<32x5x25x80xi32, #tpu.memory_space<hbm>> -> memref<1x1x25x80xi32, #tpu.memory_space<hbm>>
      %dma_wait3A_94 = tpu.memref_squeeze %dma_wait3A_93 : memref<1x1x25x80xi32, #tpu.memory_space<hbm>> -> memref<25x80xi32, #tpu.memory_space<hbm>>
      tpu.wait_dma2 semaphore(%run_scoped3A_79 : memref<!tpu.dma_semaphore, #tpu.memory_space<semaphore_mem>>) src(%dma_wait3A_94 : memref<25x80xi32, #tpu.memory_space<hbm>>) dst(%arg7 : memref<25x80xi32, #tpu.memory_space<vmem>>)
      tpu.yield
    }) : () -> ()
    %dma_start3A = arith.constant 1 : i32
    %dma_start3A_2 = arith.constant 0 : i32
    %dma_start3A_3 = tpu.memref_slice %arg6[%dma_start3A, %dma_start3A_2] : memref<25x80xi32, #tpu.memory_space<vmem>> -> memref<1x80xi32, #tpu.memory_space<vmem>>
    %dma_start3A_4 = tpu.memref_squeeze %dma_start3A_3 : memref<1x80xi32, #tpu.memory_space<vmem>> -> memref<80xi32, #tpu.memory_space<vmem>>
    %dma_start3A_5 = arith.constant 0 : i32
    %dma_start3A_6 = arith.constant 0 : i32
    %dma_start3A_7 = tpu.memref_slice %arg2[%dma_start3A_5, %dma_start3A_6] : memref<10000x128xf32, #tpu.memory_space<hbm>> -> memref<10000x128xf32, #tpu.memory_space<hbm>>
    tpu.enqueue_indirect_dma source(%dma_start3A_7 : memref<10000x128xf32, #tpu.memory_space<hbm>>) target(%arg9 : memref<80x128xf32, #tpu.memory_space<vmem>>) offsets(%dma_start3A_4 : memref<80xi32, #tpu.memory_space<vmem>>) semaphore(%arg13 : memref<!tpu.dma_semaphore, #tpu.memory_space<semaphore_mem>>)
    %dma_start3A_8 = arith.constant 2 : i32
    %dma_start3A_9 = arith.constant 0 : i32
    %dma_start3A_10 = tpu.memref_slice %arg6[%dma_start3A_8, %dma_start3A_9] : memref<25x80xi32, #tpu.memory_space<vmem>> -> memref<1x80xi32, #tpu.memory_space<vmem>>
    %dma_start3A_11 = tpu.memref_squeeze %dma_start3A_10 : memref<1x80xi32, #tpu.memory_space<vmem>> -> memref<80xi32, #tpu.memory_space<vmem>>
    %dma_start3A_12 = arith.constant 0 : i32
    %dma_start3A_13 = arith.constant 0 : i32
    %dma_start3A_14 = tpu.memref_slice %arg2[%dma_start3A_12, %dma_start3A_13] : memref<10000x128xf32, #tpu.memory_space<hbm>> -> memref<10000x128xf32, #tpu.memory_space<hbm>>
    tpu.enqueue_indirect_dma source(%dma_start3A_14 : memref<10000x128xf32, #tpu.memory_space<hbm>>) target(%arg10 : memref<80x128xf32, #tpu.memory_space<vmem>>) offsets(%dma_start3A_11 : memref<80xi32, #tpu.memory_space<vmem>>) semaphore(%arg14 : memref<!tpu.dma_semaphore, #tpu.memory_space<semaphore_mem>>)
    %dma_start3A_15 = arith.constant 3 : i32
    %dma_start3A_16 = arith.constant 0 : i32
    %dma_start3A_17 = tpu.memref_slice %arg6[%dma_start3A_15, %dma_start3A_16] : memref<25x80xi32, #tpu.memory_space<vmem>> -> memref<1x80xi32, #tpu.memory_space<vmem>>
    %dma_start3A_18 = tpu.memref_squeeze %dma_start3A_17 : memref<1x80xi32, #tpu.memory_space<vmem>> -> memref<80xi32, #tpu.memory_space<vmem>>
    %dma_start3A_19 = arith.constant 0 : i32
    %dma_start3A_20 = arith.constant 0 : i32
    %dma_start3A_21 = tpu.memref_slice %arg2[%dma_start3A_19, %dma_start3A_20] : memref<10000x128xf32, #tpu.memory_space<hbm>> -> memref<10000x128xf32, #tpu.memory_space<hbm>>
    tpu.enqueue_indirect_dma source(%dma_start3A_21 : memref<10000x128xf32, #tpu.memory_space<hbm>>) target(%arg11 : memref<80x128xf32, #tpu.memory_space<vmem>>) offsets(%dma_start3A_18 : memref<80xi32, #tpu.memory_space<vmem>>) semaphore(%arg15 : memref<!tpu.dma_semaphore, #tpu.memory_space<semaphore_mem>>)
    %scan3A = arith.constant 0 : i32
    %scan3A_22 = arith.constant 0 : i32
    %scan3A_23 = arith.constant 80 : i32
    %scan3A_24 = arith.addi %scan3A_22, %scan3A_23 : i32
    %scan3A_25 = arith.constant 2 : i32
    %scan3A_26 = scf.for %scan3A_79 = %scan3A_22 to %scan3A_24 step %scan3A_25 iter_args(%scan3A_80 = %scan3A) -> (i32)  : i32 {
      %broadcast_in_dim3A = arith.constant 0.000000e+00 : f32
      %broadcast_in_dim3A_81 = vector.broadcast %broadcast_in_dim3A : f32 to vector<16xf32>
      %swap3A = arith.index_cast %scan3A_79 : i32 to index
      %swap3A_82 = arith.constant 0 : index
      %swap3A_83 = tpu.vector_load %arg8[%swap3A, %swap3A_82] {strides = array<i32>} : memref<80x128xf32, #tpu.memory_space<vmem>>, vector<1x16xf32>,
      %swap3A_84 = vector.shape_cast %swap3A_83 : vector<1x16xf32> to vector<16xf32>
      %swap3A_85 = vector.shape_cast %broadcast_in_dim3A_81 : vector<16xf32> to vector<1x16xf32>
      tpu.vector_store %arg8[%swap3A, %swap3A_82], %swap3A_85 {strides = array<i32>} : memref<80x128xf32, #tpu.memory_space<vmem>>, vector<1x16xf32>,
      %broadcast_in_dim3A_86 = arith.constant 0.000000e+00 : f32
      %broadcast_in_dim3A_87 = vector.broadcast %broadcast_in_dim3A_86 : f32 to vector<16xf32>
      %swap3A_88 = arith.index_cast %scan3A_79 : i32 to index
      %swap3A_89 = arith.constant 16 : index
      %swap3A_90 = tpu.vector_load %arg8[%swap3A_88, %swap3A_89] {strides = array<i32>} : memref<80x128xf32, #tpu.memory_space<vmem>>, vector<1x16xf32>,
      %swap3A_91 = vector.shape_cast %swap3A_90 : vector<1x16xf32> to vector<16xf32>
      %swap3A_92 = vector.shape_cast %broadcast_in_dim3A_87 : vector<16xf32> to vector<1x16xf32>
      tpu.vector_store %arg8[%swap3A_88, %swap3A_89], %swap3A_92 {strides = array<i32>} : memref<80x128xf32, #tpu.memory_space<vmem>>, vector<1x16xf32>,
      %broadcast_in_dim3A_93 = arith.constant 0.000000e+00 : f32
      %broadcast_in_dim3A_94 = vector.broadcast %broadcast_in_dim3A_93 : f32 to vector<16xf32>
      %swap3A_95 = arith.index_cast %scan3A_79 : i32 to index
      %swap3A_96 = arith.constant 32 : index
      %swap3A_97 = tpu.vector_load %arg8[%swap3A_95, %swap3A_96] {strides = array<i32>} : memref<80x128xf32, #tpu.memory_space<vmem>>, vector<1x16xf32>,
      %swap3A_98 = vector.shape_cast %swap3A_97 : vector<1x16xf32> to vector<16xf32>
      %swap3A_99 = vector.shape_cast %broadcast_in_dim3A_94 : vector<16xf32> to vector<1x16xf32>
      tpu.vector_store %arg8[%swap3A_95, %swap3A_96], %swap3A_99 {strides = array<i32>} : memref<80x128xf32, #tpu.memory_space<vmem>>, vector<1x16xf32>,
      %broadcast_in_dim3A_100 = arith.constant 0.000000e+00 : f32
      %broadcast_in_dim3A_101 = vector.broadcast %broadcast_in_dim3A_100 : f32 to vector<16xf32>
      %swap3A_102 = arith.index_cast %scan3A_79 : i32 to index
      %swap3A_103 = arith.constant 48 : index
      %swap3A_104 = tpu.vector_load %arg8[%swap3A_102, %swap3A_103] {strides = array<i32>} : memref<80x128xf32, #tpu.memory_space<vmem>>, vector<1x16xf32>,
      %swap3A_105 = vector.shape_cast %swap3A_104 : vector<1x16xf32> to vector<16xf32>
      %swap3A_106 = vector.shape_cast %broadcast_in_dim3A_101 : vector<16xf32> to vector<1x16xf32>
      tpu.vector_store %arg8[%swap3A_102, %swap3A_103], %swap3A_106 {strides = array<i32>} : memref<80x128xf32, #tpu.memory_space<vmem>>, vector<1x16xf32>,
      %broadcast_in_dim3A_107 = arith.constant 0.000000e+00 : f32
      %broadcast_in_dim3A_108 = vector.broadcast %broadcast_in_dim3A_107 : f32 to vector<16xf32>
      %swap3A_109 = arith.index_cast %scan3A_79 : i32 to index
      %swap3A_110 = arith.constant 64 : index
      %swap3A_111 = tpu.vector_load %arg8[%swap3A_109, %swap3A_110] {strides = array<i32>} : memref<80x128xf32, #tpu.memory_space<vmem>>, vector<1x16xf32>,
      %swap3A_112 = vector.shape_cast %swap3A_111 : vector<1x16xf32> to vector<16xf32>
      %swap3A_113 = vector.shape_cast %broadcast_in_dim3A_108 : vector<16xf32> to vector<1x16xf32>
      tpu.vector_store %arg8[%swap3A_109, %swap3A_110], %swap3A_113 {strides = array<i32>} : memref<80x128xf32, #tpu.memory_space<vmem>>, vector<1x16xf32>,
      %broadcast_in_dim3A_114 = arith.constant 0.000000e+00 : f32
      %broadcast_in_dim3A_115 = vector.broadcast %broadcast_in_dim3A_114 : f32 to vector<16xf32>
      %swap3A_116 = arith.index_cast %scan3A_79 : i32 to index
      %swap3A_117 = arith.constant 80 : index
      %swap3A_118 = tpu.vector_load %arg8[%swap3A_116, %swap3A_117] {strides = array<i32>} : memref<80x128xf32, #tpu.memory_space<vmem>>, vector<1x16xf32>,
      %swap3A_119 = vector.shape_cast %swap3A_118 : vector<1x16xf32> to vector<16xf32>
      %swap3A_120 = vector.shape_cast %broadcast_in_dim3A_115 : vector<16xf32> to vector<1x16xf32>
      tpu.vector_store %arg8[%swap3A_116, %swap3A_117], %swap3A_120 {strides = array<i32>} : memref<80x128xf32, #tpu.memory_space<vmem>>, vector<1x16xf32>,
      %broadcast_in_dim3A_121 = arith.constant 0.000000e+00 : f32
      %broadcast_in_dim3A_122 = vector.broadcast %broadcast_in_dim3A_121 : f32 to vector<16xf32>
      %swap3A_123 = arith.index_cast %scan3A_79 : i32 to index
      %swap3A_124 = arith.constant 96 : index
      %swap3A_125 = tpu.vector_load %arg8[%swap3A_123, %swap3A_124] {strides = array<i32>} : memref<80x128xf32, #tpu.memory_space<vmem>>, vector<1x16xf32>,
      %swap3A_126 = vector.shape_cast %swap3A_125 : vector<1x16xf32> to vector<16xf32>
      %swap3A_127 = vector.shape_cast %broadcast_in_dim3A_122 : vector<16xf32> to vector<1x16xf32>
      tpu.vector_store %arg8[%swap3A_123, %swap3A_124], %swap3A_127 {strides = array<i32>} : memref<80x128xf32, #tpu.memory_space<vmem>>, vector<1x16xf32>,
      %broadcast_in_dim3A_128 = arith.constant 0.000000e+00 : f32
      %broadcast_in_dim3A_129 = vector.broadcast %broadcast_in_dim3A_128 : f32 to vector<16xf32>
      %swap3A_130 = arith.index_cast %scan3A_79 : i32 to index
      %swap3A_131 = arith.constant 112 : index
      %swap3A_132 = tpu.vector_load %arg8[%swap3A_130, %swap3A_131] {strides = array<i32>} : memref<80x128xf32, #tpu.memory_space<vmem>>, vector<1x16xf32>,
      %swap3A_133 = vector.shape_cast %swap3A_132 : vector<1x16xf32> to vector<16xf32>
      %swap3A_134 = vector.shape_cast %broadcast_in_dim3A_129 : vector<16xf32> to vector<1x16xf32>
      tpu.vector_store %arg8[%swap3A_130, %swap3A_131], %swap3A_134 {strides = array<i32>} : memref<80x128xf32, #tpu.memory_space<vmem>>, vector<1x16xf32>,
      %scan3A_135 = arith.constant 0 : i32
      %scan3A_136 = arith.constant 1 : i32
      %scan3A_137 = arith.addi %scan3A_79, %scan3A_136 : i32
      %broadcast_in_dim3A_138 = arith.constant 0.000000e+00 : f32
      %broadcast_in_dim3A_139 = vector.broadcast %broadcast_in_dim3A_138 : f32 to vector<16xf32>
      %swap3A_140 = arith.index_cast %scan3A_137 : i32 to index
      %swap3A_141 = arith.constant 0 : index
      %swap3A_142 = tpu.vector_load %arg8[%swap3A_140, %swap3A_141] {strides = array<i32>} : memref<80x128xf32, #tpu.memory_space<vmem>>, vector<1x16xf32>,
      %swap3A_143 = vector.shape_cast %swap3A_142 : vector<1x16xf32> to vector<16xf32>
      %swap3A_144 = vector.shape_cast %broadcast_in_dim3A_139 : vector<16xf32> to vector<1x16xf32>
      tpu.vector_store %arg8[%swap3A_140, %swap3A_141], %swap3A_144 {strides = array<i32>} : memref<80x128xf32, #tpu.memory_space<vmem>>, vector<1x16xf32>,
      %broadcast_in_dim3A_145 = arith.constant 0.000000e+00 : f32
      %broadcast_in_dim3A_146 = vector.broadcast %broadcast_in_dim3A_145 : f32 to vector<16xf32>
      %swap3A_147 = arith.index_cast %scan3A_137 : i32 to index
      %swap3A_148 = arith.constant 16 : index
      %swap3A_149 = tpu.vector_load %arg8[%swap3A_147, %swap3A_148] {strides = array<i32>} : memref<80x128xf32, #tpu.memory_space<vmem>>, vector<1x16xf32>,
      %swap3A_150 = vector.shape_cast %swap3A_149 : vector<1x16xf32> to vector<16xf32>
      %swap3A_151 = vector.shape_cast %broadcast_in_dim3A_146 : vector<16xf32> to vector<1x16xf32>
      tpu.vector_store %arg8[%swap3A_147, %swap3A_148], %swap3A_151 {strides = array<i32>} : memref<80x128xf32, #tpu.memory_space<vmem>>, vector<1x16xf32>,
      %broadcast_in_dim3A_152 = arith.constant 0.000000e+00 : f32
      %broadcast_in_dim3A_153 = vector.broadcast %broadcast_in_dim3A_152 : f32 to vector<16xf32>
      %swap3A_154 = arith.index_cast %scan3A_137 : i32 to index
      %swap3A_155 = arith.constant 32 : index
      %swap3A_156 = tpu.vector_load %arg8[%swap3A_154, %swap3A_155] {strides = array<i32>} : memref<80x128xf32, #tpu.memory_space<vmem>>, vector<1x16xf32>,
      %swap3A_157 = vector.shape_cast %swap3A_156 : vector<1x16xf32> to vector<16xf32>
      %swap3A_158 = vector.shape_cast %broadcast_in_dim3A_153 : vector<16xf32> to vector<1x16xf32>
      tpu.vector_store %arg8[%swap3A_154, %swap3A_155], %swap3A_158 {strides = array<i32>} : memref<80x128xf32, #tpu.memory_space<vmem>>, vector<1x16xf32>,
      %broadcast_in_dim3A_159 = arith.constant 0.000000e+00 : f32
      %broadcast_in_dim3A_160 = vector.broadcast %broadcast_in_dim3A_159 : f32 to vector<16xf32>
      %swap3A_161 = arith.index_cast %scan3A_137 : i32 to index
      %swap3A_162 = arith.constant 48 : index
      %swap3A_163 = tpu.vector_load %arg8[%swap3A_161, %swap3A_162] {strides = array<i32>} : memref<80x128xf32, #tpu.memory_space<vmem>>, vector<1x16xf32>,
      %swap3A_164 = vector.shape_cast %swap3A_163 : vector<1x16xf32> to vector<16xf32>
      %swap3A_165 = vector.shape_cast %broadcast_in_dim3A_160 : vector<16xf32> to vector<1x16xf32>
      tpu.vector_store %arg8[%swap3A_161, %swap3A_162], %swap3A_165 {strides = array<i32>} : memref<80x128xf32, #tpu.memory_space<vmem>>, vector<1x16xf32>,
      %broadcast_in_dim3A_166 = arith.constant 0.000000e+00 : f32
      %broadcast_in_dim3A_167 = vector.broadcast %broadcast_in_dim3A_166 : f32 to vector<16xf32>
      %swap3A_168 = arith.index_cast %scan3A_137 : i32 to index
      %swap3A_169 = arith.constant 64 : index
      %swap3A_170 = tpu.vector_load %arg8[%swap3A_168, %swap3A_169] {strides = array<i32>} : memref<80x128xf32, #tpu.memory_space<vmem>>, vector<1x16xf32>,
      %swap3A_171 = vector.shape_cast %swap3A_170 : vector<1x16xf32> to vector<16xf32>
      %swap3A_172 = vector.shape_cast %broadcast_in_dim3A_167 : vector<16xf32> to vector<1x16xf32>
      tpu.vector_store %arg8[%swap3A_168, %swap3A_169], %swap3A_172 {strides = array<i32>} : memref<80x128xf32, #tpu.memory_space<vmem>>, vector<1x16xf32>,
      %broadcast_in_dim3A_173 = arith.constant 0.000000e+00 : f32
      %broadcast_in_dim3A_174 = vector.broadcast %broadcast_in_dim3A_173 : f32 to vector<16xf32>
      %swap3A_175 = arith.index_cast %scan3A_137 : i32 to index
      %swap3A_176 = arith.constant 80 : index
      %swap3A_177 = tpu.vector_load %arg8[%swap3A_175, %swap3A_176] {strides = array<i32>} : memref<80x128xf32, #tpu.memory_space<vmem>>, vector<1x16xf32>,
      %swap3A_178 = vector.shape_cast %swap3A_177 : vector<1x16xf32> to vector<16xf32>
      %swap3A_179 = vector.shape_cast %broadcast_in_dim3A_174 : vector<16xf32> to vector<1x16xf32>
      tpu.vector_store %arg8[%swap3A_175, %swap3A_176], %swap3A_179 {strides = array<i32>} : memref<80x128xf32, #tpu.memory_space<vmem>>, vector<1x16xf32>,
      %broadcast_in_dim3A_180 = arith.constant 0.000000e+00 : f32
      %broadcast_in_dim3A_181 = vector.broadcast %broadcast_in_dim3A_180 : f32 to vector<16xf32>
      %swap3A_182 = arith.index_cast %scan3A_137 : i32 to index
      %swap3A_183 = arith.constant 96 : index
      %swap3A_184 = tpu.vector_load %arg8[%swap3A_182, %swap3A_183] {strides = array<i32>} : memref<80x128xf32, #tpu.memory_space<vmem>>, vector<1x16xf32>,
      %swap3A_185 = vector.shape_cast %swap3A_184 : vector<1x16xf32> to vector<16xf32>
      %swap3A_186 = vector.shape_cast %broadcast_in_dim3A_181 : vector<16xf32> to vector<1x16xf32>
      tpu.vector_store %arg8[%swap3A_182, %swap3A_183], %swap3A_186 {strides = array<i32>} : memref<80x128xf32, #tpu.memory_space<vmem>>, vector<1x16xf32>,
      %broadcast_in_dim3A_187 = arith.constant 0.000000e+00 : f32
      %broadcast_in_dim3A_188 = vector.broadcast %broadcast_in_dim3A_187 : f32 to vector<16xf32>
      %swap3A_189 = arith.index_cast %scan3A_137 : i32 to index
      %swap3A_190 = arith.constant 112 : index
      %swap3A_191 = tpu.vector_load %arg8[%swap3A_189, %swap3A_190] {strides = array<i32>} : memref<80x128xf32, #tpu.memory_space<vmem>>, vector<1x16xf32>,
      %swap3A_192 = vector.shape_cast %swap3A_191 : vector<1x16xf32> to vector<16xf32>
      %swap3A_193 = vector.shape_cast %broadcast_in_dim3A_188 : vector<16xf32> to vector<1x16xf32>
      tpu.vector_store %arg8[%swap3A_189, %swap3A_190], %swap3A_193 {strides = array<i32>} : memref<80x128xf32, #tpu.memory_space<vmem>>, vector<1x16xf32>,
      %scan3A_194 = arith.constant 0 : i32
      scf.yield %scan3A_194 : i32
    }
    %scan3A_27 = arith.constant 80 : i32
    %mul3A_28 = arith.constant 640 : i32
    %mul3A_29 = arith.muli %arg1, %mul3A_28 : i32
    %add3A_30 = arith.constant 0 : i32
    %add3A_31 = arith.addi %mul3A_29, %add3A_30 : i32
    "tpu.region"() ({
      %run_scoped3A_79 = tpu.sem_alloc : memref<!tpu.dma_semaphore, #tpu.memory_space<semaphore_mem>>
      %dma_start3A_80 = arith.constant 0 : i32
      %dma_start3A_81 = tpu.memref_slice %arg20[%add3A_31, %dma_start3A_80] : memref<10240x128xf32, #tpu.memory_space<vmem_shared>> -> memref<80x128xf32, #tpu.memory_space<vmem_shared>>
      %dma_start3A_82 = arith.constant 0 : i32
      %dma_start3A_83 = tpu.memref_slice %arg20[%add3A_31, %dma_start3A_82] : memref<10240x128xf32, #tpu.memory_space<vmem_shared>> -> memref<80x128xf32, #tpu.memory_space<vmem_shared>>
      tpu.enqueue_dma source(%arg8 : memref<80x128xf32, #tpu.memory_space<vmem>>) target(%dma_start3A_83 : memref<80x128xf32, #tpu.memory_space<vmem_shared>>) target_semaphore(%run_scoped3A_79 : memref<!tpu.dma_semaphore, #tpu.memory_space<semaphore_mem>>)
      %dma_wait3A = arith.constant 0 : i32
      %dma_wait3A_84 = tpu.memref_slice %arg20[%add3A_31, %dma_wait3A] : memref<10240x128xf32, #tpu.memory_space<vmem_shared>> -> memref<80x128xf32, #tpu.memory_space<vmem_shared>>
      %dma_wait3A_85 = arith.constant 0 : i32
      %dma_wait3A_86 = tpu.memref_slice %arg20[%add3A_31, %dma_wait3A_85] : memref<10240x128xf32, #tpu.memory_space<vmem_shared>> -> memref<80x128xf32, #tpu.memory_space<vmem_shared>>
      tpu.wait_dma2 semaphore(%run_scoped3A_79 : memref<!tpu.dma_semaphore, #tpu.memory_space<semaphore_mem>>) src(%arg8 : memref<80x128xf32, #tpu.memory_space<vmem>>) dst(%dma_wait3A_86 : memref<80x128xf32, #tpu.memory_space<vmem_shared>>)
      tpu.yield
    }) : () -> ()
    %mul3A_32 = arith.constant 640 : i32
    %mul3A_33 = arith.muli %arg1, %mul3A_32 : i32
    %add3A_34 = arith.constant 80 : i32
    %add3A_35 = arith.addi %mul3A_33, %add3A_34 : i32
    "tpu.region"() ({
      %run_scoped3A_79 = tpu.sem_alloc : memref<!tpu.dma_semaphore, #tpu.memory_space<semaphore_mem>>
      %dma_start3A_80 = arith.constant 0 : i32
      %dma_start3A_81 = tpu.memref_slice %arg20[%add3A_35, %dma_start3A_80] : memref<10240x128xf32, #tpu.memory_space<vmem_shared>> -> memref<80x128xf32, #tpu.memory_space<vmem_shared>>
      %dma_start3A_82 = arith.constant 0 : i32
      %dma_start3A_83 = tpu.memref_slice %arg20[%add3A_35, %dma_start3A_82] : memref<10240x128xf32, #tpu.memory_space<vmem_shared>> -> memref<80x128xf32, #tpu.memory_space<vmem_shared>>
      tpu.enqueue_dma source(%arg8 : memref<80x128xf32, #tpu.memory_space<vmem>>) target(%dma_start3A_83 : memref<80x128xf32, #tpu.memory_space<vmem_shared>>) target_semaphore(%run_scoped3A_79 : memref<!tpu.dma_semaphore, #tpu.memory_space<semaphore_mem>>)
      %dma_wait3A = arith.constant 0 : i32
      %dma_wait3A_84 = tpu.memref_slice %arg20[%add3A_35, %dma_wait3A] : memref<10240x128xf32, #tpu.memory_space<vmem_shared>> -> memref<80x128xf32, #tpu.memory_space<vmem_shared>>
      %dma_wait3A_85 = arith.constant 0 : i32
      %dma_wait3A_86 = tpu.memref_slice %arg20[%add3A_35, %dma_wait3A_85] : memref<10240x128xf32, #tpu.memory_space<vmem_shared>> -> memref<80x128xf32, #tpu.memory_space<vmem_shared>>
      tpu.wait_dma2 semaphore(%run_scoped3A_79 : memref<!tpu.dma_semaphore, #tpu.memory_space<semaphore_mem>>) src(%arg8 : memref<80x128xf32, #tpu.memory_space<vmem>>) dst(%dma_wait3A_86 : memref<80x128xf32, #tpu.memory_space<vmem_shared>>)
      tpu.yield
    }) : () -> ()
    %mul3A_36 = arith.constant 640 : i32
    %mul3A_37 = arith.muli %arg1, %mul3A_36 : i32
    %add3A_38 = arith.constant 160 : i32
    %add3A_39 = arith.addi %mul3A_37, %add3A_38 : i32
    "tpu.region"() ({
      %run_scoped3A_79 = tpu.sem_alloc : memref<!tpu.dma_semaphore, #tpu.memory_space<semaphore_mem>>
      %dma_start3A_80 = arith.constant 0 : i32
      %dma_start3A_81 = tpu.memref_slice %arg20[%add3A_39, %dma_start3A_80] : memref<10240x128xf32, #tpu.memory_space<vmem_shared>> -> memref<80x128xf32, #tpu.memory_space<vmem_shared>>
      %dma_start3A_82 = arith.constant 0 : i32
      %dma_start3A_83 = tpu.memref_slice %arg20[%add3A_39, %dma_start3A_82] : memref<10240x128xf32, #tpu.memory_space<vmem_shared>> -> memref<80x128xf32, #tpu.memory_space<vmem_shared>>
      tpu.enqueue_dma source(%arg8 : memref<80x128xf32, #tpu.memory_space<vmem>>) target(%dma_start3A_83 : memref<80x128xf32, #tpu.memory_space<vmem_shared>>) target_semaphore(%run_scoped3A_79 : memref<!tpu.dma_semaphore, #tpu.memory_space<semaphore_mem>>)
      %dma_wait3A = arith.constant 0 : i32
      %dma_wait3A_84 = tpu.memref_slice %arg20[%add3A_39, %dma_wait3A] : memref<10240x128xf32, #tpu.memory_space<vmem_shared>> -> memref<80x128xf32, #tpu.memory_space<vmem_shared>>
      %dma_wait3A_85 = arith.constant 0 : i32
      %dma_wait3A_86 = tpu.memref_slice %arg20[%add3A_39, %dma_wait3A_85] : memref<10240x128xf32, #tpu.memory_space<vmem_shared>> -> memref<80x128xf32, #tpu.memory_space<vmem_shared>>
      tpu.wait_dma2 semaphore(%run_scoped3A_79 : memref<!tpu.dma_semaphore, #tpu.memory_space<semaphore_mem>>) src(%arg8 : memref<80x128xf32, #tpu.memory_space<vmem>>) dst(%dma_wait3A_86 : memref<80x128xf32, #tpu.memory_space<vmem_shared>>)
      tpu.yield
    }) : () -> ()
    %mul3A_40 = arith.constant 640 : i32
    %mul3A_41 = arith.muli %arg1, %mul3A_40 : i32
    %add3A_42 = arith.constant 240 : i32
    %add3A_43 = arith.addi %mul3A_41, %add3A_42 : i32
    "tpu.region"() ({
      %run_scoped3A_79 = tpu.sem_alloc : memref<!tpu.dma_semaphore, #tpu.memory_space<semaphore_mem>>
      %dma_start3A_80 = arith.constant 0 : i32
      %dma_start3A_81 = tpu.memref_slice %arg20[%add3A_43, %dma_start3A_80] : memref<10240x128xf32, #tpu.memory_space<vmem_shared>> -> memref<80x128xf32, #tpu.memory_space<vmem_shared>>
      %dma_start3A_82 = arith.constant 0 : i32
      %dma_start3A_83 = tpu.memref_slice %arg20[%add3A_43, %dma_start3A_82] : memref<10240x128xf32, #tpu.memory_space<vmem_shared>> -> memref<80x128xf32, #tpu.memory_space<vmem_shared>>
      tpu.enqueue_dma source(%arg8 : memref<80x128xf32, #tpu.memory_space<vmem>>) target(%dma_start3A_83 : memref<80x128xf32, #tpu.memory_space<vmem_shared>>) target_semaphore(%run_scoped3A_79 : memref<!tpu.dma_semaphore, #tpu.memory_space<semaphore_mem>>)
      %dma_wait3A = arith.constant 0 : i32
      %dma_wait3A_84 = tpu.memref_slice %arg20[%add3A_43, %dma_wait3A] : memref<10240x128xf32, #tpu.memory_space<vmem_shared>> -> memref<80x128xf32, #tpu.memory_space<vmem_shared>>
      %dma_wait3A_85 = arith.constant 0 : i32
      %dma_wait3A_86 = tpu.memref_slice %arg20[%add3A_43, %dma_wait3A_85] : memref<10240x128xf32, #tpu.memory_space<vmem_shared>> -> memref<80x128xf32, #tpu.memory_space<vmem_shared>>
      tpu.wait_dma2 semaphore(%run_scoped3A_79 : memref<!tpu.dma_semaphore, #tpu.memory_space<semaphore_mem>>) src(%arg8 : memref<80x128xf32, #tpu.memory_space<vmem>>) dst(%dma_wait3A_86 : memref<80x128xf32, #tpu.memory_space<vmem_shared>>)
      tpu.yield
    }) : () -> ()
    %mul3A_44 = arith.constant 640 : i32
    %mul3A_45 = arith.muli %arg1, %mul3A_44 : i32
    %add3A_46 = arith.constant 320 : i32
    %add3A_47 = arith.addi %mul3A_45, %add3A_46 : i32
    "tpu.region"() ({
      %run_scoped3A_79 = tpu.sem_alloc : memref<!tpu.dma_semaphore, #tpu.memory_space<semaphore_mem>>
      %dma_start3A_80 = arith.constant 0 : i32
      %dma_start3A_81 = tpu.memref_slice %arg20[%add3A_47, %dma_start3A_80] : memref<10240x128xf32, #tpu.memory_space<vmem_shared>> -> memref<80x128xf32, #tpu.memory_space<vmem_shared>>
      %dma_start3A_82 = arith.constant 0 : i32
      %dma_start3A_83 = tpu.memref_slice %arg20[%add3A_47, %dma_start3A_82] : memref<10240x128xf32, #tpu.memory_space<vmem_shared>> -> memref<80x128xf32, #tpu.memory_space<vmem_shared>>
      tpu.enqueue_dma source(%arg8 : memref<80x128xf32, #tpu.memory_space<vmem>>) target(%dma_start3A_83 : memref<80x128xf32, #tpu.memory_space<vmem_shared>>) target_semaphore(%run_scoped3A_79 : memref<!tpu.dma_semaphore, #tpu.memory_space<semaphore_mem>>)
      %dma_wait3A = arith.constant 0 : i32
      %dma_wait3A_84 = tpu.memref_slice %arg20[%add3A_47, %dma_wait3A] : memref<10240x128xf32, #tpu.memory_space<vmem_shared>> -> memref<80x128xf32, #tpu.memory_space<vmem_shared>>
      %dma_wait3A_85 = arith.constant 0 : i32
      %dma_wait3A_86 = tpu.memref_slice %arg20[%add3A_47, %dma_wait3A_85] : memref<10240x128xf32, #tpu.memory_space<vmem_shared>> -> memref<80x128xf32, #tpu.memory_space<vmem_shared>>
      tpu.wait_dma2 semaphore(%run_scoped3A_79 : memref<!tpu.dma_semaphore, #tpu.memory_space<semaphore_mem>>) src(%arg8 : memref<80x128xf32, #tpu.memory_space<vmem>>) dst(%dma_wait3A_86 : memref<80x128xf32, #tpu.memory_space<vmem_shared>>)
      tpu.yield
    }) : () -> ()
    %mul3A_48 = arith.constant 640 : i32
    %mul3A_49 = arith.muli %arg1, %mul3A_48 : i32
    %add3A_50 = arith.constant 400 : i32
    %add3A_51 = arith.addi %mul3A_49, %add3A_50 : i32
    "tpu.region"() ({
      %run_scoped3A_79 = tpu.sem_alloc : memref<!tpu.dma_semaphore, #tpu.memory_space<semaphore_mem>>
      %dma_start3A_80 = arith.constant 0 : i32
      %dma_start3A_81 = tpu.memref_slice %arg20[%add3A_51, %dma_start3A_80] : memref<10240x128xf32, #tpu.memory_space<vmem_shared>> -> memref<80x128xf32, #tpu.memory_space<vmem_shared>>
      %dma_start3A_82 = arith.constant 0 : i32
      %dma_start3A_83 = tpu.memref_slice %arg20[%add3A_51, %dma_start3A_82] : memref<10240x128xf32, #tpu.memory_space<vmem_shared>> -> memref<80x128xf32, #tpu.memory_space<vmem_shared>>
      tpu.enqueue_dma source(%arg8 : memref<80x128xf32, #tpu.memory_space<vmem>>) target(%dma_start3A_83 : memref<80x128xf32, #tpu.memory_space<vmem_shared>>) target_semaphore(%run_scoped3A_79 : memref<!tpu.dma_semaphore, #tpu.memory_space<semaphore_mem>>)
      %dma_wait3A = arith.constant 0 : i32
      %dma_wait3A_84 = tpu.memref_slice %arg20[%add3A_51, %dma_wait3A] : memref<10240x128xf32, #tpu.memory_space<vmem_shared>> -> memref<80x128xf32, #tpu.memory_space<vmem_shared>>
      %dma_wait3A_85 = arith.constant 0 : i32
      %dma_wait3A_86 = tpu.memref_slice %arg20[%add3A_51, %dma_wait3A_85] : memref<10240x128xf32, #tpu.memory_space<vmem_shared>> -> memref<80x128xf32, #tpu.memory_space<vmem_shared>>
      tpu.wait_dma2 semaphore(%run_scoped3A_79 : memref<!tpu.dma_semaphore, #tpu.memory_space<semaphore_mem>>) src(%arg8 : memref<80x128xf32, #tpu.memory_space<vmem>>) dst(%dma_wait3A_86 : memref<80x128xf32, #tpu.memory_space<vmem_shared>>)
      tpu.yield
    }) : () -> ()
    %mul3A_52 = arith.constant 640 : i32
    %mul3A_53 = arith.muli %arg1, %mul3A_52 : i32
    %add3A_54 = arith.constant 480 : i32
    %add3A_55 = arith.addi %mul3A_53, %add3A_54 : i32
    "tpu.region"() ({
      %run_scoped3A_79 = tpu.sem_alloc : memref<!tpu.dma_semaphore, #tpu.memory_space<semaphore_mem>>
      %dma_start3A_80 = arith.constant 0 : i32
      %dma_start3A_81 = tpu.memref_slice %arg20[%add3A_55, %dma_start3A_80] : memref<10240x128xf32, #tpu.memory_space<vmem_shared>> -> memref<80x128xf32, #tpu.memory_space<vmem_shared>>
      %dma_start3A_82 = arith.constant 0 : i32
      %dma_start3A_83 = tpu.memref_slice %arg20[%add3A_55, %dma_start3A_82] : memref<10240x128xf32, #tpu.memory_space<vmem_shared>> -> memref<80x128xf32, #tpu.memory_space<vmem_shared>>
      tpu.enqueue_dma source(%arg8 : memref<80x128xf32, #tpu.memory_space<vmem>>) target(%dma_start3A_83 : memref<80x128xf32, #tpu.memory_space<vmem_shared>>) target_semaphore(%run_scoped3A_79 : memref<!tpu.dma_semaphore, #tpu.memory_space<semaphore_mem>>)
      %dma_wait3A = arith.constant 0 : i32
      %dma_wait3A_84 = tpu.memref_slice %arg20[%add3A_55, %dma_wait3A] : memref<10240x128xf32, #tpu.memory_space<vmem_shared>> -> memref<80x128xf32, #tpu.memory_space<vmem_shared>>
      %dma_wait3A_85 = arith.constant 0 : i32
      %dma_wait3A_86 = tpu.memref_slice %arg20[%add3A_55, %dma_wait3A_85] : memref<10240x128xf32, #tpu.memory_space<vmem_shared>> -> memref<80x128xf32, #tpu.memory_space<vmem_shared>>
      tpu.wait_dma2 semaphore(%run_scoped3A_79 : memref<!tpu.dma_semaphore, #tpu.memory_space<semaphore_mem>>) src(%arg8 : memref<80x128xf32, #tpu.memory_space<vmem>>) dst(%dma_wait3A_86 : memref<80x128xf32, #tpu.memory_space<vmem_shared>>)
      tpu.yield
    }) : () -> ()
    %mul3A_56 = arith.constant 640 : i32
    %mul3A_57 = arith.muli %arg1, %mul3A_56 : i32
    %add3A_58 = arith.constant 560 : i32
    %add3A_59 = arith.addi %mul3A_57, %add3A_58 : i32
    "tpu.region"() ({
      %run_scoped3A_79 = tpu.sem_alloc : memref<!tpu.dma_semaphore, #tpu.memory_space<semaphore_mem>>
      %dma_start3A_80 = arith.constant 0 : i32
      %dma_start3A_81 = tpu.memref_slice %arg20[%add3A_59, %dma_start3A_80] : memref<10240x128xf32, #tpu.memory_space<vmem_shared>> -> memref<80x128xf32, #tpu.memory_space<vmem_shared>>
      %dma_start3A_82 = arith.constant 0 : i32
      %dma_start3A_83 = tpu.memref_slice %arg20[%add3A_59, %dma_start3A_82] : memref<10240x128xf32, #tpu.memory_space<vmem_shared>> -> memref<80x128xf32, #tpu.memory_space<vmem_shared>>
      tpu.enqueue_dma source(%arg8 : memref<80x128xf32, #tpu.memory_space<vmem>>) target(%dma_start3A_83 : memref<80x128xf32, #tpu.memory_space<vmem_shared>>) target_semaphore(%run_scoped3A_79 : memref<!tpu.dma_semaphore, #tpu.memory_space<semaphore_mem>>)
      %dma_wait3A = arith.constant 0 : i32
      %dma_wait3A_84 = tpu.memref_slice %arg20[%add3A_59, %dma_wait3A] : memref<10240x128xf32, #tpu.memory_space<vmem_shared>> -> memref<80x128xf32, #tpu.memory_space<vmem_shared>>
      %dma_wait3A_85 = arith.constant 0 : i32
      %dma_wait3A_86 = tpu.memref_slice %arg20[%add3A_59, %dma_wait3A_85] : memref<10240x128xf32, #tpu.memory_space<vmem_shared>> -> memref<80x128xf32, #tpu.memory_space<vmem_shared>>
      tpu.wait_dma2 semaphore(%run_scoped3A_79 : memref<!tpu.dma_semaphore, #tpu.memory_space<semaphore_mem>>) src(%arg8 : memref<80x128xf32, #tpu.memory_space<vmem>>) dst(%dma_wait3A_86 : memref<80x128xf32, #tpu.memory_space<vmem_shared>>)
      tpu.yield
    }) : () -> ()
    %dma_start3A_60 = arith.constant 0 : i32
    %dma_start3A_61 = arith.constant 0 : i32
    %dma_start3A_62 = tpu.memref_slice %arg6[%dma_start3A_60, %dma_start3A_61] : memref<25x80xi32, #tpu.memory_space<vmem>> -> memref<1x80xi32, #tpu.memory_space<vmem>>
    %dma_start3A_63 = tpu.memref_squeeze %dma_start3A_62 : memref<1x80xi32, #tpu.memory_space<vmem>> -> memref<80xi32, #tpu.memory_space<vmem>>
    %dma_start3A_64 = arith.constant 0 : i32
    %dma_start3A_65 = arith.constant 0 : i32
    %dma_start3A_66 = tpu.memref_slice %arg2[%dma_start3A_64, %dma_start3A_65] : memref<10000x128xf32, #tpu.memory_space<hbm>> -> memref<10000x128xf32, #tpu.memory_space<hbm>>
    tpu.enqueue_indirect_dma source(%dma_start3A_66 : memref<10000x128xf32, #tpu.memory_space<hbm>>) target(%arg8 : memref<80x128xf32, #tpu.memory_space<vmem>>) offsets(%dma_start3A_63 : memref<80xi32, #tpu.memory_space<vmem>>) semaphore(%arg12 : memref<!tpu.dma_semaphore, #tpu.memory_space<semaphore_mem>>)
    %barrier3A = arith.constant 0 : index
    tpu.barrier barrier_id(%barrier3A)
    %scan3A_67 = arith.constant 0 : i32
    %scan3A_68 = arith.constant 0 : i32
    %scan3A_69 = arith.constant 5 : i32
    %scan3A_70 = arith.addi %scan3A_68, %scan3A_69 : i32
    %scan3A_71 = arith.constant 1 : i32
    %scan3A_72 = scf.for %scan3A_79 = %scan3A_68 to %scan3A_70 step %scan3A_71 iter_args(%scan3A_80 = %scan3A_67) -> (i32)  : i32 {
      %gt3A = arith.constant 0 : i32
      %gt3A_81 = arith.cmpi sgt, %scan3A_79, %gt3A : i32
      %convert_element_type3A = arith.extui %gt3A_81 : i1 to i32
      %cond3A = arith.constant 0 : i32
      %cond3A_82 = arith.cmpi ne, %convert_element_type3A, %cond3A : i32
      scf.if %cond3A_82 {
        "tpu.region"() ({
          %run_scoped3A_125 = tpu.sem_alloc : memref<!tpu.dma_semaphore, #tpu.memory_space<semaphore_mem>>
          %dma_start3A_126 = arith.constant 0 : i32
          %dma_start3A_127 = arith.constant 0 : i32
          %dma_start3A_128 = tpu.memref_slice %arg3[%add3A, %scan3A_79, %dma_start3A_126, %dma_start3A_127] : memref<32x5x25x80xi32, #tpu.memory_space<hbm>> -> memref<1x1x25x80xi32, #tpu.memory_space<hbm>>
          %dma_start3A_129 = tpu.memref_squeeze %dma_start3A_128 : memref<1x1x25x80xi32, #tpu.memory_space<hbm>> -> memref<25x80xi32, #tpu.memory_space<hbm>>
          %dma_start3A_130 = arith.constant 0 : i32
          %dma_start3A_131 = arith.constant 0 : i32
          %dma_start3A_132 = tpu.memref_slice %arg3[%add3A, %scan3A_79, %dma_start3A_130, %dma_start3A_131] : memref<32x5x25x80xi32, #tpu.memory_space<hbm>> -> memref<1x1x25x80xi32, #tpu.memory_space<hbm>>
          %dma_start3A_133 = tpu.memref_squeeze %dma_start3A_132 : memref<1x1x25x80xi32, #tpu.memory_space<hbm>> -> memref<25x80xi32, #tpu.memory_space<hbm>>
          tpu.enqueue_dma source(%dma_start3A_133 : memref<25x80xi32, #tpu.memory_space<hbm>>) target(%arg6 : memref<25x80xi32, #tpu.memory_space<vmem>>) target_semaphore(%run_scoped3A_125 : memref<!tpu.dma_semaphore, #tpu.memory_space<semaphore_mem>>)
          %dma_wait3A_134 = arith.constant 0 : i32
          %dma_wait3A_135 = arith.constant 0 : i32
          %dma_wait3A_136 = tpu.memref_slice %arg3[%add3A, %scan3A_79, %dma_wait3A_134, %dma_wait3A_135] : memref<32x5x25x80xi32, #tpu.memory_space<hbm>> -> memref<1x1x25x80xi32, #tpu.memory_space<hbm>>
          %dma_wait3A_137 = tpu.memref_squeeze %dma_wait3A_136 : memref<1x1x25x80xi32, #tpu.memory_space<hbm>> -> memref<25x80xi32, #tpu.memory_space<hbm>>
          %dma_wait3A_138 = arith.constant 0 : i32
          %dma_wait3A_139 = arith.constant 0 : i32
          %dma_wait3A_140 = tpu.memref_slice %arg3[%add3A, %scan3A_79, %dma_wait3A_138, %dma_wait3A_139] : memref<32x5x25x80xi32, #tpu.memory_space<hbm>> -> memref<1x1x25x80xi32, #tpu.memory_space<hbm>>
          %dma_wait3A_141 = tpu.memref_squeeze %dma_wait3A_140 : memref<1x1x25x80xi32, #tpu.memory_space<hbm>> -> memref<25x80xi32, #tpu.memory_space<hbm>>
          tpu.wait_dma2 semaphore(%run_scoped3A_125 : memref<!tpu.dma_semaphore, #tpu.memory_space<semaphore_mem>>) src(%dma_wait3A_141 : memref<25x80xi32, #tpu.memory_space<hbm>>) dst(%arg6 : memref<25x80xi32, #tpu.memory_space<vmem>>)
          tpu.yield
        }) : () -> ()
        "tpu.region"() ({
          %run_scoped3A_125 = tpu.sem_alloc : memref<!tpu.dma_semaphore, #tpu.memory_space<semaphore_mem>>
          %dma_start3A_126 = arith.constant 0 : i32
          %dma_start3A_127 = arith.constant 0 : i32
          %dma_start3A_128 = tpu.memref_slice %arg4[%add3A, %scan3A_79, %dma_start3A_126, %dma_start3A_127] : memref<32x5x25x80xi32, #tpu.memory_space<hbm>> -> memref<1x1x25x80xi32, #tpu.memory_space<hbm>>
          %dma_start3A_129 = tpu.memref_squeeze %dma_start3A_128 : memref<1x1x25x80xi32, #tpu.memory_space<hbm>> -> memref<25x80xi32, #tpu.memory_space<hbm>>
          %dma_start3A_130 = arith.constant 0 : i32
          %dma_start3A_131 = arith.constant 0 : i32
          %dma_start3A_132 = tpu.memref_slice %arg4[%add3A, %scan3A_79, %dma_start3A_130, %dma_start3A_131] : memref<32x5x25x80xi32, #tpu.memory_space<hbm>> -> memref<1x1x25x80xi32, #tpu.memory_space<hbm>>
          %dma_start3A_133 = tpu.memref_squeeze %dma_start3A_132 : memref<1x1x25x80xi32, #tpu.memory_space<hbm>> -> memref<25x80xi32, #tpu.memory_space<hbm>>
          tpu.enqueue_dma source(%dma_start3A_133 : memref<25x80xi32, #tpu.memory_space<hbm>>) target(%arg7 : memref<25x80xi32, #tpu.memory_space<vmem>>) target_semaphore(%run_scoped3A_125 : memref<!tpu.dma_semaphore, #tpu.memory_space<semaphore_mem>>)
          %dma_wait3A_134 = arith.constant 0 : i32
          %dma_wait3A_135 = arith.constant 0 : i32
          %dma_wait3A_136 = tpu.memref_slice %arg4[%add3A, %scan3A_79, %dma_wait3A_134, %dma_wait3A_135] : memref<32x5x25x80xi32, #tpu.memory_space<hbm>> -> memref<1x1x25x80xi32, #tpu.memory_space<hbm>>
          %dma_wait3A_137 = tpu.memref_squeeze %dma_wait3A_136 : memref<1x1x25x80xi32, #tpu.memory_space<hbm>> -> memref<25x80xi32, #tpu.memory_space<hbm>>
          %dma_wait3A_138 = arith.constant 0 : i32
          %dma_wait3A_139 = arith.constant 0 : i32
          %dma_wait3A_140 = tpu.memref_slice %arg4[%add3A, %scan3A_79, %dma_wait3A_138, %dma_wait3A_139] : memref<32x5x25x80xi32, #tpu.memory_space<hbm>> -> memref<1x1x25x80xi32, #tpu.memory_space<hbm>>
          %dma_wait3A_141 = tpu.memref_squeeze %dma_wait3A_140 : memref<1x1x25x80xi32, #tpu.memory_space<hbm>> -> memref<25x80xi32, #tpu.memory_space<hbm>>
          tpu.wait_dma2 semaphore(%run_scoped3A_125 : memref<!tpu.dma_semaphore, #tpu.memory_space<semaphore_mem>>) src(%dma_wait3A_141 : memref<25x80xi32, #tpu.memory_space<hbm>>) dst(%arg7 : memref<25x80xi32, #tpu.memory_space<vmem>>)
          tpu.yield
        }) : () -> ()
        %dma_start3A_97 = arith.constant 0 : i32
        %dma_start3A_98 = arith.constant 0 : i32
        %dma_start3A_99 = tpu.memref_slice %arg6[%dma_start3A_97, %dma_start3A_98] : memref<25x80xi32, #tpu.memory_space<vmem>> -> memref<1x80xi32, #tpu.memory_space<vmem>>
        %dma_start3A_100 = tpu.memref_squeeze %dma_start3A_99 : memref<1x80xi32, #tpu.memory_space<vmem>> -> memref<80xi32, #tpu.memory_space<vmem>>
        %dma_start3A_101 = arith.constant 0 : i32
        %dma_start3A_102 = arith.constant 0 : i32
        %dma_start3A_103 = tpu.memref_slice %arg2[%dma_start3A_101, %dma_start3A_102] : memref<10000x128xf32, #tpu.memory_space<hbm>> -> memref<10000x128xf32, #tpu.memory_space<hbm>>
        tpu.enqueue_indirect_dma source(%dma_start3A_103 : memref<10000x128xf32, #tpu.memory_space<hbm>>) target(%arg8 : memref<80x128xf32, #tpu.memory_space<vmem>>) offsets(%dma_start3A_100 : memref<80xi32, #tpu.memory_space<vmem>>) semaphore(%arg12 : memref<!tpu.dma_semaphore, #tpu.memory_space<semaphore_mem>>)
        %dma_start3A_104 = arith.constant 1 : i32
        %dma_start3A_105 = arith.constant 0 : i32
        %dma_start3A_106 = tpu.memref_slice %arg6[%dma_start3A_104, %dma_start3A_105] : memref<25x80xi32, #tpu.memory_space<vmem>> -> memref<1x80xi32, #tpu.memory_space<vmem>>
        %dma_start3A_107 = tpu.memref_squeeze %dma_start3A_106 : memref<1x80xi32, #tpu.memory_space<vmem>> -> memref<80xi32, #tpu.memory_space<vmem>>
        %dma_start3A_108 = arith.constant 0 : i32
        %dma_start3A_109 = arith.constant 0 : i32
        %dma_start3A_110 = tpu.memref_slice %arg2[%dma_start3A_108, %dma_start3A_109] : memref<10000x128xf32, #tpu.memory_space<hbm>> -> memref<10000x128xf32, #tpu.memory_space<hbm>>
        tpu.enqueue_indirect_dma source(%dma_start3A_110 : memref<10000x128xf32, #tpu.memory_space<hbm>>) target(%arg9 : memref<80x128xf32, #tpu.memory_space<vmem>>) offsets(%dma_start3A_107 : memref<80xi32, #tpu.memory_space<vmem>>) semaphore(%arg13 : memref<!tpu.dma_semaphore, #tpu.memory_space<semaphore_mem>>)
        %dma_start3A_111 = arith.constant 2 : i32
        %dma_start3A_112 = arith.constant 0 : i32
        %dma_start3A_113 = tpu.memref_slice %arg6[%dma_start3A_111, %dma_start3A_112] : memref<25x80xi32, #tpu.memory_space<vmem>> -> memref<1x80xi32, #tpu.memory_space<vmem>>
        %dma_start3A_114 = tpu.memref_squeeze %dma_start3A_113 : memref<1x80xi32, #tpu.memory_space<vmem>> -> memref<80xi32, #tpu.memory_space<vmem>>
        %dma_start3A_115 = arith.constant 0 : i32
        %dma_start3A_116 = arith.constant 0 : i32
        %dma_start3A_117 = tpu.memref_slice %arg2[%dma_start3A_115, %dma_start3A_116] : memref<10000x128xf32, #tpu.memory_space<hbm>> -> memref<10000x128xf32, #tpu.memory_space<hbm>>
        tpu.enqueue_indirect_dma source(%dma_start3A_117 : memref<10000x128xf32, #tpu.memory_space<hbm>>) target(%arg10 : memref<80x128xf32, #tpu.memory_space<vmem>>) offsets(%dma_start3A_114 : memref<80xi32, #tpu.memory_space<vmem>>) semaphore(%arg14 : memref<!tpu.dma_semaphore, #tpu.memory_space<semaphore_mem>>)
        %dma_start3A_118 = arith.constant 3 : i32
        %dma_start3A_119 = arith.constant 0 : i32
        %dma_start3A_120 = tpu.memref_slice %arg6[%dma_start3A_118, %dma_start3A_119] : memref<25x80xi32, #tpu.memory_space<vmem>> -> memref<1x80xi32, #tpu.memory_space<vmem>>
        %dma_start3A_121 = tpu.memref_squeeze %dma_start3A_120 : memref<1x80xi32, #tpu.memory_space<vmem>> -> memref<80xi32, #tpu.memory_space<vmem>>
        %dma_start3A_122 = arith.constant 0 : i32
        %dma_start3A_123 = arith.constant 0 : i32
        %dma_start3A_124 = tpu.memref_slice %arg2[%dma_start3A_122, %dma_start3A_123] : memref<10000x128xf32, #tpu.memory_space<hbm>> -> memref<10000x128xf32, #tpu.memory_space<hbm>>
        tpu.enqueue_indirect_dma source(%dma_start3A_124 : memref<10000x128xf32, #tpu.memory_space<hbm>>) target(%arg11 : memref<80x128xf32, #tpu.memory_space<vmem>>) offsets(%dma_start3A_121 : memref<80xi32, #tpu.memory_space<vmem>>) semaphore(%arg15 : memref<!tpu.dma_semaphore, #tpu.memory_space<semaphore_mem>>)
      } else {
      }
      %scan3A_83 = arith.constant 0 : i32
      %scan3A_84 = arith.constant 0 : i32
      %scan3A_85 = arith.constant 25 : i32
      %scan3A_86 = arith.addi %scan3A_84, %scan3A_85 : i32
      %scan3A_87 = arith.constant 1 : i32
      %scan3A_88 = scf.for %scan3A_97 = %scan3A_84 to %scan3A_86 step %scan3A_87 iter_args(%scan3A_98 = %scan3A_83) -> (i32)  : i32 {
        %ge3A = arith.constant 1 : i32
        %ge3A_99 = arith.cmpi sge, %scan3A_97, %ge3A : i32
        %convert_element_type3A_100 = arith.extui %ge3A_99 : i1 to i32
        %cond3A_101 = arith.constant 0 : i32
        %cond3A_102 = arith.cmpi ne, %convert_element_type3A_100, %cond3A_101 : i32
        scf.if %cond3A_102 {
          %sub3A = arith.constant 1 : i32
          %sub3A_181 = arith.subi %scan3A_97, %sub3A : i32
          %jit3A_182 = arith.constant 4 : i32
          %eq3A_183 = arith.constant 0 : i32
          %eq3A_184 = arith.cmpi eq, %jit3A_182, %eq3A_183 : i32
          %jit3A_185 = arith.constant 1 : i32
          %select_n3A_186 = arith.select %eq3A_184, %jit3A_185, %jit3A_182 : i32
          %rem3A_187 = arith.remsi %sub3A_181, %select_n3A_186 : i32
          %ne3A_188 = arith.constant 0 : i32
          %ne3A_189 = arith.cmpi ne, %rem3A_187, %ne3A_188 : i32
          %lt3A_190 = arith.constant 0 : i32
          %lt3A_191 = arith.cmpi slt, %rem3A_187, %lt3A_190 : i32
          %lt3A_192 = arith.constant 0 : i32
          %lt3A_193 = arith.cmpi slt, %select_n3A_186, %lt3A_192 : i32
          %ne3A_194 = arith.xori %lt3A_191, %lt3A_193 : i1
          %and3A_195 = arith.andi %ne3A_194, %ne3A_189 : i1
          %add3A_196 = arith.addi %rem3A_187, %select_n3A_186 : i32
          %select_n3A_197 = arith.select %and3A_195, %add3A_196, %rem3A_187 : i32
          %eq3A_198 = arith.constant 0 : i32
          %eq3A_199 = arith.cmpi eq, %select_n3A_197, %eq3A_198 : i32
          %convert_element_type3A_200 = arith.extui %eq3A_199 : i1 to i32
          %cond3A_201 = arith.constant 0 : i32
          %cond3A_202 = arith.cmpi ne, %convert_element_type3A_200, %cond3A_201 : i32
          scf.if %cond3A_202 {
            %sub3A_272 = arith.constant 1 : i32
            %sub3A_273 = arith.subi %scan3A_97, %sub3A_272 : i32
            %dma_wait3A_274 = arith.constant 0 : i32
            %dma_wait3A_275 = tpu.memref_slice %arg7[%sub3A_273, %dma_wait3A_274] : memref<25x80xi32, #tpu.memory_space<vmem>> -> memref<1x80xi32, #tpu.memory_space<vmem>>
            %dma_wait3A_276 = tpu.memref_squeeze %dma_wait3A_275 : memref<1x80xi32, #tpu.memory_space<vmem>> -> memref<80xi32, #tpu.memory_space<vmem>>
            %dma_wait3A_277 = arith.constant 0 : i32
            %dma_wait3A_278 = arith.constant 0 : i32
            %dma_wait3A_279 = tpu.memref_slice %arg20[%dma_wait3A_277, %dma_wait3A_278] : memref<10240x128xf32, #tpu.memory_space<vmem_shared>> -> memref<10240x128xf32, #tpu.memory_space<vmem_shared>>
            tpu.wait_indirect_dma semaphore(%arg16 : memref<!tpu.dma_semaphore, #tpu.memory_space<semaphore_mem>>) src(%arg8 : memref<80x128xf32, #tpu.memory_space<vmem>>) dst(%dma_wait3A_279 : memref<10240x128xf32, #tpu.memory_space<vmem_shared>>)
            %add3A_280 = arith.constant 4 : i32
            %add3A_281 = arith.addi %scan3A_97, %add3A_280 : i32
            %sub3A_282 = arith.constant 1 : i32
            %sub3A_283 = arith.subi %add3A_281, %sub3A_282 : i32
            %lt3A_284 = arith.constant 25 : i32
            %lt3A_285 = arith.cmpi slt, %sub3A_283, %lt3A_284 : i32
            %convert_element_type3A_286 = arith.extui %lt3A_285 : i1 to i32
            %cond3A_287 = arith.constant 0 : i32
            %cond3A_288 = arith.cmpi ne, %convert_element_type3A_286, %cond3A_287 : i32
            scf.if %cond3A_288 {
              %add3A_289 = arith.constant 4 : i32
              %add3A_290 = arith.addi %scan3A_97, %add3A_289 : i32
              %sub3A_291 = arith.constant 1 : i32
              %sub3A_292 = arith.subi %add3A_290, %sub3A_291 : i32
              %dma_start3A_293 = arith.constant 0 : i32
              %dma_start3A_294 = tpu.memref_slice %arg6[%sub3A_292, %dma_start3A_293] : memref<25x80xi32, #tpu.memory_space<vmem>> -> memref<1x80xi32, #tpu.memory_space<vmem>>
              %dma_start3A_295 = tpu.memref_squeeze %dma_start3A_294 : memref<1x80xi32, #tpu.memory_space<vmem>> -> memref<80xi32, #tpu.memory_space<vmem>>
              %dma_start3A_296 = arith.constant 0 : i32
              %dma_start3A_297 = arith.constant 0 : i32
              %dma_start3A_298 = tpu.memref_slice %arg2[%dma_start3A_296, %dma_start3A_297] : memref<10000x128xf32, #tpu.memory_space<hbm>> -> memref<10000x128xf32, #tpu.memory_space<hbm>>
              tpu.enqueue_indirect_dma source(%dma_start3A_298 : memref<10000x128xf32, #tpu.memory_space<hbm>>) target(%arg8 : memref<80x128xf32, #tpu.memory_space<vmem>>) offsets(%dma_start3A_295 : memref<80xi32, #tpu.memory_space<vmem>>) semaphore(%arg12 : memref<!tpu.dma_semaphore, #tpu.memory_space<semaphore_mem>>)
            } else {
            }
          } else {
          }
          %sub3A_203 = arith.constant 1 : i32
          %sub3A_204 = arith.subi %scan3A_97, %sub3A_203 : i32
          %jit3A_205 = arith.constant 4 : i32
          %eq3A_206 = arith.constant 0 : i32
          %eq3A_207 = arith.cmpi eq, %jit3A_205, %eq3A_206 : i32
          %jit3A_208 = arith.constant 1 : i32
          %select_n3A_209 = arith.select %eq3A_207, %jit3A_208, %jit3A_205 : i32
          %rem3A_210 = arith.remsi %sub3A_204, %select_n3A_209 : i32
          %ne3A_211 = arith.constant 0 : i32
          %ne3A_212 = arith.cmpi ne, %rem3A_210, %ne3A_211 : i32
          %lt3A_213 = arith.constant 0 : i32
          %lt3A_214 = arith.cmpi slt, %rem3A_210, %lt3A_213 : i32
          %lt3A_215 = arith.constant 0 : i32
          %lt3A_216 = arith.cmpi slt, %select_n3A_209, %lt3A_215 : i32
          %ne3A_217 = arith.xori %lt3A_214, %lt3A_216 : i1
          %and3A_218 = arith.andi %ne3A_217, %ne3A_212 : i1
          %add3A_219 = arith.addi %rem3A_210, %select_n3A_209 : i32
          %select_n3A_220 = arith.select %and3A_218, %add3A_219, %rem3A_210 : i32
          %eq3A_221 = arith.constant 1 : i32
          %eq3A_222 = arith.cmpi eq, %select_n3A_220, %eq3A_221 : i32
          %convert_element_type3A_223 = arith.extui %eq3A_222 : i1 to i32
          %cond3A_224 = arith.constant 0 : i32
          %cond3A_225 = arith.cmpi ne, %convert_element_type3A_223, %cond3A_224 : i32
          scf.if %cond3A_225 {
            %sub3A_272 = arith.constant 1 : i32
            %sub3A_273 = arith.subi %scan3A_97, %sub3A_272 : i32
            %dma_wait3A_274 = arith.constant 0 : i32
            %dma_wait3A_275 = tpu.memref_slice %arg7[%sub3A_273, %dma_wait3A_274] : memref<25x80xi32, #tpu.memory_space<vmem>> -> memref<1x80xi32, #tpu.memory_space<vmem>>
            %dma_wait3A_276 = tpu.memref_squeeze %dma_wait3A_275 : memref<1x80xi32, #tpu.memory_space<vmem>> -> memref<80xi32, #tpu.memory_space<vmem>>
            %dma_wait3A_277 = arith.constant 0 : i32
            %dma_wait3A_278 = arith.constant 0 : i32
            %dma_wait3A_279 = tpu.memref_slice %arg20[%dma_wait3A_277, %dma_wait3A_278] : memref<10240x128xf32, #tpu.memory_space<vmem_shared>> -> memref<10240x128xf32, #tpu.memory_space<vmem_shared>>
            tpu.wait_indirect_dma semaphore(%arg17 : memref<!tpu.dma_semaphore, #tpu.memory_space<semaphore_mem>>) src(%arg9 : memref<80x128xf32, #tpu.memory_space<vmem>>) dst(%dma_wait3A_279 : memref<10240x128xf32, #tpu.memory_space<vmem_shared>>)
            %add3A_280 = arith.constant 4 : i32
            %add3A_281 = arith.addi %scan3A_97, %add3A_280 : i32
            %sub3A_282 = arith.constant 1 : i32
            %sub3A_283 = arith.subi %add3A_281, %sub3A_282 : i32
            %lt3A_284 = arith.constant 25 : i32
            %lt3A_285 = arith.cmpi slt, %sub3A_283, %lt3A_284 : i32
            %convert_element_type3A_286 = arith.extui %lt3A_285 : i1 to i32
            %cond3A_287 = arith.constant 0 : i32
            %cond3A_288 = arith.cmpi ne, %convert_element_type3A_286, %cond3A_287 : i32
            scf.if %cond3A_288 {
              %add3A_289 = arith.constant 4 : i32
              %add3A_290 = arith.addi %scan3A_97, %add3A_289 : i32
              %sub3A_291 = arith.constant 1 : i32
              %sub3A_292 = arith.subi %add3A_290, %sub3A_291 : i32
              %dma_start3A_293 = arith.constant 0 : i32
              %dma_start3A_294 = tpu.memref_slice %arg6[%sub3A_292, %dma_start3A_293] : memref<25x80xi32, #tpu.memory_space<vmem>> -> memref<1x80xi32, #tpu.memory_space<vmem>>
              %dma_start3A_295 = tpu.memref_squeeze %dma_start3A_294 : memref<1x80xi32, #tpu.memory_space<vmem>> -> memref<80xi32, #tpu.memory_space<vmem>>
              %dma_start3A_296 = arith.constant 0 : i32
              %dma_start3A_297 = arith.constant 0 : i32
              %dma_start3A_298 = tpu.memref_slice %arg2[%dma_start3A_296, %dma_start3A_297] : memref<10000x128xf32, #tpu.memory_space<hbm>> -> memref<10000x128xf32, #tpu.memory_space<hbm>>
              tpu.enqueue_indirect_dma source(%dma_start3A_298 : memref<10000x128xf32, #tpu.memory_space<hbm>>) target(%arg9 : memref<80x128xf32, #tpu.memory_space<vmem>>) offsets(%dma_start3A_295 : memref<80xi32, #tpu.memory_space<vmem>>) semaphore(%arg13 : memref<!tpu.dma_semaphore, #tpu.memory_space<semaphore_mem>>)
            } else {
            }
          } else {
          }
          %sub3A_226 = arith.constant 1 : i32
          %sub3A_227 = arith.subi %scan3A_97, %sub3A_226 : i32
          %jit3A_228 = arith.constant 4 : i32
          %eq3A_229 = arith.constant 0 : i32
          %eq3A_230 = arith.cmpi eq, %jit3A_228, %eq3A_229 : i32
          %jit3A_231 = arith.constant 1 : i32
          %select_n3A_232 = arith.select %eq3A_230, %jit3A_231, %jit3A_228 : i32
          %rem3A_233 = arith.remsi %sub3A_227, %select_n3A_232 : i32
          %ne3A_234 = arith.constant 0 : i32
          %ne3A_235 = arith.cmpi ne, %rem3A_233, %ne3A_234 : i32
          %lt3A_236 = arith.constant 0 : i32
          %lt3A_237 = arith.cmpi slt, %rem3A_233, %lt3A_236 : i32
          %lt3A_238 = arith.constant 0 : i32
          %lt3A_239 = arith.cmpi slt, %select_n3A_232, %lt3A_238 : i32
          %ne3A_240 = arith.xori %lt3A_237, %lt3A_239 : i1
          %and3A_241 = arith.andi %ne3A_240, %ne3A_235 : i1
          %add3A_242 = arith.addi %rem3A_233, %select_n3A_232 : i32
          %select_n3A_243 = arith.select %and3A_241, %add3A_242, %rem3A_233 : i32
          %eq3A_244 = arith.constant 2 : i32
          %eq3A_245 = arith.cmpi eq, %select_n3A_243, %eq3A_244 : i32
          %convert_element_type3A_246 = arith.extui %eq3A_245 : i1 to i32
          %cond3A_247 = arith.constant 0 : i32
          %cond3A_248 = arith.cmpi ne, %convert_element_type3A_246, %cond3A_247 : i32
          scf.if %cond3A_248 {
            %sub3A_272 = arith.constant 1 : i32
            %sub3A_273 = arith.subi %scan3A_97, %sub3A_272 : i32
            %dma_wait3A_274 = arith.constant 0 : i32
            %dma_wait3A_275 = tpu.memref_slice %arg7[%sub3A_273, %dma_wait3A_274] : memref<25x80xi32, #tpu.memory_space<vmem>> -> memref<1x80xi32, #tpu.memory_space<vmem>>
            %dma_wait3A_276 = tpu.memref_squeeze %dma_wait3A_275 : memref<1x80xi32, #tpu.memory_space<vmem>> -> memref<80xi32, #tpu.memory_space<vmem>>
            %dma_wait3A_277 = arith.constant 0 : i32
            %dma_wait3A_278 = arith.constant 0 : i32
            %dma_wait3A_279 = tpu.memref_slice %arg20[%dma_wait3A_277, %dma_wait3A_278] : memref<10240x128xf32, #tpu.memory_space<vmem_shared>> -> memref<10240x128xf32, #tpu.memory_space<vmem_shared>>
            tpu.wait_indirect_dma semaphore(%arg18 : memref<!tpu.dma_semaphore, #tpu.memory_space<semaphore_mem>>) src(%arg10 : memref<80x128xf32, #tpu.memory_space<vmem>>) dst(%dma_wait3A_279 : memref<10240x128xf32, #tpu.memory_space<vmem_shared>>)
            %add3A_280 = arith.constant 4 : i32
            %add3A_281 = arith.addi %scan3A_97, %add3A_280 : i32
            %sub3A_282 = arith.constant 1 : i32
            %sub3A_283 = arith.subi %add3A_281, %sub3A_282 : i32
            %lt3A_284 = arith.constant 25 : i32
            %lt3A_285 = arith.cmpi slt, %sub3A_283, %lt3A_284 : i32
            %convert_element_type3A_286 = arith.extui %lt3A_285 : i1 to i32
            %cond3A_287 = arith.constant 0 : i32
            %cond3A_288 = arith.cmpi ne, %convert_element_type3A_286, %cond3A_287 : i32
            scf.if %cond3A_288 {
              %add3A_289 = arith.constant 4 : i32
              %add3A_290 = arith.addi %scan3A_97, %add3A_289 : i32
              %sub3A_291 = arith.constant 1 : i32
              %sub3A_292 = arith.subi %add3A_290, %sub3A_291 : i32
              %dma_start3A_293 = arith.constant 0 : i32
              %dma_start3A_294 = tpu.memref_slice %arg6[%sub3A_292, %dma_start3A_293] : memref<25x80xi32, #tpu.memory_space<vmem>> -> memref<1x80xi32, #tpu.memory_space<vmem>>
              %dma_start3A_295 = tpu.memref_squeeze %dma_start3A_294 : memref<1x80xi32, #tpu.memory_space<vmem>> -> memref<80xi32, #tpu.memory_space<vmem>>
              %dma_start3A_296 = arith.constant 0 : i32
              %dma_start3A_297 = arith.constant 0 : i32
              %dma_start3A_298 = tpu.memref_slice %arg2[%dma_start3A_296, %dma_start3A_297] : memref<10000x128xf32, #tpu.memory_space<hbm>> -> memref<10000x128xf32, #tpu.memory_space<hbm>>
              tpu.enqueue_indirect_dma source(%dma_start3A_298 : memref<10000x128xf32, #tpu.memory_space<hbm>>) target(%arg10 : memref<80x128xf32, #tpu.memory_space<vmem>>) offsets(%dma_start3A_295 : memref<80xi32, #tpu.memory_space<vmem>>) semaphore(%arg14 : memref<!tpu.dma_semaphore, #tpu.memory_space<semaphore_mem>>)
            } else {
            }
          } else {
          }
          %sub3A_249 = arith.constant 1 : i32
          %sub3A_250 = arith.subi %scan3A_97, %sub3A_249 : i32
          %jit3A_251 = arith.constant 4 : i32
          %eq3A_252 = arith.constant 0 : i32
          %eq3A_253 = arith.cmpi eq, %jit3A_251, %eq3A_252 : i32
          %jit3A_254 = arith.constant 1 : i32
          %select_n3A_255 = arith.select %eq3A_253, %jit3A_254, %jit3A_251 : i32
          %rem3A_256 = arith.remsi %sub3A_250, %select_n3A_255 : i32
          %ne3A_257 = arith.constant 0 : i32
          %ne3A_258 = arith.cmpi ne, %rem3A_256, %ne3A_257 : i32
          %lt3A_259 = arith.constant 0 : i32
          %lt3A_260 = arith.cmpi slt, %rem3A_256, %lt3A_259 : i32
          %lt3A_261 = arith.constant 0 : i32
          %lt3A_262 = arith.cmpi slt, %select_n3A_255, %lt3A_261 : i32
          %ne3A_263 = arith.xori %lt3A_260, %lt3A_262 : i1
          %and3A_264 = arith.andi %ne3A_263, %ne3A_258 : i1
          %add3A_265 = arith.addi %rem3A_256, %select_n3A_255 : i32
          %select_n3A_266 = arith.select %and3A_264, %add3A_265, %rem3A_256 : i32
          %eq3A_267 = arith.constant 3 : i32
          %eq3A_268 = arith.cmpi eq, %select_n3A_266, %eq3A_267 : i32
          %convert_element_type3A_269 = arith.extui %eq3A_268 : i1 to i32
          %cond3A_270 = arith.constant 0 : i32
          %cond3A_271 = arith.cmpi ne, %convert_element_type3A_269, %cond3A_270 : i32
          scf.if %cond3A_271 {
            %sub3A_272 = arith.constant 1 : i32
            %sub3A_273 = arith.subi %scan3A_97, %sub3A_272 : i32
            %dma_wait3A_274 = arith.constant 0 : i32
            %dma_wait3A_275 = tpu.memref_slice %arg7[%sub3A_273, %dma_wait3A_274] : memref<25x80xi32, #tpu.memory_space<vmem>> -> memref<1x80xi32, #tpu.memory_space<vmem>>
            %dma_wait3A_276 = tpu.memref_squeeze %dma_wait3A_275 : memref<1x80xi32, #tpu.memory_space<vmem>> -> memref<80xi32, #tpu.memory_space<vmem>>
            %dma_wait3A_277 = arith.constant 0 : i32
            %dma_wait3A_278 = arith.constant 0 : i32
            %dma_wait3A_279 = tpu.memref_slice %arg20[%dma_wait3A_277, %dma_wait3A_278] : memref<10240x128xf32, #tpu.memory_space<vmem_shared>> -> memref<10240x128xf32, #tpu.memory_space<vmem_shared>>
            tpu.wait_indirect_dma semaphore(%arg19 : memref<!tpu.dma_semaphore, #tpu.memory_space<semaphore_mem>>) src(%arg11 : memref<80x128xf32, #tpu.memory_space<vmem>>) dst(%dma_wait3A_279 : memref<10240x128xf32, #tpu.memory_space<vmem_shared>>)
            %add3A_280 = arith.constant 4 : i32
            %add3A_281 = arith.addi %scan3A_97, %add3A_280 : i32
            %sub3A_282 = arith.constant 1 : i32
            %sub3A_283 = arith.subi %add3A_281, %sub3A_282 : i32
            %lt3A_284 = arith.constant 25 : i32
            %lt3A_285 = arith.cmpi slt, %sub3A_283, %lt3A_284 : i32
            %convert_element_type3A_286 = arith.extui %lt3A_285 : i1 to i32
            %cond3A_287 = arith.constant 0 : i32
            %cond3A_288 = arith.cmpi ne, %convert_element_type3A_286, %cond3A_287 : i32
            scf.if %cond3A_288 {
              %add3A_289 = arith.constant 4 : i32
              %add3A_290 = arith.addi %scan3A_97, %add3A_289 : i32
              %sub3A_291 = arith.constant 1 : i32
              %sub3A_292 = arith.subi %add3A_290, %sub3A_291 : i32
              %dma_start3A_293 = arith.constant 0 : i32
              %dma_start3A_294 = tpu.memref_slice %arg6[%sub3A_292, %dma_start3A_293] : memref<25x80xi32, #tpu.memory_space<vmem>> -> memref<1x80xi32, #tpu.memory_space<vmem>>
              %dma_start3A_295 = tpu.memref_squeeze %dma_start3A_294 : memref<1x80xi32, #tpu.memory_space<vmem>> -> memref<80xi32, #tpu.memory_space<vmem>>
              %dma_start3A_296 = arith.constant 0 : i32
              %dma_start3A_297 = arith.constant 0 : i32
              %dma_start3A_298 = tpu.memref_slice %arg2[%dma_start3A_296, %dma_start3A_297] : memref<10000x128xf32, #tpu.memory_space<hbm>> -> memref<10000x128xf32, #tpu.memory_space<hbm>>
              tpu.enqueue_indirect_dma source(%dma_start3A_298 : memref<10000x128xf32, #tpu.memory_space<hbm>>) target(%arg11 : memref<80x128xf32, #tpu.memory_space<vmem>>) offsets(%dma_start3A_295 : memref<80xi32, #tpu.memory_space<vmem>>) semaphore(%arg15 : memref<!tpu.dma_semaphore, #tpu.memory_space<semaphore_mem>>)
            } else {
            }
          } else {
          }
        } else {
        }
        %jit3A = arith.constant 4 : i32
        %eq3A = arith.constant 0 : i32
        %eq3A_103 = arith.cmpi eq, %jit3A, %eq3A : i32
        %jit3A_104 = arith.constant 1 : i32
        %select_n3A = arith.select %eq3A_103, %jit3A_104, %jit3A : i32
        %rem3A = arith.remsi %scan3A_97, %select_n3A : i32
        %ne3A = arith.constant 0 : i32
        %ne3A_105 = arith.cmpi ne, %rem3A, %ne3A : i32
        %lt3A = arith.constant 0 : i32
        %lt3A_106 = arith.cmpi slt, %rem3A, %lt3A : i32
        %lt3A_107 = arith.constant 0 : i32
        %lt3A_108 = arith.cmpi slt, %select_n3A, %lt3A_107 : i32
        %ne3A_109 = arith.xori %lt3A_106, %lt3A_108 : i1
        %and3A = arith.andi %ne3A_109, %ne3A_105 : i1
        %add3A_110 = arith.addi %rem3A, %select_n3A : i32
        %select_n3A_111 = arith.select %and3A, %add3A_110, %rem3A : i32
        %eq3A_112 = arith.constant 0 : i32
        %eq3A_113 = arith.cmpi eq, %select_n3A_111, %eq3A_112 : i32
        %convert_element_type3A_114 = arith.extui %eq3A_113 : i1 to i32
        %cond3A_115 = arith.constant 0 : i32
        %cond3A_116 = arith.cmpi ne, %convert_element_type3A_114, %cond3A_115 : i32
        scf.if %cond3A_116 {
          %dma_wait3A_181 = arith.constant 0 : i32
          %dma_wait3A_182 = tpu.memref_slice %arg6[%scan3A_97, %dma_wait3A_181] : memref<25x80xi32, #tpu.memory_space<vmem>> -> memref<1x80xi32, #tpu.memory_space<vmem>>
          %dma_wait3A_183 = tpu.memref_squeeze %dma_wait3A_182 : memref<1x80xi32, #tpu.memory_space<vmem>> -> memref<80xi32, #tpu.memory_space<vmem>>
          %dma_wait3A_184 = arith.constant 0 : i32
          %dma_wait3A_185 = arith.constant 0 : i32
          %dma_wait3A_186 = tpu.memref_slice %arg2[%dma_wait3A_184, %dma_wait3A_185] : memref<10000x128xf32, #tpu.memory_space<hbm>> -> memref<10000x128xf32, #tpu.memory_space<hbm>>
          tpu.wait_indirect_dma semaphore(%arg12 : memref<!tpu.dma_semaphore, #tpu.memory_space<semaphore_mem>>) src(%dma_wait3A_186 : memref<10000x128xf32, #tpu.memory_space<hbm>>) dst(%arg8 : memref<80x128xf32, #tpu.memory_space<vmem>>)
          %dma_start3A_187 = arith.constant 0 : i32
          %dma_start3A_188 = tpu.memref_slice %arg7[%scan3A_97, %dma_start3A_187] : memref<25x80xi32, #tpu.memory_space<vmem>> -> memref<1x80xi32, #tpu.memory_space<vmem>>
          %dma_start3A_189 = tpu.memref_squeeze %dma_start3A_188 : memref<1x80xi32, #tpu.memory_space<vmem>> -> memref<80xi32, #tpu.memory_space<vmem>>
          %dma_start3A_190 = arith.constant 0 : i32
          %dma_start3A_191 = arith.constant 0 : i32
          %dma_start3A_192 = tpu.memref_slice %arg20[%dma_start3A_190, %dma_start3A_191] : memref<10240x128xf32, #tpu.memory_space<vmem_shared>> -> memref<10240x128xf32, #tpu.memory_space<vmem_shared>>
          tpu.enqueue_indirect_dma source(%arg8 : memref<80x128xf32, #tpu.memory_space<vmem>>) target(%dma_start3A_192 : memref<10240x128xf32, #tpu.memory_space<vmem_shared>>) offsets(%dma_start3A_189 : memref<80xi32, #tpu.memory_space<vmem>>) semaphore(%arg16 : memref<!tpu.dma_semaphore, #tpu.memory_space<semaphore_mem>>) {add = true}
        } else {
        }
        %jit3A_117 = arith.constant 4 : i32
        %eq3A_118 = arith.constant 0 : i32
        %eq3A_119 = arith.cmpi eq, %jit3A_117, %eq3A_118 : i32
        %jit3A_120 = arith.constant 1 : i32
        %select_n3A_121 = arith.select %eq3A_119, %jit3A_120, %jit3A_117 : i32
        %rem3A_122 = arith.remsi %scan3A_97, %select_n3A_121 : i32
        %ne3A_123 = arith.constant 0 : i32
        %ne3A_124 = arith.cmpi ne, %rem3A_122, %ne3A_123 : i32
        %lt3A_125 = arith.constant 0 : i32
        %lt3A_126 = arith.cmpi slt, %rem3A_122, %lt3A_125 : i32
        %lt3A_127 = arith.constant 0 : i32
        %lt3A_128 = arith.cmpi slt, %select_n3A_121, %lt3A_127 : i32
        %ne3A_129 = arith.xori %lt3A_126, %lt3A_128 : i1
        %and3A_130 = arith.andi %ne3A_129, %ne3A_124 : i1
        %add3A_131 = arith.addi %rem3A_122, %select_n3A_121 : i32
        %select_n3A_132 = arith.select %and3A_130, %add3A_131, %rem3A_122 : i32
        %eq3A_133 = arith.constant 1 : i32
        %eq3A_134 = arith.cmpi eq, %select_n3A_132, %eq3A_133 : i32
        %convert_element_type3A_135 = arith.extui %eq3A_134 : i1 to i32
        %cond3A_136 = arith.constant 0 : i32
        %cond3A_137 = arith.cmpi ne, %convert_element_type3A_135, %cond3A_136 : i32
        scf.if %cond3A_137 {
          %dma_wait3A_181 = arith.constant 0 : i32
          %dma_wait3A_182 = tpu.memref_slice %arg6[%scan3A_97, %dma_wait3A_181] : memref<25x80xi32, #tpu.memory_space<vmem>> -> memref<1x80xi32, #tpu.memory_space<vmem>>
          %dma_wait3A_183 = tpu.memref_squeeze %dma_wait3A_182 : memref<1x80xi32, #tpu.memory_space<vmem>> -> memref<80xi32, #tpu.memory_space<vmem>>
          %dma_wait3A_184 = arith.constant 0 : i32
          %dma_wait3A_185 = arith.constant 0 : i32
          %dma_wait3A_186 = tpu.memref_slice %arg2[%dma_wait3A_184, %dma_wait3A_185] : memref<10000x128xf32, #tpu.memory_space<hbm>> -> memref<10000x128xf32, #tpu.memory_space<hbm>>
          tpu.wait_indirect_dma semaphore(%arg13 : memref<!tpu.dma_semaphore, #tpu.memory_space<semaphore_mem>>) src(%dma_wait3A_186 : memref<10000x128xf32, #tpu.memory_space<hbm>>) dst(%arg9 : memref<80x128xf32, #tpu.memory_space<vmem>>)
          %dma_start3A_187 = arith.constant 0 : i32
          %dma_start3A_188 = tpu.memref_slice %arg7[%scan3A_97, %dma_start3A_187] : memref<25x80xi32, #tpu.memory_space<vmem>> -> memref<1x80xi32, #tpu.memory_space<vmem>>
          %dma_start3A_189 = tpu.memref_squeeze %dma_start3A_188 : memref<1x80xi32, #tpu.memory_space<vmem>> -> memref<80xi32, #tpu.memory_space<vmem>>
          %dma_start3A_190 = arith.constant 0 : i32
          %dma_start3A_191 = arith.constant 0 : i32
          %dma_start3A_192 = tpu.memref_slice %arg20[%dma_start3A_190, %dma_start3A_191] : memref<10240x128xf32, #tpu.memory_space<vmem_shared>> -> memref<10240x128xf32, #tpu.memory_space<vmem_shared>>
          tpu.enqueue_indirect_dma source(%arg9 : memref<80x128xf32, #tpu.memory_space<vmem>>) target(%dma_start3A_192 : memref<10240x128xf32, #tpu.memory_space<vmem_shared>>) offsets(%dma_start3A_189 : memref<80xi32, #tpu.memory_space<vmem>>) semaphore(%arg17 : memref<!tpu.dma_semaphore, #tpu.memory_space<semaphore_mem>>) {add = true}
        } else {
        }
        %jit3A_138 = arith.constant 4 : i32
        %eq3A_139 = arith.constant 0 : i32
        %eq3A_140 = arith.cmpi eq, %jit3A_138, %eq3A_139 : i32
        %jit3A_141 = arith.constant 1 : i32
        %select_n3A_142 = arith.select %eq3A_140, %jit3A_141, %jit3A_138 : i32
        %rem3A_143 = arith.remsi %scan3A_97, %select_n3A_142 : i32
        %ne3A_144 = arith.constant 0 : i32
        %ne3A_145 = arith.cmpi ne, %rem3A_143, %ne3A_144 : i32
        %lt3A_146 = arith.constant 0 : i32
        %lt3A_147 = arith.cmpi slt, %rem3A_143, %lt3A_146 : i32
        %lt3A_148 = arith.constant 0 : i32
        %lt3A_149 = arith.cmpi slt, %select_n3A_142, %lt3A_148 : i32
        %ne3A_150 = arith.xori %lt3A_147, %lt3A_149 : i1
        %and3A_151 = arith.andi %ne3A_150, %ne3A_145 : i1
        %add3A_152 = arith.addi %rem3A_143, %select_n3A_142 : i32
        %select_n3A_153 = arith.select %and3A_151, %add3A_152, %rem3A_143 : i32
        %eq3A_154 = arith.constant 2 : i32
        %eq3A_155 = arith.cmpi eq, %select_n3A_153, %eq3A_154 : i32
        %convert_element_type3A_156 = arith.extui %eq3A_155 : i1 to i32
        %cond3A_157 = arith.constant 0 : i32
        %cond3A_158 = arith.cmpi ne, %convert_element_type3A_156, %cond3A_157 : i32
        scf.if %cond3A_158 {
          %dma_wait3A_181 = arith.constant 0 : i32
          %dma_wait3A_182 = tpu.memref_slice %arg6[%scan3A_97, %dma_wait3A_181] : memref<25x80xi32, #tpu.memory_space<vmem>> -> memref<1x80xi32, #tpu.memory_space<vmem>>
          %dma_wait3A_183 = tpu.memref_squeeze %dma_wait3A_182 : memref<1x80xi32, #tpu.memory_space<vmem>> -> memref<80xi32, #tpu.memory_space<vmem>>
          %dma_wait3A_184 = arith.constant 0 : i32
          %dma_wait3A_185 = arith.constant 0 : i32
          %dma_wait3A_186 = tpu.memref_slice %arg2[%dma_wait3A_184, %dma_wait3A_185] : memref<10000x128xf32, #tpu.memory_space<hbm>> -> memref<10000x128xf32, #tpu.memory_space<hbm>>
          tpu.wait_indirect_dma semaphore(%arg14 : memref<!tpu.dma_semaphore, #tpu.memory_space<semaphore_mem>>) src(%dma_wait3A_186 : memref<10000x128xf32, #tpu.memory_space<hbm>>) dst(%arg10 : memref<80x128xf32, #tpu.memory_space<vmem>>)
          %dma_start3A_187 = arith.constant 0 : i32
          %dma_start3A_188 = tpu.memref_slice %arg7[%scan3A_97, %dma_start3A_187] : memref<25x80xi32, #tpu.memory_space<vmem>> -> memref<1x80xi32, #tpu.memory_space<vmem>>
          %dma_start3A_189 = tpu.memref_squeeze %dma_start3A_188 : memref<1x80xi32, #tpu.memory_space<vmem>> -> memref<80xi32, #tpu.memory_space<vmem>>
          %dma_start3A_190 = arith.constant 0 : i32
          %dma_start3A_191 = arith.constant 0 : i32
          %dma_start3A_192 = tpu.memref_slice %arg20[%dma_start3A_190, %dma_start3A_191] : memref<10240x128xf32, #tpu.memory_space<vmem_shared>> -> memref<10240x128xf32, #tpu.memory_space<vmem_shared>>
          tpu.enqueue_indirect_dma source(%arg10 : memref<80x128xf32, #tpu.memory_space<vmem>>) target(%dma_start3A_192 : memref<10240x128xf32, #tpu.memory_space<vmem_shared>>) offsets(%dma_start3A_189 : memref<80xi32, #tpu.memory_space<vmem>>) semaphore(%arg18 : memref<!tpu.dma_semaphore, #tpu.memory_space<semaphore_mem>>) {add = true}
        } else {
        }
        %jit3A_159 = arith.constant 4 : i32
        %eq3A_160 = arith.constant 0 : i32
        %eq3A_161 = arith.cmpi eq, %jit3A_159, %eq3A_160 : i32
        %jit3A_162 = arith.constant 1 : i32
        %select_n3A_163 = arith.select %eq3A_161, %jit3A_162, %jit3A_159 : i32
        %rem3A_164 = arith.remsi %scan3A_97, %select_n3A_163 : i32
        %ne3A_165 = arith.constant 0 : i32
        %ne3A_166 = arith.cmpi ne, %rem3A_164, %ne3A_165 : i32
        %lt3A_167 = arith.constant 0 : i32
        %lt3A_168 = arith.cmpi slt, %rem3A_164, %lt3A_167 : i32
        %lt3A_169 = arith.constant 0 : i32
        %lt3A_170 = arith.cmpi slt, %select_n3A_163, %lt3A_169 : i32
        %ne3A_171 = arith.xori %lt3A_168, %lt3A_170 : i1
        %and3A_172 = arith.andi %ne3A_171, %ne3A_166 : i1
        %add3A_173 = arith.addi %rem3A_164, %select_n3A_163 : i32
        %select_n3A_174 = arith.select %and3A_172, %add3A_173, %rem3A_164 : i32
        %eq3A_175 = arith.constant 3 : i32
        %eq3A_176 = arith.cmpi eq, %select_n3A_174, %eq3A_175 : i32
        %convert_element_type3A_177 = arith.extui %eq3A_176 : i1 to i32
        %cond3A_178 = arith.constant 0 : i32
        %cond3A_179 = arith.cmpi ne, %convert_element_type3A_177, %cond3A_178 : i32
        scf.if %cond3A_179 {
          %dma_wait3A_181 = arith.constant 0 : i32
          %dma_wait3A_182 = tpu.memref_slice %arg6[%scan3A_97, %dma_wait3A_181] : memref<25x80xi32, #tpu.memory_space<vmem>> -> memref<1x80xi32, #tpu.memory_space<vmem>>
          %dma_wait3A_183 = tpu.memref_squeeze %dma_wait3A_182 : memref<1x80xi32, #tpu.memory_space<vmem>> -> memref<80xi32, #tpu.memory_space<vmem>>
          %dma_wait3A_184 = arith.constant 0 : i32
          %dma_wait3A_185 = arith.constant 0 : i32
          %dma_wait3A_186 = tpu.memref_slice %arg2[%dma_wait3A_184, %dma_wait3A_185] : memref<10000x128xf32, #tpu.memory_space<hbm>> -> memref<10000x128xf32, #tpu.memory_space<hbm>>
          tpu.wait_indirect_dma semaphore(%arg15 : memref<!tpu.dma_semaphore, #tpu.memory_space<semaphore_mem>>) src(%dma_wait3A_186 : memref<10000x128xf32, #tpu.memory_space<hbm>>) dst(%arg11 : memref<80x128xf32, #tpu.memory_space<vmem>>)
          %dma_start3A_187 = arith.constant 0 : i32
          %dma_start3A_188 = tpu.memref_slice %arg7[%scan3A_97, %dma_start3A_187] : memref<25x80xi32, #tpu.memory_space<vmem>> -> memref<1x80xi32, #tpu.memory_space<vmem>>
          %dma_start3A_189 = tpu.memref_squeeze %dma_start3A_188 : memref<1x80xi32, #tpu.memory_space<vmem>> -> memref<80xi32, #tpu.memory_space<vmem>>
          %dma_start3A_190 = arith.constant 0 : i32
          %dma_start3A_191 = arith.constant 0 : i32
          %dma_start3A_192 = tpu.memref_slice %arg20[%dma_start3A_190, %dma_start3A_191] : memref<10240x128xf32, #tpu.memory_space<vmem_shared>> -> memref<10240x128xf32, #tpu.memory_space<vmem_shared>>
          tpu.enqueue_indirect_dma source(%arg11 : memref<80x128xf32, #tpu.memory_space<vmem>>) target(%dma_start3A_192 : memref<10240x128xf32, #tpu.memory_space<vmem_shared>>) offsets(%dma_start3A_189 : memref<80xi32, #tpu.memory_space<vmem>>) semaphore(%arg19 : memref<!tpu.dma_semaphore, #tpu.memory_space<semaphore_mem>>) {add = true}
        } else {
        }
        %scan3A_180 = arith.constant 0 : i32
        scf.yield %scan3A_180 : i32
      }
      %scan3A_89 = arith.constant 25 : i32
      %dma_wait3A = arith.constant 24 : i32
      %dma_wait3A_90 = arith.constant 0 : i32
      %dma_wait3A_91 = tpu.memref_slice %arg7[%dma_wait3A, %dma_wait3A_90] : memref<25x80xi32, #tpu.memory_space<vmem>> -> memref<1x80xi32, #tpu.memory_space<vmem>>
      %dma_wait3A_92 = tpu.memref_squeeze %dma_wait3A_91 : memref<1x80xi32, #tpu.memory_space<vmem>> -> memref<80xi32, #tpu.memory_space<vmem>>
      %dma_wait3A_93 = arith.constant 0 : i32
      %dma_wait3A_94 = arith.constant 0 : i32
      %dma_wait3A_95 = tpu.memref_slice %arg20[%dma_wait3A_93, %dma_wait3A_94] : memref<10240x128xf32, #tpu.memory_space<vmem_shared>> -> memref<10240x128xf32, #tpu.memory_space<vmem_shared>>
      tpu.wait_indirect_dma semaphore(%arg16 : memref<!tpu.dma_semaphore, #tpu.memory_space<semaphore_mem>>) src(%arg8 : memref<80x128xf32, #tpu.memory_space<vmem>>) dst(%dma_wait3A_95 : memref<10240x128xf32, #tpu.memory_space<vmem_shared>>)
      %scan3A_96 = arith.constant 0 : i32
      scf.yield %scan3A_96 : i32
    }
    %scan3A_73 = arith.constant 5 : i32
    %barrier3A_74 = arith.constant 0 : index
    tpu.barrier barrier_id(%barrier3A_74)
    %mul3A_75 = arith.constant 640 : i32
    %mul3A_76 = arith.muli %arg1, %mul3A_75 : i32
    %mul3A_77 = arith.constant 640 : i32
    %mul3A_78 = arith.muli %arg1, %mul3A_77 : i32
    "tpu.region"() ({
      %run_scoped3A_79 = tpu.sem_alloc : memref<!tpu.dma_semaphore, #tpu.memory_space<semaphore_mem>>
      %dma_start3A_80 = arith.constant 0 : i32
      %dma_start3A_81 = tpu.memref_slice %arg5[%arg0, %mul3A_78, %dma_start3A_80] : memref<2x10240x128xf32, #tpu.memory_space<hbm>> -> memref<1x640x128xf32, #tpu.memory_space<hbm>>
      %dma_start3A_82 = tpu.memref_squeeze %dma_start3A_81 : memref<1x640x128xf32, #tpu.memory_space<hbm>> -> memref<640x128xf32, #tpu.memory_space<hbm>>
      %dma_start3A_83 = arith.constant 0 : i32
      %dma_start3A_84 = tpu.memref_slice %arg20[%mul3A_76, %dma_start3A_83] : memref<10240x128xf32, #tpu.memory_space<vmem_shared>> -> memref<640x128xf32, #tpu.memory_space<vmem_shared>>
      tpu.enqueue_dma source(%dma_start3A_84 : memref<640x128xf32, #tpu.memory_space<vmem_shared>>) target(%dma_start3A_82 : memref<640x128xf32, #tpu.memory_space<hbm>>) target_semaphore(%run_scoped3A_79 : memref<!tpu.dma_semaphore, #tpu.memory_space<semaphore_mem>>)
      %dma_wait3A = arith.constant 0 : i32
      %dma_wait3A_85 = tpu.memref_slice %arg5[%arg0, %mul3A_78, %dma_wait3A] : memref<2x10240x128xf32, #tpu.memory_space<hbm>> -> memref<1x640x128xf32, #tpu.memory_space<hbm>>
      %dma_wait3A_86 = tpu.memref_squeeze %dma_wait3A_85 : memref<1x640x128xf32, #tpu.memory_space<hbm>> -> memref<640x128xf32, #tpu.memory_space<hbm>>
      %dma_wait3A_87 = arith.constant 0 : i32
      %dma_wait3A_88 = tpu.memref_slice %arg20[%mul3A_76, %dma_wait3A_87] : memref<10240x128xf32, #tpu.memory_space<vmem_shared>> -> memref<640x128xf32, #tpu.memory_space<vmem_shared>>
      tpu.wait_dma2 semaphore(%run_scoped3A_79 : memref<!tpu.dma_semaphore, #tpu.memory_space<semaphore_mem>>) src(%dma_wait3A_88 : memref<640x128xf32, #tpu.memory_space<vmem_shared>>) dst(%dma_wait3A_86 : memref<640x128xf32, #tpu.memory_space<hbm>>)
      tpu.yield
    }) : () -> ()
    return
  }
}

#map = affine_map<(d0, d1) -> (0, 0)>
#map1 = affine_map<(d0, d1) -> (0, 0, 0, 0)>
#map2 = affine_map<(d0, d1) -> (0, 0, 0)>
module attributes {stable_mosaic.version = 14 : i64} {
  func.func @_sc_agg(%arg0: i32, %arg1: i32, %arg2: memref<10000x128xf32, #tpu.memory_space<hbm>>, %arg3: memref<32x5x25x80xi32, #tpu.memory_space<hbm>>, %arg4: memref<32x5x25x80xi32, #tpu.memory_space<hbm>>, %arg5: memref<2x10240x128xf32, #tpu.memory_space<hbm>>, %arg6: memref<25x80xi32, #tpu.memory_space<vmem>>, %arg7: memref<25x80xi32, #tpu.memory_space<vmem>>, %arg8: memref<80x128xf32, #tpu.memory_space<vmem>>, %arg9: memref<80x128xf32, #tpu.memory_space<vmem>>, %arg10: memref<80x128xf32, #tpu.memory_space<vmem>>, %arg11: memref<80x128xf32, #tpu.memory_space<vmem>>, %arg12: memref<!tpu.dma_semaphore, #tpu.memory_space<semaphore_mem>>, %arg13: memref<!tpu.dma_semaphore, #tpu.memory_space<semaphore_mem>>, %arg14: memref<!tpu.dma_semaphore, #tpu.memory_space<semaphore_mem>>, %arg15: memref<!tpu.dma_semaphore, #tpu.memory_space<semaphore_mem>>, %arg16: memref<!tpu.dma_semaphore, #tpu.memory_space<semaphore_mem>>, %arg17: memref<!tpu.dma_semaphore, #tpu.memory_space<semaphore_mem>>, %arg18: memref<!tpu.dma_semaphore, #tpu.memory_space<semaphore_mem>>, %arg19: memref<!tpu.dma_semaphore, #tpu.memory_space<semaphore_mem>>, %arg20: memref<10240x128xf32, #tpu.memory_space<vmem_shared>>) attributes {dimension_semantics = [#tpu.dimension_semantics<core_parallel>, #tpu.dimension_semantics<subcore_parallel>], iteration_bounds = array<i64: 2, 16>, scalar_prefetch = 0 : i64, scratch_operands = 15 : i64, tpu.core_type = #tpu.core_type<sc_vector_subcore>, window_params = [{transform_indices = #map}, {transform_indices = #map1}, {transform_indices = #map1}, {transform_indices = #map2}]} {
    %mul3A = arith.constant 16 : i32
    %mul3A_0 = arith.muli %arg0, %mul3A : i32
    %add3A = arith.addi %mul3A_0, %arg1 : i32
    %run_scoped3A = arith.constant 0 : i32
    "tpu.region"() ({
      %run_scoped3A_79 = tpu.sem_alloc : memref<!tpu.dma_semaphore, #tpu.memory_space<semaphore_mem>>
      %dma_start3A_80 = arith.constant 0 : i32
      %dma_start3A_81 = arith.constant 0 : i32
      %dma_start3A_82 = tpu.memref_slice %arg3[%add3A, %run_scoped3A, %dma_start3A_80, %dma_start3A_81] : memref<32x5x25x80xi32, #tpu.memory_space<hbm>> -> memref<1x1x25x80xi32, #tpu.memory_space<hbm>>
      %dma_start3A_83 = tpu.memref_squeeze %dma_start3A_82 : memref<1x1x25x80xi32, #tpu.memory_space<hbm>> -> memref<25x80xi32, #tpu.memory_space<hbm>>
      %dma_start3A_84 = arith.constant 0 : i32
      %dma_start3A_85 = arith.constant 0 : i32
      %dma_start3A_86 = tpu.memref_slice %arg3[%add3A, %run_scoped3A, %dma_start3A_84, %dma_start3A_85] : memref<32x5x25x80xi32, #tpu.memory_space<hbm>> -> memref<1x1x25x80xi32, #tpu.memory_space<hbm>>
      %dma_start3A_87 = tpu.memref_squeeze %dma_start3A_86 : memref<1x1x25x80xi32, #tpu.memory_space<hbm>> -> memref<25x80xi32, #tpu.memory_space<hbm>>
      tpu.enqueue_dma source(%dma_start3A_87 : memref<25x80xi32, #tpu.memory_space<hbm>>) target(%arg6 : memref<25x80xi32, #tpu.memory_space<vmem>>) target_semaphore(%run_scoped3A_79 : memref<!tpu.dma_semaphore, #tpu.memory_space<semaphore_mem>>)
      %dma_wait3A = arith.constant 0 : i32
      %dma_wait3A_88 = arith.constant 0 : i32
      %dma_wait3A_89 = tpu.memref_slice %arg3[%add3A, %run_scoped3A, %dma_wait3A, %dma_wait3A_88] : memref<32x5x25x80xi32, #tpu.memory_space<hbm>> -> memref<1x1x25x80xi32, #tpu.memory_space<hbm>>
      %dma_wait3A_90 = tpu.memref_squeeze %dma_wait3A_89 : memref<1x1x25x80xi32, #tpu.memory_space<hbm>> -> memref<25x80xi32, #tpu.memory_space<hbm>>
      %dma_wait3A_91 = arith.constant 0 : i32
      %dma_wait3A_92 = arith.constant 0 : i32
      %dma_wait3A_93 = tpu.memref_slice %arg3[%add3A, %run_scoped3A, %dma_wait3A_91, %dma_wait3A_92] : memref<32x5x25x80xi32, #tpu.memory_space<hbm>> -> memref<1x1x25x80xi32, #tpu.memory_space<hbm>>
      %dma_wait3A_94 = tpu.memref_squeeze %dma_wait3A_93 : memref<1x1x25x80xi32, #tpu.memory_space<hbm>> -> memref<25x80xi32, #tpu.memory_space<hbm>>
      tpu.wait_dma2 semaphore(%run_scoped3A_79 : memref<!tpu.dma_semaphore, #tpu.memory_space<semaphore_mem>>) src(%dma_wait3A_94 : memref<25x80xi32, #tpu.memory_space<hbm>>) dst(%arg6 : memref<25x80xi32, #tpu.memory_space<vmem>>)
      tpu.yield
    }) : () -> ()
    %run_scoped3A_1 = arith.constant 0 : i32
    "tpu.region"() ({
      %run_scoped3A_79 = tpu.sem_alloc : memref<!tpu.dma_semaphore, #tpu.memory_space<semaphore_mem>>
      %dma_start3A_80 = arith.constant 0 : i32
      %dma_start3A_81 = arith.constant 0 : i32
      %dma_start3A_82 = tpu.memref_slice %arg4[%add3A, %run_scoped3A_1, %dma_start3A_80, %dma_start3A_81] : memref<32x5x25x80xi32, #tpu.memory_space<hbm>> -> memref<1x1x25x80xi32, #tpu.memory_space<hbm>>
      %dma_start3A_83 = tpu.memref_squeeze %dma_start3A_82 : memref<1x1x25x80xi32, #tpu.memory_space<hbm>> -> memref<25x80xi32, #tpu.memory_space<hbm>>
      %dma_start3A_84 = arith.constant 0 : i32
      %dma_start3A_85 = arith.constant 0 : i32
      %dma_start3A_86 = tpu.memref_slice %arg4[%add3A, %run_scoped3A_1, %dma_start3A_84, %dma_start3A_85] : memref<32x5x25x80xi32, #tpu.memory_space<hbm>> -> memref<1x1x25x80xi32, #tpu.memory_space<hbm>>
      %dma_start3A_87 = tpu.memref_squeeze %dma_start3A_86 : memref<1x1x25x80xi32, #tpu.memory_space<hbm>> -> memref<25x80xi32, #tpu.memory_space<hbm>>
      tpu.enqueue_dma source(%dma_start3A_87 : memref<25x80xi32, #tpu.memory_space<hbm>>) target(%arg7 : memref<25x80xi32, #tpu.memory_space<vmem>>) target_semaphore(%run_scoped3A_79 : memref<!tpu.dma_semaphore, #tpu.memory_space<semaphore_mem>>)
      %dma_wait3A = arith.constant 0 : i32
      %dma_wait3A_88 = arith.constant 0 : i32
      %dma_wait3A_89 = tpu.memref_slice %arg4[%add3A, %run_scoped3A_1, %dma_wait3A, %dma_wait3A_88] : memref<32x5x25x80xi32, #tpu.memory_space<hbm>> -> memref<1x1x25x80xi32, #tpu.memory_space<hbm>>
      %dma_wait3A_90 = tpu.memref_squeeze %dma_wait3A_89 : memref<1x1x25x80xi32, #tpu.memory_space<hbm>> -> memref<25x80xi32, #tpu.memory_space<hbm>>
      %dma_wait3A_91 = arith.constant 0 : i32
      %dma_wait3A_92 = arith.constant 0 : i32
      %dma_wait3A_93 = tpu.memref_slice %arg4[%add3A, %run_scoped3A_1, %dma_wait3A_91, %dma_wait3A_92] : memref<32x5x25x80xi32, #tpu.memory_space<hbm>> -> memref<1x1x25x80xi32, #tpu.memory_space<hbm>>
      %dma_wait3A_94 = tpu.memref_squeeze %dma_wait3A_93 : memref<1x1x25x80xi32, #tpu.memory_space<hbm>> -> memref<25x80xi32, #tpu.memory_space<hbm>>
      tpu.wait_dma2 semaphore(%run_scoped3A_79 : memref<!tpu.dma_semaphore, #tpu.memory_space<semaphore_mem>>) src(%dma_wait3A_94 : memref<25x80xi32, #tpu.memory_space<hbm>>) dst(%arg7 : memref<25x80xi32, #tpu.memory_space<vmem>>)
      tpu.yield
    }) : () -> ()
    %dma_start3A = arith.constant 1 : i32
    %dma_start3A_2 = arith.constant 0 : i32
    %dma_start3A_3 = tpu.memref_slice %arg6[%dma_start3A, %dma_start3A_2] : memref<25x80xi32, #tpu.memory_space<vmem>> -> memref<1x80xi32, #tpu.memory_space<vmem>>
    %dma_start3A_4 = tpu.memref_squeeze %dma_start3A_3 : memref<1x80xi32, #tpu.memory_space<vmem>> -> memref<80xi32, #tpu.memory_space<vmem>>
    %dma_start3A_5 = arith.constant 0 : i32
    %dma_start3A_6 = arith.constant 0 : i32
    %dma_start3A_7 = tpu.memref_slice %arg2[%dma_start3A_5, %dma_start3A_6] : memref<10000x128xf32, #tpu.memory_space<hbm>> -> memref<10000x128xf32, #tpu.memory_space<hbm>>
    tpu.enqueue_indirect_dma source(%dma_start3A_7 : memref<10000x128xf32, #tpu.memory_space<hbm>>) target(%arg9 : memref<80x128xf32, #tpu.memory_space<vmem>>) offsets(%dma_start3A_4 : memref<80xi32, #tpu.memory_space<vmem>>) semaphore(%arg13 : memref<!tpu.dma_semaphore, #tpu.memory_space<semaphore_mem>>)
    %dma_start3A_8 = arith.constant 2 : i32
    %dma_start3A_9 = arith.constant 0 : i32
    %dma_start3A_10 = tpu.memref_slice %arg6[%dma_start3A_8, %dma_start3A_9] : memref<25x80xi32, #tpu.memory_space<vmem>> -> memref<1x80xi32, #tpu.memory_space<vmem>>
    %dma_start3A_11 = tpu.memref_squeeze %dma_start3A_10 : memref<1x80xi32, #tpu.memory_space<vmem>> -> memref<80xi32, #tpu.memory_space<vmem>>
    %dma_start3A_12 = arith.constant 0 : i32
    %dma_start3A_13 = arith.constant 0 : i32
    %dma_start3A_14 = tpu.memref_slice %arg2[%dma_start3A_12, %dma_start3A_13] : memref<10000x128xf32, #tpu.memory_space<hbm>> -> memref<10000x128xf32, #tpu.memory_space<hbm>>
    tpu.enqueue_indirect_dma source(%dma_start3A_14 : memref<10000x128xf32, #tpu.memory_space<hbm>>) target(%arg10 : memref<80x128xf32, #tpu.memory_space<vmem>>) offsets(%dma_start3A_11 : memref<80xi32, #tpu.memory_space<vmem>>) semaphore(%arg14 : memref<!tpu.dma_semaphore, #tpu.memory_space<semaphore_mem>>)
    %dma_start3A_15 = arith.constant 3 : i32
    %dma_start3A_16 = arith.constant 0 : i32
    %dma_start3A_17 = tpu.memref_slice %arg6[%dma_start3A_15, %dma_start3A_16] : memref<25x80xi32, #tpu.memory_space<vmem>> -> memref<1x80xi32, #tpu.memory_space<vmem>>
    %dma_start3A_18 = tpu.memref_squeeze %dma_start3A_17 : memref<1x80xi32, #tpu.memory_space<vmem>> -> memref<80xi32, #tpu.memory_space<vmem>>
    %dma_start3A_19 = arith.constant 0 : i32
    %dma_start3A_20 = arith.constant 0 : i32
    %dma_start3A_21 = tpu.memref_slice %arg2[%dma_start3A_19, %dma_start3A_20] : memref<10000x128xf32, #tpu.memory_space<hbm>> -> memref<10000x128xf32, #tpu.memory_space<hbm>>
    tpu.enqueue_indirect_dma source(%dma_start3A_21 : memref<10000x128xf32, #tpu.memory_space<hbm>>) target(%arg11 : memref<80x128xf32, #tpu.memory_space<vmem>>) offsets(%dma_start3A_18 : memref<80xi32, #tpu.memory_space<vmem>>) semaphore(%arg15 : memref<!tpu.dma_semaphore, #tpu.memory_space<semaphore_mem>>)
    %scan3A = arith.constant 0 : i32
    %scan3A_22 = arith.constant 0 : i32
    %scan3A_23 = arith.constant 80 : i32
    %scan3A_24 = arith.addi %scan3A_22, %scan3A_23 : i32
    %scan3A_25 = arith.constant 2 : i32
    %scan3A_26 = scf.for %scan3A_79 = %scan3A_22 to %scan3A_24 step %scan3A_25 iter_args(%scan3A_80 = %scan3A) -> (i32)  : i32 {
      %broadcast_in_dim3A = arith.constant 0.000000e+00 : f32
      %broadcast_in_dim3A_81 = vector.broadcast %broadcast_in_dim3A : f32 to vector<16xf32>
      %swap3A = arith.index_cast %scan3A_79 : i32 to index
      %swap3A_82 = arith.constant 0 : index
      %swap3A_83 = tpu.vector_load %arg8[%swap3A, %swap3A_82] {strides = array<i32>} : memref<80x128xf32, #tpu.memory_space<vmem>>, vector<1x16xf32>,
      %swap3A_84 = vector.shape_cast %swap3A_83 : vector<1x16xf32> to vector<16xf32>
      %swap3A_85 = vector.shape_cast %broadcast_in_dim3A_81 : vector<16xf32> to vector<1x16xf32>
      tpu.vector_store %arg8[%swap3A, %swap3A_82], %swap3A_85 {strides = array<i32>} : memref<80x128xf32, #tpu.memory_space<vmem>>, vector<1x16xf32>,
      %broadcast_in_dim3A_86 = arith.constant 0.000000e+00 : f32
      %broadcast_in_dim3A_87 = vector.broadcast %broadcast_in_dim3A_86 : f32 to vector<16xf32>
      %swap3A_88 = arith.index_cast %scan3A_79 : i32 to index
      %swap3A_89 = arith.constant 16 : index
      %swap3A_90 = tpu.vector_load %arg8[%swap3A_88, %swap3A_89] {strides = array<i32>} : memref<80x128xf32, #tpu.memory_space<vmem>>, vector<1x16xf32>,
      %swap3A_91 = vector.shape_cast %swap3A_90 : vector<1x16xf32> to vector<16xf32>
      %swap3A_92 = vector.shape_cast %broadcast_in_dim3A_87 : vector<16xf32> to vector<1x16xf32>
      tpu.vector_store %arg8[%swap3A_88, %swap3A_89], %swap3A_92 {strides = array<i32>} : memref<80x128xf32, #tpu.memory_space<vmem>>, vector<1x16xf32>,
      %broadcast_in_dim3A_93 = arith.constant 0.000000e+00 : f32
      %broadcast_in_dim3A_94 = vector.broadcast %broadcast_in_dim3A_93 : f32 to vector<16xf32>
      %swap3A_95 = arith.index_cast %scan3A_79 : i32 to index
      %swap3A_96 = arith.constant 32 : index
      %swap3A_97 = tpu.vector_load %arg8[%swap3A_95, %swap3A_96] {strides = array<i32>} : memref<80x128xf32, #tpu.memory_space<vmem>>, vector<1x16xf32>,
      %swap3A_98 = vector.shape_cast %swap3A_97 : vector<1x16xf32> to vector<16xf32>
      %swap3A_99 = vector.shape_cast %broadcast_in_dim3A_94 : vector<16xf32> to vector<1x16xf32>
      tpu.vector_store %arg8[%swap3A_95, %swap3A_96], %swap3A_99 {strides = array<i32>} : memref<80x128xf32, #tpu.memory_space<vmem>>, vector<1x16xf32>,
      %broadcast_in_dim3A_100 = arith.constant 0.000000e+00 : f32
      %broadcast_in_dim3A_101 = vector.broadcast %broadcast_in_dim3A_100 : f32 to vector<16xf32>
      %swap3A_102 = arith.index_cast %scan3A_79 : i32 to index
      %swap3A_103 = arith.constant 48 : index
      %swap3A_104 = tpu.vector_load %arg8[%swap3A_102, %swap3A_103] {strides = array<i32>} : memref<80x128xf32, #tpu.memory_space<vmem>>, vector<1x16xf32>,
      %swap3A_105 = vector.shape_cast %swap3A_104 : vector<1x16xf32> to vector<16xf32>
      %swap3A_106 = vector.shape_cast %broadcast_in_dim3A_101 : vector<16xf32> to vector<1x16xf32>
      tpu.vector_store %arg8[%swap3A_102, %swap3A_103], %swap3A_106 {strides = array<i32>} : memref<80x128xf32, #tpu.memory_space<vmem>>, vector<1x16xf32>,
      %broadcast_in_dim3A_107 = arith.constant 0.000000e+00 : f32
      %broadcast_in_dim3A_108 = vector.broadcast %broadcast_in_dim3A_107 : f32 to vector<16xf32>
      %swap3A_109 = arith.index_cast %scan3A_79 : i32 to index
      %swap3A_110 = arith.constant 64 : index
      %swap3A_111 = tpu.vector_load %arg8[%swap3A_109, %swap3A_110] {strides = array<i32>} : memref<80x128xf32, #tpu.memory_space<vmem>>, vector<1x16xf32>,
      %swap3A_112 = vector.shape_cast %swap3A_111 : vector<1x16xf32> to vector<16xf32>
      %swap3A_113 = vector.shape_cast %broadcast_in_dim3A_108 : vector<16xf32> to vector<1x16xf32>
      tpu.vector_store %arg8[%swap3A_109, %swap3A_110], %swap3A_113 {strides = array<i32>} : memref<80x128xf32, #tpu.memory_space<vmem>>, vector<1x16xf32>,
      %broadcast_in_dim3A_114 = arith.constant 0.000000e+00 : f32
      %broadcast_in_dim3A_115 = vector.broadcast %broadcast_in_dim3A_114 : f32 to vector<16xf32>
      %swap3A_116 = arith.index_cast %scan3A_79 : i32 to index
      %swap3A_117 = arith.constant 80 : index
      %swap3A_118 = tpu.vector_load %arg8[%swap3A_116, %swap3A_117] {strides = array<i32>} : memref<80x128xf32, #tpu.memory_space<vmem>>, vector<1x16xf32>,
      %swap3A_119 = vector.shape_cast %swap3A_118 : vector<1x16xf32> to vector<16xf32>
      %swap3A_120 = vector.shape_cast %broadcast_in_dim3A_115 : vector<16xf32> to vector<1x16xf32>
      tpu.vector_store %arg8[%swap3A_116, %swap3A_117], %swap3A_120 {strides = array<i32>} : memref<80x128xf32, #tpu.memory_space<vmem>>, vector<1x16xf32>,
      %broadcast_in_dim3A_121 = arith.constant 0.000000e+00 : f32
      %broadcast_in_dim3A_122 = vector.broadcast %broadcast_in_dim3A_121 : f32 to vector<16xf32>
      %swap3A_123 = arith.index_cast %scan3A_79 : i32 to index
      %swap3A_124 = arith.constant 96 : index
      %swap3A_125 = tpu.vector_load %arg8[%swap3A_123, %swap3A_124] {strides = array<i32>} : memref<80x128xf32, #tpu.memory_space<vmem>>, vector<1x16xf32>,
      %swap3A_126 = vector.shape_cast %swap3A_125 : vector<1x16xf32> to vector<16xf32>
      %swap3A_127 = vector.shape_cast %broadcast_in_dim3A_122 : vector<16xf32> to vector<1x16xf32>
      tpu.vector_store %arg8[%swap3A_123, %swap3A_124], %swap3A_127 {strides = array<i32>} : memref<80x128xf32, #tpu.memory_space<vmem>>, vector<1x16xf32>,
      %broadcast_in_dim3A_128 = arith.constant 0.000000e+00 : f32
      %broadcast_in_dim3A_129 = vector.broadcast %broadcast_in_dim3A_128 : f32 to vector<16xf32>
      %swap3A_130 = arith.index_cast %scan3A_79 : i32 to index
      %swap3A_131 = arith.constant 112 : index
      %swap3A_132 = tpu.vector_load %arg8[%swap3A_130, %swap3A_131] {strides = array<i32>} : memref<80x128xf32, #tpu.memory_space<vmem>>, vector<1x16xf32>,
      %swap3A_133 = vector.shape_cast %swap3A_132 : vector<1x16xf32> to vector<16xf32>
      %swap3A_134 = vector.shape_cast %broadcast_in_dim3A_129 : vector<16xf32> to vector<1x16xf32>
      tpu.vector_store %arg8[%swap3A_130, %swap3A_131], %swap3A_134 {strides = array<i32>} : memref<80x128xf32, #tpu.memory_space<vmem>>, vector<1x16xf32>,
      %scan3A_135 = arith.constant 0 : i32
      %scan3A_136 = arith.constant 1 : i32
      %scan3A_137 = arith.addi %scan3A_79, %scan3A_136 : i32
      %broadcast_in_dim3A_138 = arith.constant 0.000000e+00 : f32
      %broadcast_in_dim3A_139 = vector.broadcast %broadcast_in_dim3A_138 : f32 to vector<16xf32>
      %swap3A_140 = arith.index_cast %scan3A_137 : i32 to index
      %swap3A_141 = arith.constant 0 : index
      %swap3A_142 = tpu.vector_load %arg8[%swap3A_140, %swap3A_141] {strides = array<i32>} : memref<80x128xf32, #tpu.memory_space<vmem>>, vector<1x16xf32>,
      %swap3A_143 = vector.shape_cast %swap3A_142 : vector<1x16xf32> to vector<16xf32>
      %swap3A_144 = vector.shape_cast %broadcast_in_dim3A_139 : vector<16xf32> to vector<1x16xf32>
      tpu.vector_store %arg8[%swap3A_140, %swap3A_141], %swap3A_144 {strides = array<i32>} : memref<80x128xf32, #tpu.memory_space<vmem>>, vector<1x16xf32>,
      %broadcast_in_dim3A_145 = arith.constant 0.000000e+00 : f32
      %broadcast_in_dim3A_146 = vector.broadcast %broadcast_in_dim3A_145 : f32 to vector<16xf32>
      %swap3A_147 = arith.index_cast %scan3A_137 : i32 to index
      %swap3A_148 = arith.constant 16 : index
      %swap3A_149 = tpu.vector_load %arg8[%swap3A_147, %swap3A_148] {strides = array<i32>} : memref<80x128xf32, #tpu.memory_space<vmem>>, vector<1x16xf32>,
      %swap3A_150 = vector.shape_cast %swap3A_149 : vector<1x16xf32> to vector<16xf32>
      %swap3A_151 = vector.shape_cast %broadcast_in_dim3A_146 : vector<16xf32> to vector<1x16xf32>
      tpu.vector_store %arg8[%swap3A_147, %swap3A_148], %swap3A_151 {strides = array<i32>} : memref<80x128xf32, #tpu.memory_space<vmem>>, vector<1x16xf32>,
      %broadcast_in_dim3A_152 = arith.constant 0.000000e+00 : f32
      %broadcast_in_dim3A_153 = vector.broadcast %broadcast_in_dim3A_152 : f32 to vector<16xf32>
      %swap3A_154 = arith.index_cast %scan3A_137 : i32 to index
      %swap3A_155 = arith.constant 32 : index
      %swap3A_156 = tpu.vector_load %arg8[%swap3A_154, %swap3A_155] {strides = array<i32>} : memref<80x128xf32, #tpu.memory_space<vmem>>, vector<1x16xf32>,
      %swap3A_157 = vector.shape_cast %swap3A_156 : vector<1x16xf32> to vector<16xf32>
      %swap3A_158 = vector.shape_cast %broadcast_in_dim3A_153 : vector<16xf32> to vector<1x16xf32>
      tpu.vector_store %arg8[%swap3A_154, %swap3A_155], %swap3A_158 {strides = array<i32>} : memref<80x128xf32, #tpu.memory_space<vmem>>, vector<1x16xf32>,
      %broadcast_in_dim3A_159 = arith.constant 0.000000e+00 : f32
      %broadcast_in_dim3A_160 = vector.broadcast %broadcast_in_dim3A_159 : f32 to vector<16xf32>
      %swap3A_161 = arith.index_cast %scan3A_137 : i32 to index
      %swap3A_162 = arith.constant 48 : index
      %swap3A_163 = tpu.vector_load %arg8[%swap3A_161, %swap3A_162] {strides = array<i32>} : memref<80x128xf32, #tpu.memory_space<vmem>>, vector<1x16xf32>,
      %swap3A_164 = vector.shape_cast %swap3A_163 : vector<1x16xf32> to vector<16xf32>
      %swap3A_165 = vector.shape_cast %broadcast_in_dim3A_160 : vector<16xf32> to vector<1x16xf32>
      tpu.vector_store %arg8[%swap3A_161, %swap3A_162], %swap3A_165 {strides = array<i32>} : memref<80x128xf32, #tpu.memory_space<vmem>>, vector<1x16xf32>,
      %broadcast_in_dim3A_166 = arith.constant 0.000000e+00 : f32
      %broadcast_in_dim3A_167 = vector.broadcast %broadcast_in_dim3A_166 : f32 to vector<16xf32>
      %swap3A_168 = arith.index_cast %scan3A_137 : i32 to index
      %swap3A_169 = arith.constant 64 : index
      %swap3A_170 = tpu.vector_load %arg8[%swap3A_168, %swap3A_169] {strides = array<i32>} : memref<80x128xf32, #tpu.memory_space<vmem>>, vector<1x16xf32>,
      %swap3A_171 = vector.shape_cast %swap3A_170 : vector<1x16xf32> to vector<16xf32>
      %swap3A_172 = vector.shape_cast %broadcast_in_dim3A_167 : vector<16xf32> to vector<1x16xf32>
      tpu.vector_store %arg8[%swap3A_168, %swap3A_169], %swap3A_172 {strides = array<i32>} : memref<80x128xf32, #tpu.memory_space<vmem>>, vector<1x16xf32>,
      %broadcast_in_dim3A_173 = arith.constant 0.000000e+00 : f32
      %broadcast_in_dim3A_174 = vector.broadcast %broadcast_in_dim3A_173 : f32 to vector<16xf32>
      %swap3A_175 = arith.index_cast %scan3A_137 : i32 to index
      %swap3A_176 = arith.constant 80 : index
      %swap3A_177 = tpu.vector_load %arg8[%swap3A_175, %swap3A_176] {strides = array<i32>} : memref<80x128xf32, #tpu.memory_space<vmem>>, vector<1x16xf32>,
      %swap3A_178 = vector.shape_cast %swap3A_177 : vector<1x16xf32> to vector<16xf32>
      %swap3A_179 = vector.shape_cast %broadcast_in_dim3A_174 : vector<16xf32> to vector<1x16xf32>
      tpu.vector_store %arg8[%swap3A_175, %swap3A_176], %swap3A_179 {strides = array<i32>} : memref<80x128xf32, #tpu.memory_space<vmem>>, vector<1x16xf32>,
      %broadcast_in_dim3A_180 = arith.constant 0.000000e+00 : f32
      %broadcast_in_dim3A_181 = vector.broadcast %broadcast_in_dim3A_180 : f32 to vector<16xf32>
      %swap3A_182 = arith.index_cast %scan3A_137 : i32 to index
      %swap3A_183 = arith.constant 96 : index
      %swap3A_184 = tpu.vector_load %arg8[%swap3A_182, %swap3A_183] {strides = array<i32>} : memref<80x128xf32, #tpu.memory_space<vmem>>, vector<1x16xf32>,
      %swap3A_185 = vector.shape_cast %swap3A_184 : vector<1x16xf32> to vector<16xf32>
      %swap3A_186 = vector.shape_cast %broadcast_in_dim3A_181 : vector<16xf32> to vector<1x16xf32>
      tpu.vector_store %arg8[%swap3A_182, %swap3A_183], %swap3A_186 {strides = array<i32>} : memref<80x128xf32, #tpu.memory_space<vmem>>, vector<1x16xf32>,
      %broadcast_in_dim3A_187 = arith.constant 0.000000e+00 : f32
      %broadcast_in_dim3A_188 = vector.broadcast %broadcast_in_dim3A_187 : f32 to vector<16xf32>
      %swap3A_189 = arith.index_cast %scan3A_137 : i32 to index
      %swap3A_190 = arith.constant 112 : index
      %swap3A_191 = tpu.vector_load %arg8[%swap3A_189, %swap3A_190] {strides = array<i32>} : memref<80x128xf32, #tpu.memory_space<vmem>>, vector<1x16xf32>,
      %swap3A_192 = vector.shape_cast %swap3A_191 : vector<1x16xf32> to vector<16xf32>
      %swap3A_193 = vector.shape_cast %broadcast_in_dim3A_188 : vector<16xf32> to vector<1x16xf32>
      tpu.vector_store %arg8[%swap3A_189, %swap3A_190], %swap3A_193 {strides = array<i32>} : memref<80x128xf32, #tpu.memory_space<vmem>>, vector<1x16xf32>,
      %scan3A_194 = arith.constant 0 : i32
      scf.yield %scan3A_194 : i32
    }
    %scan3A_27 = arith.constant 80 : i32
    %mul3A_28 = arith.constant 640 : i32
    %mul3A_29 = arith.muli %arg1, %mul3A_28 : i32
    %add3A_30 = arith.constant 0 : i32
    %add3A_31 = arith.addi %mul3A_29, %add3A_30 : i32
    "tpu.region"() ({
      %run_scoped3A_79 = tpu.sem_alloc : memref<!tpu.dma_semaphore, #tpu.memory_space<semaphore_mem>>
      %dma_start3A_80 = arith.constant 0 : i32
      %dma_start3A_81 = tpu.memref_slice %arg20[%add3A_31, %dma_start3A_80] : memref<10240x128xf32, #tpu.memory_space<vmem_shared>> -> memref<80x128xf32, #tpu.memory_space<vmem_shared>>
      %dma_start3A_82 = arith.constant 0 : i32
      %dma_start3A_83 = tpu.memref_slice %arg20[%add3A_31, %dma_start3A_82] : memref<10240x128xf32, #tpu.memory_space<vmem_shared>> -> memref<80x128xf32, #tpu.memory_space<vmem_shared>>
      tpu.enqueue_dma source(%arg8 : memref<80x128xf32, #tpu.memory_space<vmem>>) target(%dma_start3A_83 : memref<80x128xf32, #tpu.memory_space<vmem_shared>>) target_semaphore(%run_scoped3A_79 : memref<!tpu.dma_semaphore, #tpu.memory_space<semaphore_mem>>)
      %dma_wait3A = arith.constant 0 : i32
      %dma_wait3A_84 = tpu.memref_slice %arg20[%add3A_31, %dma_wait3A] : memref<10240x128xf32, #tpu.memory_space<vmem_shared>> -> memref<80x128xf32, #tpu.memory_space<vmem_shared>>
      %dma_wait3A_85 = arith.constant 0 : i32
      %dma_wait3A_86 = tpu.memref_slice %arg20[%add3A_31, %dma_wait3A_85] : memref<10240x128xf32, #tpu.memory_space<vmem_shared>> -> memref<80x128xf32, #tpu.memory_space<vmem_shared>>
      tpu.wait_dma2 semaphore(%run_scoped3A_79 : memref<!tpu.dma_semaphore, #tpu.memory_space<semaphore_mem>>) src(%arg8 : memref<80x128xf32, #tpu.memory_space<vmem>>) dst(%dma_wait3A_86 : memref<80x128xf32, #tpu.memory_space<vmem_shared>>)
      tpu.yield
    }) : () -> ()
    %mul3A_32 = arith.constant 640 : i32
    %mul3A_33 = arith.muli %arg1, %mul3A_32 : i32
    %add3A_34 = arith.constant 80 : i32
    %add3A_35 = arith.addi %mul3A_33, %add3A_34 : i32
    "tpu.region"() ({
      %run_scoped3A_79 = tpu.sem_alloc : memref<!tpu.dma_semaphore, #tpu.memory_space<semaphore_mem>>
      %dma_start3A_80 = arith.constant 0 : i32
      %dma_start3A_81 = tpu.memref_slice %arg20[%add3A_35, %dma_start3A_80] : memref<10240x128xf32, #tpu.memory_space<vmem_shared>> -> memref<80x128xf32, #tpu.memory_space<vmem_shared>>
      %dma_start3A_82 = arith.constant 0 : i32
      %dma_start3A_83 = tpu.memref_slice %arg20[%add3A_35, %dma_start3A_82] : memref<10240x128xf32, #tpu.memory_space<vmem_shared>> -> memref<80x128xf32, #tpu.memory_space<vmem_shared>>
      tpu.enqueue_dma source(%arg8 : memref<80x128xf32, #tpu.memory_space<vmem>>) target(%dma_start3A_83 : memref<80x128xf32, #tpu.memory_space<vmem_shared>>) target_semaphore(%run_scoped3A_79 : memref<!tpu.dma_semaphore, #tpu.memory_space<semaphore_mem>>)
      %dma_wait3A = arith.constant 0 : i32
      %dma_wait3A_84 = tpu.memref_slice %arg20[%add3A_35, %dma_wait3A] : memref<10240x128xf32, #tpu.memory_space<vmem_shared>> -> memref<80x128xf32, #tpu.memory_space<vmem_shared>>
      %dma_wait3A_85 = arith.constant 0 : i32
      %dma_wait3A_86 = tpu.memref_slice %arg20[%add3A_35, %dma_wait3A_85] : memref<10240x128xf32, #tpu.memory_space<vmem_shared>> -> memref<80x128xf32, #tpu.memory_space<vmem_shared>>
      tpu.wait_dma2 semaphore(%run_scoped3A_79 : memref<!tpu.dma_semaphore, #tpu.memory_space<semaphore_mem>>) src(%arg8 : memref<80x128xf32, #tpu.memory_space<vmem>>) dst(%dma_wait3A_86 : memref<80x128xf32, #tpu.memory_space<vmem_shared>>)
      tpu.yield
    }) : () -> ()
    %mul3A_36 = arith.constant 640 : i32
    %mul3A_37 = arith.muli %arg1, %mul3A_36 : i32
    %add3A_38 = arith.constant 160 : i32
    %add3A_39 = arith.addi %mul3A_37, %add3A_38 : i32
    "tpu.region"() ({
      %run_scoped3A_79 = tpu.sem_alloc : memref<!tpu.dma_semaphore, #tpu.memory_space<semaphore_mem>>
      %dma_start3A_80 = arith.constant 0 : i32
      %dma_start3A_81 = tpu.memref_slice %arg20[%add3A_39, %dma_start3A_80] : memref<10240x128xf32, #tpu.memory_space<vmem_shared>> -> memref<80x128xf32, #tpu.memory_space<vmem_shared>>
      %dma_start3A_82 = arith.constant 0 : i32
      %dma_start3A_83 = tpu.memref_slice %arg20[%add3A_39, %dma_start3A_82] : memref<10240x128xf32, #tpu.memory_space<vmem_shared>> -> memref<80x128xf32, #tpu.memory_space<vmem_shared>>
      tpu.enqueue_dma source(%arg8 : memref<80x128xf32, #tpu.memory_space<vmem>>) target(%dma_start3A_83 : memref<80x128xf32, #tpu.memory_space<vmem_shared>>) target_semaphore(%run_scoped3A_79 : memref<!tpu.dma_semaphore, #tpu.memory_space<semaphore_mem>>)
      %dma_wait3A = arith.constant 0 : i32
      %dma_wait3A_84 = tpu.memref_slice %arg20[%add3A_39, %dma_wait3A] : memref<10240x128xf32, #tpu.memory_space<vmem_shared>> -> memref<80x128xf32, #tpu.memory_space<vmem_shared>>
      %dma_wait3A_85 = arith.constant 0 : i32
      %dma_wait3A_86 = tpu.memref_slice %arg20[%add3A_39, %dma_wait3A_85] : memref<10240x128xf32, #tpu.memory_space<vmem_shared>> -> memref<80x128xf32, #tpu.memory_space<vmem_shared>>
      tpu.wait_dma2 semaphore(%run_scoped3A_79 : memref<!tpu.dma_semaphore, #tpu.memory_space<semaphore_mem>>) src(%arg8 : memref<80x128xf32, #tpu.memory_space<vmem>>) dst(%dma_wait3A_86 : memref<80x128xf32, #tpu.memory_space<vmem_shared>>)
      tpu.yield
    }) : () -> ()
    %mul3A_40 = arith.constant 640 : i32
    %mul3A_41 = arith.muli %arg1, %mul3A_40 : i32
    %add3A_42 = arith.constant 240 : i32
    %add3A_43 = arith.addi %mul3A_41, %add3A_42 : i32
    "tpu.region"() ({
      %run_scoped3A_79 = tpu.sem_alloc : memref<!tpu.dma_semaphore, #tpu.memory_space<semaphore_mem>>
      %dma_start3A_80 = arith.constant 0 : i32
      %dma_start3A_81 = tpu.memref_slice %arg20[%add3A_43, %dma_start3A_80] : memref<10240x128xf32, #tpu.memory_space<vmem_shared>> -> memref<80x128xf32, #tpu.memory_space<vmem_shared>>
      %dma_start3A_82 = arith.constant 0 : i32
      %dma_start3A_83 = tpu.memref_slice %arg20[%add3A_43, %dma_start3A_82] : memref<10240x128xf32, #tpu.memory_space<vmem_shared>> -> memref<80x128xf32, #tpu.memory_space<vmem_shared>>
      tpu.enqueue_dma source(%arg8 : memref<80x128xf32, #tpu.memory_space<vmem>>) target(%dma_start3A_83 : memref<80x128xf32, #tpu.memory_space<vmem_shared>>) target_semaphore(%run_scoped3A_79 : memref<!tpu.dma_semaphore, #tpu.memory_space<semaphore_mem>>)
      %dma_wait3A = arith.constant 0 : i32
      %dma_wait3A_84 = tpu.memref_slice %arg20[%add3A_43, %dma_wait3A] : memref<10240x128xf32, #tpu.memory_space<vmem_shared>> -> memref<80x128xf32, #tpu.memory_space<vmem_shared>>
      %dma_wait3A_85 = arith.constant 0 : i32
      %dma_wait3A_86 = tpu.memref_slice %arg20[%add3A_43, %dma_wait3A_85] : memref<10240x128xf32, #tpu.memory_space<vmem_shared>> -> memref<80x128xf32, #tpu.memory_space<vmem_shared>>
      tpu.wait_dma2 semaphore(%run_scoped3A_79 : memref<!tpu.dma_semaphore, #tpu.memory_space<semaphore_mem>>) src(%arg8 : memref<80x128xf32, #tpu.memory_space<vmem>>) dst(%dma_wait3A_86 : memref<80x128xf32, #tpu.memory_space<vmem_shared>>)
      tpu.yield
    }) : () -> ()
    %mul3A_44 = arith.constant 640 : i32
    %mul3A_45 = arith.muli %arg1, %mul3A_44 : i32
    %add3A_46 = arith.constant 320 : i32
    %add3A_47 = arith.addi %mul3A_45, %add3A_46 : i32
    "tpu.region"() ({
      %run_scoped3A_79 = tpu.sem_alloc : memref<!tpu.dma_semaphore, #tpu.memory_space<semaphore_mem>>
      %dma_start3A_80 = arith.constant 0 : i32
      %dma_start3A_81 = tpu.memref_slice %arg20[%add3A_47, %dma_start3A_80] : memref<10240x128xf32, #tpu.memory_space<vmem_shared>> -> memref<80x128xf32, #tpu.memory_space<vmem_shared>>
      %dma_start3A_82 = arith.constant 0 : i32
      %dma_start3A_83 = tpu.memref_slice %arg20[%add3A_47, %dma_start3A_82] : memref<10240x128xf32, #tpu.memory_space<vmem_shared>> -> memref<80x128xf32, #tpu.memory_space<vmem_shared>>
      tpu.enqueue_dma source(%arg8 : memref<80x128xf32, #tpu.memory_space<vmem>>) target(%dma_start3A_83 : memref<80x128xf32, #tpu.memory_space<vmem_shared>>) target_semaphore(%run_scoped3A_79 : memref<!tpu.dma_semaphore, #tpu.memory_space<semaphore_mem>>)
      %dma_wait3A = arith.constant 0 : i32
      %dma_wait3A_84 = tpu.memref_slice %arg20[%add3A_47, %dma_wait3A] : memref<10240x128xf32, #tpu.memory_space<vmem_shared>> -> memref<80x128xf32, #tpu.memory_space<vmem_shared>>
      %dma_wait3A_85 = arith.constant 0 : i32
      %dma_wait3A_86 = tpu.memref_slice %arg20[%add3A_47, %dma_wait3A_85] : memref<10240x128xf32, #tpu.memory_space<vmem_shared>> -> memref<80x128xf32, #tpu.memory_space<vmem_shared>>
      tpu.wait_dma2 semaphore(%run_scoped3A_79 : memref<!tpu.dma_semaphore, #tpu.memory_space<semaphore_mem>>) src(%arg8 : memref<80x128xf32, #tpu.memory_space<vmem>>) dst(%dma_wait3A_86 : memref<80x128xf32, #tpu.memory_space<vmem_shared>>)
      tpu.yield
    }) : () -> ()
    %mul3A_48 = arith.constant 640 : i32
    %mul3A_49 = arith.muli %arg1, %mul3A_48 : i32
    %add3A_50 = arith.constant 400 : i32
    %add3A_51 = arith.addi %mul3A_49, %add3A_50 : i32
    "tpu.region"() ({
      %run_scoped3A_79 = tpu.sem_alloc : memref<!tpu.dma_semaphore, #tpu.memory_space<semaphore_mem>>
      %dma_start3A_80 = arith.constant 0 : i32
      %dma_start3A_81 = tpu.memref_slice %arg20[%add3A_51, %dma_start3A_80] : memref<10240x128xf32, #tpu.memory_space<vmem_shared>> -> memref<80x128xf32, #tpu.memory_space<vmem_shared>>
      %dma_start3A_82 = arith.constant 0 : i32
      %dma_start3A_83 = tpu.memref_slice %arg20[%add3A_51, %dma_start3A_82] : memref<10240x128xf32, #tpu.memory_space<vmem_shared>> -> memref<80x128xf32, #tpu.memory_space<vmem_shared>>
      tpu.enqueue_dma source(%arg8 : memref<80x128xf32, #tpu.memory_space<vmem>>) target(%dma_start3A_83 : memref<80x128xf32, #tpu.memory_space<vmem_shared>>) target_semaphore(%run_scoped3A_79 : memref<!tpu.dma_semaphore, #tpu.memory_space<semaphore_mem>>)
      %dma_wait3A = arith.constant 0 : i32
      %dma_wait3A_84 = tpu.memref_slice %arg20[%add3A_51, %dma_wait3A] : memref<10240x128xf32, #tpu.memory_space<vmem_shared>> -> memref<80x128xf32, #tpu.memory_space<vmem_shared>>
      %dma_wait3A_85 = arith.constant 0 : i32
      %dma_wait3A_86 = tpu.memref_slice %arg20[%add3A_51, %dma_wait3A_85] : memref<10240x128xf32, #tpu.memory_space<vmem_shared>> -> memref<80x128xf32, #tpu.memory_space<vmem_shared>>
      tpu.wait_dma2 semaphore(%run_scoped3A_79 : memref<!tpu.dma_semaphore, #tpu.memory_space<semaphore_mem>>) src(%arg8 : memref<80x128xf32, #tpu.memory_space<vmem>>) dst(%dma_wait3A_86 : memref<80x128xf32, #tpu.memory_space<vmem_shared>>)
      tpu.yield
    }) : () -> ()
    %mul3A_52 = arith.constant 640 : i32
    %mul3A_53 = arith.muli %arg1, %mul3A_52 : i32
    %add3A_54 = arith.constant 480 : i32
    %add3A_55 = arith.addi %mul3A_53, %add3A_54 : i32
    "tpu.region"() ({
      %run_scoped3A_79 = tpu.sem_alloc : memref<!tpu.dma_semaphore, #tpu.memory_space<semaphore_mem>>
      %dma_start3A_80 = arith.constant 0 : i32
      %dma_start3A_81 = tpu.memref_slice %arg20[%add3A_55, %dma_start3A_80] : memref<10240x128xf32, #tpu.memory_space<vmem_shared>> -> memref<80x128xf32, #tpu.memory_space<vmem_shared>>
      %dma_start3A_82 = arith.constant 0 : i32
      %dma_start3A_83 = tpu.memref_slice %arg20[%add3A_55, %dma_start3A_82] : memref<10240x128xf32, #tpu.memory_space<vmem_shared>> -> memref<80x128xf32, #tpu.memory_space<vmem_shared>>
      tpu.enqueue_dma source(%arg8 : memref<80x128xf32, #tpu.memory_space<vmem>>) target(%dma_start3A_83 : memref<80x128xf32, #tpu.memory_space<vmem_shared>>) target_semaphore(%run_scoped3A_79 : memref<!tpu.dma_semaphore, #tpu.memory_space<semaphore_mem>>)
      %dma_wait3A = arith.constant 0 : i32
      %dma_wait3A_84 = tpu.memref_slice %arg20[%add3A_55, %dma_wait3A] : memref<10240x128xf32, #tpu.memory_space<vmem_shared>> -> memref<80x128xf32, #tpu.memory_space<vmem_shared>>
      %dma_wait3A_85 = arith.constant 0 : i32
      %dma_wait3A_86 = tpu.memref_slice %arg20[%add3A_55, %dma_wait3A_85] : memref<10240x128xf32, #tpu.memory_space<vmem_shared>> -> memref<80x128xf32, #tpu.memory_space<vmem_shared>>
      tpu.wait_dma2 semaphore(%run_scoped3A_79 : memref<!tpu.dma_semaphore, #tpu.memory_space<semaphore_mem>>) src(%arg8 : memref<80x128xf32, #tpu.memory_space<vmem>>) dst(%dma_wait3A_86 : memref<80x128xf32, #tpu.memory_space<vmem_shared>>)
      tpu.yield
    }) : () -> ()
    %mul3A_56 = arith.constant 640 : i32
    %mul3A_57 = arith.muli %arg1, %mul3A_56 : i32
    %add3A_58 = arith.constant 560 : i32
    %add3A_59 = arith.addi %mul3A_57, %add3A_58 : i32
    "tpu.region"() ({
      %run_scoped3A_79 = tpu.sem_alloc : memref<!tpu.dma_semaphore, #tpu.memory_space<semaphore_mem>>
      %dma_start3A_80 = arith.constant 0 : i32
      %dma_start3A_81 = tpu.memref_slice %arg20[%add3A_59, %dma_start3A_80] : memref<10240x128xf32, #tpu.memory_space<vmem_shared>> -> memref<80x128xf32, #tpu.memory_space<vmem_shared>>
      %dma_start3A_82 = arith.constant 0 : i32
      %dma_start3A_83 = tpu.memref_slice %arg20[%add3A_59, %dma_start3A_82] : memref<10240x128xf32, #tpu.memory_space<vmem_shared>> -> memref<80x128xf32, #tpu.memory_space<vmem_shared>>
      tpu.enqueue_dma source(%arg8 : memref<80x128xf32, #tpu.memory_space<vmem>>) target(%dma_start3A_83 : memref<80x128xf32, #tpu.memory_space<vmem_shared>>) target_semaphore(%run_scoped3A_79 : memref<!tpu.dma_semaphore, #tpu.memory_space<semaphore_mem>>)
      %dma_wait3A = arith.constant 0 : i32
      %dma_wait3A_84 = tpu.memref_slice %arg20[%add3A_59, %dma_wait3A] : memref<10240x128xf32, #tpu.memory_space<vmem_shared>> -> memref<80x128xf32, #tpu.memory_space<vmem_shared>>
      %dma_wait3A_85 = arith.constant 0 : i32
      %dma_wait3A_86 = tpu.memref_slice %arg20[%add3A_59, %dma_wait3A_85] : memref<10240x128xf32, #tpu.memory_space<vmem_shared>> -> memref<80x128xf32, #tpu.memory_space<vmem_shared>>
      tpu.wait_dma2 semaphore(%run_scoped3A_79 : memref<!tpu.dma_semaphore, #tpu.memory_space<semaphore_mem>>) src(%arg8 : memref<80x128xf32, #tpu.memory_space<vmem>>) dst(%dma_wait3A_86 : memref<80x128xf32, #tpu.memory_space<vmem_shared>>)
      tpu.yield
    }) : () -> ()
    %dma_start3A_60 = arith.constant 0 : i32
    %dma_start3A_61 = arith.constant 0 : i32
    %dma_start3A_62 = tpu.memref_slice %arg6[%dma_start3A_60, %dma_start3A_61] : memref<25x80xi32, #tpu.memory_space<vmem>> -> memref<1x80xi32, #tpu.memory_space<vmem>>
    %dma_start3A_63 = tpu.memref_squeeze %dma_start3A_62 : memref<1x80xi32, #tpu.memory_space<vmem>> -> memref<80xi32, #tpu.memory_space<vmem>>
    %dma_start3A_64 = arith.constant 0 : i32
    %dma_start3A_65 = arith.constant 0 : i32
    %dma_start3A_66 = tpu.memref_slice %arg2[%dma_start3A_64, %dma_start3A_65] : memref<10000x128xf32, #tpu.memory_space<hbm>> -> memref<10000x128xf32, #tpu.memory_space<hbm>>
    tpu.enqueue_indirect_dma source(%dma_start3A_66 : memref<10000x128xf32, #tpu.memory_space<hbm>>) target(%arg8 : memref<80x128xf32, #tpu.memory_space<vmem>>) offsets(%dma_start3A_63 : memref<80xi32, #tpu.memory_space<vmem>>) semaphore(%arg12 : memref<!tpu.dma_semaphore, #tpu.memory_space<semaphore_mem>>)
    %barrier3A = arith.constant 0 : index
    tpu.barrier barrier_id(%barrier3A)
    %scan3A_67 = arith.constant 0 : i32
    %scan3A_68 = arith.constant 0 : i32
    %scan3A_69 = arith.constant 5 : i32
    %scan3A_70 = arith.addi %scan3A_68, %scan3A_69 : i32
    %scan3A_71 = arith.constant 1 : i32
    %scan3A_72 = scf.for %scan3A_79 = %scan3A_68 to %scan3A_70 step %scan3A_71 iter_args(%scan3A_80 = %scan3A_67) -> (i32)  : i32 {
      %gt3A = arith.constant 0 : i32
      %gt3A_81 = arith.cmpi sgt, %scan3A_79, %gt3A : i32
      %convert_element_type3A = arith.extui %gt3A_81 : i1 to i32
      %cond3A = arith.constant 0 : i32
      %cond3A_82 = arith.cmpi ne, %convert_element_type3A, %cond3A : i32
      scf.if %cond3A_82 {
        "tpu.region"() ({
          %run_scoped3A_125 = tpu.sem_alloc : memref<!tpu.dma_semaphore, #tpu.memory_space<semaphore_mem>>
          %dma_start3A_126 = arith.constant 0 : i32
          %dma_start3A_127 = arith.constant 0 : i32
          %dma_start3A_128 = tpu.memref_slice %arg3[%add3A, %scan3A_79, %dma_start3A_126, %dma_start3A_127] : memref<32x5x25x80xi32, #tpu.memory_space<hbm>> -> memref<1x1x25x80xi32, #tpu.memory_space<hbm>>
          %dma_start3A_129 = tpu.memref_squeeze %dma_start3A_128 : memref<1x1x25x80xi32, #tpu.memory_space<hbm>> -> memref<25x80xi32, #tpu.memory_space<hbm>>
          %dma_start3A_130 = arith.constant 0 : i32
          %dma_start3A_131 = arith.constant 0 : i32
          %dma_start3A_132 = tpu.memref_slice %arg3[%add3A, %scan3A_79, %dma_start3A_130, %dma_start3A_131] : memref<32x5x25x80xi32, #tpu.memory_space<hbm>> -> memref<1x1x25x80xi32, #tpu.memory_space<hbm>>
          %dma_start3A_133 = tpu.memref_squeeze %dma_start3A_132 : memref<1x1x25x80xi32, #tpu.memory_space<hbm>> -> memref<25x80xi32, #tpu.memory_space<hbm>>
          tpu.enqueue_dma source(%dma_start3A_133 : memref<25x80xi32, #tpu.memory_space<hbm>>) target(%arg6 : memref<25x80xi32, #tpu.memory_space<vmem>>) target_semaphore(%run_scoped3A_125 : memref<!tpu.dma_semaphore, #tpu.memory_space<semaphore_mem>>)
          %dma_wait3A_134 = arith.constant 0 : i32
          %dma_wait3A_135 = arith.constant 0 : i32
          %dma_wait3A_136 = tpu.memref_slice %arg3[%add3A, %scan3A_79, %dma_wait3A_134, %dma_wait3A_135] : memref<32x5x25x80xi32, #tpu.memory_space<hbm>> -> memref<1x1x25x80xi32, #tpu.memory_space<hbm>>
          %dma_wait3A_137 = tpu.memref_squeeze %dma_wait3A_136 : memref<1x1x25x80xi32, #tpu.memory_space<hbm>> -> memref<25x80xi32, #tpu.memory_space<hbm>>
          %dma_wait3A_138 = arith.constant 0 : i32
          %dma_wait3A_139 = arith.constant 0 : i32
          %dma_wait3A_140 = tpu.memref_slice %arg3[%add3A, %scan3A_79, %dma_wait3A_138, %dma_wait3A_139] : memref<32x5x25x80xi32, #tpu.memory_space<hbm>> -> memref<1x1x25x80xi32, #tpu.memory_space<hbm>>
          %dma_wait3A_141 = tpu.memref_squeeze %dma_wait3A_140 : memref<1x1x25x80xi32, #tpu.memory_space<hbm>> -> memref<25x80xi32, #tpu.memory_space<hbm>>
          tpu.wait_dma2 semaphore(%run_scoped3A_125 : memref<!tpu.dma_semaphore, #tpu.memory_space<semaphore_mem>>) src(%dma_wait3A_141 : memref<25x80xi32, #tpu.memory_space<hbm>>) dst(%arg6 : memref<25x80xi32, #tpu.memory_space<vmem>>)
          tpu.yield
        }) : () -> ()
        "tpu.region"() ({
          %run_scoped3A_125 = tpu.sem_alloc : memref<!tpu.dma_semaphore, #tpu.memory_space<semaphore_mem>>
          %dma_start3A_126 = arith.constant 0 : i32
          %dma_start3A_127 = arith.constant 0 : i32
          %dma_start3A_128 = tpu.memref_slice %arg4[%add3A, %scan3A_79, %dma_start3A_126, %dma_start3A_127] : memref<32x5x25x80xi32, #tpu.memory_space<hbm>> -> memref<1x1x25x80xi32, #tpu.memory_space<hbm>>
          %dma_start3A_129 = tpu.memref_squeeze %dma_start3A_128 : memref<1x1x25x80xi32, #tpu.memory_space<hbm>> -> memref<25x80xi32, #tpu.memory_space<hbm>>
          %dma_start3A_130 = arith.constant 0 : i32
          %dma_start3A_131 = arith.constant 0 : i32
          %dma_start3A_132 = tpu.memref_slice %arg4[%add3A, %scan3A_79, %dma_start3A_130, %dma_start3A_131] : memref<32x5x25x80xi32, #tpu.memory_space<hbm>> -> memref<1x1x25x80xi32, #tpu.memory_space<hbm>>
          %dma_start3A_133 = tpu.memref_squeeze %dma_start3A_132 : memref<1x1x25x80xi32, #tpu.memory_space<hbm>> -> memref<25x80xi32, #tpu.memory_space<hbm>>
          tpu.enqueue_dma source(%dma_start3A_133 : memref<25x80xi32, #tpu.memory_space<hbm>>) target(%arg7 : memref<25x80xi32, #tpu.memory_space<vmem>>) target_semaphore(%run_scoped3A_125 : memref<!tpu.dma_semaphore, #tpu.memory_space<semaphore_mem>>)
          %dma_wait3A_134 = arith.constant 0 : i32
          %dma_wait3A_135 = arith.constant 0 : i32
          %dma_wait3A_136 = tpu.memref_slice %arg4[%add3A, %scan3A_79, %dma_wait3A_134, %dma_wait3A_135] : memref<32x5x25x80xi32, #tpu.memory_space<hbm>> -> memref<1x1x25x80xi32, #tpu.memory_space<hbm>>
          %dma_wait3A_137 = tpu.memref_squeeze %dma_wait3A_136 : memref<1x1x25x80xi32, #tpu.memory_space<hbm>> -> memref<25x80xi32, #tpu.memory_space<hbm>>
          %dma_wait3A_138 = arith.constant 0 : i32
          %dma_wait3A_139 = arith.constant 0 : i32
          %dma_wait3A_140 = tpu.memref_slice %arg4[%add3A, %scan3A_79, %dma_wait3A_138, %dma_wait3A_139] : memref<32x5x25x80xi32, #tpu.memory_space<hbm>> -> memref<1x1x25x80xi32, #tpu.memory_space<hbm>>
          %dma_wait3A_141 = tpu.memref_squeeze %dma_wait3A_140 : memref<1x1x25x80xi32, #tpu.memory_space<hbm>> -> memref<25x80xi32, #tpu.memory_space<hbm>>
          tpu.wait_dma2 semaphore(%run_scoped3A_125 : memref<!tpu.dma_semaphore, #tpu.memory_space<semaphore_mem>>) src(%dma_wait3A_141 : memref<25x80xi32, #tpu.memory_space<hbm>>) dst(%arg7 : memref<25x80xi32, #tpu.memory_space<vmem>>)
          tpu.yield
        }) : () -> ()
        %dma_start3A_97 = arith.constant 0 : i32
        %dma_start3A_98 = arith.constant 0 : i32
        %dma_start3A_99 = tpu.memref_slice %arg6[%dma_start3A_97, %dma_start3A_98] : memref<25x80xi32, #tpu.memory_space<vmem>> -> memref<1x80xi32, #tpu.memory_space<vmem>>
        %dma_start3A_100 = tpu.memref_squeeze %dma_start3A_99 : memref<1x80xi32, #tpu.memory_space<vmem>> -> memref<80xi32, #tpu.memory_space<vmem>>
        %dma_start3A_101 = arith.constant 0 : i32
        %dma_start3A_102 = arith.constant 0 : i32
        %dma_start3A_103 = tpu.memref_slice %arg2[%dma_start3A_101, %dma_start3A_102] : memref<10000x128xf32, #tpu.memory_space<hbm>> -> memref<10000x128xf32, #tpu.memory_space<hbm>>
        tpu.enqueue_indirect_dma source(%dma_start3A_103 : memref<10000x128xf32, #tpu.memory_space<hbm>>) target(%arg8 : memref<80x128xf32, #tpu.memory_space<vmem>>) offsets(%dma_start3A_100 : memref<80xi32, #tpu.memory_space<vmem>>) semaphore(%arg12 : memref<!tpu.dma_semaphore, #tpu.memory_space<semaphore_mem>>)
        %dma_start3A_104 = arith.constant 1 : i32
        %dma_start3A_105 = arith.constant 0 : i32
        %dma_start3A_106 = tpu.memref_slice %arg6[%dma_start3A_104, %dma_start3A_105] : memref<25x80xi32, #tpu.memory_space<vmem>> -> memref<1x80xi32, #tpu.memory_space<vmem>>
        %dma_start3A_107 = tpu.memref_squeeze %dma_start3A_106 : memref<1x80xi32, #tpu.memory_space<vmem>> -> memref<80xi32, #tpu.memory_space<vmem>>
        %dma_start3A_108 = arith.constant 0 : i32
        %dma_start3A_109 = arith.constant 0 : i32
        %dma_start3A_110 = tpu.memref_slice %arg2[%dma_start3A_108, %dma_start3A_109] : memref<10000x128xf32, #tpu.memory_space<hbm>> -> memref<10000x128xf32, #tpu.memory_space<hbm>>
        tpu.enqueue_indirect_dma source(%dma_start3A_110 : memref<10000x128xf32, #tpu.memory_space<hbm>>) target(%arg9 : memref<80x128xf32, #tpu.memory_space<vmem>>) offsets(%dma_start3A_107 : memref<80xi32, #tpu.memory_space<vmem>>) semaphore(%arg13 : memref<!tpu.dma_semaphore, #tpu.memory_space<semaphore_mem>>)
        %dma_start3A_111 = arith.constant 2 : i32
        %dma_start3A_112 = arith.constant 0 : i32
        %dma_start3A_113 = tpu.memref_slice %arg6[%dma_start3A_111, %dma_start3A_112] : memref<25x80xi32, #tpu.memory_space<vmem>> -> memref<1x80xi32, #tpu.memory_space<vmem>>
        %dma_start3A_114 = tpu.memref_squeeze %dma_start3A_113 : memref<1x80xi32, #tpu.memory_space<vmem>> -> memref<80xi32, #tpu.memory_space<vmem>>
        %dma_start3A_115 = arith.constant 0 : i32
        %dma_start3A_116 = arith.constant 0 : i32
        %dma_start3A_117 = tpu.memref_slice %arg2[%dma_start3A_115, %dma_start3A_116] : memref<10000x128xf32, #tpu.memory_space<hbm>> -> memref<10000x128xf32, #tpu.memory_space<hbm>>
        tpu.enqueue_indirect_dma source(%dma_start3A_117 : memref<10000x128xf32, #tpu.memory_space<hbm>>) target(%arg10 : memref<80x128xf32, #tpu.memory_space<vmem>>) offsets(%dma_start3A_114 : memref<80xi32, #tpu.memory_space<vmem>>) semaphore(%arg14 : memref<!tpu.dma_semaphore, #tpu.memory_space<semaphore_mem>>)
        %dma_start3A_118 = arith.constant 3 : i32
        %dma_start3A_119 = arith.constant 0 : i32
        %dma_start3A_120 = tpu.memref_slice %arg6[%dma_start3A_118, %dma_start3A_119] : memref<25x80xi32, #tpu.memory_space<vmem>> -> memref<1x80xi32, #tpu.memory_space<vmem>>
        %dma_start3A_121 = tpu.memref_squeeze %dma_start3A_120 : memref<1x80xi32, #tpu.memory_space<vmem>> -> memref<80xi32, #tpu.memory_space<vmem>>
        %dma_start3A_122 = arith.constant 0 : i32
        %dma_start3A_123 = arith.constant 0 : i32
        %dma_start3A_124 = tpu.memref_slice %arg2[%dma_start3A_122, %dma_start3A_123] : memref<10000x128xf32, #tpu.memory_space<hbm>> -> memref<10000x128xf32, #tpu.memory_space<hbm>>
        tpu.enqueue_indirect_dma source(%dma_start3A_124 : memref<10000x128xf32, #tpu.memory_space<hbm>>) target(%arg11 : memref<80x128xf32, #tpu.memory_space<vmem>>) offsets(%dma_start3A_121 : memref<80xi32, #tpu.memory_space<vmem>>) semaphore(%arg15 : memref<!tpu.dma_semaphore, #tpu.memory_space<semaphore_mem>>)
      } else {
      }
      %scan3A_83 = arith.constant 0 : i32
      %scan3A_84 = arith.constant 0 : i32
      %scan3A_85 = arith.constant 25 : i32
      %scan3A_86 = arith.addi %scan3A_84, %scan3A_85 : i32
      %scan3A_87 = arith.constant 1 : i32
      %scan3A_88 = scf.for %scan3A_97 = %scan3A_84 to %scan3A_86 step %scan3A_87 iter_args(%scan3A_98 = %scan3A_83) -> (i32)  : i32 {
        %ge3A = arith.constant 1 : i32
        %ge3A_99 = arith.cmpi sge, %scan3A_97, %ge3A : i32
        %convert_element_type3A_100 = arith.extui %ge3A_99 : i1 to i32
        %cond3A_101 = arith.constant 0 : i32
        %cond3A_102 = arith.cmpi ne, %convert_element_type3A_100, %cond3A_101 : i32
        scf.if %cond3A_102 {
          %sub3A = arith.constant 1 : i32
          %sub3A_181 = arith.subi %scan3A_97, %sub3A : i32
          %jit3A_182 = arith.constant 4 : i32
          %eq3A_183 = arith.constant 0 : i32
          %eq3A_184 = arith.cmpi eq, %jit3A_182, %eq3A_183 : i32
          %jit3A_185 = arith.constant 1 : i32
          %select_n3A_186 = arith.select %eq3A_184, %jit3A_185, %jit3A_182 : i32
          %rem3A_187 = arith.remsi %sub3A_181, %select_n3A_186 : i32
          %ne3A_188 = arith.constant 0 : i32
          %ne3A_189 = arith.cmpi ne, %rem3A_187, %ne3A_188 : i32
          %lt3A_190 = arith.constant 0 : i32
          %lt3A_191 = arith.cmpi slt, %rem3A_187, %lt3A_190 : i32
          %lt3A_192 = arith.constant 0 : i32
          %lt3A_193 = arith.cmpi slt, %select_n3A_186, %lt3A_192 : i32
          %ne3A_194 = arith.xori %lt3A_191, %lt3A_193 : i1
          %and3A_195 = arith.andi %ne3A_194, %ne3A_189 : i1
          %add3A_196 = arith.addi %rem3A_187, %select_n3A_186 : i32
          %select_n3A_197 = arith.select %and3A_195, %add3A_196, %rem3A_187 : i32
          %eq3A_198 = arith.constant 0 : i32
          %eq3A_199 = arith.cmpi eq, %select_n3A_197, %eq3A_198 : i32
          %convert_element_type3A_200 = arith.extui %eq3A_199 : i1 to i32
          %cond3A_201 = arith.constant 0 : i32
          %cond3A_202 = arith.cmpi ne, %convert_element_type3A_200, %cond3A_201 : i32
          scf.if %cond3A_202 {
            %sub3A_272 = arith.constant 1 : i32
            %sub3A_273 = arith.subi %scan3A_97, %sub3A_272 : i32
            %dma_wait3A_274 = arith.constant 0 : i32
            %dma_wait3A_275 = tpu.memref_slice %arg7[%sub3A_273, %dma_wait3A_274] : memref<25x80xi32, #tpu.memory_space<vmem>> -> memref<1x80xi32, #tpu.memory_space<vmem>>
            %dma_wait3A_276 = tpu.memref_squeeze %dma_wait3A_275 : memref<1x80xi32, #tpu.memory_space<vmem>> -> memref<80xi32, #tpu.memory_space<vmem>>
            %dma_wait3A_277 = arith.constant 0 : i32
            %dma_wait3A_278 = arith.constant 0 : i32
            %dma_wait3A_279 = tpu.memref_slice %arg20[%dma_wait3A_277, %dma_wait3A_278] : memref<10240x128xf32, #tpu.memory_space<vmem_shared>> -> memref<10240x128xf32, #tpu.memory_space<vmem_shared>>
            tpu.wait_indirect_dma semaphore(%arg16 : memref<!tpu.dma_semaphore, #tpu.memory_space<semaphore_mem>>) src(%arg8 : memref<80x128xf32, #tpu.memory_space<vmem>>) dst(%dma_wait3A_279 : memref<10240x128xf32, #tpu.memory_space<vmem_shared>>)
            %add3A_280 = arith.constant 4 : i32
            %add3A_281 = arith.addi %scan3A_97, %add3A_280 : i32
            %sub3A_282 = arith.constant 1 : i32
            %sub3A_283 = arith.subi %add3A_281, %sub3A_282 : i32
            %lt3A_284 = arith.constant 25 : i32
            %lt3A_285 = arith.cmpi slt, %sub3A_283, %lt3A_284 : i32
            %convert_element_type3A_286 = arith.extui %lt3A_285 : i1 to i32
            %cond3A_287 = arith.constant 0 : i32
            %cond3A_288 = arith.cmpi ne, %convert_element_type3A_286, %cond3A_287 : i32
            scf.if %cond3A_288 {
              %add3A_289 = arith.constant 4 : i32
              %add3A_290 = arith.addi %scan3A_97, %add3A_289 : i32
              %sub3A_291 = arith.constant 1 : i32
              %sub3A_292 = arith.subi %add3A_290, %sub3A_291 : i32
              %dma_start3A_293 = arith.constant 0 : i32
              %dma_start3A_294 = tpu.memref_slice %arg6[%sub3A_292, %dma_start3A_293] : memref<25x80xi32, #tpu.memory_space<vmem>> -> memref<1x80xi32, #tpu.memory_space<vmem>>
              %dma_start3A_295 = tpu.memref_squeeze %dma_start3A_294 : memref<1x80xi32, #tpu.memory_space<vmem>> -> memref<80xi32, #tpu.memory_space<vmem>>
              %dma_start3A_296 = arith.constant 0 : i32
              %dma_start3A_297 = arith.constant 0 : i32
              %dma_start3A_298 = tpu.memref_slice %arg2[%dma_start3A_296, %dma_start3A_297] : memref<10000x128xf32, #tpu.memory_space<hbm>> -> memref<10000x128xf32, #tpu.memory_space<hbm>>
              tpu.enqueue_indirect_dma source(%dma_start3A_298 : memref<10000x128xf32, #tpu.memory_space<hbm>>) target(%arg8 : memref<80x128xf32, #tpu.memory_space<vmem>>) offsets(%dma_start3A_295 : memref<80xi32, #tpu.memory_space<vmem>>) semaphore(%arg12 : memref<!tpu.dma_semaphore, #tpu.memory_space<semaphore_mem>>)
            } else {
            }
          } else {
          }
          %sub3A_203 = arith.constant 1 : i32
          %sub3A_204 = arith.subi %scan3A_97, %sub3A_203 : i32
          %jit3A_205 = arith.constant 4 : i32
          %eq3A_206 = arith.constant 0 : i32
          %eq3A_207 = arith.cmpi eq, %jit3A_205, %eq3A_206 : i32
          %jit3A_208 = arith.constant 1 : i32
          %select_n3A_209 = arith.select %eq3A_207, %jit3A_208, %jit3A_205 : i32
          %rem3A_210 = arith.remsi %sub3A_204, %select_n3A_209 : i32
          %ne3A_211 = arith.constant 0 : i32
          %ne3A_212 = arith.cmpi ne, %rem3A_210, %ne3A_211 : i32
          %lt3A_213 = arith.constant 0 : i32
          %lt3A_214 = arith.cmpi slt, %rem3A_210, %lt3A_213 : i32
          %lt3A_215 = arith.constant 0 : i32
          %lt3A_216 = arith.cmpi slt, %select_n3A_209, %lt3A_215 : i32
          %ne3A_217 = arith.xori %lt3A_214, %lt3A_216 : i1
          %and3A_218 = arith.andi %ne3A_217, %ne3A_212 : i1
          %add3A_219 = arith.addi %rem3A_210, %select_n3A_209 : i32
          %select_n3A_220 = arith.select %and3A_218, %add3A_219, %rem3A_210 : i32
          %eq3A_221 = arith.constant 1 : i32
          %eq3A_222 = arith.cmpi eq, %select_n3A_220, %eq3A_221 : i32
          %convert_element_type3A_223 = arith.extui %eq3A_222 : i1 to i32
          %cond3A_224 = arith.constant 0 : i32
          %cond3A_225 = arith.cmpi ne, %convert_element_type3A_223, %cond3A_224 : i32
          scf.if %cond3A_225 {
            %sub3A_272 = arith.constant 1 : i32
            %sub3A_273 = arith.subi %scan3A_97, %sub3A_272 : i32
            %dma_wait3A_274 = arith.constant 0 : i32
            %dma_wait3A_275 = tpu.memref_slice %arg7[%sub3A_273, %dma_wait3A_274] : memref<25x80xi32, #tpu.memory_space<vmem>> -> memref<1x80xi32, #tpu.memory_space<vmem>>
            %dma_wait3A_276 = tpu.memref_squeeze %dma_wait3A_275 : memref<1x80xi32, #tpu.memory_space<vmem>> -> memref<80xi32, #tpu.memory_space<vmem>>
            %dma_wait3A_277 = arith.constant 0 : i32
            %dma_wait3A_278 = arith.constant 0 : i32
            %dma_wait3A_279 = tpu.memref_slice %arg20[%dma_wait3A_277, %dma_wait3A_278] : memref<10240x128xf32, #tpu.memory_space<vmem_shared>> -> memref<10240x128xf32, #tpu.memory_space<vmem_shared>>
            tpu.wait_indirect_dma semaphore(%arg17 : memref<!tpu.dma_semaphore, #tpu.memory_space<semaphore_mem>>) src(%arg9 : memref<80x128xf32, #tpu.memory_space<vmem>>) dst(%dma_wait3A_279 : memref<10240x128xf32, #tpu.memory_space<vmem_shared>>)
            %add3A_280 = arith.constant 4 : i32
            %add3A_281 = arith.addi %scan3A_97, %add3A_280 : i32
            %sub3A_282 = arith.constant 1 : i32
            %sub3A_283 = arith.subi %add3A_281, %sub3A_282 : i32
            %lt3A_284 = arith.constant 25 : i32
            %lt3A_285 = arith.cmpi slt, %sub3A_283, %lt3A_284 : i32
            %convert_element_type3A_286 = arith.extui %lt3A_285 : i1 to i32
            %cond3A_287 = arith.constant 0 : i32
            %cond3A_288 = arith.cmpi ne, %convert_element_type3A_286, %cond3A_287 : i32
            scf.if %cond3A_288 {
              %add3A_289 = arith.constant 4 : i32
              %add3A_290 = arith.addi %scan3A_97, %add3A_289 : i32
              %sub3A_291 = arith.constant 1 : i32
              %sub3A_292 = arith.subi %add3A_290, %sub3A_291 : i32
              %dma_start3A_293 = arith.constant 0 : i32
              %dma_start3A_294 = tpu.memref_slice %arg6[%sub3A_292, %dma_start3A_293] : memref<25x80xi32, #tpu.memory_space<vmem>> -> memref<1x80xi32, #tpu.memory_space<vmem>>
              %dma_start3A_295 = tpu.memref_squeeze %dma_start3A_294 : memref<1x80xi32, #tpu.memory_space<vmem>> -> memref<80xi32, #tpu.memory_space<vmem>>
              %dma_start3A_296 = arith.constant 0 : i32
              %dma_start3A_297 = arith.constant 0 : i32
              %dma_start3A_298 = tpu.memref_slice %arg2[%dma_start3A_296, %dma_start3A_297] : memref<10000x128xf32, #tpu.memory_space<hbm>> -> memref<10000x128xf32, #tpu.memory_space<hbm>>
              tpu.enqueue_indirect_dma source(%dma_start3A_298 : memref<10000x128xf32, #tpu.memory_space<hbm>>) target(%arg9 : memref<80x128xf32, #tpu.memory_space<vmem>>) offsets(%dma_start3A_295 : memref<80xi32, #tpu.memory_space<vmem>>) semaphore(%arg13 : memref<!tpu.dma_semaphore, #tpu.memory_space<semaphore_mem>>)
            } else {
            }
          } else {
          }
          %sub3A_226 = arith.constant 1 : i32
          %sub3A_227 = arith.subi %scan3A_97, %sub3A_226 : i32
          %jit3A_228 = arith.constant 4 : i32
          %eq3A_229 = arith.constant 0 : i32
          %eq3A_230 = arith.cmpi eq, %jit3A_228, %eq3A_229 : i32
          %jit3A_231 = arith.constant 1 : i32
          %select_n3A_232 = arith.select %eq3A_230, %jit3A_231, %jit3A_228 : i32
          %rem3A_233 = arith.remsi %sub3A_227, %select_n3A_232 : i32
          %ne3A_234 = arith.constant 0 : i32
          %ne3A_235 = arith.cmpi ne, %rem3A_233, %ne3A_234 : i32
          %lt3A_236 = arith.constant 0 : i32
          %lt3A_237 = arith.cmpi slt, %rem3A_233, %lt3A_236 : i32
          %lt3A_238 = arith.constant 0 : i32
          %lt3A_239 = arith.cmpi slt, %select_n3A_232, %lt3A_238 : i32
          %ne3A_240 = arith.xori %lt3A_237, %lt3A_239 : i1
          %and3A_241 = arith.andi %ne3A_240, %ne3A_235 : i1
          %add3A_242 = arith.addi %rem3A_233, %select_n3A_232 : i32
          %select_n3A_243 = arith.select %and3A_241, %add3A_242, %rem3A_233 : i32
          %eq3A_244 = arith.constant 2 : i32
          %eq3A_245 = arith.cmpi eq, %select_n3A_243, %eq3A_244 : i32
          %convert_element_type3A_246 = arith.extui %eq3A_245 : i1 to i32
          %cond3A_247 = arith.constant 0 : i32
          %cond3A_248 = arith.cmpi ne, %convert_element_type3A_246, %cond3A_247 : i32
          scf.if %cond3A_248 {
            %sub3A_272 = arith.constant 1 : i32
            %sub3A_273 = arith.subi %scan3A_97, %sub3A_272 : i32
            %dma_wait3A_274 = arith.constant 0 : i32
            %dma_wait3A_275 = tpu.memref_slice %arg7[%sub3A_273, %dma_wait3A_274] : memref<25x80xi32, #tpu.memory_space<vmem>> -> memref<1x80xi32, #tpu.memory_space<vmem>>
            %dma_wait3A_276 = tpu.memref_squeeze %dma_wait3A_275 : memref<1x80xi32, #tpu.memory_space<vmem>> -> memref<80xi32, #tpu.memory_space<vmem>>
            %dma_wait3A_277 = arith.constant 0 : i32
            %dma_wait3A_278 = arith.constant 0 : i32
            %dma_wait3A_279 = tpu.memref_slice %arg20[%dma_wait3A_277, %dma_wait3A_278] : memref<10240x128xf32, #tpu.memory_space<vmem_shared>> -> memref<10240x128xf32, #tpu.memory_space<vmem_shared>>
            tpu.wait_indirect_dma semaphore(%arg18 : memref<!tpu.dma_semaphore, #tpu.memory_space<semaphore_mem>>) src(%arg10 : memref<80x128xf32, #tpu.memory_space<vmem>>) dst(%dma_wait3A_279 : memref<10240x128xf32, #tpu.memory_space<vmem_shared>>)
            %add3A_280 = arith.constant 4 : i32
            %add3A_281 = arith.addi %scan3A_97, %add3A_280 : i32
            %sub3A_282 = arith.constant 1 : i32
            %sub3A_283 = arith.subi %add3A_281, %sub3A_282 : i32
            %lt3A_284 = arith.constant 25 : i32
            %lt3A_285 = arith.cmpi slt, %sub3A_283, %lt3A_284 : i32
            %convert_element_type3A_286 = arith.extui %lt3A_285 : i1 to i32
            %cond3A_287 = arith.constant 0 : i32
            %cond3A_288 = arith.cmpi ne, %convert_element_type3A_286, %cond3A_287 : i32
            scf.if %cond3A_288 {
              %add3A_289 = arith.constant 4 : i32
              %add3A_290 = arith.addi %scan3A_97, %add3A_289 : i32
              %sub3A_291 = arith.constant 1 : i32
              %sub3A_292 = arith.subi %add3A_290, %sub3A_291 : i32
              %dma_start3A_293 = arith.constant 0 : i32
              %dma_start3A_294 = tpu.memref_slice %arg6[%sub3A_292, %dma_start3A_293] : memref<25x80xi32, #tpu.memory_space<vmem>> -> memref<1x80xi32, #tpu.memory_space<vmem>>
              %dma_start3A_295 = tpu.memref_squeeze %dma_start3A_294 : memref<1x80xi32, #tpu.memory_space<vmem>> -> memref<80xi32, #tpu.memory_space<vmem>>
              %dma_start3A_296 = arith.constant 0 : i32
              %dma_start3A_297 = arith.constant 0 : i32
              %dma_start3A_298 = tpu.memref_slice %arg2[%dma_start3A_296, %dma_start3A_297] : memref<10000x128xf32, #tpu.memory_space<hbm>> -> memref<10000x128xf32, #tpu.memory_space<hbm>>
              tpu.enqueue_indirect_dma source(%dma_start3A_298 : memref<10000x128xf32, #tpu.memory_space<hbm>>) target(%arg10 : memref<80x128xf32, #tpu.memory_space<vmem>>) offsets(%dma_start3A_295 : memref<80xi32, #tpu.memory_space<vmem>>) semaphore(%arg14 : memref<!tpu.dma_semaphore, #tpu.memory_space<semaphore_mem>>)
            } else {
            }
          } else {
          }
          %sub3A_249 = arith.constant 1 : i32
          %sub3A_250 = arith.subi %scan3A_97, %sub3A_249 : i32
          %jit3A_251 = arith.constant 4 : i32
          %eq3A_252 = arith.constant 0 : i32
          %eq3A_253 = arith.cmpi eq, %jit3A_251, %eq3A_252 : i32
          %jit3A_254 = arith.constant 1 : i32
          %select_n3A_255 = arith.select %eq3A_253, %jit3A_254, %jit3A_251 : i32
          %rem3A_256 = arith.remsi %sub3A_250, %select_n3A_255 : i32
          %ne3A_257 = arith.constant 0 : i32
          %ne3A_258 = arith.cmpi ne, %rem3A_256, %ne3A_257 : i32
          %lt3A_259 = arith.constant 0 : i32
          %lt3A_260 = arith.cmpi slt, %rem3A_256, %lt3A_259 : i32
          %lt3A_261 = arith.constant 0 : i32
          %lt3A_262 = arith.cmpi slt, %select_n3A_255, %lt3A_261 : i32
          %ne3A_263 = arith.xori %lt3A_260, %lt3A_262 : i1
          %and3A_264 = arith.andi %ne3A_263, %ne3A_258 : i1
          %add3A_265 = arith.addi %rem3A_256, %select_n3A_255 : i32
          %select_n3A_266 = arith.select %and3A_264, %add3A_265, %rem3A_256 : i32
          %eq3A_267 = arith.constant 3 : i32
          %eq3A_268 = arith.cmpi eq, %select_n3A_266, %eq3A_267 : i32
          %convert_element_type3A_269 = arith.extui %eq3A_268 : i1 to i32
          %cond3A_270 = arith.constant 0 : i32
          %cond3A_271 = arith.cmpi ne, %convert_element_type3A_269, %cond3A_270 : i32
          scf.if %cond3A_271 {
            %sub3A_272 = arith.constant 1 : i32
            %sub3A_273 = arith.subi %scan3A_97, %sub3A_272 : i32
            %dma_wait3A_274 = arith.constant 0 : i32
            %dma_wait3A_275 = tpu.memref_slice %arg7[%sub3A_273, %dma_wait3A_274] : memref<25x80xi32, #tpu.memory_space<vmem>> -> memref<1x80xi32, #tpu.memory_space<vmem>>
            %dma_wait3A_276 = tpu.memref_squeeze %dma_wait3A_275 : memref<1x80xi32, #tpu.memory_space<vmem>> -> memref<80xi32, #tpu.memory_space<vmem>>
            %dma_wait3A_277 = arith.constant 0 : i32
            %dma_wait3A_278 = arith.constant 0 : i32
            %dma_wait3A_279 = tpu.memref_slice %arg20[%dma_wait3A_277, %dma_wait3A_278] : memref<10240x128xf32, #tpu.memory_space<vmem_shared>> -> memref<10240x128xf32, #tpu.memory_space<vmem_shared>>
            tpu.wait_indirect_dma semaphore(%arg19 : memref<!tpu.dma_semaphore, #tpu.memory_space<semaphore_mem>>) src(%arg11 : memref<80x128xf32, #tpu.memory_space<vmem>>) dst(%dma_wait3A_279 : memref<10240x128xf32, #tpu.memory_space<vmem_shared>>)
            %add3A_280 = arith.constant 4 : i32
            %add3A_281 = arith.addi %scan3A_97, %add3A_280 : i32
            %sub3A_282 = arith.constant 1 : i32
            %sub3A_283 = arith.subi %add3A_281, %sub3A_282 : i32
            %lt3A_284 = arith.constant 25 : i32
            %lt3A_285 = arith.cmpi slt, %sub3A_283, %lt3A_284 : i32
            %convert_element_type3A_286 = arith.extui %lt3A_285 : i1 to i32
            %cond3A_287 = arith.constant 0 : i32
            %cond3A_288 = arith.cmpi ne, %convert_element_type3A_286, %cond3A_287 : i32
            scf.if %cond3A_288 {
              %add3A_289 = arith.constant 4 : i32
              %add3A_290 = arith.addi %scan3A_97, %add3A_289 : i32
              %sub3A_291 = arith.constant 1 : i32
              %sub3A_292 = arith.subi %add3A_290, %sub3A_291 : i32
              %dma_start3A_293 = arith.constant 0 : i32
              %dma_start3A_294 = tpu.memref_slice %arg6[%sub3A_292, %dma_start3A_293] : memref<25x80xi32, #tpu.memory_space<vmem>> -> memref<1x80xi32, #tpu.memory_space<vmem>>
              %dma_start3A_295 = tpu.memref_squeeze %dma_start3A_294 : memref<1x80xi32, #tpu.memory_space<vmem>> -> memref<80xi32, #tpu.memory_space<vmem>>
              %dma_start3A_296 = arith.constant 0 : i32
              %dma_start3A_297 = arith.constant 0 : i32
              %dma_start3A_298 = tpu.memref_slice %arg2[%dma_start3A_296, %dma_start3A_297] : memref<10000x128xf32, #tpu.memory_space<hbm>> -> memref<10000x128xf32, #tpu.memory_space<hbm>>
              tpu.enqueue_indirect_dma source(%dma_start3A_298 : memref<10000x128xf32, #tpu.memory_space<hbm>>) target(%arg11 : memref<80x128xf32, #tpu.memory_space<vmem>>) offsets(%dma_start3A_295 : memref<80xi32, #tpu.memory_space<vmem>>) semaphore(%arg15 : memref<!tpu.dma_semaphore, #tpu.memory_space<semaphore_mem>>)
            } else {
            }
          } else {
          }
        } else {
        }
        %jit3A = arith.constant 4 : i32
        %eq3A = arith.constant 0 : i32
        %eq3A_103 = arith.cmpi eq, %jit3A, %eq3A : i32
        %jit3A_104 = arith.constant 1 : i32
        %select_n3A = arith.select %eq3A_103, %jit3A_104, %jit3A : i32
        %rem3A = arith.remsi %scan3A_97, %select_n3A : i32
        %ne3A = arith.constant 0 : i32
        %ne3A_105 = arith.cmpi ne, %rem3A, %ne3A : i32
        %lt3A = arith.constant 0 : i32
        %lt3A_106 = arith.cmpi slt, %rem3A, %lt3A : i32
        %lt3A_107 = arith.constant 0 : i32
        %lt3A_108 = arith.cmpi slt, %select_n3A, %lt3A_107 : i32
        %ne3A_109 = arith.xori %lt3A_106, %lt3A_108 : i1
        %and3A = arith.andi %ne3A_109, %ne3A_105 : i1
        %add3A_110 = arith.addi %rem3A, %select_n3A : i32
        %select_n3A_111 = arith.select %and3A, %add3A_110, %rem3A : i32
        %eq3A_112 = arith.constant 0 : i32
        %eq3A_113 = arith.cmpi eq, %select_n3A_111, %eq3A_112 : i32
        %convert_element_type3A_114 = arith.extui %eq3A_113 : i1 to i32
        %cond3A_115 = arith.constant 0 : i32
        %cond3A_116 = arith.cmpi ne, %convert_element_type3A_114, %cond3A_115 : i32
        scf.if %cond3A_116 {
          %dma_wait3A_181 = arith.constant 0 : i32
          %dma_wait3A_182 = tpu.memref_slice %arg6[%scan3A_97, %dma_wait3A_181] : memref<25x80xi32, #tpu.memory_space<vmem>> -> memref<1x80xi32, #tpu.memory_space<vmem>>
          %dma_wait3A_183 = tpu.memref_squeeze %dma_wait3A_182 : memref<1x80xi32, #tpu.memory_space<vmem>> -> memref<80xi32, #tpu.memory_space<vmem>>
          %dma_wait3A_184 = arith.constant 0 : i32
          %dma_wait3A_185 = arith.constant 0 : i32
          %dma_wait3A_186 = tpu.memref_slice %arg2[%dma_wait3A_184, %dma_wait3A_185] : memref<10000x128xf32, #tpu.memory_space<hbm>> -> memref<10000x128xf32, #tpu.memory_space<hbm>>
          tpu.wait_indirect_dma semaphore(%arg12 : memref<!tpu.dma_semaphore, #tpu.memory_space<semaphore_mem>>) src(%dma_wait3A_186 : memref<10000x128xf32, #tpu.memory_space<hbm>>) dst(%arg8 : memref<80x128xf32, #tpu.memory_space<vmem>>)
          %dma_start3A_187 = arith.constant 0 : i32
          %dma_start3A_188 = tpu.memref_slice %arg7[%scan3A_97, %dma_start3A_187] : memref<25x80xi32, #tpu.memory_space<vmem>> -> memref<1x80xi32, #tpu.memory_space<vmem>>
          %dma_start3A_189 = tpu.memref_squeeze %dma_start3A_188 : memref<1x80xi32, #tpu.memory_space<vmem>> -> memref<80xi32, #tpu.memory_space<vmem>>
          %dma_start3A_190 = arith.constant 0 : i32
          %dma_start3A_191 = arith.constant 0 : i32
          %dma_start3A_192 = tpu.memref_slice %arg20[%dma_start3A_190, %dma_start3A_191] : memref<10240x128xf32, #tpu.memory_space<vmem_shared>> -> memref<10240x128xf32, #tpu.memory_space<vmem_shared>>
          tpu.enqueue_indirect_dma source(%arg8 : memref<80x128xf32, #tpu.memory_space<vmem>>) target(%dma_start3A_192 : memref<10240x128xf32, #tpu.memory_space<vmem_shared>>) offsets(%dma_start3A_189 : memref<80xi32, #tpu.memory_space<vmem>>) semaphore(%arg16 : memref<!tpu.dma_semaphore, #tpu.memory_space<semaphore_mem>>) {add = true}
        } else {
        }
        %jit3A_117 = arith.constant 4 : i32
        %eq3A_118 = arith.constant 0 : i32
        %eq3A_119 = arith.cmpi eq, %jit3A_117, %eq3A_118 : i32
        %jit3A_120 = arith.constant 1 : i32
        %select_n3A_121 = arith.select %eq3A_119, %jit3A_120, %jit3A_117 : i32
        %rem3A_122 = arith.remsi %scan3A_97, %select_n3A_121 : i32
        %ne3A_123 = arith.constant 0 : i32
        %ne3A_124 = arith.cmpi ne, %rem3A_122, %ne3A_123 : i32
        %lt3A_125 = arith.constant 0 : i32
        %lt3A_126 = arith.cmpi slt, %rem3A_122, %lt3A_125 : i32
        %lt3A_127 = arith.constant 0 : i32
        %lt3A_128 = arith.cmpi slt, %select_n3A_121, %lt3A_127 : i32
        %ne3A_129 = arith.xori %lt3A_126, %lt3A_128 : i1
        %and3A_130 = arith.andi %ne3A_129, %ne3A_124 : i1
        %add3A_131 = arith.addi %rem3A_122, %select_n3A_121 : i32
        %select_n3A_132 = arith.select %and3A_130, %add3A_131, %rem3A_122 : i32
        %eq3A_133 = arith.constant 1 : i32
        %eq3A_134 = arith.cmpi eq, %select_n3A_132, %eq3A_133 : i32
        %convert_element_type3A_135 = arith.extui %eq3A_134 : i1 to i32
        %cond3A_136 = arith.constant 0 : i32
        %cond3A_137 = arith.cmpi ne, %convert_element_type3A_135, %cond3A_136 : i32
        scf.if %cond3A_137 {
          %dma_wait3A_181 = arith.constant 0 : i32
          %dma_wait3A_182 = tpu.memref_slice %arg6[%scan3A_97, %dma_wait3A_181] : memref<25x80xi32, #tpu.memory_space<vmem>> -> memref<1x80xi32, #tpu.memory_space<vmem>>
          %dma_wait3A_183 = tpu.memref_squeeze %dma_wait3A_182 : memref<1x80xi32, #tpu.memory_space<vmem>> -> memref<80xi32, #tpu.memory_space<vmem>>
          %dma_wait3A_184 = arith.constant 0 : i32
          %dma_wait3A_185 = arith.constant 0 : i32
          %dma_wait3A_186 = tpu.memref_slice %arg2[%dma_wait3A_184, %dma_wait3A_185] : memref<10000x128xf32, #tpu.memory_space<hbm>> -> memref<10000x128xf32, #tpu.memory_space<hbm>>
          tpu.wait_indirect_dma semaphore(%arg13 : memref<!tpu.dma_semaphore, #tpu.memory_space<semaphore_mem>>) src(%dma_wait3A_186 : memref<10000x128xf32, #tpu.memory_space<hbm>>) dst(%arg9 : memref<80x128xf32, #tpu.memory_space<vmem>>)
          %dma_start3A_187 = arith.constant 0 : i32
          %dma_start3A_188 = tpu.memref_slice %arg7[%scan3A_97, %dma_start3A_187] : memref<25x80xi32, #tpu.memory_space<vmem>> -> memref<1x80xi32, #tpu.memory_space<vmem>>
          %dma_start3A_189 = tpu.memref_squeeze %dma_start3A_188 : memref<1x80xi32, #tpu.memory_space<vmem>> -> memref<80xi32, #tpu.memory_space<vmem>>
          %dma_start3A_190 = arith.constant 0 : i32
          %dma_start3A_191 = arith.constant 0 : i32
          %dma_start3A_192 = tpu.memref_slice %arg20[%dma_start3A_190, %dma_start3A_191] : memref<10240x128xf32, #tpu.memory_space<vmem_shared>> -> memref<10240x128xf32, #tpu.memory_space<vmem_shared>>
          tpu.enqueue_indirect_dma source(%arg9 : memref<80x128xf32, #tpu.memory_space<vmem>>) target(%dma_start3A_192 : memref<10240x128xf32, #tpu.memory_space<vmem_shared>>) offsets(%dma_start3A_189 : memref<80xi32, #tpu.memory_space<vmem>>) semaphore(%arg17 : memref<!tpu.dma_semaphore, #tpu.memory_space<semaphore_mem>>) {add = true}
        } else {
        }
        %jit3A_138 = arith.constant 4 : i32
        %eq3A_139 = arith.constant 0 : i32
        %eq3A_140 = arith.cmpi eq, %jit3A_138, %eq3A_139 : i32
        %jit3A_141 = arith.constant 1 : i32
        %select_n3A_142 = arith.select %eq3A_140, %jit3A_141, %jit3A_138 : i32
        %rem3A_143 = arith.remsi %scan3A_97, %select_n3A_142 : i32
        %ne3A_144 = arith.constant 0 : i32
        %ne3A_145 = arith.cmpi ne, %rem3A_143, %ne3A_144 : i32
        %lt3A_146 = arith.constant 0 : i32
        %lt3A_147 = arith.cmpi slt, %rem3A_143, %lt3A_146 : i32
        %lt3A_148 = arith.constant 0 : i32
        %lt3A_149 = arith.cmpi slt, %select_n3A_142, %lt3A_148 : i32
        %ne3A_150 = arith.xori %lt3A_147, %lt3A_149 : i1
        %and3A_151 = arith.andi %ne3A_150, %ne3A_145 : i1
        %add3A_152 = arith.addi %rem3A_143, %select_n3A_142 : i32
        %select_n3A_153 = arith.select %and3A_151, %add3A_152, %rem3A_143 : i32
        %eq3A_154 = arith.constant 2 : i32
        %eq3A_155 = arith.cmpi eq, %select_n3A_153, %eq3A_154 : i32
        %convert_element_type3A_156 = arith.extui %eq3A_155 : i1 to i32
        %cond3A_157 = arith.constant 0 : i32
        %cond3A_158 = arith.cmpi ne, %convert_element_type3A_156, %cond3A_157 : i32
        scf.if %cond3A_158 {
          %dma_wait3A_181 = arith.constant 0 : i32
          %dma_wait3A_182 = tpu.memref_slice %arg6[%scan3A_97, %dma_wait3A_181] : memref<25x80xi32, #tpu.memory_space<vmem>> -> memref<1x80xi32, #tpu.memory_space<vmem>>
          %dma_wait3A_183 = tpu.memref_squeeze %dma_wait3A_182 : memref<1x80xi32, #tpu.memory_space<vmem>> -> memref<80xi32, #tpu.memory_space<vmem>>
          %dma_wait3A_184 = arith.constant 0 : i32
          %dma_wait3A_185 = arith.constant 0 : i32
          %dma_wait3A_186 = tpu.memref_slice %arg2[%dma_wait3A_184, %dma_wait3A_185] : memref<10000x128xf32, #tpu.memory_space<hbm>> -> memref<10000x128xf32, #tpu.memory_space<hbm>>
          tpu.wait_indirect_dma semaphore(%arg14 : memref<!tpu.dma_semaphore, #tpu.memory_space<semaphore_mem>>) src(%dma_wait3A_186 : memref<10000x128xf32, #tpu.memory_space<hbm>>) dst(%arg10 : memref<80x128xf32, #tpu.memory_space<vmem>>)
          %dma_start3A_187 = arith.constant 0 : i32
          %dma_start3A_188 = tpu.memref_slice %arg7[%scan3A_97, %dma_start3A_187] : memref<25x80xi32, #tpu.memory_space<vmem>> -> memref<1x80xi32, #tpu.memory_space<vmem>>
          %dma_start3A_189 = tpu.memref_squeeze %dma_start3A_188 : memref<1x80xi32, #tpu.memory_space<vmem>> -> memref<80xi32, #tpu.memory_space<vmem>>
          %dma_start3A_190 = arith.constant 0 : i32
          %dma_start3A_191 = arith.constant 0 : i32
          %dma_start3A_192 = tpu.memref_slice %arg20[%dma_start3A_190, %dma_start3A_191] : memref<10240x128xf32, #tpu.memory_space<vmem_shared>> -> memref<10240x128xf32, #tpu.memory_space<vmem_shared>>
          tpu.enqueue_indirect_dma source(%arg10 : memref<80x128xf32, #tpu.memory_space<vmem>>) target(%dma_start3A_192 : memref<10240x128xf32, #tpu.memory_space<vmem_shared>>) offsets(%dma_start3A_189 : memref<80xi32, #tpu.memory_space<vmem>>) semaphore(%arg18 : memref<!tpu.dma_semaphore, #tpu.memory_space<semaphore_mem>>) {add = true}
        } else {
        }
        %jit3A_159 = arith.constant 4 : i32
        %eq3A_160 = arith.constant 0 : i32
        %eq3A_161 = arith.cmpi eq, %jit3A_159, %eq3A_160 : i32
        %jit3A_162 = arith.constant 1 : i32
        %select_n3A_163 = arith.select %eq3A_161, %jit3A_162, %jit3A_159 : i32
        %rem3A_164 = arith.remsi %scan3A_97, %select_n3A_163 : i32
        %ne3A_165 = arith.constant 0 : i32
        %ne3A_166 = arith.cmpi ne, %rem3A_164, %ne3A_165 : i32
        %lt3A_167 = arith.constant 0 : i32
        %lt3A_168 = arith.cmpi slt, %rem3A_164, %lt3A_167 : i32
        %lt3A_169 = arith.constant 0 : i32
        %lt3A_170 = arith.cmpi slt, %select_n3A_163, %lt3A_169 : i32
        %ne3A_171 = arith.xori %lt3A_168, %lt3A_170 : i1
        %and3A_172 = arith.andi %ne3A_171, %ne3A_166 : i1
        %add3A_173 = arith.addi %rem3A_164, %select_n3A_163 : i32
        %select_n3A_174 = arith.select %and3A_172, %add3A_173, %rem3A_164 : i32
        %eq3A_175 = arith.constant 3 : i32
        %eq3A_176 = arith.cmpi eq, %select_n3A_174, %eq3A_175 : i32
        %convert_element_type3A_177 = arith.extui %eq3A_176 : i1 to i32
        %cond3A_178 = arith.constant 0 : i32
        %cond3A_179 = arith.cmpi ne, %convert_element_type3A_177, %cond3A_178 : i32
        scf.if %cond3A_179 {
          %dma_wait3A_181 = arith.constant 0 : i32
          %dma_wait3A_182 = tpu.memref_slice %arg6[%scan3A_97, %dma_wait3A_181] : memref<25x80xi32, #tpu.memory_space<vmem>> -> memref<1x80xi32, #tpu.memory_space<vmem>>
          %dma_wait3A_183 = tpu.memref_squeeze %dma_wait3A_182 : memref<1x80xi32, #tpu.memory_space<vmem>> -> memref<80xi32, #tpu.memory_space<vmem>>
          %dma_wait3A_184 = arith.constant 0 : i32
          %dma_wait3A_185 = arith.constant 0 : i32
          %dma_wait3A_186 = tpu.memref_slice %arg2[%dma_wait3A_184, %dma_wait3A_185] : memref<10000x128xf32, #tpu.memory_space<hbm>> -> memref<10000x128xf32, #tpu.memory_space<hbm>>
          tpu.wait_indirect_dma semaphore(%arg15 : memref<!tpu.dma_semaphore, #tpu.memory_space<semaphore_mem>>) src(%dma_wait3A_186 : memref<10000x128xf32, #tpu.memory_space<hbm>>) dst(%arg11 : memref<80x128xf32, #tpu.memory_space<vmem>>)
          %dma_start3A_187 = arith.constant 0 : i32
          %dma_start3A_188 = tpu.memref_slice %arg7[%scan3A_97, %dma_start3A_187] : memref<25x80xi32, #tpu.memory_space<vmem>> -> memref<1x80xi32, #tpu.memory_space<vmem>>
          %dma_start3A_189 = tpu.memref_squeeze %dma_start3A_188 : memref<1x80xi32, #tpu.memory_space<vmem>> -> memref<80xi32, #tpu.memory_space<vmem>>
          %dma_start3A_190 = arith.constant 0 : i32
          %dma_start3A_191 = arith.constant 0 : i32
          %dma_start3A_192 = tpu.memref_slice %arg20[%dma_start3A_190, %dma_start3A_191] : memref<10240x128xf32, #tpu.memory_space<vmem_shared>> -> memref<10240x128xf32, #tpu.memory_space<vmem_shared>>
          tpu.enqueue_indirect_dma source(%arg11 : memref<80x128xf32, #tpu.memory_space<vmem>>) target(%dma_start3A_192 : memref<10240x128xf32, #tpu.memory_space<vmem_shared>>) offsets(%dma_start3A_189 : memref<80xi32, #tpu.memory_space<vmem>>) semaphore(%arg19 : memref<!tpu.dma_semaphore, #tpu.memory_space<semaphore_mem>>) {add = true}
        } else {
        }
        %scan3A_180 = arith.constant 0 : i32
        scf.yield %scan3A_180 : i32
      }
      %scan3A_89 = arith.constant 25 : i32
      %dma_wait3A = arith.constant 24 : i32
      %dma_wait3A_90 = arith.constant 0 : i32
      %dma_wait3A_91 = tpu.memref_slice %arg7[%dma_wait3A, %dma_wait3A_90] : memref<25x80xi32, #tpu.memory_space<vmem>> -> memref<1x80xi32, #tpu.memory_space<vmem>>
      %dma_wait3A_92 = tpu.memref_squeeze %dma_wait3A_91 : memref<1x80xi32, #tpu.memory_space<vmem>> -> memref<80xi32, #tpu.memory_space<vmem>>
      %dma_wait3A_93 = arith.constant 0 : i32
      %dma_wait3A_94 = arith.constant 0 : i32
      %dma_wait3A_95 = tpu.memref_slice %arg20[%dma_wait3A_93, %dma_wait3A_94] : memref<10240x128xf32, #tpu.memory_space<vmem_shared>> -> memref<10240x128xf32, #tpu.memory_space<vmem_shared>>
      tpu.wait_indirect_dma semaphore(%arg16 : memref<!tpu.dma_semaphore, #tpu.memory_space<semaphore_mem>>) src(%arg8 : memref<80x128xf32, #tpu.memory_space<vmem>>) dst(%dma_wait3A_95 : memref<10240x128xf32, #tpu.memory_space<vmem_shared>>)
      %scan3A_96 = arith.constant 0 : i32
      scf.yield %scan3A_96 : i32
    }
    %scan3A_73 = arith.constant 5 : i32
    %barrier3A_74 = arith.constant 0 : index
    tpu.barrier barrier_id(%barrier3A_74)
    %mul3A_75 = arith.constant 640 : i32
    %mul3A_76 = arith.muli %arg1, %mul3A_75 : i32
    %mul3A_77 = arith.constant 640 : i32
    %mul3A_78 = arith.muli %arg1, %mul3A_77 : i32
    "tpu.region"() ({
      %run_scoped3A_79 = tpu.sem_alloc : memref<!tpu.dma_semaphore, #tpu.memory_space<semaphore_mem>>
      %dma_start3A_80 = arith.constant 0 : i32
      %dma_start3A_81 = tpu.memref_slice %arg5[%arg0, %mul3A_78, %dma_start3A_80] : memref<2x10240x128xf32, #tpu.memory_space<hbm>> -> memref<1x640x128xf32, #tpu.memory_space<hbm>>
      %dma_start3A_82 = tpu.memref_squeeze %dma_start3A_81 : memref<1x640x128xf32, #tpu.memory_space<hbm>> -> memref<640x128xf32, #tpu.memory_space<hbm>>
      %dma_start3A_83 = arith.constant 0 : i32
      %dma_start3A_84 = tpu.memref_slice %arg20[%mul3A_76, %dma_start3A_83] : memref<10240x128xf32, #tpu.memory_space<vmem_shared>> -> memref<640x128xf32, #tpu.memory_space<vmem_shared>>
      tpu.enqueue_dma source(%dma_start3A_84 : memref<640x128xf32, #tpu.memory_space<vmem_shared>>) target(%dma_start3A_82 : memref<640x128xf32, #tpu.memory_space<hbm>>) target_semaphore(%run_scoped3A_79 : memref<!tpu.dma_semaphore, #tpu.memory_space<semaphore_mem>>)
      %dma_wait3A = arith.constant 0 : i32
      %dma_wait3A_85 = tpu.memref_slice %arg5[%arg0, %mul3A_78, %dma_wait3A] : memref<2x10240x128xf32, #tpu.memory_space<hbm>> -> memref<1x640x128xf32, #tpu.memory_space<hbm>>
      %dma_wait3A_86 = tpu.memref_squeeze %dma_wait3A_85 : memref<1x640x128xf32, #tpu.memory_space<hbm>> -> memref<640x128xf32, #tpu.memory_space<hbm>>
      %dma_wait3A_87 = arith.constant 0 : i32
      %dma_wait3A_88 = tpu.memref_slice %arg20[%mul3A_76, %dma_wait3A_87] : memref<10240x128xf32, #tpu.memory_space<vmem_shared>> -> memref<640x128xf32, #tpu.memory_space<vmem_shared>>
      tpu.wait_dma2 semaphore(%run_scoped3A_79 : memref<!tpu.dma_semaphore, #tpu.memory_space<semaphore_mem>>) src(%dma_wait3A_88 : memref<640x128xf32, #tpu.memory_space<vmem_shared>>) dst(%dma_wait3A_86 : memref<640x128xf32, #tpu.memory_space<hbm>>)
      tpu.yield
    }) : () -> ()
    return
  }
}

module attributes {stable_mosaic.version = 14 : i64} {
  func.func @_tc_proj_body(%arg0: i32, %arg1: memref<10000x128xf32, #tpu.memory_space<vmem>>, %arg2: memref<128x128xf32, #tpu.memory_space<vmem>>, %arg3: memref<1x128xf32, #tpu.memory_space<vmem>>, %arg4: memref<10000x1xf32, #tpu.memory_space<vmem>>, %arg5: memref<128x128xf32, #tpu.memory_space<vmem>>, %arg6: memref<128x130xf32, #tpu.memory_space<vmem>>, %arg7: memref<10000x128xf32, #tpu.memory_space<vmem>>, %arg8: memref<10000x128xf32, #tpu.memory_space<vmem>>, %arg9: memref<10000x1xf32, #tpu.memory_space<vmem>>, %arg10: memref<128x128xf32, #tpu.memory_space<vmem>>, %arg11: memref<128x128xf32, #tpu.memory_space<vmem>>) attributes {dimension_semantics = [#tpu.dimension_semantics<arbitrary>], iteration_bounds = array<i64: 1>, scalar_prefetch = 0 : i64, scratch_operands = 0 : i64, tpu.core_type = #tpu.core_type<tc>, window_params = [{transform_indices = @transform_0, window_bounds = array<i64: 10000, 128>}, {pipeline_mode = #tpu.pipeline_mode<synchronous>, transform_indices = @transform_1, window_bounds = array<i64: 128, 128>}, {pipeline_mode = #tpu.pipeline_mode<synchronous>, transform_indices = @transform_2, window_bounds = array<i64: 1, 128>}, {transform_indices = @transform_3, window_bounds = array<i64: 10000, 1>}, {pipeline_mode = #tpu.pipeline_mode<synchronous>, transform_indices = @transform_4, window_bounds = array<i64: 128, 128>}, {pipeline_mode = #tpu.pipeline_mode<synchronous>, transform_indices = @transform_5, window_bounds = array<i64: 128, 130>}, {transform_indices = @transform_6, window_bounds = array<i64: 10000, 128>}, {transform_indices = @transform_7, window_bounds = array<i64: 10000, 128>}, {transform_indices = @transform_8, window_bounds = array<i64: 10000, 1>}, {pipeline_mode = #tpu.pipeline_mode<synchronous>, transform_indices = @transform_9, window_bounds = array<i64: 128, 128>}, {pipeline_mode = #tpu.pipeline_mode<synchronous>, transform_indices = @transform_10, window_bounds = array<i64: 128, 128>}]} {
    %eq3A = arith.constant 0 : i32
    %eq3A_0 = arith.cmpi eq, %arg0, %eq3A : i32
    %convert_element_type3A = arith.extui %eq3A_0 : i1 to i32
    %cond3A = arith.constant 0 : i32
    %cond3A_1 = arith.cmpi ne, %convert_element_type3A, %cond3A : i32
    scf.if %cond3A_1 {
      %iota3A = tpu.iota {dimensions = array<i32: 0>} : vector<128x128xi32>
      %iota3A_31 = tpu.iota {dimensions = array<i32: 1>} : vector<128x128xi32>
      %eq3A_32 = arith.cmpi eq, %iota3A, %iota3A_31 : vector<128x128xi32>
      %convert_element_type3A_33 = arith.extui %eq3A_32 : vector<128x128xi1> to vector<128x128xi32>
      %convert_element_type3A_34 = arith.sitofp %convert_element_type3A_33 : vector<128x128xi32> to vector<128x128xf32>
      %gt3A_35 = arith.cmpi sgt, %iota3A_31, %iota3A : vector<128x128xi32>
      %get3A_36 = arith.constant 0 : index
      %get3A_37 = arith.constant 0 : index
      %get3A_38 = vector.load %arg6[%get3A_36, %get3A_37] : memref<128x130xf32, #tpu.memory_space<vmem>>, vector<128x128xf32>
      %jit3A_39 = arith.constant 0.000000e+00 : f32
      %broadcast_in_dim3A_40 = vector.broadcast %jit3A_39 : f32 to vector<128x128xf32>
      %select_n3A_41 = arith.select %gt3A_35, %get3A_38, %broadcast_in_dim3A_40 : vector<128x128xi1>, vector<128x128xf32>
      %dot_general3A_42 = arith.constant dense<0.000000e+00> : vector<128x128xf32>
      %dot_general3A_43 = tpu.matmul %select_n3A_41, %convert_element_type3A_34, %dot_general3A_42 {dimension_numbers = #tpu.dot_dimension_numbers<[0], [0], [1], [1], [0, 1, 1, 1], [], []>, transpose_lhs_hint = false} : vector<128x128xf32>, vector<128x128xf32>, vector<128x128xf32> -> vector<128x128xf32>
      %add3A_44 = arith.addf %select_n3A_41, %dot_general3A_43 : vector<128x128xf32>
      %get3A_45 = arith.constant 0 : index
      %get3A_46 = arith.constant 128 : index
      %get3A_47 = vector.load %arg6[%get3A_45, %get3A_46] : memref<128x130xf32, #tpu.memory_space<vmem>>, vector<128x1xf32>
      %get3A_48 = arith.constant 0 : index
      %get3A_49 = arith.constant 129 : index
      %get3A_50 = vector.load %arg6[%get3A_48, %get3A_49] : memref<128x130xf32, #tpu.memory_space<vmem>>, vector<128x1xf32>
      %abs3A = math.absf %add3A_44 : vector<128x128xf32>
      %reduce_sum3A = arith.constant dense<0.000000e+00> : vector<128xf32>
      %reduce_sum3A_51 = vector.multi_reduction <add>, %abs3A, %reduce_sum3A [1] : vector<128x128xf32> to vector<128xf32>
      %broadcast_in_dim3A_52 = vector.shape_cast %reduce_sum3A_51 : vector<128xf32> to vector<128x1xf32>
      %mul3A_53 = arith.mulf %get3A_47, %broadcast_in_dim3A_52 : vector<128x1xf32>
      %add3A_54 = arith.addf %mul3A_53, %get3A_50 : vector<128x1xf32>
      %mul3A_55 = vector.broadcast %add3A_54 : vector<128x1xf32> to vector<128x128xf32>
      %mul3A_56 = arith.mulf %convert_element_type3A_34, %mul3A_55 : vector<128x128xf32>
      %add3A_57 = arith.addf %add3A_44, %mul3A_56 : vector<128x128xf32>
      %swap3A_58 = arith.constant 0 : index
      %swap3A_59 = arith.constant 0 : index
      %swap3A_60 = vector.load %arg10[%swap3A_58, %swap3A_59] : memref<128x128xf32, #tpu.memory_space<vmem>>, vector<128x128xf32>
      tpu.vector_store %arg10[%swap3A_58, %swap3A_59], %add3A_57 {strides = array<i32>} : memref<128x128xf32, #tpu.memory_space<vmem>>, vector<128x128xf32>,
      %get3A_61 = arith.constant 0 : index
      %get3A_62 = arith.constant 0 : index
      %get3A_63 = vector.load %arg5[%get3A_61, %get3A_62] : memref<128x128xf32, #tpu.memory_space<vmem>>, vector<128x128xf32>
      %dot_general3A_64 = arith.constant dense<0.000000e+00> : vector<128x128xf32>
      %dot_general3A_65 = tpu.matmul %get3A_63, %convert_element_type3A_34, %dot_general3A_64 {dimension_numbers = #tpu.dot_dimension_numbers<[0], [0], [1], [1], [0, 1, 1, 1], [], []>, transpose_lhs_hint = false} : vector<128x128xf32>, vector<128x128xf32>, vector<128x128xf32> -> vector<128x128xf32>
      %sub3A = arith.subf %dot_general3A_65, %get3A_63 : vector<128x128xf32>
      %swap3A_66 = arith.constant 0 : index
      %swap3A_67 = arith.constant 0 : index
      %swap3A_68 = vector.load %arg11[%swap3A_66, %swap3A_67] : memref<128x128xf32, #tpu.memory_space<vmem>>, vector<128x128xf32>
      tpu.vector_store %arg11[%swap3A_66, %swap3A_67], %sub3A {strides = array<i32>} : memref<128x128xf32, #tpu.memory_space<vmem>>, vector<128x128xf32>,
    } else {
    }
    %get3A = arith.constant 0 : index
    %get3A_2 = arith.constant 0 : index
    %get3A_3 = vector.load %arg4[%get3A, %get3A_2] : memref<10000x1xf32, #tpu.memory_space<vmem>>, vector<10000x1xf32>
    %gt3A = arith.constant 0.000000e+00 : f32
    %gt3A_4 = vector.broadcast %gt3A : f32 to vector<10000x1xf32>
    %gt3A_5 = arith.cmpf ogt, %get3A_3, %gt3A_4 : vector<10000x1xf32>
    %max3A = arith.constant 1.000000e-30 : f32
    %max3A_6 = vector.broadcast %max3A : f32 to vector<10000x1xf32>
    %max3A_7 = arith.maximumf %get3A_3, %max3A_6 : vector<10000x1xf32>
    %rsqrt3A = math.rsqrt %max3A_7 : vector<10000x1xf32>
    %jit3A = arith.constant 0.000000e+00 : f32
    %broadcast_in_dim3A = vector.broadcast %jit3A : f32 to vector<10000x1xf32>
    %select_n3A = arith.select %gt3A_5, %rsqrt3A, %broadcast_in_dim3A : vector<10000x1xi1>, vector<10000x1xf32>
    %swap3A = arith.constant 0 : index
    %swap3A_8 = arith.constant 0 : index
    %swap3A_9 = vector.load %arg9[%swap3A, %swap3A_8] : memref<10000x1xf32, #tpu.memory_space<vmem>>, vector<10000x1xf32>
    tpu.vector_store %arg9[%swap3A, %swap3A_8], %select_n3A {strides = array<i32>} : memref<10000x1xf32, #tpu.memory_space<vmem>>, vector<10000x1xf32>,
    %get3A_10 = arith.constant 0 : index
    %get3A_11 = arith.constant 0 : index
    %get3A_12 = vector.load %arg1[%get3A_10, %get3A_11] : memref<10000x128xf32, #tpu.memory_space<vmem>>, vector<10000x128xf32>
    %get3A_13 = arith.constant 0 : index
    %get3A_14 = arith.constant 0 : index
    %get3A_15 = vector.load %arg2[%get3A_13, %get3A_14] : memref<128x128xf32, #tpu.memory_space<vmem>>, vector<128x128xf32>
    %dot_general3A = arith.constant dense<0.000000e+00> : vector<10000x128xf32>
    %dot_general3A_16 = tpu.matmul %get3A_12, %get3A_15, %dot_general3A {dimension_numbers = #tpu.dot_dimension_numbers<[1], [1], [0], [0], [0, 0, 1, 0], [], []>, transpose_lhs_hint = false} : vector<10000x128xf32>, vector<128x128xf32>, vector<10000x128xf32> -> vector<10000x128xf32>
    %get3A_17 = arith.constant 0 : index
    %get3A_18 = arith.constant 0 : index
    %get3A_19 = vector.load %arg3[%get3A_17, %get3A_18] : memref<1x128xf32, #tpu.memory_space<vmem>>, vector<1x128xf32>
    %add3A = vector.broadcast %get3A_19 : vector<1x128xf32> to vector<10000x128xf32>
    %add3A_20 = arith.addf %dot_general3A_16, %add3A : vector<10000x128xf32>
    %max3A_21 = arith.constant 0.000000e+00 : f32
    %max3A_22 = vector.broadcast %max3A_21 : f32 to vector<10000x128xf32>
    %max3A_23 = arith.maximumf %add3A_20, %max3A_22 : vector<10000x128xf32>
    %swap3A_24 = arith.constant 0 : index
    %swap3A_25 = arith.constant 0 : index
    %swap3A_26 = vector.load %arg7[%swap3A_24, %swap3A_25] : memref<10000x128xf32, #tpu.memory_space<vmem>>, vector<10000x128xf32>
    tpu.vector_store %arg7[%swap3A_24, %swap3A_25], %max3A_23 {strides = array<i32>} : memref<10000x128xf32, #tpu.memory_space<vmem>>, vector<10000x128xf32>,
    %mul3A = vector.broadcast %select_n3A : vector<10000x1xf32> to vector<10000x128xf32>
    %mul3A_27 = arith.mulf %mul3A, %max3A_23 : vector<10000x128xf32>
    %swap3A_28 = arith.constant 0 : index
    %swap3A_29 = arith.constant 0 : index
    %swap3A_30 = vector.load %arg8[%swap3A_28, %swap3A_29] : memref<10000x128xf32, #tpu.memory_space<vmem>>, vector<10000x128xf32>
    tpu.vector_store %arg8[%swap3A_28, %swap3A_29], %mul3A_27 {strides = array<i32>} : memref<10000x128xf32, #tpu.memory_space<vmem>>, vector<10000x128xf32>,
    return
  }
  func.func @transform_0(%arg0: i32) -> (i32, i32) {
    %c0_i32 = arith.constant 0 : i32
    %c0_i32_0 = arith.constant 0 : i32
    return %arg0, %c0_i32 : i32, i32
  }
  func.func @transform_1(%arg0: i32) -> (i32, i32) {
    %c0_i32 = arith.constant 0 : i32
    %c0_i32_0 = arith.constant 0 : i32
    %c0_i32_1 = arith.constant 0 : i32
    return %c0_i32, %c0_i32_0 : i32, i32
  }
  func.func @transform_2(%arg0: i32) -> (i32, i32) {
    %c0_i32 = arith.constant 0 : i32
    %c0_i32_0 = arith.constant 0 : i32
    %c0_i32_1 = arith.constant 0 : i32
    return %c0_i32, %c0_i32_0 : i32, i32
  }
  func.func @transform_3(%arg0: i32) -> (i32, i32) {
    %c0_i32 = arith.constant 0 : i32
    %c0_i32_0 = arith.constant 0 : i32
    return %arg0, %c0_i32 : i32, i32
  }
  func.func @transform_4(%arg0: i32) -> (i32, i32) {
    %c0_i32 = arith.constant 0 : i32
    %c0_i32_0 = arith.constant 0 : i32
    %c0_i32_1 = arith.constant 0 : i32
    return %c0_i32, %c0_i32_0 : i32, i32
  }
  func.func @transform_5(%arg0: i32) -> (i32, i32) {
    %c0_i32 = arith.constant 0 : i32
    %c0_i32_0 = arith.constant 0 : i32
    %c0_i32_1 = arith.constant 0 : i32
    return %c0_i32, %c0_i32_0 : i32, i32
  }
  func.func @transform_6(%arg0: i32) -> (i32, i32) {
    %c0_i32 = arith.constant 0 : i32
    %c0_i32_0 = arith.constant 0 : i32
    return %arg0, %c0_i32 : i32, i32
  }
  func.func @transform_7(%arg0: i32) -> (i32, i32) {
    %c0_i32 = arith.constant 0 : i32
    %c0_i32_0 = arith.constant 0 : i32
    return %arg0, %c0_i32 : i32, i32
  }
  func.func @transform_8(%arg0: i32) -> (i32, i32) {
    %c0_i32 = arith.constant 0 : i32
    %c0_i32_0 = arith.constant 0 : i32
    return %arg0, %c0_i32 : i32, i32
  }
  func.func @transform_9(%arg0: i32) -> (i32, i32) {
    %c0_i32 = arith.constant 0 : i32
    %c0_i32_0 = arith.constant 0 : i32
    %c0_i32_1 = arith.constant 0 : i32
    return %c0_i32, %c0_i32_0 : i32, i32
  }
  func.func @transform_10(%arg0: i32) -> (i32, i32) {
    %c0_i32 = arith.constant 0 : i32
    %c0_i32_0 = arith.constant 0 : i32
    %c0_i32_1 = arith.constant 0 : i32
    return %c0_i32, %c0_i32_0 : i32, i32
  }
}

module attributes {stable_mosaic.version = 14 : i64} {
  func.func @_tc_update_body(%arg0: i32, %arg1: memref<10000x128xf32, #tpu.memory_space<vmem>>, %arg2: memref<10000x128xf32, #tpu.memory_space<vmem>>, %arg3: memref<10000x128xf32, #tpu.memory_space<vmem>>, %arg4: memref<10000x1xf32, #tpu.memory_space<vmem>>, %arg5: memref<128x128xf32, #tpu.memory_space<vmem>>, %arg6: memref<128x128xf32, #tpu.memory_space<vmem>>, %arg7: memref<10000x128xf32, #tpu.memory_space<vmem>>, %arg8: memref<10000x128xf32, #tpu.memory_space<vmem>>) attributes {dimension_semantics = [#tpu.dimension_semantics<arbitrary>], iteration_bounds = array<i64: 1>, scalar_prefetch = 0 : i64, scratch_operands = 0 : i64, tpu.core_type = #tpu.core_type<tc>, window_params = [{transform_indices = @transform_0, window_bounds = array<i64: 10000, 128>}, {transform_indices = @transform_1, window_bounds = array<i64: 10000, 128>}, {transform_indices = @transform_2, window_bounds = array<i64: 10000, 128>}, {transform_indices = @transform_3, window_bounds = array<i64: 10000, 1>}, {pipeline_mode = #tpu.pipeline_mode<synchronous>, transform_indices = @transform_4, window_bounds = array<i64: 128, 128>}, {pipeline_mode = #tpu.pipeline_mode<synchronous>, transform_indices = @transform_5, window_bounds = array<i64: 128, 128>}, {transform_indices = @transform_6, window_bounds = array<i64: 10000, 128>}, {transform_indices = @transform_7, window_bounds = array<i64: 10000, 128>}]} {
    %get3A = arith.constant 0 : index
    %get3A_0 = arith.constant 0 : index
    %get3A_1 = vector.load %arg2[%get3A, %get3A_0] : memref<10000x128xf32, #tpu.memory_space<vmem>>, vector<10000x128xf32>
    %get3A_2 = arith.constant 0 : index
    %get3A_3 = arith.constant 0 : index
    %get3A_4 = vector.load %arg3[%get3A_2, %get3A_3] : memref<10000x128xf32, #tpu.memory_space<vmem>>, vector<10000x128xf32>
    %add3A = arith.addf %get3A_1, %get3A_4 : vector<10000x128xf32>
    %get3A_5 = arith.constant 0 : index
    %get3A_6 = arith.constant 0 : index
    %get3A_7 = vector.load %arg4[%get3A_5, %get3A_6] : memref<10000x1xf32, #tpu.memory_space<vmem>>, vector<10000x1xf32>
    %get3A_8 = arith.constant 0 : index
    %get3A_9 = arith.constant 0 : index
    %get3A_10 = vector.load %arg5[%get3A_8, %get3A_9] : memref<128x128xf32, #tpu.memory_space<vmem>>, vector<128x128xf32>
    %dot_general3A = arith.constant dense<0.000000e+00> : vector<10000x128xf32>
    %dot_general3A_11 = tpu.matmul %add3A, %get3A_10, %dot_general3A {dimension_numbers = #tpu.dot_dimension_numbers<[1], [0], [0], [1], [0, 0, 1, 1], [], []>, transpose_lhs_hint = false} : vector<10000x128xf32>, vector<128x128xf32>, vector<10000x128xf32> -> vector<10000x128xf32>
    %mul3A = vector.broadcast %get3A_7 : vector<10000x1xf32> to vector<10000x128xf32>
    %mul3A_12 = arith.mulf %mul3A, %dot_general3A_11 : vector<10000x128xf32>
    %get3A_13 = arith.constant 0 : index
    %get3A_14 = arith.constant 0 : index
    %get3A_15 = vector.load %arg1[%get3A_13, %get3A_14] : memref<10000x128xf32, #tpu.memory_space<vmem>>, vector<10000x128xf32>
    %get3A_16 = arith.constant 0 : index
    %get3A_17 = arith.constant 0 : index
    %get3A_18 = vector.load %arg6[%get3A_16, %get3A_17] : memref<128x128xf32, #tpu.memory_space<vmem>>, vector<128x128xf32>
    %dot_general3A_19 = arith.constant dense<0.000000e+00> : vector<10000x128xf32>
    %dot_general3A_20 = tpu.matmul %get3A_15, %get3A_18, %dot_general3A_19 {dimension_numbers = #tpu.dot_dimension_numbers<[1], [0], [0], [1], [0, 0, 1, 1], [], []>, transpose_lhs_hint = false} : vector<10000x128xf32>, vector<128x128xf32>, vector<10000x128xf32> -> vector<10000x128xf32>
    %max3A = arith.constant 0.000000e+00 : f32
    %max3A_21 = vector.broadcast %max3A : f32 to vector<10000x128xf32>
    %max3A_22 = arith.maximumf %dot_general3A_20, %max3A_21 : vector<10000x128xf32>
    %get3A_23 = arith.constant 0 : index
    %get3A_24 = arith.constant 0 : index
    %get3A_25 = vector.load %arg1[%get3A_23, %get3A_24] : memref<10000x128xf32, #tpu.memory_space<vmem>>, vector<10000x128xf32>
    %sub3A = arith.subf %mul3A_12, %max3A_22 : vector<10000x128xf32>
    %tanh3A = math.tanh %sub3A : vector<10000x128xf32>
    %max3A_26 = arith.constant 0.000000e+00 : f32
    %max3A_27 = vector.broadcast %max3A_26 : f32 to vector<10000x128xf32>
    %max3A_28 = arith.maximumf %tanh3A, %max3A_27 : vector<10000x128xf32>
    %add3A_29 = arith.addf %get3A_25, %max3A_28 : vector<10000x128xf32>
    %swap3A = arith.constant 0 : index
    %swap3A_30 = arith.constant 0 : index
    %swap3A_31 = vector.load %arg7[%swap3A, %swap3A_30] : memref<10000x128xf32, #tpu.memory_space<vmem>>, vector<10000x128xf32>
    tpu.vector_store %arg7[%swap3A, %swap3A_30], %add3A_29 {strides = array<i32>} : memref<10000x128xf32, #tpu.memory_space<vmem>>, vector<10000x128xf32>,
    %get3A_32 = arith.constant 0 : index
    %get3A_33 = arith.constant 0 : index
    %get3A_34 = vector.load %arg4[%get3A_32, %get3A_33] : memref<10000x1xf32, #tpu.memory_space<vmem>>, vector<10000x1xf32>
    %mul3A_35 = vector.broadcast %get3A_34 : vector<10000x1xf32> to vector<10000x128xf32>
    %mul3A_36 = arith.mulf %mul3A_35, %add3A_29 : vector<10000x128xf32>
    %swap3A_37 = arith.constant 0 : index
    %swap3A_38 = arith.constant 0 : index
    %swap3A_39 = vector.load %arg8[%swap3A_37, %swap3A_38] : memref<10000x128xf32, #tpu.memory_space<vmem>>, vector<10000x128xf32>
    tpu.vector_store %arg8[%swap3A_37, %swap3A_38], %mul3A_36 {strides = array<i32>} : memref<10000x128xf32, #tpu.memory_space<vmem>>, vector<10000x128xf32>,
    return
  }
  func.func @transform_0(%arg0: i32) -> (i32, i32) {
    %c0_i32 = arith.constant 0 : i32
    %c0_i32_0 = arith.constant 0 : i32
    return %arg0, %c0_i32 : i32, i32
  }
  func.func @transform_1(%arg0: i32) -> (i32, i32) {
    %c0_i32 = arith.constant 0 : i32
    %c0_i32_0 = arith.constant 0 : i32
    return %arg0, %c0_i32 : i32, i32
  }
  func.func @transform_2(%arg0: i32) -> (i32, i32) {
    %c0_i32 = arith.constant 0 : i32
    %c0_i32_0 = arith.constant 0 : i32
    return %arg0, %c0_i32 : i32, i32
  }
  func.func @transform_3(%arg0: i32) -> (i32, i32) {
    %c0_i32 = arith.constant 0 : i32
    %c0_i32_0 = arith.constant 0 : i32
    return %arg0, %c0_i32 : i32, i32
  }
  func.func @transform_4(%arg0: i32) -> (i32, i32) {
    %c0_i32 = arith.constant 0 : i32
    %c0_i32_0 = arith.constant 0 : i32
    %c0_i32_1 = arith.constant 0 : i32
    return %c0_i32, %c0_i32_0 : i32, i32
  }
  func.func @transform_5(%arg0: i32) -> (i32, i32) {
    %c0_i32 = arith.constant 0 : i32
    %c0_i32_0 = arith.constant 0 : i32
    %c0_i32_1 = arith.constant 0 : i32
    return %c0_i32, %c0_i32_0 : i32, i32
  }
  func.func @transform_6(%arg0: i32) -> (i32, i32) {
    %c0_i32 = arith.constant 0 : i32
    %c0_i32_0 = arith.constant 0 : i32
    return %arg0, %c0_i32 : i32, i32
  }
  func.func @transform_7(%arg0: i32) -> (i32, i32) {
    %c0_i32 = arith.constant 0 : i32
    %c0_i32_0 = arith.constant 0 : i32
    return %arg0, %c0_i32 : i32, i32
  }
}

module attributes {stable_mosaic.version = 14 : i64} {
  func.func @_tc_update_body(%arg0: i32, %arg1: memref<10000x128xf32, #tpu.memory_space<vmem>>, %arg2: memref<10000x128xf32, #tpu.memory_space<vmem>>, %arg3: memref<10000x128xf32, #tpu.memory_space<vmem>>, %arg4: memref<10000x1xf32, #tpu.memory_space<vmem>>, %arg5: memref<128x128xf32, #tpu.memory_space<vmem>>, %arg6: memref<128x128xf32, #tpu.memory_space<vmem>>, %arg7: memref<10000x128xf32, #tpu.memory_space<vmem>>, %arg8: memref<10000x128xf32, #tpu.memory_space<vmem>>) attributes {dimension_semantics = [#tpu.dimension_semantics<arbitrary>], iteration_bounds = array<i64: 1>, scalar_prefetch = 0 : i64, scratch_operands = 0 : i64, tpu.core_type = #tpu.core_type<tc>, window_params = [{transform_indices = @transform_0, window_bounds = array<i64: 10000, 128>}, {transform_indices = @transform_1, window_bounds = array<i64: 10000, 128>}, {transform_indices = @transform_2, window_bounds = array<i64: 10000, 128>}, {transform_indices = @transform_3, window_bounds = array<i64: 10000, 1>}, {pipeline_mode = #tpu.pipeline_mode<synchronous>, transform_indices = @transform_4, window_bounds = array<i64: 128, 128>}, {pipeline_mode = #tpu.pipeline_mode<synchronous>, transform_indices = @transform_5, window_bounds = array<i64: 128, 128>}, {transform_indices = @transform_6, window_bounds = array<i64: 10000, 128>}, {transform_indices = @transform_7, window_bounds = array<i64: 10000, 128>}]} {
    %get3A = arith.constant 0 : index
    %get3A_0 = arith.constant 0 : index
    %get3A_1 = vector.load %arg2[%get3A, %get3A_0] : memref<10000x128xf32, #tpu.memory_space<vmem>>, vector<10000x128xf32>
    %get3A_2 = arith.constant 0 : index
    %get3A_3 = arith.constant 0 : index
    %get3A_4 = vector.load %arg3[%get3A_2, %get3A_3] : memref<10000x128xf32, #tpu.memory_space<vmem>>, vector<10000x128xf32>
    %add3A = arith.addf %get3A_1, %get3A_4 : vector<10000x128xf32>
    %get3A_5 = arith.constant 0 : index
    %get3A_6 = arith.constant 0 : index
    %get3A_7 = vector.load %arg4[%get3A_5, %get3A_6] : memref<10000x1xf32, #tpu.memory_space<vmem>>, vector<10000x1xf32>
    %get3A_8 = arith.constant 0 : index
    %get3A_9 = arith.constant 0 : index
    %get3A_10 = vector.load %arg5[%get3A_8, %get3A_9] : memref<128x128xf32, #tpu.memory_space<vmem>>, vector<128x128xf32>
    %dot_general3A = arith.constant dense<0.000000e+00> : vector<10000x128xf32>
    %dot_general3A_11 = tpu.matmul %add3A, %get3A_10, %dot_general3A {dimension_numbers = #tpu.dot_dimension_numbers<[1], [0], [0], [1], [0, 0, 1, 1], [], []>, transpose_lhs_hint = false} : vector<10000x128xf32>, vector<128x128xf32>, vector<10000x128xf32> -> vector<10000x128xf32>
    %mul3A = vector.broadcast %get3A_7 : vector<10000x1xf32> to vector<10000x128xf32>
    %mul3A_12 = arith.mulf %mul3A, %dot_general3A_11 : vector<10000x128xf32>
    %get3A_13 = arith.constant 0 : index
    %get3A_14 = arith.constant 0 : index
    %get3A_15 = vector.load %arg1[%get3A_13, %get3A_14] : memref<10000x128xf32, #tpu.memory_space<vmem>>, vector<10000x128xf32>
    %get3A_16 = arith.constant 0 : index
    %get3A_17 = arith.constant 0 : index
    %get3A_18 = vector.load %arg6[%get3A_16, %get3A_17] : memref<128x128xf32, #tpu.memory_space<vmem>>, vector<128x128xf32>
    %dot_general3A_19 = arith.constant dense<0.000000e+00> : vector<10000x128xf32>
    %dot_general3A_20 = tpu.matmul %get3A_15, %get3A_18, %dot_general3A_19 {dimension_numbers = #tpu.dot_dimension_numbers<[1], [0], [0], [1], [0, 0, 1, 1], [], []>, transpose_lhs_hint = false} : vector<10000x128xf32>, vector<128x128xf32>, vector<10000x128xf32> -> vector<10000x128xf32>
    %max3A = arith.constant 0.000000e+00 : f32
    %max3A_21 = vector.broadcast %max3A : f32 to vector<10000x128xf32>
    %max3A_22 = arith.maximumf %dot_general3A_20, %max3A_21 : vector<10000x128xf32>
    %get3A_23 = arith.constant 0 : index
    %get3A_24 = arith.constant 0 : index
    %get3A_25 = vector.load %arg1[%get3A_23, %get3A_24] : memref<10000x128xf32, #tpu.memory_space<vmem>>, vector<10000x128xf32>
    %sub3A = arith.subf %mul3A_12, %max3A_22 : vector<10000x128xf32>
    %tanh3A = math.tanh %sub3A : vector<10000x128xf32>
    %max3A_26 = arith.constant 0.000000e+00 : f32
    %max3A_27 = vector.broadcast %max3A_26 : f32 to vector<10000x128xf32>
    %max3A_28 = arith.maximumf %tanh3A, %max3A_27 : vector<10000x128xf32>
    %add3A_29 = arith.addf %get3A_25, %max3A_28 : vector<10000x128xf32>
    %swap3A = arith.constant 0 : index
    %swap3A_30 = arith.constant 0 : index
    %swap3A_31 = vector.load %arg7[%swap3A, %swap3A_30] : memref<10000x128xf32, #tpu.memory_space<vmem>>, vector<10000x128xf32>
    tpu.vector_store %arg7[%swap3A, %swap3A_30], %add3A_29 {strides = array<i32>} : memref<10000x128xf32, #tpu.memory_space<vmem>>, vector<10000x128xf32>,
    %get3A_32 = arith.constant 0 : index
    %get3A_33 = arith.constant 0 : index
    %get3A_34 = vector.load %arg4[%get3A_32, %get3A_33] : memref<10000x1xf32, #tpu.memory_space<vmem>>, vector<10000x1xf32>
    %mul3A_35 = vector.broadcast %get3A_34 : vector<10000x1xf32> to vector<10000x128xf32>
    %mul3A_36 = arith.mulf %mul3A_35, %add3A_29 : vector<10000x128xf32>
    %swap3A_37 = arith.constant 0 : index
    %swap3A_38 = arith.constant 0 : index
    %swap3A_39 = vector.load %arg8[%swap3A_37, %swap3A_38] : memref<10000x128xf32, #tpu.memory_space<vmem>>, vector<10000x128xf32>
    tpu.vector_store %arg8[%swap3A_37, %swap3A_38], %mul3A_36 {strides = array<i32>} : memref<10000x128xf32, #tpu.memory_space<vmem>>, vector<10000x128xf32>,
    return
  }
  func.func @transform_0(%arg0: i32) -> (i32, i32) {
    %c0_i32 = arith.constant 0 : i32
    %c0_i32_0 = arith.constant 0 : i32
    return %arg0, %c0_i32 : i32, i32
  }
  func.func @transform_1(%arg0: i32) -> (i32, i32) {
    %c0_i32 = arith.constant 0 : i32
    %c0_i32_0 = arith.constant 0 : i32
    return %arg0, %c0_i32 : i32, i32
  }
  func.func @transform_2(%arg0: i32) -> (i32, i32) {
    %c0_i32 = arith.constant 0 : i32
    %c0_i32_0 = arith.constant 0 : i32
    return %arg0, %c0_i32 : i32, i32
  }
  func.func @transform_3(%arg0: i32) -> (i32, i32) {
    %c0_i32 = arith.constant 0 : i32
    %c0_i32_0 = arith.constant 0 : i32
    return %arg0, %c0_i32 : i32, i32
  }
  func.func @transform_4(%arg0: i32) -> (i32, i32) {
    %c0_i32 = arith.constant 0 : i32
    %c0_i32_0 = arith.constant 0 : i32
    %c0_i32_1 = arith.constant 0 : i32
    return %c0_i32, %c0_i32_0 : i32, i32
  }
  func.func @transform_5(%arg0: i32) -> (i32, i32) {
    %c0_i32 = arith.constant 0 : i32
    %c0_i32_0 = arith.constant 0 : i32
    %c0_i32_1 = arith.constant 0 : i32
    return %c0_i32, %c0_i32_0 : i32, i32
  }
  func.func @transform_6(%arg0: i32) -> (i32, i32) {
    %c0_i32 = arith.constant 0 : i32
    %c0_i32_0 = arith.constant 0 : i32
    return %arg0, %c0_i32 : i32, i32
  }
  func.func @transform_7(%arg0: i32) -> (i32, i32) {
    %c0_i32 = arith.constant 0 : i32
    %c0_i32_0 = arith.constant 0 : i32
    return %arg0, %c0_i32 : i32, i32
  }
}

</mosaic_0001>

<sc_bundles>
// kernel: kernel.12.cloned.1.call-start
scs
__scs_entry_jumppad:
0x0: {  	(pc) =	sbr.rel $0x88, $3  }
0x1: {  	(tag) =	ssettag $0x0;
	lr =	simm.s32 $0x1  }
0x2: {  	[smem:$0x3F9B] =	sst lr;
	_ =	strace $0xD0000000  }
0x3: {  	_ = 	snop  }
0x4: {  	_ = 	snop  }
0x5: {  	_ = 	snop  }
0x6: {  	_ = 	snop  }
0x7: {  	_ = 	snop  }
__scs_overlays_trampoline_lowered:
0x8: {  	[smem:$0x3FAA] =	sst s0  }
0x9: {  	[smem:$0x3FAB] =	sst s1  }
0xa: {  	[smem:$0x3FAC] =	sst s2  }
0xb: {  	[smem:$0x3FAD] =	sst s3  }
0xc: {  	[smem:$0x3FAE] =	sst s4  }
0xd: {  	[smem:$0x3FAF] =	sst s5  }
0xe: {  	[smem:$0x3FB0] =	sst s6  }
0xf: {  	[smem:$0x3FB1] =	sst s7  }
0x10: {  	[smem:$0x3FB2] =	sst s8  }
0x11: {  	[smem:$0x3FB3] =	sst s9;
	s0 =	simm.s32 @!p0 $0x0  }
0x12: {  	s1 =	sld [smem:$0x3F99];
	s0 =	simm.s32 @p0 $0x1  }
0x13: {  	[smem:$0x3FB4] =	sst s0;
	s0 =	simm.s32 @!p1 $0x0  }
0x14: {  	s2 =	sld [smem:$0x3F98];
	s0 =	simm.s32 @p1 $0x1  }
0x15: {  	[smem:$0x3FB5] =	sst s0;
	s0 =	simm.s32 @!p2 $0x0  }
0x16: {  	s3 =	sld [smem:$0x3FDB];
	s0 =	simm.s32 @p2 $0x1  }
0x17: {  	s4 =	simm.s32 $0x1BF5;
	[smem:$0x3FB7] =	sst s0  }
0x18: {  	s0 =	sld [smem:$0x3F9A];
	_ =	swait.ge [sflag:s4], $0x0  }
0x19: {  	s7 =	sld [smem:$0x3F9B]  }
0x1a: {  	s8 =	sadd.s32 $0xFFFFE003, lr  }
0x1b: {  	s9 =	sadd.s32 $0xFFFFFEF7, lr;
	s5 =	simm.s32 $0xFFFFFFFF;
	p2 =	slt.u32 s8, $0xFFFFF086  }
0x1c: {  	p1 =	slt.u32 s9, $0xF7A;
	s5 =	simm.s32 @!p2 $0x0  }
0x1d: {  	s5 =	simm.s32 @p1 $0x1;
	p0 =	seq.s32 s7, s2  }
0x1e: {  	s7 =	smul.u32 @!p0 $0xF7A, s2;
	p2 =	seq.s32 @!p0 s5, $0x0  }
0x1f: {  	s9 =	smul.u32 $0xF7A, s1;
	s8 =	simm.s32 @!p0 $0x1BF5;
	p2 =	por !p2, p0  }
0x20: {  	[sflag:s8] =	ssyncset.s32 @!p0 $0xFFFFF086;
	s6 =	sadd.s32 @!p0 s3, s7;
	s7 =	simm.s32 @!p0 $0x108  }
0x21: {  	s3 =	sadd.s32 s3, s9;
	s6 =	sadd.s32 @!p0 $0x88, s6;
	s7 =	simm.s32 @p2 $0x1082  }
0x22: {  	[simem:s7], [sflag:s8] =	dma.local @!p0 [hbm:s6], $0xF7A  }
0x23: {  	s9 =	sor.u32 $0xD0000000, s2;
	s6 =	simm.s32 $0x108;
	_ =	swait.ge @!p0 [sflag:s8], $0x0  }
0x24: {  	s3 =	sadd.s32 $0x88, s3;
	s6 =	simm.s32 @!p1 $0x1082;
	[sflag:s4] =	ssyncset.s32 $0xFFFFF086  }
0x25: {  	[simem:s6], [sflag:s4] =	dma.local [hbm:s3], $0xF7A  }
0x26: {  	[smem:$0x3F9B] =	sst s1;
	(tag) =	ssettag s2;
	_ =	strace s9  }
0x27: {  	s1 =	sld [smem:$0x3FAB]  }
0x28: {  	s2 =	sld [smem:$0x3FAC]  }
0x29: {  	s4 =	sld [smem:$0x3FAE]  }
0x2a: {  	p0 =	seq.s32 s5, $0x0;
	s5 =	sld [smem:$0x3FAF]  }
0x2b: {  	s6 =	sld [smem:$0x3FB0]  }
0x2c: {  	s7 =	sld [smem:$0x3FB1]  }
0x2d: {  	s3 =	simm.s32 $0x108;
	s8 =	sld [smem:$0x3FB2]  }
0x2e: {  	s3 =	simm.s32 @!p0 $0x1082;
	s9 =	sld [smem:$0x3FB3]  }
0x2f: {  	lr =	sadd.s32 s0, s3;
	s0 =	sld [smem:$0x3FAA]  }
0x30: {  	s3 =	sld [smem:$0x3FAD]  }
0x31: {  	[smem:$0x3FB6] =	sst s10  }
0x32: {  	s10 =	sld [smem:$0x3FB4];
	_ =	sdelay $0x3  }
0x33: {  	p0 =	seq.s32 s10, $0x1;
	s10 =	sld [smem:$0x3FB6];
	_ =	sdelay $0x3  }
0x34: {  	[smem:$0x3FB6] =	sst s10  }
0x35: {  	s10 =	sld [smem:$0x3FB5];
	_ =	sdelay $0x3  }
0x36: {  	p1 =	seq.s32 s10, $0x1;
	s10 =	sld [smem:$0x3FB6];
	_ =	sdelay $0x3  }
0x37: {  	[smem:$0x3FB6] =	sst s10  }
0x38: {  	s10 =	sld [smem:$0x3FB7]  }
0x39: {  	_ = 	snop;
	(pc) =	sbr.ind lr, $3  }
0x3a: {  	_ = 	snop  }
0x3b: {  	_ = 	snop  }
0x3c: {  	p2 =	seq.s32 s10, $0x1;
	s10 =	sld [smem:$0x3FB6]  }
0x3d: {  	_ =	shalt  }
0x3e: {  	_ =	shalt  }
0x3f: {  	_ =	shalt  }
0x40: {  	_ =	shalt  }
0x41: {  	_ =	shalt  }
0x42: {  	_ =	shalt  }
0x43: {  	_ =	shalt  }
0x44: {  	_ =	shalt  }
0x45: {  	_ =	shalt  }
0x46: {  	_ =	shalt  }
0x47: {  	_ =	shalt  }
0x48: {  	_ =	shalt  }
0x49: {  	_ =	shalt  }
0x4a: {  	_ =	shalt  }
0x4b: {  	_ =	shalt  }
0x4c: {  	_ =	shalt  }
0x4d: {  	_ =	shalt  }
0x4e: {  	_ =	shalt  }
0x4f: {  	_ =	shalt  }
0x50: {  	_ =	shalt  }
0x51: {  	_ =	shalt  }
0x52: {  	_ =	shalt  }
0x53: {  	_ =	shalt  }
0x54: {  	_ =	shalt  }
0x55: {  	_ =	shalt  }
0x56: {  	_ =	shalt  }
0x57: {  	_ =	shalt  }
0x58: {  	_ =	shalt  }
0x59: {  	_ =	shalt  }
0x5a: {  	_ =	shalt  }
0x5b: {  	_ =	shalt  }
0x5c: {  	_ =	shalt  }
0x5d: {  	_ =	shalt  }
0x5e: {  	_ =	shalt  }
0x5f: {  	_ =	shalt  }
0x60: {  	_ =	shalt  }
0x61: {  	_ =	shalt  }
0x62: {  	_ =	shalt  }
0x63: {  	_ =	shalt  }
0x64: {  	_ =	shalt  }
0x65: {  	_ =	shalt  }
0x66: {  	_ =	shalt  }
0x67: {  	_ =	shalt  }
0x68: {  	_ =	shalt  }
0x69: {  	_ =	shalt  }
0x6a: {  	_ =	shalt  }
0x6b: {  	_ =	shalt  }
0x6c: {  	_ =	shalt  }
0x6d: {  	_ =	shalt  }
0x6e: {  	_ =	shalt  }
0x6f: {  	_ =	shalt  }
0x70: {  	_ =	shalt  }
0x71: {  	_ =	shalt  }
0x72: {  	_ =	shalt  }
0x73: {  	_ =	shalt  }
0x74: {  	_ =	shalt  }
0x75: {  	_ =	shalt  }
0x76: {  	_ =	shalt  }
0x77: {  	_ =	shalt  }
0x78: {  	_ =	shalt  }
0x79: {  	_ =	shalt  }
0x7a: {  	_ =	shalt  }
0x7b: {  	_ =	shalt  }
0x7c: {  	_ =	shalt  }
0x7d: {  	_ =	shalt  }
0x7e: {  	_ =	shalt  }
0x7f: {  	_ =	shalt  }
0x80: {  	_ =	shalt  }
0x81: {  	_ =	shalt  }
0x82: {  	_ =	shalt  }
0x83: {  	_ =	shalt  }
0x84: {  	_ =	shalt  }
0x85: {  	_ =	shalt  }
0x86: {  	_ =	shalt  }
0x87: {  	_ =	shalt  }
.Lfunc_end0:
.L_simem_size_0:
called_computation_lowered:
.L_overlay_start_0:
0x88: {  	s2 =	sld [smem:$0x3FD9]  }
0x89: {  	s3 =	sld [smem:$0x3FFE];
	_ =	sdelay $0x1  }
0x8a: {  	s1 =	srdreg.scid  }
0x8b: {  	s0 =	sand.u32 $0x1, s1  }
0x8c: {  	s17 =	sshll.u32 s0, $0xA;
	s2 =	sadd.s32 s3, s2  }
0x8d: {  	s2 =	sadd.s32 s2, s17  }
0x8e: {  	[smem:$0x3FC2] =	sst s2  }
0x8f: {  	_ = 	snop  }
0x90: {  	s2 =	sld [smem:$0x3FD0];
	(tm) =	ssettm $0x1  }
0x91: {  	s18 =	sld [smem:$0x3FFB];
	_ =	sdelay $0x3  }
0x92: {  	_ =	strace s18  }
0x93: {  	s3 =	sld [smem:$0x3FFC];
	_ =	sdelay $0x3  }
0x94: {  	_ =	strace s3  }
0x95: {  	s3 =	sld [smem:$0x3FFD];
	_ =	sdelay $0x3  }
0x96: {  	_ =	strace s3  }
0x97: {  	_ =	strace $0x8FFFFFFF  }
0x98: {  	s19 =	sld [smem:$0x3FDB];
	_ =	sdelay $0x1  }
0x99: {  	s4 =	simm.s32 $_scs_section_size  }
0x9a: {  	s5 =	simm.s32 $_size__tile_overlayer_lowered;
	s6 =	simm.s32 $_tile_overlayer_lowered  }
0x9b: {  	s22 =	simm.s32 $0x1BFF;
	s21 =	sshll.u32 s6, $0x1;
	s3 =	sadd.s32 s4, s19  }
0x9c: {  	s7 =	simm.s32 $0x0;
	s20 =	sshll.u32 s5, $0x1;
	s5 =	sadd.s32 s21, s3  }
0x9d: {  	[timem:s7], [sflag:s22] =	dma.local [hbm:s5], s20  }
0x9e: {  	_ =	swait.ge [sflag:s22], s20  }
0x9f: {  	s4 =	ssub.s32 $0x0, s20;
	[sflag:s22] =	ssyncset.done $0x0  }
0xa0: {  	[sflag:s22] =	ssyncadd.s32 s4;
	_ =	sdelay $0x1  }
0xa1: {  	s23 =	simm.s32 $0x1B8B  }
0xa2: {  	_ =	swait.ge [sflag:s23], $0x1  }
0xa3: {  	[sflag:s23] =	ssyncset.done $0x0  }
0xa4: {  	s25 =	simm.s32 $0x1B8E;
	s24 =	sld [smem:$0x3FFE];
	[sflag:s23] =	ssyncadd.s32 $0xFFFFFFFF  }
0xa5: {  	s26 =	simm.s32 $execute0_lowered;
	[smem:$0x3FD2] =	sst s25  }
0xa6: {  	s5 =	sshll.u32 s26, $0x1;
	_ =	strace $0x80000046;
	[dreg:$0x1] =	wrdreg $0xFFFFFFFF  }
0xa7: {  	s28 =	simm.s32 $_size_execute0_lowered;
	s3 =	sadd.s32 s3, s5;
	[dreg:$0x0] =	wrdreg $0x0  }
0xa8: {  	s5 =	sshll.u32 s28, $0x1;
	[dreg:$0x2] =	wrdreg s3  }
0xa9: {  	[dreg:$0x3] =	wrdreg s5  }
0xaa: {  	[dreg:$0x4] =	wrdreg $0xC0  }
0xab: {  	_ =	task [dreg:s7], $0x5FFFF  }
0xac: {  	[dreg:$0x1] =	wrdreg $0xFFFFFFFF  }
0xad: {  	[dreg:$0x0] =	wrdreg $0x60  }
0xae: {  	[dreg:$0x2] =	wrdreg s2  }
0xaf: {  	[dreg:$0x3] =	wrdreg s24  }
0xb0: {  	[dreg:$0x4] =	wrdreg $0x83000  }
0xb1: {  	[dreg:$0x5] =	wrdreg $0x9  }
0xb2: {  	_ =	task.clear_ibuf [dreg:s7], $0x6FFFF;
	_ =	strace $0x90000046  }
0xb3: {  	s29 =	simm.s32 $0x9;
	_ =	strace $0x80000048  }
0xb4: {  	_ =	swait.ge [sflag:s29], $0x1  }
0xb5: {  	[sflag:s29] =	ssyncadd.s32 $0xFFFFFFFF  }
0xb6: {  	_ =	strace $0x90000048  }
0xb7: {  	_ =	sfence  }
0xb8: {  	s30 =	sld [smem:$0x0];
	_ =	sdelay $0x2  }
0xb9: {  	s31 =	sshll.u32 s1, $0xD;
	s1 =	sshrl.u32 s1, $0x2  }
0xba: {  	s3 =	sand.u32 $0x4000, s31;
	s1 =	sadd.s32 s1, s30  }
0xbb: {  	s0 =	sor.u32 s3, s0;
	s1 =	sshll.u32 s1, $0x11  }
0xbc: {  	s0 =	sor.u32 s1, s0  }
0xbd: {  	s0 =	sadd.s32 $0x8F2B, s0  }
0xbe: {  	[sflag:s0] =	ssyncadd.remote.s32 $0x1  }
0xbf: {  	_ =	sfence.sel $0xFFFF  }
0xc0: {  	[dreg:$0x0] =	wrdreg $0xFFFFFFFF;
	(pc) =	sbr.abs _section_cstart, $3  }
0xc1: {  	[dreg:$0x1] =	wrdreg $0xFFFFFFFF  }
0xc2: {  	_ =	task.clear_ibuf [dreg:s7], $0x2FFFF;
	_ =	strace $0x9FFFFFFF  }
0xc3: {  	(tm) =	ssettm $0x7FFFFFFF  }
tec
execute0_lowered:
.L_overlay_start_1:
0x0: {  	(tag) =	ssettag $0x1  }
0x1: {  	s4 =	rddreg [dreg:$0x0]  }
0x2: {  	s5 =	rddreg [dreg:$0x1]  }
0x3: {  	s1 =	rddreg [dreg:$0x2]  }
0x4: {  	s0 =	rddreg [dreg:$0x3];
	s3 =	simm.s32 $0x0  }
0x5: {  	s6 =	srdreg.scid;
	s2 =	stileid.u32;
	s13 =	simm.s32 $0x50  }
0x6: {  	s14 =	simm.s32 $0x8000;
	s17 =	simm.s32 $0x20;
	s18 =	simm.s32 $0x10  }
0x7: {  	s19 =	simm.s32 $0x0;
	[smem:$0x7FF] =	sst s3;
	s7 =	smul.u32 $0x500, s2  }
0x8: {  	s6 =	sand.u32 $0x1, s6;
	s9 =	sshll.u32 s2, $0xB;
	s30 =	smul.u32 $0xA00, s2  }
0x9: {  	s15 =	sshll.u32 s2, $0x6;
	_ =	strace $0x80000047;
	s8 =	sshll.u32 s6, $0xF  }
0xa: {  	s10 =	sshll.u32 s6, $0x7;
	s6 =	ssub.s32 $0x2, s6;
	s15 =	sor.u32 $0x1C01, s15  }
0xb: {  	s8 =	sor.u32 s9, s8;
	s7 =	sor.u32 s10, s7;
	s29 =	sshrl.u32 s6, $0x1  }
0xc: {  	s31 =	sshrl.u32 s30, $0x2;
	s10 =	simm.s32 $0x1;
	s7 =	sshrl.u32 s7, $0x3  }
0xd: {  	s11 =	sadd.s32 s8, s5;
	s9 =	ssub.s32 s6, s29;
	s4 =	sadd.s32 s4, s8  }
0xe: {  	s6 =	sadd.s32 s31, s1;
	s12 =	sadd.s32 s7, s5;
	s5 =	sadd.s32 $0x3E00, s11  }
0xf: {  	s7 =	sadd.s32 $0x14800, s11;
	s9 =	smax.u32 s9, $0x1;
	s11 =	simm.s32 $0x4000  }
0x10: {  	v0 =	vimm.f32 $1.000000000e+00;
	v1 =	vimm.f32 $0.0e+00;
	s16 =	sshrl.u32 s6, $0x3;
	s8 =	sadd.s32 $0x13E00, s12;
	s12 =	simm.s32 $0x8080  }
.LBB2_1:
0x11: {  	[tilespmem:s3], [sflag:$0x1] =	stream.linear.gather [hbm4b:s4+s3], $0x3E80, $0x38;
	[tilespmem:$0x8580] =	vst v63  }
0x12: {  	_ =	swait.ge [sflag:s10], $0x3E80  }
0x13: {  	[sflag:s10] =	ssyncset.done $0x0  }
0x14: {  	[sflag:s10] =	ssyncadd.s32 $0xFFFFC180  }
0x15: {  	[tilespmem:s11], [sflag:$0x1] =	stream.linear.gather [hbm4b:s5+s3], $0x3E80, $0x38;
	[tilespmem:$0x8580] =	vst v63  }
0x16: {  	_ =	swait.ge [sflag:s10], $0x3E80  }
0x17: {  	[sflag:s10] =	ssyncset.done $0x0  }
0x18: {  	[sflag:s10] =	ssyncadd.s32 $0xFFFFC180  }
0x19: {  	[tilespmem:$0x8000] =	vst v0  }
0x1a: {  	[tilespmem:$0x8010] =	vst v0  }
0x1b: {  	[tilespmem:$0x8020] =	vst v0  }
0x1c: {  	[tilespmem:$0x8030] =	vst v0  }
0x1d: {  	[tilespmem:$0x8040] =	vst v0  }
0x1e: {  	[tilespmem:$0x8080] =	vst v1  }
0x1f: {  	[tilespmem:$0x8090] =	vst v1  }
0x20: {  	[tilespmem:$0x80A0] =	vst v1  }
0x21: {  	[tilespmem:$0x80B0] =	vst v1  }
0x22: {  	[tilespmem:$0x80C0] =	vst v1  }
0x23: {  	[tilespmem:$0x80D0] =	vst v1  }
0x24: {  	[tilespmem:$0x80E0] =	vst v1  }
0x25: {  	[tilespmem:$0x80F0] =	vst v1  }
0x26: {  	[tilespmem:$0x8100] =	vst v1  }
0x27: {  	[tilespmem:$0x8110] =	vst v1  }
0x28: {  	[tilespmem:$0x8120] =	vst v1  }
0x29: {  	[tilespmem:$0x8130] =	vst v1  }
0x2a: {  	[tilespmem:$0x8140] =	vst v1  }
0x2b: {  	[tilespmem:$0x8150] =	vst v1  }
0x2c: {  	[tilespmem:$0x8160] =	vst v1  }
0x2d: {  	[tilespmem:$0x8170] =	vst v1  }
0x2e: {  	[tilespmem:$0x8180] =	vst v1  }
0x2f: {  	[tilespmem:$0x8190] =	vst v1  }
0x30: {  	[tilespmem:$0x81A0] =	vst v1  }
0x31: {  	[tilespmem:$0x81B0] =	vst v1  }
0x32: {  	[tilespmem:$0x81C0] =	vst v1  }
0x33: {  	[tilespmem:$0x81D0] =	vst v1  }
0x34: {  	[tilespmem:$0x81E0] =	vst v1  }
0x35: {  	[tilespmem:$0x81F0] =	vst v1  }
0x36: {  	[tilespmem:$0x8200] =	vst v1  }
0x37: {  	[tilespmem:$0x8210] =	vst v1  }
0x38: {  	[tilespmem:$0x8220] =	vst v1  }
0x39: {  	[tilespmem:$0x8230] =	vst v1  }
0x3a: {  	[tilespmem:$0x8240] =	vst v1  }
0x3b: {  	[tilespmem:$0x8250] =	vst v1  }
0x3c: {  	[tilespmem:$0x8260] =	vst v1  }
0x3d: {  	[tilespmem:$0x8270] =	vst v1  }
0x3e: {  	[tilespmem:$0x8280] =	vst v1  }
0x3f: {  	[tilespmem:$0x8290] =	vst v1  }
0x40: {  	[tilespmem:$0x82A0] =	vst v1  }
0x41: {  	[tilespmem:$0x82B0] =	vst v1  }
0x42: {  	[tilespmem:$0x82C0] =	vst v1  }
0x43: {  	[tilespmem:$0x82D0] =	vst v1  }
0x44: {  	[tilespmem:$0x82E0] =	vst v1  }
0x45: {  	[tilespmem:$0x82F0] =	vst v1  }
0x46: {  	[spmem:s6] =	stream.linear.scatter [tilespmem:s12], [sflag:$0x1], $0x280, $0x38;
	[tilespmem:$0x8580] =	vst v63  }
0x47: {  	_ =	swait.ge [sflag:s10], $0x280  }
0x48: {  	[sflag:s10] =	ssyncset.done $0x0  }
0x49: {  	s20 =	simm.s32 $0x0;
	[sflag:s10] =	ssyncadd.s32 $0xFFFFFD80  }
0x4a: {  	v6 =	vld [tilespmem:s20+$0x0]  }
0x4b: {  	v5 =	vld [tilespmem:s20+$0x10]  }
0x4c: {  	v4 =	vld [tilespmem:s20+$0x20]  }
0x4d: {  	v3 =	vld [tilespmem:s20+$0x30]  }
0x4e: {  	v2 =	vld [tilespmem:s20+$0x40]  }
0x4f: {  	v10 =	vld [tilespmem:s20+$0x4000]  }
0x50: {  	v9 =	vld [tilespmem:s20+$0x4010]  }
0x51: {  	v8 =	vld [tilespmem:s20+$0x4020]  }
0x52: {  	s21 =	simm.s32 $0x200;
	v7 =	vld [tilespmem:s20+$0x4030]  }
.LBB2_2:
0x53: {  	s22 =	sshra.s32 s21, $0x2;
	p0 =	sne.s32 s21, $0xF800;
	v11 =	vld [tilespmem:s20+$0x4040]  }
0x54: {  	vm0 =	veq.s32 v6, v10;
	v6 =	vld [tilespmem:s22+$0x0]  }
0x55: {  	v10 =	vsel vm0, $0x2710, v10;
	vm0 =	veq.s32 v5, v9;
	v5 =	vld [tilespmem:s22+$0x10]  }
0x56: {  	[tilespmem:s20+$0x4000] =	vst v10;
	v9 =	vsel vm0, $0x2710, v9;
	vm0 =	veq.s32 v4, v8;
	v4 =	vld [tilespmem:s22+$0x20]  }
0x57: {  	[tilespmem:s20+$0x4010] =	vst v9;
	v8 =	vsel vm0, $0x2710, v8;
	vm0 =	veq.s32 v3, v7;
	v3 =	vld [tilespmem:s22+$0x30]  }
.Ltmp0:
0x58: {  	[tilespmem:s20+$0x4020] =	vst v8;
	v7 =	vsel vm0, $0x2710, v7;
	vm0 =	veq.s32 v2, v11;
	v2 =	vld [tilespmem:s22+$0x40];
	(pc) =	sbr.rel @p0 .LBB2_2-.Ltmp0, $4  }
0x59: {  	v10 =	vld [tilespmem:s22+$0x4000];
	[tilespmem:s20+$0x4030] =	vst v7;
	v7 =	vsel vm0, $0x2710, v11  }
0x5a: {  	v9 =	vld [tilespmem:s22+$0x4010];
	[tilespmem:s20+$0x4040] =	vst v7;
	s20 =	smov.u32 s22  }
0x5b: {  	v8 =	vld [tilespmem:s20+$0x4020]  }
0x5c: {  	s21 =	sadd.s32 $0x200, s21;
	v7 =	vld [tilespmem:s20+$0x4030]  }
0x5d: {  	v11 =	vld [tilespmem:s20+$0x4040]  }
0x5e: {  	vm0 =	veq.s32 v6, v10  }
0x5f: {  	v6 =	vsel vm0, $0x2710, v10;
	vm12 =	veq.s32 v5, v9  }
0x60: {  	[tilespmem:s20+$0x4000] =	vst v6;
	v5 =	vsel vm12, $0x2710, v9;
	vm13 =	veq.s32 v4, v8  }
0x61: {  	[tilespmem:s20+$0x4010] =	vst v5;
	v4 =	vsel vm13, $0x2710, v8;
	vm14 =	veq.s32 v3, v7  }
0x62: {  	[tilespmem:s20+$0x4020] =	vst v4;
	v3 =	vsel vm14, $0x2710, v7;
	vm15 =	veq.s32 v2, v11  }
0x63: {  	[tilespmem:s20+$0x4030] =	vst v3;
	v2 =	vsel vm15, $0x2710, v11  }
0x64: {  	s30 =	simm.s32 $0x0;
	[tilespmem:s20+$0x4040] =	vst v2  }
0x65: {  	[hbm4b:s7+s30] =	stream.linear.scatter [tilespmem:s11], [sflag:$0x1], $0x3E80, $0x38;
	[tilespmem:$0x8580] =	vst v63  }
0x66: {  	_ =	swait.ge [sflag:s10], $0x3E80  }
0x67: {  	[sflag:s10] =	ssyncset.done $0x0  }
0x68: {  	[sflag:s10] =	ssyncadd.s32 $0xFFFFC180  }
0x69: {  	s31 =	simm.s32 $0x4000;
	[bflag:$0x0] =	sbarrier.arrive $0xFFFF  }
0x6a: {  	[spmem:s1] =	stream.indirect.scatter.add.f32 [tilespmem:s14], [sflag:$0x1], $0x1, s31, s13, $0xb8;
	[tilespmem:$0x8580] =	vst v63  }
0x6b: {  	s20 =	simm.s32 $0x200;
	_ =	swait.ge [sflag:s10], $0x50  }
.LBB2_4:
0x6c: {  	s21 =	sshra.s32 s20, $0x2;
	[sflag:s10] =	ssyncset.done $0x0;
	p0 =	sne.s32 s20, $0xF800  }
.Ltmp1:
0x6d: {  	s21 =	sadd.s32 $0x4000, s21;
	[sflag:s10] =	ssyncadd.s32 $0xFFFFFFB0;
	(pc) =	sbr.rel @p0 .LBB2_4-.Ltmp1, $3  }
0x6e: {  	[spmem:s1] =	stream.indirect.scatter.add.f32 [tilespmem:s14], [sflag:$0x1], $0x1, s21, s13, $0xb8;
	[tilespmem:$0x8580] =	vst v63  }
0x6f: {  	s20 =	sadd.s32 $0x200, s20;
	_ =	sdelay $0x1  }
0x70: {  	_ =	swait.ge [sflag:s10], $0x50  }
0x71: {  	[sflag:s10] =	ssyncset.done $0x0;
	s19 =	sadd.s32 $0x1, s19  }
0x72: {  	[sflag:s10] =	ssyncadd.s32 $0xFFFFFFB0;
	p0 =	sne.s32 s19, s9  }
.Ltmp2:
0x73: {  	[bflag:$0x0] =	sbarrier.arrive $0xFFFF;
	(pc) =	sbr.rel @p0 .LBB2_1-.Ltmp2, $4  }
0x74: {  	[hbm:s8@s17], [sflag:s15] =	dma.strided [spmem:s16@s18], $0x50, s10, $0x10   }
0x75: {  	_ =	swait.ge [sflag:s10], $0x50  }
0x76: {  	[sflag:s10] =	ssyncset.done $0x0  }
0x77: {  	[sflag:s10] =	ssyncadd.s32 $0xFFFFFFB0  }
0x78: {  	_ =	sfence.sel $0x180000  }
0x79: {  	[bflag:$0x0] =	sbarrier.arrive $0xFFFF  }
0x7a: {  	p0 =	sne.s32 s2, $0x0;
	_ =	strace $0x90000047  }
0x7b: {  	s0 =	sadd.s32 @!p0 $0x100000, s0;
	[bflag:$0x2] =	sbarrier.arrive $0xFFFF  }
0x7c: {  	[sflag:s0] =	ssyncadd.tile.s32 @!p0 $0x1;
	_ =	shalt  }
.Lfunc_end2:
_tile_overlayer_lowered:
.L_overlay_start_2:
0x7d: {  	(tag) =	ssettag $0x2  }
0x7e: {  	s0 =	rddreg [dreg:$0x0];
	s2 =	stileid.u32  }
0x7f: {  	s1 =	rddreg [dreg:$0x1];
	p0 =	sne.s32 s2, $0x0  }
0x80: {  	s3 =	rddreg [dreg:$0x2];
	[bflag:$0x3] =	sbarrier.arrive $0xFFFF;
	s2 =	simm.s32 @!p0 $0x1C01  }
0x81: {  	[timem:s3], [sflag:s2] =	dma.local @!p0 [hbm:s0], s1  }
0x82: {  	s0 =	simm.s32 @!p0 $0x1  }
0x83: {  	_ =	swait.ge @!p0 [sflag:s0], s1  }
0x84: {  	s1 =	ssub.s32 @!p0 $0x0, s1;
	[sflag:s0] =	ssyncset.done @!p0 $0x0  }
0x85: {  	[sflag:s0] =	ssyncadd.s32 @!p0 s1  }
0x86: {  	[bflag:$0x3] =	sbarrier.arrive $0xFFFF  }
0x87: {  	_ =	shalt  }

// kernel: kernel.15.cloned.1.call-start
scs
__scs_entry_jumppad:
0x0: {  	(pc) =	sbr.rel $0x88, $3  }
0x1: {  	(tag) =	ssettag $0x0;
	lr =	simm.s32 $0x1  }
0x2: {  	[smem:$0x3F9B] =	sst lr;
	_ =	strace $0xD0000000  }
0x3: {  	_ = 	snop  }
0x4: {  	_ = 	snop  }
0x5: {  	_ = 	snop  }
0x6: {  	_ = 	snop  }
0x7: {  	_ = 	snop  }
__scs_overlays_trampoline_lowered:
0x8: {  	[smem:$0x3FAA] =	sst s0  }
0x9: {  	[smem:$0x3FAB] =	sst s1  }
0xa: {  	[smem:$0x3FAC] =	sst s2  }
0xb: {  	[smem:$0x3FAD] =	sst s3  }
0xc: {  	[smem:$0x3FAE] =	sst s4  }
0xd: {  	[smem:$0x3FAF] =	sst s5  }
0xe: {  	[smem:$0x3FB0] =	sst s6  }
0xf: {  	[smem:$0x3FB1] =	sst s7  }
0x10: {  	[smem:$0x3FB2] =	sst s8  }
0x11: {  	[smem:$0x3FB3] =	sst s9;
	s0 =	simm.s32 @!p0 $0x0  }
0x12: {  	s1 =	sld [smem:$0x3F99];
	s0 =	simm.s32 @p0 $0x1  }
0x13: {  	[smem:$0x3FB4] =	sst s0;
	s0 =	simm.s32 @!p1 $0x0  }
0x14: {  	s2 =	sld [smem:$0x3F98];
	s0 =	simm.s32 @p1 $0x1  }
0x15: {  	[smem:$0x3FB5] =	sst s0;
	s0 =	simm.s32 @!p2 $0x0  }
0x16: {  	s3 =	sld [smem:$0x3FDB];
	s0 =	simm.s32 @p2 $0x1  }
0x17: {  	s4 =	simm.s32 $0x1BF5;
	[smem:$0x3FB7] =	sst s0  }
0x18: {  	s0 =	sld [smem:$0x3F9A];
	_ =	swait.ge [sflag:s4], $0x0  }
0x19: {  	s7 =	sld [smem:$0x3F9B]  }
0x1a: {  	s8 =	sadd.s32 $0xFFFFE003, lr  }
0x1b: {  	s9 =	sadd.s32 $0xFFFFFEF7, lr;
	s5 =	simm.s32 $0xFFFFFFFF;
	p2 =	slt.u32 s8, $0xFFFFF086  }
0x1c: {  	p1 =	slt.u32 s9, $0xF7A;
	s5 =	simm.s32 @!p2 $0x0  }
0x1d: {  	s5 =	simm.s32 @p1 $0x1;
	p0 =	seq.s32 s7, s2  }
0x1e: {  	s7 =	smul.u32 @!p0 $0xF7A, s2;
	p2 =	seq.s32 @!p0 s5, $0x0  }
0x1f: {  	s9 =	smul.u32 $0xF7A, s1;
	s8 =	simm.s32 @!p0 $0x1BF5;
	p2 =	por !p2, p0  }
0x20: {  	[sflag:s8] =	ssyncset.s32 @!p0 $0xFFFFF086;
	s6 =	sadd.s32 @!p0 s3, s7;
	s7 =	simm.s32 @!p0 $0x108  }
0x21: {  	s3 =	sadd.s32 s3, s9;
	s6 =	sadd.s32 @!p0 $0x88, s6;
	s7 =	simm.s32 @p2 $0x1082  }
0x22: {  	[simem:s7], [sflag:s8] =	dma.local @!p0 [hbm:s6], $0xF7A  }
0x23: {  	s9 =	sor.u32 $0xD0000000, s2;
	s6 =	simm.s32 $0x108;
	_ =	swait.ge @!p0 [sflag:s8], $0x0  }
0x24: {  	s3 =	sadd.s32 $0x88, s3;
	s6 =	simm.s32 @!p1 $0x1082;
	[sflag:s4] =	ssyncset.s32 $0xFFFFF086  }
0x25: {  	[simem:s6], [sflag:s4] =	dma.local [hbm:s3], $0xF7A  }
0x26: {  	[smem:$0x3F9B] =	sst s1;
	(tag) =	ssettag s2;
	_ =	strace s9  }
0x27: {  	s1 =	sld [smem:$0x3FAB]  }
0x28: {  	s2 =	sld [smem:$0x3FAC]  }
0x29: {  	s4 =	sld [smem:$0x3FAE]  }
0x2a: {  	p0 =	seq.s32 s5, $0x0;
	s5 =	sld [smem:$0x3FAF]  }
0x2b: {  	s6 =	sld [smem:$0x3FB0]  }
0x2c: {  	s7 =	sld [smem:$0x3FB1]  }
0x2d: {  	s3 =	simm.s32 $0x108;
	s8 =	sld [smem:$0x3FB2]  }
0x2e: {  	s3 =	simm.s32 @!p0 $0x1082;
	s9 =	sld [smem:$0x3FB3]  }
0x2f: {  	lr =	sadd.s32 s0, s3;
	s0 =	sld [smem:$0x3FAA]  }
0x30: {  	s3 =	sld [smem:$0x3FAD]  }
0x31: {  	[smem:$0x3FB6] =	sst s10  }
0x32: {  	s10 =	sld [smem:$0x3FB4];
	_ =	sdelay $0x3  }
0x33: {  	p0 =	seq.s32 s10, $0x1;
	s10 =	sld [smem:$0x3FB6];
	_ =	sdelay $0x3  }
0x34: {  	[smem:$0x3FB6] =	sst s10  }
0x35: {  	s10 =	sld [smem:$0x3FB5];
	_ =	sdelay $0x3  }
0x36: {  	p1 =	seq.s32 s10, $0x1;
	s10 =	sld [smem:$0x3FB6];
	_ =	sdelay $0x3  }
0x37: {  	[smem:$0x3FB6] =	sst s10  }
0x38: {  	s10 =	sld [smem:$0x3FB7]  }
0x39: {  	_ = 	snop;
	(pc) =	sbr.ind lr, $3  }
0x3a: {  	_ = 	snop  }
0x3b: {  	_ = 	snop  }
0x3c: {  	p2 =	seq.s32 s10, $0x1;
	s10 =	sld [smem:$0x3FB6]  }
0x3d: {  	_ =	shalt  }
0x3e: {  	_ =	shalt  }
0x3f: {  	_ =	shalt  }
0x40: {  	_ =	shalt  }
0x41: {  	_ =	shalt  }
0x42: {  	_ =	shalt  }
0x43: {  	_ =	shalt  }
0x44: {  	_ =	shalt  }
0x45: {  	_ =	shalt  }
0x46: {  	_ =	shalt  }
0x47: {  	_ =	shalt  }
0x48: {  	_ =	shalt  }
0x49: {  	_ =	shalt  }
0x4a: {  	_ =	shalt  }
0x4b: {  	_ =	shalt  }
0x4c: {  	_ =	shalt  }
0x4d: {  	_ =	shalt  }
0x4e: {  	_ =	shalt  }
0x4f: {  	_ =	shalt  }
0x50: {  	_ =	shalt  }
0x51: {  	_ =	shalt  }
0x52: {  	_ =	shalt  }
0x53: {  	_ =	shalt  }
0x54: {  	_ =	shalt  }
0x55: {  	_ =	shalt  }
0x56: {  	_ =	shalt  }
0x57: {  	_ =	shalt  }
0x58: {  	_ =	shalt  }
0x59: {  	_ =	shalt  }
0x5a: {  	_ =	shalt  }
0x5b: {  	_ =	shalt  }
0x5c: {  	_ =	shalt  }
0x5d: {  	_ =	shalt  }
0x5e: {  	_ =	shalt  }
0x5f: {  	_ =	shalt  }
0x60: {  	_ =	shalt  }
0x61: {  	_ =	shalt  }
0x62: {  	_ =	shalt  }
0x63: {  	_ =	shalt  }
0x64: {  	_ =	shalt  }
0x65: {  	_ =	shalt  }
0x66: {  	_ =	shalt  }
0x67: {  	_ =	shalt  }
0x68: {  	_ =	shalt  }
0x69: {  	_ =	shalt  }
0x6a: {  	_ =	shalt  }
0x6b: {  	_ =	shalt  }
0x6c: {  	_ =	shalt  }
0x6d: {  	_ =	shalt  }
0x6e: {  	_ =	shalt  }
0x6f: {  	_ =	shalt  }
0x70: {  	_ =	shalt  }
0x71: {  	_ =	shalt  }
0x72: {  	_ =	shalt  }
0x73: {  	_ =	shalt  }
0x74: {  	_ =	shalt  }
0x75: {  	_ =	shalt  }
0x76: {  	_ =	shalt  }
0x77: {  	_ =	shalt  }
0x78: {  	_ =	shalt  }
0x79: {  	_ =	shalt  }
0x7a: {  	_ =	shalt  }
0x7b: {  	_ =	shalt  }
0x7c: {  	_ =	shalt  }
0x7d: {  	_ =	shalt  }
0x7e: {  	_ =	shalt  }
0x7f: {  	_ =	shalt  }
0x80: {  	_ =	shalt  }
0x81: {  	_ =	shalt  }
0x82: {  	_ =	shalt  }
0x83: {  	_ =	shalt  }
0x84: {  	_ =	shalt  }
0x85: {  	_ =	shalt  }
0x86: {  	_ =	shalt  }
0x87: {  	_ =	shalt  }
.Lfunc_end0:
.L_simem_size_0:
called_computation.1_lowered:
.L_overlay_start_0:
0x88: {  	s2 =	sld [smem:$0x3FD9]  }
0x89: {  	s3 =	sld [smem:$0x3FFE];
	_ =	sdelay $0x1  }
0x8a: {  	s1 =	srdreg.scid  }
0x8b: {  	s0 =	sand.u32 $0x1, s1  }
0x8c: {  	s17 =	sshll.u32 s0, $0xA;
	s2 =	sadd.s32 s3, s2  }
0x8d: {  	s2 =	sadd.s32 s2, s17  }
0x8e: {  	[smem:$0x3FC2] =	sst s2  }
0x8f: {  	_ = 	snop  }
0x90: {  	s2 =	sld [smem:$0x3FD0];
	(tm) =	ssettm $0x1  }
0x91: {  	s18 =	sld [smem:$0x3FFB];
	_ =	sdelay $0x3  }
0x92: {  	_ =	strace s18  }
0x93: {  	s3 =	sld [smem:$0x3FFC];
	_ =	sdelay $0x3  }
0x94: {  	_ =	strace s3  }
0x95: {  	s3 =	sld [smem:$0x3FFD];
	_ =	sdelay $0x3  }
0x96: {  	_ =	strace s3  }
0x97: {  	_ =	strace $0x8FFFFFFF  }
0x98: {  	s19 =	sld [smem:$0x3FDB];
	_ =	sdelay $0x1  }
0x99: {  	s4 =	simm.s32 $_scs_section_size  }
0x9a: {  	s5 =	simm.s32 $_size__tile_overlayer_lowered;
	s6 =	simm.s32 $_tile_overlayer_lowered  }
0x9b: {  	s22 =	simm.s32 $0x1BFF;
	s21 =	sshll.u32 s6, $0x1;
	s3 =	sadd.s32 s4, s19  }
0x9c: {  	s7 =	simm.s32 $0x0;
	s20 =	sshll.u32 s5, $0x1;
	s5 =	sadd.s32 s21, s3  }
0x9d: {  	[timem:s7], [sflag:s22] =	dma.local [hbm:s5], s20  }
0x9e: {  	_ =	swait.ge [sflag:s22], s20  }
0x9f: {  	s4 =	ssub.s32 $0x0, s20;
	[sflag:s22] =	ssyncset.done $0x0  }
0xa0: {  	[sflag:s22] =	ssyncadd.s32 s4;
	_ =	sdelay $0x1  }
0xa1: {  	s23 =	simm.s32 $0x1B8B  }
0xa2: {  	_ =	swait.ge [sflag:s23], $0x1  }
0xa3: {  	[sflag:s23] =	ssyncset.done $0x0  }
0xa4: {  	s25 =	simm.s32 $0x1B8E;
	s24 =	sld [smem:$0x3FFE];
	[sflag:s23] =	ssyncadd.s32 $0xFFFFFFFF  }
0xa5: {  	s26 =	simm.s32 $execute0_lowered;
	[smem:$0x3FD2] =	sst s25  }
0xa6: {  	s5 =	sshll.u32 s26, $0x1;
	_ =	strace $0x80000049;
	[dreg:$0x1] =	wrdreg $0xFFFFFFFF  }
0xa7: {  	s28 =	simm.s32 $_size_execute0_lowered;
	s3 =	sadd.s32 s3, s5;
	[dreg:$0x0] =	wrdreg $0x0  }
0xa8: {  	s5 =	sshll.u32 s28, $0x1;
	[dreg:$0x2] =	wrdreg s3  }
0xa9: {  	[dreg:$0x3] =	wrdreg s5  }
0xaa: {  	[dreg:$0x4] =	wrdreg $0xC0  }
0xab: {  	_ =	task [dreg:s7], $0x5FFFF  }
0xac: {  	[dreg:$0x1] =	wrdreg $0xFFFFFFFF  }
0xad: {  	[dreg:$0x0] =	wrdreg $0x60  }
0xae: {  	[dreg:$0x2] =	wrdreg s2  }
0xaf: {  	[dreg:$0x3] =	wrdreg s24  }
0xb0: {  	[dreg:$0x4] =	wrdreg $0xC0000  }
0xb1: {  	[dreg:$0x5] =	wrdreg $0x9  }
0xb2: {  	_ =	task.clear_ibuf [dreg:s7], $0x6FFFF;
	_ =	strace $0x90000049  }
0xb3: {  	s29 =	simm.s32 $0x9;
	_ =	strace $0x8000004B  }
0xb4: {  	_ =	swait.ge [sflag:s29], $0x1  }
0xb5: {  	[sflag:s29] =	ssyncadd.s32 $0xFFFFFFFF  }
0xb6: {  	_ =	strace $0x9000004B  }
0xb7: {  	_ =	sfence  }
0xb8: {  	s30 =	sld [smem:$0x0];
	_ =	sdelay $0x2  }
0xb9: {  	s31 =	sshll.u32 s1, $0xD;
	s1 =	sshrl.u32 s1, $0x2  }
0xba: {  	s3 =	sand.u32 $0x4000, s31;
	s1 =	sadd.s32 s1, s30  }
0xbb: {  	s0 =	sor.u32 s3, s0;
	s1 =	sshll.u32 s1, $0x11  }
0xbc: {  	s0 =	sor.u32 s1, s0  }
0xbd: {  	s0 =	sadd.s32 $0x8F2B, s0  }
0xbe: {  	[sflag:s0] =	ssyncadd.remote.s32 $0x1  }
0xbf: {  	_ =	sfence.sel $0xFFFF  }
0xc0: {  	[dreg:$0x0] =	wrdreg $0xFFFFFFFF;
	(pc) =	sbr.abs _section_cstart, $3  }
0xc1: {  	[dreg:$0x1] =	wrdreg $0xFFFFFFFF  }
0xc2: {  	_ =	task.clear_ibuf [dreg:s7], $0x2FFFF;
	_ =	strace $0x9FFFFFFF  }
0xc3: {  	(tm) =	ssettm $0x7FFFFFFF  }
tec
execute0_lowered:
.L_overlay_start_1:
0x0: {  	(tag) =	ssettag $0x1  }
0x1: {  	s1 =	rddreg [dreg:$0x0]  }
0x2: {  	s0 =	rddreg [dreg:$0x1]  }
0x3: {  	s2 =	rddreg [dreg:$0x2]  }
0x4: {  	s4 =	simm.s32 $0x0;
	s3 =	srdreg.scid;
	s23 =	stileid.u32  }
0x5: {  	s20 =	simm.s32 $0x9;
	s21 =	simm.s32 $0x1000;
	s22 =	simm.s32 $0x50  }
0x6: {  	s30 =	simm.s32 $0x2000;
	s31 =	simm.s32 $0x1;
	s8 =	smul.u32 $0x14000, s23  }
0x7: {  	[smem:$0x7FF] =	sst s4;
	s3 =	sand.u32 $0x1, s3;
	s25 =	smul.u32 $0x50000, s23  }
0x8: {  	s5 =	sadd.s32 $0x24800, s0;
	s6 =	sadd.s32 $0x3E00, s0;
	s7 =	smul.u32 $0x140000, s3  }
0x9: {  	_ =	strace $0x8000004A;
	s9 =	sshll.u32 s3, $0x4;
	s3 =	ssub.s32 $0x2, s3  }
0xa: {  	s24 =	sor.u32 s23, s9;
	s26 =	sshrl.u32 s3, $0x1;
	s9 =	sshrl.u32 s25, $0x2  }
0xb: {  	s7 =	sadd.s32 s8, s7;
	s3 =	ssub.s32 s3, s26;
	s8 =	sadd.s32 s9, s2  }
0xc: {  	s10 =	sshrl.u32 s7, $0x3;
	s7 =	smul.u32 $0x5000, s24;
	s11 =	sadd.s32 $0x2800, s8  }
0xd: {  	s12 =	sadd.s32 $0x5000, s8;
	s13 =	sadd.s32 $0x7800, s8;
	s14 =	sadd.s32 $0xA000, s8  }
0xe: {  	s15 =	sadd.s32 $0xC800, s8;
	s16 =	sadd.s32 $0xF000, s8;
	s17 =	sadd.s32 $0x11800, s8  }
0xf: {  	s19 =	smax.u32 s3, $0x1;
	s0 =	sadd.s32 s10, s0;
	s28 =	sshrl.u32 s7, $0x3  }
0x10: {  	s3 =	simm.s32 $0x0;
	s18 =	sadd.s32 $0x5FA00, s0;
	s29 =	sadd.s32 s5, s28  }
0x11: {  	v0 =	vimm.f32 $0.0e+00;
	s0 =	simm.s32 $0x5;
	s10 =	sadd.s32 s6, s28;
	[dreg:$0x4] =	wrdreg s29  }
.LBB2_1:
0x12: {  	s4 =	simm.s32 $0x0;
	s9 =	rddreg [dreg:$0x4]  }
0x13: {  	[tilespmem:s4], [sflag:$0x9] =	stream.linear.gather [hbm4b:s9+s4], $0xC80, $0x38;
	v63 =	vld [tilespmem:$0x0]  }
0x14: {  	_ =	swait.ge [sflag:s20], $0xC80  }
0x15: {  	[sflag:s20] =	ssyncset.done $0x0  }
0x16: {  	[sflag:s20] =	ssyncadd.s32 $0xFFFFF380  }
0x17: {  	[tilespmem:s21], [sflag:$0x9] =	stream.linear.gather [hbm4b:s10+s4], $0xC80, $0x38;
	v63 =	vld [tilespmem:$0x0]  }
0x18: {  	_ =	swait.ge [sflag:s20], $0xC80  }
0x19: {  	[sflag:s20] =	ssyncset.done $0x0  }
0x1a: {  	s23 =	simm.s32 $0x80;
	s24 =	simm.s32 $0x4800;
	[sflag:s20] =	ssyncadd.s32 $0xFFFFF380  }
0x1b: {  	[tilespmem:s24], [sflag:$0x2] =	stream.indirect.gather [hbm4b:s1+s22], $0x80, s23, s22, $0xb8;
	v63 =	vld [tilespmem:$0x0]  }
0x1c: {  	s25 =	simm.s32 $0x100;
	s26 =	simm.s32 $0x7000  }
0x1d: {  	[tilespmem:s26], [sflag:$0x3] =	stream.indirect.gather [hbm4b:s1+s22], $0x80, s25, s22, $0xb8;
	v63 =	vld [tilespmem:$0x0]  }
0x1e: {  	s28 =	simm.s32 $0x180;
	s29 =	simm.s32 $0x9800;
	s23 =	simm.s32 $0x2080  }
0x1f: {  	[tilespmem:s29], [sflag:$0x4] =	stream.indirect.gather [hbm4b:s1+s22], $0x80, s28, s22, $0xb8;
	v63 =	vld [tilespmem:$0x0]  }
0x20: {  	[tilespmem:s23+$0xFFFFFF80] =	vst v0  }
0x21: {  	[tilespmem:s23+$0x70] =	vst v0  }
0x22: {  	[tilespmem:s23+$0x60] =	vst v0  }
0x23: {  	[tilespmem:s23+$0x50] =	vst v0  }
0x24: {  	[tilespmem:s23+$0x40] =	vst v0  }
0x25: {  	[tilespmem:s23+$0x30] =	vst v0  }
0x26: {  	[tilespmem:s23+$0x20] =	vst v0  }
0x27: {  	[tilespmem:s23+$0x10] =	vst v0  }
0x28: {  	[tilespmem:s23+$0x0] =	vst v0  }
0x29: {  	[tilespmem:s23+$0xFFFFFFF0] =	vst v0  }
0x2a: {  	[tilespmem:s23+$0xFFFFFFE0] =	vst v0  }
0x2b: {  	[tilespmem:s23+$0xFFFFFFD0] =	vst v0  }
0x2c: {  	[tilespmem:s23+$0xFFFFFFC0] =	vst v0  }
0x2d: {  	[tilespmem:s23+$0xFFFFFFB0] =	vst v0  }
0x2e: {  	s24 =	simm.s32 $0x0;
	[tilespmem:s23+$0xFFFFFFA0] =	vst v0  }
.LBB2_2:
0x2f: {  	s24 =	sadd.s32 $0x2, s24;
	[tilespmem:s23+$0xFFFFFF90] =	vst v0;
	s23 =	sadd.s32 $0x100, s23  }
0x30: {  	[tilespmem:s23+$0xFFFFFF80] =	vst v0;
	p0 =	slt.u32 s24, $0x4E  }
0x31: {  	[tilespmem:s23+$0x70] =	vst v0  }
0x32: {  	[tilespmem:s23+$0x60] =	vst v0  }
0x33: {  	[tilespmem:s23+$0x50] =	vst v0  }
0x34: {  	[tilespmem:s23+$0x40] =	vst v0  }
0x35: {  	[tilespmem:s23+$0x30] =	vst v0  }
0x36: {  	[tilespmem:s23+$0x20] =	vst v0  }
0x37: {  	[tilespmem:s23+$0x10] =	vst v0  }
0x38: {  	[tilespmem:s23+$0x0] =	vst v0  }
0x39: {  	[tilespmem:s23+$0xFFFFFFF0] =	vst v0  }
.Ltmp0:
0x3a: {  	[tilespmem:s23+$0xFFFFFFE0] =	vst v0;
	(pc) =	sbr.rel @p0 .LBB2_2-.Ltmp0, $4  }
0x3b: {  	[tilespmem:s23+$0xFFFFFFD0] =	vst v0  }
0x3c: {  	[tilespmem:s23+$0xFFFFFFC0] =	vst v0  }
0x3d: {  	[tilespmem:s23+$0xFFFFFFB0] =	vst v0  }
0x3e: {  	[tilespmem:s23+$0xFFFFFFA0] =	vst v0  }
0x3f: {  	[tilespmem:s23+$0xFFFFFF90] =	vst v0  }
0x40: {  	[spmem:s8] =	stream.linear.scatter [tilespmem:s30], [sflag:$0x9], $0x2800, $0x38;
	v63 =	vld [tilespmem:$0x0]  }
0x41: {  	_ =	swait.ge [sflag:s20], $0x2800  }
0x42: {  	[sflag:s20] =	ssyncset.done $0x0  }
0x43: {  	[sflag:s20] =	ssyncadd.s32 $0xFFFFD800  }
0x44: {  	[spmem:s11] =	stream.linear.scatter [tilespmem:s30], [sflag:$0x9], $0x2800, $0x38;
	v63 =	vld [tilespmem:$0x0]  }
0x45: {  	_ =	swait.ge [sflag:s20], $0x2800  }
0x46: {  	[sflag:s20] =	ssyncset.done $0x0  }
0x47: {  	[sflag:s20] =	ssyncadd.s32 $0xFFFFD800  }
0x48: {  	[spmem:s12] =	stream.linear.scatter [tilespmem:s30], [sflag:$0x9], $0x2800, $0x38;
	v63 =	vld [tilespmem:$0x0]  }
0x49: {  	_ =	swait.ge [sflag:s20], $0x2800  }
0x4a: {  	[sflag:s20] =	ssyncset.done $0x0  }
0x4b: {  	[sflag:s20] =	ssyncadd.s32 $0xFFFFD800  }
0x4c: {  	[spmem:s13] =	stream.linear.scatter [tilespmem:s30], [sflag:$0x9], $0x2800, $0x38;
	v63 =	vld [tilespmem:$0x0]  }
0x4d: {  	_ =	swait.ge [sflag:s20], $0x2800  }
0x4e: {  	[sflag:s20] =	ssyncset.done $0x0  }
0x4f: {  	[sflag:s20] =	ssyncadd.s32 $0xFFFFD800  }
0x50: {  	[spmem:s14] =	stream.linear.scatter [tilespmem:s30], [sflag:$0x9], $0x2800, $0x38;
	v63 =	vld [tilespmem:$0x0]  }
0x51: {  	_ =	swait.ge [sflag:s20], $0x2800  }
0x52: {  	[sflag:s20] =	ssyncset.done $0x0  }
0x53: {  	[sflag:s20] =	ssyncadd.s32 $0xFFFFD800  }
0x54: {  	[spmem:s15] =	stream.linear.scatter [tilespmem:s30], [sflag:$0x9], $0x2800, $0x38;
	v63 =	vld [tilespmem:$0x0]  }
0x55: {  	_ =	swait.ge [sflag:s20], $0x2800  }
0x56: {  	[sflag:s20] =	ssyncset.done $0x0  }
0x57: {  	[sflag:s20] =	ssyncadd.s32 $0xFFFFD800  }
0x58: {  	[spmem:s16] =	stream.linear.scatter [tilespmem:s30], [sflag:$0x9], $0x2800, $0x38;
	v63 =	vld [tilespmem:$0x0]  }
0x59: {  	_ =	swait.ge [sflag:s20], $0x2800  }
0x5a: {  	[sflag:s20] =	ssyncset.done $0x0  }
0x5b: {  	[sflag:s20] =	ssyncadd.s32 $0xFFFFD800  }
0x5c: {  	[spmem:s17] =	stream.linear.scatter [tilespmem:s30], [sflag:$0x9], $0x2800, $0x38;
	v63 =	vld [tilespmem:$0x0]  }
0x5d: {  	_ =	swait.ge [sflag:s20], $0x2800  }
0x5e: {  	[sflag:s20] =	ssyncset.done $0x0  }
0x5f: {  	s23 =	simm.s32 $0x0;
	[sflag:s20] =	ssyncadd.s32 $0xFFFFD800  }
0x60: {  	[tilespmem:s30], [sflag:$0x1] =	stream.indirect.gather [hbm4b:s1+s22], $0x80, s23, s22, $0xb8;
	v63 =	vld [tilespmem:$0x0]  }
0x61: {  	[bflag:$0x0] =	sbarrier.arrive $0xFFFF  }
.LBB2_4:
0x62: {  	p0 =	seq.s32 s23, $0x0  }
0x63: {  	s24 =	sshll.u32 @!p0 s23, $0xC  }
0x64: {  	s24 =	sadd.s32 @!p0 s7, s24  }
0x65: {  	s24 =	sshrl.u32 @!p0 s24, $0x3  }
0x66: {  	s26 =	simm.s32 @!p0 $0x0;
	s25 =	sadd.s32 @!p0 s5, s24  }
0x67: {  	[tilespmem:s26], [sflag:$0x9] =	stream.linear.gather @!p0 [hbm4b:s25+s26], $0xC80, $0x38;
	v63 =	vld [tilespmem:$0x0]  }
0x68: {  	s25 =	simm.s32 @!p0 $0x9  }
0x69: {  	_ =	swait.ge @!p0 [sflag:s25], $0xC80  }
0x6a: {  	[sflag:s25] =	ssyncset.done @!p0 $0x0  }
0x6b: {  	s28 =	simm.s32 @!p0 $0x1000;
	s24 =	sadd.s32 @!p0 s6, s24;
	[sflag:s25] =	ssyncadd.s32 @!p0 $0xFFFFF380  }
0x6c: {  	[tilespmem:s28], [sflag:$0x9] =	stream.linear.gather @!p0 [hbm4b:s24+s26], $0xC80, $0x38;
	v63 =	vld [tilespmem:$0x0]  }
0x6d: {  	_ =	swait.ge @!p0 [sflag:s25], $0xC80  }
0x6e: {  	[sflag:s25] =	ssyncset.done @!p0 $0x0  }
0x6f: {  	s24 =	simm.s32 @!p0 $0x50;
	[sflag:s25] =	ssyncadd.s32 @!p0 $0xFFFFF380;
	s25 =	simm.s32 @!p0 $0x2000  }
0x70: {  	[tilespmem:s25], [sflag:$0x1] =	stream.indirect.gather @!p0 [hbm4b:s1+s24], $0x80, s26, s24, $0xb8;
	v63 =	vld [tilespmem:$0x0]  }
0x71: {  	s25 =	simm.s32 @!p0 $0x80;
	s26 =	simm.s32 @!p0 $0x4800  }
0x72: {  	[tilespmem:s26], [sflag:$0x2] =	stream.indirect.gather @!p0 [hbm4b:s1+s24], $0x80, s25, s24, $0xb8;
	v63 =	vld [tilespmem:$0x0]  }
0x73: {  	s25 =	simm.s32 @!p0 $0x100;
	s26 =	simm.s32 @!p0 $0x7000  }
0x74: {  	[tilespmem:s26], [sflag:$0x3] =	stream.indirect.gather @!p0 [hbm4b:s1+s24], $0x80, s25, s24, $0xb8;
	v63 =	vld [tilespmem:$0x0]  }
0x75: {  	s25 =	simm.s32 @!p0 $0x180;
	s26 =	simm.s32 @!p0 $0x9800  }
0x76: {  	[tilespmem:s26], [sflag:$0x4] =	stream.indirect.gather @!p0 [hbm4b:s1+s24], $0x80, s25, s24, $0xb8;
	v63 =	vld [tilespmem:$0x0]  }
0x77: {  	_ =	swait.ge [sflag:s31], $0x2800  }
0x78: {  	s24 =	simm.s32 $0x200;
	[sflag:s31] =	ssyncset.done $0x0  }
0x79: {  	s25 =	simm.s32 $0x4;
	s26 =	simm.s32 $0x1080;
	[sflag:s31] =	ssyncadd.s32 $0xFFFFD800  }
0x7a: {  	[spmem:s2] =	stream.indirect.scatter.add.f32 [tilespmem:s30], [sflag:$0x5], $0x80, s21, s22, $0xb8;
	v63 =	vld [tilespmem:$0x0]  }
.LBB2_5:
0x7b: {  	s29 =	sand.u32 $0x3, s25  }
0x7c: {  	p0 =	sgt.s32 s29, $0x1  }
0x7d: {  	p1 =	seq.s32 @p0 s29, $0x2  }
0x7e: {  	p2 =	por !p1, !p0  }
0x7f: {  	s28 =	sadd.s32 $0xFFFFFFFD, s25;
	s4 =	simm.s32 @!p2 $0x7  }
0x80: {  	p3 =	sgt.u32 @!p2 s28, $0x15;
	_ =	swait.ge @!p2 [sflag:s4], $0x2800  }
0x81: {  	p3 =	por @p0 p3, !p1;
	[sflag:s4] =	ssyncset.done @!p2 $0x0  }
0x82: {  	p3 =	por p3, !p0;
	[sflag:s4] =	ssyncadd.s32 @!p2 $0xFFFFD800  }
0x83: {  	s4 =	simm.s32 @!p3 $0x50;
	s9 =	simm.s32 @!p3 $0x7000;
	p2 =	por p1, !p0  }
0x84: {  	[tilespmem:s9], [sflag:$0x3] =	stream.indirect.gather @!p3 [hbm4b:s1+s4], $0x80, s24, s4, $0xb8;
	v63 =	vld [tilespmem:$0x0]  }
0x85: {  	p3 =	sgt.u32 @!p2 s28, $0x15;
	s4 =	simm.s32 @!p2 $0x8  }
0x86: {  	_ =	swait.ge @!p2 [sflag:s4], $0x2800;
	p1 =	por @p0 p3, p1  }
0x87: {  	[sflag:s4] =	ssyncset.done @!p2 $0x0;
	p1 =	por p1, !p0  }
0x88: {  	[sflag:s4] =	ssyncadd.s32 @!p2 $0xFFFFD800;
	s4 =	simm.s32 @!p1 $0x50;
	s9 =	simm.s32 @!p1 $0x9800  }
0x89: {  	[tilespmem:s9], [sflag:$0x4] =	stream.indirect.gather @!p1 [hbm4b:s1+s4], $0x80, s24, s4, $0xb8;
	v63 =	vld [tilespmem:$0x0]  }
0x8a: {  	p1 =	seq.s32 @!p0 s29, $0x0  }
0x8b: {  	p2 =	por !p1, p0  }
0x8c: {  	s4 =	simm.s32 @!p2 $0x5  }
0x8d: {  	p3 =	sgt.u32 @!p2 s28, $0x15;
	_ =	swait.ge @!p2 [sflag:s4], $0x2800  }
0x8e: {  	p3 =	por @!p0 p3, !p1;
	[sflag:s4] =	ssyncset.done @!p2 $0x0  }
0x8f: {  	p3 =	por p3, p0;
	[sflag:s4] =	ssyncadd.s32 @!p2 $0xFFFFD800  }
0x90: {  	s4 =	simm.s32 @!p3 $0x50;
	s9 =	simm.s32 @!p3 $0x2000;
	p2 =	por p1, p0  }
0x91: {  	[tilespmem:s9], [sflag:$0x1] =	stream.indirect.gather @!p3 [hbm4b:s1+s4], $0x80, s24, s4, $0xb8;
	v63 =	vld [tilespmem:$0x0]  }
0x92: {  	p3 =	sgt.u32 @!p2 s28, $0x15;
	s4 =	simm.s32 @!p2 $0x6  }
0x93: {  	_ =	swait.ge @!p2 [sflag:s4], $0x2800;
	p1 =	por @!p0 p3, p1  }
0x94: {  	[sflag:s4] =	ssyncset.done @!p2 $0x0;
	p0 =	por p1, p0  }
0x95: {  	[sflag:s4] =	ssyncadd.s32 @!p2 $0xFFFFD800;
	s4 =	simm.s32 @!p0 $0x50;
	s9 =	simm.s32 @!p0 $0x4800  }
0x96: {  	[tilespmem:s9], [sflag:$0x2] =	stream.indirect.gather @!p0 [hbm4b:s1+s4], $0x80, s24, s4, $0xb8;
	v63 =	vld [tilespmem:$0x0]  }
0x97: {  	s4 =	sand.u32 $0x3, s28  }
0x98: {  	p0 =	sgt.s32 s4, $0x1  }
0x99: {  	p1 =	seq.s32 @p0 s4, $0x2  }
0x9a: {  	p2 =	por !p1, !p0  }
0x9b: {  	s9 =	simm.s32 @!p2 $0x3  }
0x9c: {  	_ =	swait.ge @!p2 [sflag:s9], $0x2800  }
0x9d: {  	p1 =	por p1, !p0;
	[sflag:s9] =	ssyncset.done @!p2 $0x0  }
0x9e: {  	s28 =	simm.s32 @!p2 $0x7000;
	[sflag:s9] =	ssyncadd.s32 @!p2 $0xFFFFD800;
	s9 =	simm.s32 @!p2 $0x50  }
0x9f: {  	[spmem:s2] =	stream.indirect.scatter.add.f32 @!p2 [tilespmem:s28], [sflag:$0x7], $0x80, s26, s9, $0xb8;
	v63 =	vld [tilespmem:$0x0]  }
0xa0: {  	s9 =	simm.s32 @!p1 $0x4  }
0xa1: {  	_ =	swait.ge @!p1 [sflag:s9], $0x2800  }
0xa2: {  	[sflag:s9] =	ssyncset.done @!p1 $0x0  }
0xa3: {  	s28 =	simm.s32 @!p1 $0x9800;
	[sflag:s9] =	ssyncadd.s32 @!p1 $0xFFFFD800;
	s9 =	simm.s32 @!p1 $0x50  }
0xa4: {  	[spmem:s2] =	stream.indirect.scatter.add.f32 @!p1 [tilespmem:s28], [sflag:$0x8], $0x80, s26, s9, $0xb8;
	v63 =	vld [tilespmem:$0x0]  }
0xa5: {  	p1 =	seq.s32 @!p0 s4, $0x0  }
0xa6: {  	p2 =	por !p1, p0  }
0xa7: {  	s4 =	simm.s32 @!p2 $0x1  }
0xa8: {  	_ =	swait.ge @!p2 [sflag:s4], $0x2800  }
0xa9: {  	p0 =	por p1, p0;
	[sflag:s4] =	ssyncset.done @!p2 $0x0  }
0xaa: {  	s9 =	simm.s32 @!p2 $0x2000;
	[sflag:s4] =	ssyncadd.s32 @!p2 $0xFFFFD800;
	s4 =	simm.s32 @!p2 $0x50  }
0xab: {  	[spmem:s2] =	stream.indirect.scatter.add.f32 @!p2 [tilespmem:s9], [sflag:$0x5], $0x80, s26, s4, $0xb8;
	v63 =	vld [tilespmem:$0x0]  }
0xac: {  	s4 =	simm.s32 @!p0 $0x2  }
0xad: {  	_ =	swait.ge @!p0 [sflag:s4], $0x2800  }
0xae: {  	s25 =	sadd.s32 $0x1, s25;
	[sflag:s4] =	ssyncset.done @!p0 $0x0  }
0xaf: {  	s9 =	simm.s32 @!p0 $0x4800;
	[sflag:s4] =	ssyncadd.s32 @!p0 $0xFFFFD800;
	s4 =	simm.s32 @!p0 $0x50  }
0xb0: {  	[spmem:s2] =	stream.indirect.scatter.add.f32 @!p0 [tilespmem:s9], [sflag:$0x6], $0x80, s26, s4, $0xb8;
	v63 =	vld [tilespmem:$0x0]  }
0xb1: {  	p0 =	sne.s32 s25, $0x1C  }
.Ltmp1:
0xb2: {  	_ = 	snop;
	(pc) =	sbr.rel @p0 .LBB2_5-.Ltmp1, $2  }
0xb3: {  	_ =	sdelay $0x2  }
0xb4: {  	s24 =	sadd.s32 $0x80, s24;
	s26 =	sadd.s32 $0x80, s26  }
0xb5: {  	s23 =	sadd.s32 $0x1, s23  }
0xb6: {  	p0 =	sne.s32 s23, $0x5  }
.Ltmp2:
0xb7: {  	_ = 	snop;
	(pc) =	sbr.rel @p0 .LBB2_4-.Ltmp2, $4  }
0xb8: {  	_ = 	snop  }
0xb9: {  	_ =	swait.ge [sflag:s0], $0x2800  }
0xba: {  	[sflag:s0] =	ssyncset.done $0x0  }
0xbb: {  	[sflag:s0] =	ssyncadd.s32 $0xFFFFD800  }
0xbc: {  	s4 =	stileid.u32;
	s3 =	sadd.s32 $0x1, s3  }
0xbd: {  	[bflag:$0x0] =	sbarrier.arrive $0xFFFF;
	s4 =	sshll.u32 s4, $0x6;
	p0 =	sne.s32 s3, s19  }
.Ltmp3:
0xbe: {  	s9 =	sshrl.u32 s8, $0x3;
	s4 =	sor.u32 $0x1C09, s4;
	(pc) =	sbr.rel @p0 .LBB2_1-.Ltmp3, $4  }
0xbf: {  	[hbm:s18], [sflag:s4] =	dma.local [spmem:s9], $0x2800  }
0xc0: {  	_ =	swait.ge [sflag:s20], $0x2800  }
0xc1: {  	[sflag:s20] =	ssyncset.done $0x0  }
0xc2: {  	[sflag:s20] =	ssyncadd.s32 $0xFFFFD800  }
0xc3: {  	_ =	sfence.sel $0x180000  }
0xc4: {  	[bflag:$0x0] =	sbarrier.arrive $0xFFFF  }
0xc5: {  	_ =	strace $0x9000004A  }
0xc6: {  	s0 =	stileid.u32;
	[bflag:$0x2] =	sbarrier.arrive $0xFFFF  }
0xc7: {  	p0 =	sne.s32 s0, $0x0;
	s0 =	rddreg [dreg:$0x3]  }
0xc8: {  	s0 =	sadd.s32 @!p0 $0x100000, s0  }
0xc9: {  	[sflag:s0] =	ssyncadd.tile.s32 @!p0 $0x1;
	_ =	shalt  }
.Lfunc_end2:
_tile_overlayer_lowered:
.L_overlay_start_2:
0xca: {  	(tag) =	ssettag $0x2  }
0xcb: {  	s0 =	rddreg [dreg:$0x0];
	s2 =	stileid.u32  }
0xcc: {  	s1 =	rddreg [dreg:$0x1];
	p0 =	sne.s32 s2, $0x0  }
0xcd: {  	s3 =	rddreg [dreg:$0x2];
	[bflag:$0x3] =	sbarrier.arrive $0xFFFF;
	s2 =	simm.s32 @!p0 $0x1C09  }
0xce: {  	[timem:s3], [sflag:s2] =	dma.local @!p0 [hbm:s0], s1  }
0xcf: {  	s0 =	simm.s32 @!p0 $0x9  }
0xd0: {  	_ =	swait.ge @!p0 [sflag:s0], s1  }
0xd1: {  	s1 =	ssub.s32 @!p0 $0x0, s1;
	[sflag:s0] =	ssyncset.done @!p0 $0x0  }
0xd2: {  	[sflag:s0] =	ssyncadd.s32 @!p0 s1  }
0xd3: {  	[bflag:$0x3] =	sbarrier.arrive $0xFFFF  }
0xd4: {  	_ =	shalt  }

// kernel: kernel.18.cloned.1.call-start
scs
__scs_entry_jumppad:
0x0: {  	(pc) =	sbr.rel $0x88, $3  }
0x1: {  	(tag) =	ssettag $0x0;
	lr =	simm.s32 $0x1  }
0x2: {  	[smem:$0x3F9B] =	sst lr;
	_ =	strace $0xD0000000  }
0x3: {  	_ = 	snop  }
0x4: {  	_ = 	snop  }
0x5: {  	_ = 	snop  }
0x6: {  	_ = 	snop  }
0x7: {  	_ = 	snop  }
__scs_overlays_trampoline_lowered:
0x8: {  	[smem:$0x3FAA] =	sst s0  }
0x9: {  	[smem:$0x3FAB] =	sst s1  }
0xa: {  	[smem:$0x3FAC] =	sst s2  }
0xb: {  	[smem:$0x3FAD] =	sst s3  }
0xc: {  	[smem:$0x3FAE] =	sst s4  }
0xd: {  	[smem:$0x3FAF] =	sst s5  }
0xe: {  	[smem:$0x3FB0] =	sst s6  }
0xf: {  	[smem:$0x3FB1] =	sst s7  }
0x10: {  	[smem:$0x3FB2] =	sst s8  }
0x11: {  	[smem:$0x3FB3] =	sst s9;
	s0 =	simm.s32 @!p0 $0x0  }
0x12: {  	s1 =	sld [smem:$0x3F99];
	s0 =	simm.s32 @p0 $0x1  }
0x13: {  	[smem:$0x3FB4] =	sst s0;
	s0 =	simm.s32 @!p1 $0x0  }
0x14: {  	s2 =	sld [smem:$0x3F98];
	s0 =	simm.s32 @p1 $0x1  }
0x15: {  	[smem:$0x3FB5] =	sst s0;
	s0 =	simm.s32 @!p2 $0x0  }
0x16: {  	s3 =	sld [smem:$0x3FDB];
	s0 =	simm.s32 @p2 $0x1  }
0x17: {  	s4 =	simm.s32 $0x1BF5;
	[smem:$0x3FB7] =	sst s0  }
0x18: {  	s0 =	sld [smem:$0x3F9A];
	_ =	swait.ge [sflag:s4], $0x0  }
0x19: {  	s7 =	sld [smem:$0x3F9B]  }
0x1a: {  	s8 =	sadd.s32 $0xFFFFE003, lr  }
0x1b: {  	s9 =	sadd.s32 $0xFFFFFEF7, lr;
	s5 =	simm.s32 $0xFFFFFFFF;
	p2 =	slt.u32 s8, $0xFFFFF086  }
0x1c: {  	p1 =	slt.u32 s9, $0xF7A;
	s5 =	simm.s32 @!p2 $0x0  }
0x1d: {  	s5 =	simm.s32 @p1 $0x1;
	p0 =	seq.s32 s7, s2  }
0x1e: {  	s7 =	smul.u32 @!p0 $0xF7A, s2;
	p2 =	seq.s32 @!p0 s5, $0x0  }
0x1f: {  	s9 =	smul.u32 $0xF7A, s1;
	s8 =	simm.s32 @!p0 $0x1BF5;
	p2 =	por !p2, p0  }
0x20: {  	[sflag:s8] =	ssyncset.s32 @!p0 $0xFFFFF086;
	s6 =	sadd.s32 @!p0 s3, s7;
	s7 =	simm.s32 @!p0 $0x108  }
0x21: {  	s3 =	sadd.s32 s3, s9;
	s6 =	sadd.s32 @!p0 $0x88, s6;
	s7 =	simm.s32 @p2 $0x1082  }
0x22: {  	[simem:s7], [sflag:s8] =	dma.local @!p0 [hbm:s6], $0xF7A  }
0x23: {  	s9 =	sor.u32 $0xD0000000, s2;
	s6 =	simm.s32 $0x108;
	_ =	swait.ge @!p0 [sflag:s8], $0x0  }
0x24: {  	s3 =	sadd.s32 $0x88, s3;
	s6 =	simm.s32 @!p1 $0x1082;
	[sflag:s4] =	ssyncset.s32 $0xFFFFF086  }
0x25: {  	[simem:s6], [sflag:s4] =	dma.local [hbm:s3], $0xF7A  }
0x26: {  	[smem:$0x3F9B] =	sst s1;
	(tag) =	ssettag s2;
	_ =	strace s9  }
0x27: {  	s1 =	sld [smem:$0x3FAB]  }
0x28: {  	s2 =	sld [smem:$0x3FAC]  }
0x29: {  	s4 =	sld [smem:$0x3FAE]  }
0x2a: {  	p0 =	seq.s32 s5, $0x0;
	s5 =	sld [smem:$0x3FAF]  }
0x2b: {  	s6 =	sld [smem:$0x3FB0]  }
0x2c: {  	s7 =	sld [smem:$0x3FB1]  }
0x2d: {  	s3 =	simm.s32 $0x108;
	s8 =	sld [smem:$0x3FB2]  }
0x2e: {  	s3 =	simm.s32 @!p0 $0x1082;
	s9 =	sld [smem:$0x3FB3]  }
0x2f: {  	lr =	sadd.s32 s0, s3;
	s0 =	sld [smem:$0x3FAA]  }
0x30: {  	s3 =	sld [smem:$0x3FAD]  }
0x31: {  	[smem:$0x3FB6] =	sst s10  }
0x32: {  	s10 =	sld [smem:$0x3FB4];
	_ =	sdelay $0x3  }
0x33: {  	p0 =	seq.s32 s10, $0x1;
	s10 =	sld [smem:$0x3FB6];
	_ =	sdelay $0x3  }
0x34: {  	[smem:$0x3FB6] =	sst s10  }
0x35: {  	s10 =	sld [smem:$0x3FB5];
	_ =	sdelay $0x3  }
0x36: {  	p1 =	seq.s32 s10, $0x1;
	s10 =	sld [smem:$0x3FB6];
	_ =	sdelay $0x3  }
0x37: {  	[smem:$0x3FB6] =	sst s10  }
0x38: {  	s10 =	sld [smem:$0x3FB7]  }
0x39: {  	_ = 	snop;
	(pc) =	sbr.ind lr, $3  }
0x3a: {  	_ = 	snop  }
0x3b: {  	_ = 	snop  }
0x3c: {  	p2 =	seq.s32 s10, $0x1;
	s10 =	sld [smem:$0x3FB6]  }
0x3d: {  	_ =	shalt  }
0x3e: {  	_ =	shalt  }
0x3f: {  	_ =	shalt  }
0x40: {  	_ =	shalt  }
0x41: {  	_ =	shalt  }
0x42: {  	_ =	shalt  }
0x43: {  	_ =	shalt  }
0x44: {  	_ =	shalt  }
0x45: {  	_ =	shalt  }
0x46: {  	_ =	shalt  }
0x47: {  	_ =	shalt  }
0x48: {  	_ =	shalt  }
0x49: {  	_ =	shalt  }
0x4a: {  	_ =	shalt  }
0x4b: {  	_ =	shalt  }
0x4c: {  	_ =	shalt  }
0x4d: {  	_ =	shalt  }
0x4e: {  	_ =	shalt  }
0x4f: {  	_ =	shalt  }
0x50: {  	_ =	shalt  }
0x51: {  	_ =	shalt  }
0x52: {  	_ =	shalt  }
0x53: {  	_ =	shalt  }
0x54: {  	_ =	shalt  }
0x55: {  	_ =	shalt  }
0x56: {  	_ =	shalt  }
0x57: {  	_ =	shalt  }
0x58: {  	_ =	shalt  }
0x59: {  	_ =	shalt  }
0x5a: {  	_ =	shalt  }
0x5b: {  	_ =	shalt  }
0x5c: {  	_ =	shalt  }
0x5d: {  	_ =	shalt  }
0x5e: {  	_ =	shalt  }
0x5f: {  	_ =	shalt  }
0x60: {  	_ =	shalt  }
0x61: {  	_ =	shalt  }
0x62: {  	_ =	shalt  }
0x63: {  	_ =	shalt  }
0x64: {  	_ =	shalt  }
0x65: {  	_ =	shalt  }
0x66: {  	_ =	shalt  }
0x67: {  	_ =	shalt  }
0x68: {  	_ =	shalt  }
0x69: {  	_ =	shalt  }
0x6a: {  	_ =	shalt  }
0x6b: {  	_ =	shalt  }
0x6c: {  	_ =	shalt  }
0x6d: {  	_ =	shalt  }
0x6e: {  	_ =	shalt  }
0x6f: {  	_ =	shalt  }
0x70: {  	_ =	shalt  }
0x71: {  	_ =	shalt  }
0x72: {  	_ =	shalt  }
0x73: {  	_ =	shalt  }
0x74: {  	_ =	shalt  }
0x75: {  	_ =	shalt  }
0x76: {  	_ =	shalt  }
0x77: {  	_ =	shalt  }
0x78: {  	_ =	shalt  }
0x79: {  	_ =	shalt  }
0x7a: {  	_ =	shalt  }
0x7b: {  	_ =	shalt  }
0x7c: {  	_ =	shalt  }
0x7d: {  	_ =	shalt  }
0x7e: {  	_ =	shalt  }
0x7f: {  	_ =	shalt  }
0x80: {  	_ =	shalt  }
0x81: {  	_ =	shalt  }
0x82: {  	_ =	shalt  }
0x83: {  	_ =	shalt  }
0x84: {  	_ =	shalt  }
0x85: {  	_ =	shalt  }
0x86: {  	_ =	shalt  }
0x87: {  	_ =	shalt  }
.Lfunc_end0:
.L_simem_size_0:
called_computation.2_lowered:
.L_overlay_start_0:
0x88: {  	s2 =	sld [smem:$0x3FD9]  }
0x89: {  	s3 =	sld [smem:$0x3FFE];
	_ =	sdelay $0x1  }
0x8a: {  	s1 =	srdreg.scid  }
0x8b: {  	s0 =	sand.u32 $0x1, s1  }
0x8c: {  	s17 =	sshll.u32 s0, $0xA;
	s2 =	sadd.s32 s3, s2  }
0x8d: {  	s2 =	sadd.s32 s2, s17  }
0x8e: {  	[smem:$0x3FC2] =	sst s2  }
0x8f: {  	_ = 	snop  }
0x90: {  	s2 =	sld [smem:$0x3FD0];
	(tm) =	ssettm $0x1  }
0x91: {  	s18 =	sld [smem:$0x3FFB];
	_ =	sdelay $0x3  }
0x92: {  	_ =	strace s18  }
0x93: {  	s3 =	sld [smem:$0x3FFC];
	_ =	sdelay $0x3  }
0x94: {  	_ =	strace s3  }
0x95: {  	s3 =	sld [smem:$0x3FFD];
	_ =	sdelay $0x3  }
0x96: {  	_ =	strace s3  }
0x97: {  	_ =	strace $0x8FFFFFFF  }
0x98: {  	s19 =	sld [smem:$0x3FDB];
	_ =	sdelay $0x1  }
0x99: {  	s4 =	simm.s32 $_scs_section_size  }
0x9a: {  	s5 =	simm.s32 $_size__tile_overlayer_lowered;
	s6 =	simm.s32 $_tile_overlayer_lowered  }
0x9b: {  	s22 =	simm.s32 $0x1BFF;
	s21 =	sshll.u32 s6, $0x1;
	s3 =	sadd.s32 s4, s19  }
0x9c: {  	s7 =	simm.s32 $0x0;
	s20 =	sshll.u32 s5, $0x1;
	s5 =	sadd.s32 s21, s3  }
0x9d: {  	[timem:s7], [sflag:s22] =	dma.local [hbm:s5], s20  }
0x9e: {  	_ =	swait.ge [sflag:s22], s20  }
0x9f: {  	s4 =	ssub.s32 $0x0, s20;
	[sflag:s22] =	ssyncset.done $0x0  }
0xa0: {  	[sflag:s22] =	ssyncadd.s32 s4;
	_ =	sdelay $0x1  }
0xa1: {  	s23 =	simm.s32 $0x1B8B  }
0xa2: {  	_ =	swait.ge [sflag:s23], $0x1  }
0xa3: {  	[sflag:s23] =	ssyncset.done $0x0  }
0xa4: {  	s25 =	simm.s32 $0x1B8E;
	s24 =	sld [smem:$0x3FFE];
	[sflag:s23] =	ssyncadd.s32 $0xFFFFFFFF  }
0xa5: {  	s26 =	simm.s32 $execute0_lowered;
	[smem:$0x3FD2] =	sst s25  }
0xa6: {  	s5 =	sshll.u32 s26, $0x1;
	_ =	strace $0x8000004C;
	[dreg:$0x1] =	wrdreg $0xFFFFFFFF  }
0xa7: {  	s28 =	simm.s32 $_size_execute0_lowered;
	s3 =	sadd.s32 s3, s5;
	[dreg:$0x0] =	wrdreg $0x0  }
0xa8: {  	s5 =	sshll.u32 s28, $0x1;
	[dreg:$0x2] =	wrdreg s3  }
0xa9: {  	[dreg:$0x3] =	wrdreg s5  }
0xaa: {  	[dreg:$0x4] =	wrdreg $0xC0  }
0xab: {  	_ =	task [dreg:s7], $0x5FFFF  }
0xac: {  	[dreg:$0x1] =	wrdreg $0xFFFFFFFF  }
0xad: {  	[dreg:$0x0] =	wrdreg $0x60  }
0xae: {  	[dreg:$0x2] =	wrdreg s2  }
0xaf: {  	[dreg:$0x3] =	wrdreg s24  }
0xb0: {  	[dreg:$0x4] =	wrdreg $0xC0000  }
0xb1: {  	[dreg:$0x5] =	wrdreg $0x9  }
0xb2: {  	_ =	task.clear_ibuf [dreg:s7], $0x6FFFF;
	_ =	strace $0x9000004C  }
0xb3: {  	s29 =	simm.s32 $0x9;
	_ =	strace $0x8000004E  }
0xb4: {  	_ =	swait.ge [sflag:s29], $0x1  }
0xb5: {  	[sflag:s29] =	ssyncadd.s32 $0xFFFFFFFF  }
0xb6: {  	_ =	strace $0x9000004E  }
0xb7: {  	_ =	sfence  }
0xb8: {  	s30 =	sld [smem:$0x0];
	_ =	sdelay $0x2  }
0xb9: {  	s31 =	sshll.u32 s1, $0xD;
	s1 =	sshrl.u32 s1, $0x2  }
0xba: {  	s3 =	sand.u32 $0x4000, s31;
	s1 =	sadd.s32 s1, s30  }
0xbb: {  	s0 =	sor.u32 s3, s0;
	s1 =	sshll.u32 s1, $0x11  }
0xbc: {  	s0 =	sor.u32 s1, s0  }
0xbd: {  	s0 =	sadd.s32 $0x8F2B, s0  }
0xbe: {  	[sflag:s0] =	ssyncadd.remote.s32 $0x1  }
0xbf: {  	_ =	sfence.sel $0xFFFF  }
0xc0: {  	[dreg:$0x0] =	wrdreg $0xFFFFFFFF;
	(pc) =	sbr.abs _section_cstart, $3  }
0xc1: {  	[dreg:$0x1] =	wrdreg $0xFFFFFFFF  }
0xc2: {  	_ =	task.clear_ibuf [dreg:s7], $0x2FFFF;
	_ =	strace $0x9FFFFFFF  }
0xc3: {  	(tm) =	ssettm $0x7FFFFFFF  }
tec
execute0_lowered:
.L_overlay_start_1:
0x0: {  	(tag) =	ssettag $0x1  }
0x1: {  	s1 =	rddreg [dreg:$0x0]  }
0x2: {  	s0 =	rddreg [dreg:$0x1]  }
0x3: {  	s2 =	rddreg [dreg:$0x2]  }
0x4: {  	s4 =	simm.s32 $0x0;
	s3 =	srdreg.scid;
	s23 =	stileid.u32  }
0x5: {  	s20 =	simm.s32 $0x9;
	s21 =	simm.s32 $0x1000;
	s22 =	simm.s32 $0x50  }
0x6: {  	s30 =	simm.s32 $0x2000;
	s31 =	simm.s32 $0x1;
	s8 =	smul.u32 $0x14000, s23  }
0x7: {  	[smem:$0x7FF] =	sst s4;
	s3 =	sand.u32 $0x1, s3;
	s25 =	smul.u32 $0x50000, s23  }
0x8: {  	s5 =	sadd.s32 $0x24800, s0;
	s6 =	sadd.s32 $0x3E00, s0;
	s7 =	smul.u32 $0x140000, s3  }
0x9: {  	_ =	strace $0x8000004D;
	s9 =	sshll.u32 s3, $0x4;
	s3 =	ssub.s32 $0x2, s3  }
0xa: {  	s24 =	sor.u32 s23, s9;
	s26 =	sshrl.u32 s3, $0x1;
	s9 =	sshrl.u32 s25, $0x2  }
0xb: {  	s7 =	sadd.s32 s8, s7;
	s3 =	ssub.s32 s3, s26;
	s8 =	sadd.s32 s9, s2  }
0xc: {  	s10 =	sshrl.u32 s7, $0x3;
	s7 =	smul.u32 $0x5000, s24;
	s11 =	sadd.s32 $0x2800, s8  }
0xd: {  	s12 =	sadd.s32 $0x5000, s8;
	s13 =	sadd.s32 $0x7800, s8;
	s14 =	sadd.s32 $0xA000, s8  }
0xe: {  	s15 =	sadd.s32 $0xC800, s8;
	s16 =	sadd.s32 $0xF000, s8;
	s17 =	sadd.s32 $0x11800, s8  }
0xf: {  	s19 =	smax.u32 s3, $0x1;
	s0 =	sadd.s32 s10, s0;
	s28 =	sshrl.u32 s7, $0x3  }
0x10: {  	s3 =	simm.s32 $0x0;
	s18 =	sadd.s32 $0x5FA00, s0;
	s29 =	sadd.s32 s5, s28  }
0x11: {  	v0 =	vimm.f32 $0.0e+00;
	s0 =	simm.s32 $0x5;
	s10 =	sadd.s32 s6, s28;
	[dreg:$0x4] =	wrdreg s29  }
.LBB2_1:
0x12: {  	s4 =	simm.s32 $0x0;
	s9 =	rddreg [dreg:$0x4]  }
0x13: {  	[tilespmem:s4], [sflag:$0x9] =	stream.linear.gather [hbm4b:s9+s4], $0xC80, $0x38;
	v63 =	vld [tilespmem:$0x0]  }
0x14: {  	_ =	swait.ge [sflag:s20], $0xC80  }
0x15: {  	[sflag:s20] =	ssyncset.done $0x0  }
0x16: {  	[sflag:s20] =	ssyncadd.s32 $0xFFFFF380  }
0x17: {  	[tilespmem:s21], [sflag:$0x9] =	stream.linear.gather [hbm4b:s10+s4], $0xC80, $0x38;
	v63 =	vld [tilespmem:$0x0]  }
0x18: {  	_ =	swait.ge [sflag:s20], $0xC80  }
0x19: {  	[sflag:s20] =	ssyncset.done $0x0  }
0x1a: {  	s23 =	simm.s32 $0x80;
	s24 =	simm.s32 $0x4800;
	[sflag:s20] =	ssyncadd.s32 $0xFFFFF380  }
0x1b: {  	[tilespmem:s24], [sflag:$0x2] =	stream.indirect.gather [hbm4b:s1+s22], $0x80, s23, s22, $0xb8;
	v63 =	vld [tilespmem:$0x0]  }
0x1c: {  	s25 =	simm.s32 $0x100;
	s26 =	simm.s32 $0x7000  }
0x1d: {  	[tilespmem:s26], [sflag:$0x3] =	stream.indirect.gather [hbm4b:s1+s22], $0x80, s25, s22, $0xb8;
	v63 =	vld [tilespmem:$0x0]  }
0x1e: {  	s28 =	simm.s32 $0x180;
	s29 =	simm.s32 $0x9800;
	s23 =	simm.s32 $0x2080  }
0x1f: {  	[tilespmem:s29], [sflag:$0x4] =	stream.indirect.gather [hbm4b:s1+s22], $0x80, s28, s22, $0xb8;
	v63 =	vld [tilespmem:$0x0]  }
0x20: {  	[tilespmem:s23+$0xFFFFFF80] =	vst v0  }
0x21: {  	[tilespmem:s23+$0x70] =	vst v0  }
0x22: {  	[tilespmem:s23+$0x60] =	vst v0  }
0x23: {  	[tilespmem:s23+$0x50] =	vst v0  }
0x24: {  	[tilespmem:s23+$0x40] =	vst v0  }
0x25: {  	[tilespmem:s23+$0x30] =	vst v0  }
0x26: {  	[tilespmem:s23+$0x20] =	vst v0  }
0x27: {  	[tilespmem:s23+$0x10] =	vst v0  }
0x28: {  	[tilespmem:s23+$0x0] =	vst v0  }
0x29: {  	[tilespmem:s23+$0xFFFFFFF0] =	vst v0  }
0x2a: {  	[tilespmem:s23+$0xFFFFFFE0] =	vst v0  }
0x2b: {  	[tilespmem:s23+$0xFFFFFFD0] =	vst v0  }
0x2c: {  	[tilespmem:s23+$0xFFFFFFC0] =	vst v0  }
0x2d: {  	[tilespmem:s23+$0xFFFFFFB0] =	vst v0  }
0x2e: {  	s24 =	simm.s32 $0x0;
	[tilespmem:s23+$0xFFFFFFA0] =	vst v0  }
.LBB2_2:
0x2f: {  	s24 =	sadd.s32 $0x2, s24;
	[tilespmem:s23+$0xFFFFFF90] =	vst v0;
	s23 =	sadd.s32 $0x100, s23  }
0x30: {  	[tilespmem:s23+$0xFFFFFF80] =	vst v0;
	p0 =	slt.u32 s24, $0x4E  }
0x31: {  	[tilespmem:s23+$0x70] =	vst v0  }
0x32: {  	[tilespmem:s23+$0x60] =	vst v0  }
0x33: {  	[tilespmem:s23+$0x50] =	vst v0  }
0x34: {  	[tilespmem:s23+$0x40] =	vst v0  }
0x35: {  	[tilespmem:s23+$0x30] =	vst v0  }
0x36: {  	[tilespmem:s23+$0x20] =	vst v0  }
0x37: {  	[tilespmem:s23+$0x10] =	vst v0  }
0x38: {  	[tilespmem:s23+$0x0] =	vst v0  }
0x39: {  	[tilespmem:s23+$0xFFFFFFF0] =	vst v0  }
.Ltmp0:
0x3a: {  	[tilespmem:s23+$0xFFFFFFE0] =	vst v0;
	(pc) =	sbr.rel @p0 .LBB2_2-.Ltmp0, $4  }
0x3b: {  	[tilespmem:s23+$0xFFFFFFD0] =	vst v0  }
0x3c: {  	[tilespmem:s23+$0xFFFFFFC0] =	vst v0  }
0x3d: {  	[tilespmem:s23+$0xFFFFFFB0] =	vst v0  }
0x3e: {  	[tilespmem:s23+$0xFFFFFFA0] =	vst v0  }
0x3f: {  	[tilespmem:s23+$0xFFFFFF90] =	vst v0  }
0x40: {  	[spmem:s8] =	stream.linear.scatter [tilespmem:s30], [sflag:$0x9], $0x2800, $0x38;
	v63 =	vld [tilespmem:$0x0]  }
0x41: {  	_ =	swait.ge [sflag:s20], $0x2800  }
0x42: {  	[sflag:s20] =	ssyncset.done $0x0  }
0x43: {  	[sflag:s20] =	ssyncadd.s32 $0xFFFFD800  }
0x44: {  	[spmem:s11] =	stream.linear.scatter [tilespmem:s30], [sflag:$0x9], $0x2800, $0x38;
	v63 =	vld [tilespmem:$0x0]  }
0x45: {  	_ =	swait.ge [sflag:s20], $0x2800  }
0x46: {  	[sflag:s20] =	ssyncset.done $0x0  }
0x47: {  	[sflag:s20] =	ssyncadd.s32 $0xFFFFD800  }
0x48: {  	[spmem:s12] =	stream.linear.scatter [tilespmem:s30], [sflag:$0x9], $0x2800, $0x38;
	v63 =	vld [tilespmem:$0x0]  }
0x49: {  	_ =	swait.ge [sflag:s20], $0x2800  }
0x4a: {  	[sflag:s20] =	ssyncset.done $0x0  }
0x4b: {  	[sflag:s20] =	ssyncadd.s32 $0xFFFFD800  }
0x4c: {  	[spmem:s13] =	stream.linear.scatter [tilespmem:s30], [sflag:$0x9], $0x2800, $0x38;
	v63 =	vld [tilespmem:$0x0]  }
0x4d: {  	_ =	swait.ge [sflag:s20], $0x2800  }
0x4e: {  	[sflag:s20] =	ssyncset.done $0x0  }
0x4f: {  	[sflag:s20] =	ssyncadd.s32 $0xFFFFD800  }
0x50: {  	[spmem:s14] =	stream.linear.scatter [tilespmem:s30], [sflag:$0x9], $0x2800, $0x38;
	v63 =	vld [tilespmem:$0x0]  }
0x51: {  	_ =	swait.ge [sflag:s20], $0x2800  }
0x52: {  	[sflag:s20] =	ssyncset.done $0x0  }
0x53: {  	[sflag:s20] =	ssyncadd.s32 $0xFFFFD800  }
0x54: {  	[spmem:s15] =	stream.linear.scatter [tilespmem:s30], [sflag:$0x9], $0x2800, $0x38;
	v63 =	vld [tilespmem:$0x0]  }
0x55: {  	_ =	swait.ge [sflag:s20], $0x2800  }
0x56: {  	[sflag:s20] =	ssyncset.done $0x0  }
0x57: {  	[sflag:s20] =	ssyncadd.s32 $0xFFFFD800  }
0x58: {  	[spmem:s16] =	stream.linear.scatter [tilespmem:s30], [sflag:$0x9], $0x2800, $0x38;
	v63 =	vld [tilespmem:$0x0]  }
0x59: {  	_ =	swait.ge [sflag:s20], $0x2800  }
0x5a: {  	[sflag:s20] =	ssyncset.done $0x0  }
0x5b: {  	[sflag:s20] =	ssyncadd.s32 $0xFFFFD800  }
0x5c: {  	[spmem:s17] =	stream.linear.scatter [tilespmem:s30], [sflag:$0x9], $0x2800, $0x38;
	v63 =	vld [tilespmem:$0x0]  }
0x5d: {  	_ =	swait.ge [sflag:s20], $0x2800  }
0x5e: {  	[sflag:s20] =	ssyncset.done $0x0  }
0x5f: {  	s23 =	simm.s32 $0x0;
	[sflag:s20] =	ssyncadd.s32 $0xFFFFD800  }
0x60: {  	[tilespmem:s30], [sflag:$0x1] =	stream.indirect.gather [hbm4b:s1+s22], $0x80, s23, s22, $0xb8;
	v63 =	vld [tilespmem:$0x0]  }
0x61: {  	[bflag:$0x0] =	sbarrier.arrive $0xFFFF  }
.LBB2_4:
0x62: {  	p0 =	seq.s32 s23, $0x0  }
0x63: {  	s24 =	sshll.u32 @!p0 s23, $0xC  }
0x64: {  	s24 =	sadd.s32 @!p0 s7, s24  }
0x65: {  	s24 =	sshrl.u32 @!p0 s24, $0x3  }
0x66: {  	s26 =	simm.s32 @!p0 $0x0;
	s25 =	sadd.s32 @!p0 s5, s24  }
0x67: {  	[tilespmem:s26], [sflag:$0x9] =	stream.linear.gather @!p0 [hbm4b:s25+s26], $0xC80, $0x38;
	v63 =	vld [tilespmem:$0x0]  }
0x68: {  	s25 =	simm.s32 @!p0 $0x9  }
0x69: {  	_ =	swait.ge @!p0 [sflag:s25], $0xC80  }
0x6a: {  	[sflag:s25] =	ssyncset.done @!p0 $0x0  }
0x6b: {  	s28 =	simm.s32 @!p0 $0x1000;
	s24 =	sadd.s32 @!p0 s6, s24;
	[sflag:s25] =	ssyncadd.s32 @!p0 $0xFFFFF380  }
0x6c: {  	[tilespmem:s28], [sflag:$0x9] =	stream.linear.gather @!p0 [hbm4b:s24+s26], $0xC80, $0x38;
	v63 =	vld [tilespmem:$0x0]  }
0x6d: {  	_ =	swait.ge @!p0 [sflag:s25], $0xC80  }
0x6e: {  	[sflag:s25] =	ssyncset.done @!p0 $0x0  }
0x6f: {  	s24 =	simm.s32 @!p0 $0x50;
	[sflag:s25] =	ssyncadd.s32 @!p0 $0xFFFFF380;
	s25 =	simm.s32 @!p0 $0x2000  }
0x70: {  	[tilespmem:s25], [sflag:$0x1] =	stream.indirect.gather @!p0 [hbm4b:s1+s24], $0x80, s26, s24, $0xb8;
	v63 =	vld [tilespmem:$0x0]  }
0x71: {  	s25 =	simm.s32 @!p0 $0x80;
	s26 =	simm.s32 @!p0 $0x4800  }
0x72: {  	[tilespmem:s26], [sflag:$0x2] =	stream.indirect.gather @!p0 [hbm4b:s1+s24], $0x80, s25, s24, $0xb8;
	v63 =	vld [tilespmem:$0x0]  }
0x73: {  	s25 =	simm.s32 @!p0 $0x100;
	s26 =	simm.s32 @!p0 $0x7000  }
0x74: {  	[tilespmem:s26], [sflag:$0x3] =	stream.indirect.gather @!p0 [hbm4b:s1+s24], $0x80, s25, s24, $0xb8;
	v63 =	vld [tilespmem:$0x0]  }
0x75: {  	s25 =	simm.s32 @!p0 $0x180;
	s26 =	simm.s32 @!p0 $0x9800  }
0x76: {  	[tilespmem:s26], [sflag:$0x4] =	stream.indirect.gather @!p0 [hbm4b:s1+s24], $0x80, s25, s24, $0xb8;
	v63 =	vld [tilespmem:$0x0]  }
0x77: {  	_ =	swait.ge [sflag:s31], $0x2800  }
0x78: {  	s24 =	simm.s32 $0x200;
	[sflag:s31] =	ssyncset.done $0x0  }
0x79: {  	s25 =	simm.s32 $0x4;
	s26 =	simm.s32 $0x1080;
	[sflag:s31] =	ssyncadd.s32 $0xFFFFD800  }
0x7a: {  	[spmem:s2] =	stream.indirect.scatter.add.f32 [tilespmem:s30], [sflag:$0x5], $0x80, s21, s22, $0xb8;
	v63 =	vld [tilespmem:$0x0]  }
.LBB2_5:
0x7b: {  	s29 =	sand.u32 $0x3, s25  }
0x7c: {  	p0 =	sgt.s32 s29, $0x1  }
0x7d: {  	p1 =	seq.s32 @p0 s29, $0x2  }
0x7e: {  	p2 =	por !p1, !p0  }
0x7f: {  	s28 =	sadd.s32 $0xFFFFFFFD, s25;
	s4 =	simm.s32 @!p2 $0x7  }
0x80: {  	p3 =	sgt.u32 @!p2 s28, $0x15;
	_ =	swait.ge @!p2 [sflag:s4], $0x2800  }
0x81: {  	p3 =	por @p0 p3, !p1;
	[sflag:s4] =	ssyncset.done @!p2 $0x0  }
0x82: {  	p3 =	por p3, !p0;
	[sflag:s4] =	ssyncadd.s32 @!p2 $0xFFFFD800  }
0x83: {  	s4 =	simm.s32 @!p3 $0x50;
	s9 =	simm.s32 @!p3 $0x7000;
	p2 =	por p1, !p0  }
0x84: {  	[tilespmem:s9], [sflag:$0x3] =	stream.indirect.gather @!p3 [hbm4b:s1+s4], $0x80, s24, s4, $0xb8;
	v63 =	vld [tilespmem:$0x0]  }
0x85: {  	p3 =	sgt.u32 @!p2 s28, $0x15;
	s4 =	simm.s32 @!p2 $0x8  }
0x86: {  	_ =	swait.ge @!p2 [sflag:s4], $0x2800;
	p1 =	por @p0 p3, p1  }
0x87: {  	[sflag:s4] =	ssyncset.done @!p2 $0x0;
	p1 =	por p1, !p0  }
0x88: {  	[sflag:s4] =	ssyncadd.s32 @!p2 $0xFFFFD800;
	s4 =	simm.s32 @!p1 $0x50;
	s9 =	simm.s32 @!p1 $0x9800  }
0x89: {  	[tilespmem:s9], [sflag:$0x4] =	stream.indirect.gather @!p1 [hbm4b:s1+s4], $0x80, s24, s4, $0xb8;
	v63 =	vld [tilespmem:$0x0]  }
0x8a: {  	p1 =	seq.s32 @!p0 s29, $0x0  }
0x8b: {  	p2 =	por !p1, p0  }
0x8c: {  	s4 =	simm.s32 @!p2 $0x5  }
0x8d: {  	p3 =	sgt.u32 @!p2 s28, $0x15;
	_ =	swait.ge @!p2 [sflag:s4], $0x2800  }
0x8e: {  	p3 =	por @!p0 p3, !p1;
	[sflag:s4] =	ssyncset.done @!p2 $0x0  }
0x8f: {  	p3 =	por p3, p0;
	[sflag:s4] =	ssyncadd.s32 @!p2 $0xFFFFD800  }
0x90: {  	s4 =	simm.s32 @!p3 $0x50;
	s9 =	simm.s32 @!p3 $0x2000;
	p2 =	por p1, p0  }
0x91: {  	[tilespmem:s9], [sflag:$0x1] =	stream.indirect.gather @!p3 [hbm4b:s1+s4], $0x80, s24, s4, $0xb8;
	v63 =	vld [tilespmem:$0x0]  }
0x92: {  	p3 =	sgt.u32 @!p2 s28, $0x15;
	s4 =	simm.s32 @!p2 $0x6  }
0x93: {  	_ =	swait.ge @!p2 [sflag:s4], $0x2800;
	p1 =	por @!p0 p3, p1  }
0x94: {  	[sflag:s4] =	ssyncset.done @!p2 $0x0;
	p0 =	por p1, p0  }
0x95: {  	[sflag:s4] =	ssyncadd.s32 @!p2 $0xFFFFD800;
	s4 =	simm.s32 @!p0 $0x50;
	s9 =	simm.s32 @!p0 $0x4800  }
0x96: {  	[tilespmem:s9], [sflag:$0x2] =	stream.indirect.gather @!p0 [hbm4b:s1+s4], $0x80, s24, s4, $0xb8;
	v63 =	vld [tilespmem:$0x0]  }
0x97: {  	s4 =	sand.u32 $0x3, s28  }
0x98: {  	p0 =	sgt.s32 s4, $0x1  }
0x99: {  	p1 =	seq.s32 @p0 s4, $0x2  }
0x9a: {  	p2 =	por !p1, !p0  }
0x9b: {  	s9 =	simm.s32 @!p2 $0x3  }
0x9c: {  	_ =	swait.ge @!p2 [sflag:s9], $0x2800  }
0x9d: {  	p1 =	por p1, !p0;
	[sflag:s9] =	ssyncset.done @!p2 $0x0  }
0x9e: {  	s28 =	simm.s32 @!p2 $0x7000;
	[sflag:s9] =	ssyncadd.s32 @!p2 $0xFFFFD800;
	s9 =	simm.s32 @!p2 $0x50  }
0x9f: {  	[spmem:s2] =	stream.indirect.scatter.add.f32 @!p2 [tilespmem:s28], [sflag:$0x7], $0x80, s26, s9, $0xb8;
	v63 =	vld [tilespmem:$0x0]  }
0xa0: {  	s9 =	simm.s32 @!p1 $0x4  }
0xa1: {  	_ =	swait.ge @!p1 [sflag:s9], $0x2800  }
0xa2: {  	[sflag:s9] =	ssyncset.done @!p1 $0x0  }
0xa3: {  	s28 =	simm.s32 @!p1 $0x9800;
	[sflag:s9] =	ssyncadd.s32 @!p1 $0xFFFFD800;
	s9 =	simm.s32 @!p1 $0x50  }
0xa4: {  	[spmem:s2] =	stream.indirect.scatter.add.f32 @!p1 [tilespmem:s28], [sflag:$0x8], $0x80, s26, s9, $0xb8;
	v63 =	vld [tilespmem:$0x0]  }
0xa5: {  	p1 =	seq.s32 @!p0 s4, $0x0  }
0xa6: {  	p2 =	por !p1, p0  }
0xa7: {  	s4 =	simm.s32 @!p2 $0x1  }
0xa8: {  	_ =	swait.ge @!p2 [sflag:s4], $0x2800  }
0xa9: {  	p0 =	por p1, p0;
	[sflag:s4] =	ssyncset.done @!p2 $0x0  }
0xaa: {  	s9 =	simm.s32 @!p2 $0x2000;
	[sflag:s4] =	ssyncadd.s32 @!p2 $0xFFFFD800;
	s4 =	simm.s32 @!p2 $0x50  }
0xab: {  	[spmem:s2] =	stream.indirect.scatter.add.f32 @!p2 [tilespmem:s9], [sflag:$0x5], $0x80, s26, s4, $0xb8;
	v63 =	vld [tilespmem:$0x0]  }
0xac: {  	s4 =	simm.s32 @!p0 $0x2  }
0xad: {  	_ =	swait.ge @!p0 [sflag:s4], $0x2800  }
0xae: {  	s25 =	sadd.s32 $0x1, s25;
	[sflag:s4] =	ssyncset.done @!p0 $0x0  }
0xaf: {  	s9 =	simm.s32 @!p0 $0x4800;
	[sflag:s4] =	ssyncadd.s32 @!p0 $0xFFFFD800;
	s4 =	simm.s32 @!p0 $0x50  }
0xb0: {  	[spmem:s2] =	stream.indirect.scatter.add.f32 @!p0 [tilespmem:s9], [sflag:$0x6], $0x80, s26, s4, $0xb8;
	v63 =	vld [tilespmem:$0x0]  }
0xb1: {  	p0 =	sne.s32 s25, $0x1C  }
.Ltmp1:
0xb2: {  	_ = 	snop;
	(pc) =	sbr.rel @p0 .LBB2_5-.Ltmp1, $2  }
0xb3: {  	_ =	sdelay $0x2  }
0xb4: {  	s24 =	sadd.s32 $0x80, s24;
	s26 =	sadd.s32 $0x80, s26  }
0xb5: {  	s23 =	sadd.s32 $0x1, s23  }
0xb6: {  	p0 =	sne.s32 s23, $0x5  }
.Ltmp2:
0xb7: {  	_ = 	snop;
	(pc) =	sbr.rel @p0 .LBB2_4-.Ltmp2, $4  }
0xb8: {  	_ = 	snop  }
0xb9: {  	_ =	swait.ge [sflag:s0], $0x2800  }
0xba: {  	[sflag:s0] =	ssyncset.done $0x0  }
0xbb: {  	[sflag:s0] =	ssyncadd.s32 $0xFFFFD800  }
0xbc: {  	s4 =	stileid.u32;
	s3 =	sadd.s32 $0x1, s3  }
0xbd: {  	[bflag:$0x0] =	sbarrier.arrive $0xFFFF;
	s4 =	sshll.u32 s4, $0x6;
	p0 =	sne.s32 s3, s19  }
.Ltmp3:
0xbe: {  	s9 =	sshrl.u32 s8, $0x3;
	s4 =	sor.u32 $0x1C09, s4;
	(pc) =	sbr.rel @p0 .LBB2_1-.Ltmp3, $4  }
0xbf: {  	[hbm:s18], [sflag:s4] =	dma.local [spmem:s9], $0x2800  }
0xc0: {  	_ =	swait.ge [sflag:s20], $0x2800  }
0xc1: {  	[sflag:s20] =	ssyncset.done $0x0  }
0xc2: {  	[sflag:s20] =	ssyncadd.s32 $0xFFFFD800  }
0xc3: {  	_ =	sfence.sel $0x180000  }
0xc4: {  	[bflag:$0x0] =	sbarrier.arrive $0xFFFF  }
0xc5: {  	_ =	strace $0x9000004D  }
0xc6: {  	s0 =	stileid.u32;
	[bflag:$0x2] =	sbarrier.arrive $0xFFFF  }
0xc7: {  	p0 =	sne.s32 s0, $0x0;
	s0 =	rddreg [dreg:$0x3]  }
0xc8: {  	s0 =	sadd.s32 @!p0 $0x100000, s0  }
0xc9: {  	[sflag:s0] =	ssyncadd.tile.s32 @!p0 $0x1;
	_ =	shalt  }
.Lfunc_end2:
_tile_overlayer_lowered:
.L_overlay_start_2:
0xca: {  	(tag) =	ssettag $0x2  }
0xcb: {  	s0 =	rddreg [dreg:$0x0];
	s2 =	stileid.u32  }
0xcc: {  	s1 =	rddreg [dreg:$0x1];
	p0 =	sne.s32 s2, $0x0  }
0xcd: {  	s3 =	rddreg [dreg:$0x2];
	[bflag:$0x3] =	sbarrier.arrive $0xFFFF;
	s2 =	simm.s32 @!p0 $0x1C09  }
0xce: {  	[timem:s3], [sflag:s2] =	dma.local @!p0 [hbm:s0], s1  }
0xcf: {  	s0 =	simm.s32 @!p0 $0x9  }
0xd0: {  	_ =	swait.ge @!p0 [sflag:s0], s1  }
0xd1: {  	s1 =	ssub.s32 @!p0 $0x0, s1;
	[sflag:s0] =	ssyncset.done @!p0 $0x0  }
0xd2: {  	[sflag:s0] =	ssyncadd.s32 @!p0 s1  }
0xd3: {  	[bflag:$0x3] =	sbarrier.arrive $0xFFFF  }
0xd4: {  	_ =	shalt  }

// kernel: kernel.21.cloned.1.call-start
scs
__scs_entry_jumppad:
0x0: {  	(pc) =	sbr.rel $0x88, $3  }
0x1: {  	(tag) =	ssettag $0x0;
	lr =	simm.s32 $0x1  }
0x2: {  	[smem:$0x3F9B] =	sst lr;
	_ =	strace $0xD0000000  }
0x3: {  	_ = 	snop  }
0x4: {  	_ = 	snop  }
0x5: {  	_ = 	snop  }
0x6: {  	_ = 	snop  }
0x7: {  	_ = 	snop  }
__scs_overlays_trampoline_lowered:
0x8: {  	[smem:$0x3FAA] =	sst s0  }
0x9: {  	[smem:$0x3FAB] =	sst s1  }
0xa: {  	[smem:$0x3FAC] =	sst s2  }
0xb: {  	[smem:$0x3FAD] =	sst s3  }
0xc: {  	[smem:$0x3FAE] =	sst s4  }
0xd: {  	[smem:$0x3FAF] =	sst s5  }
0xe: {  	[smem:$0x3FB0] =	sst s6  }
0xf: {  	[smem:$0x3FB1] =	sst s7  }
0x10: {  	[smem:$0x3FB2] =	sst s8  }
0x11: {  	[smem:$0x3FB3] =	sst s9;
	s0 =	simm.s32 @!p0 $0x0  }
0x12: {  	s1 =	sld [smem:$0x3F99];
	s0 =	simm.s32 @p0 $0x1  }
0x13: {  	[smem:$0x3FB4] =	sst s0;
	s0 =	simm.s32 @!p1 $0x0  }
0x14: {  	s2 =	sld [smem:$0x3F98];
	s0 =	simm.s32 @p1 $0x1  }
0x15: {  	[smem:$0x3FB5] =	sst s0;
	s0 =	simm.s32 @!p2 $0x0  }
0x16: {  	s3 =	sld [smem:$0x3FDB];
	s0 =	simm.s32 @p2 $0x1  }
0x17: {  	s4 =	simm.s32 $0x1BF5;
	[smem:$0x3FB7] =	sst s0  }
0x18: {  	s0 =	sld [smem:$0x3F9A];
	_ =	swait.ge [sflag:s4], $0x0  }
0x19: {  	s7 =	sld [smem:$0x3F9B]  }
0x1a: {  	s8 =	sadd.s32 $0xFFFFE003, lr  }
0x1b: {  	s9 =	sadd.s32 $0xFFFFFEF7, lr;
	s5 =	simm.s32 $0xFFFFFFFF;
	p2 =	slt.u32 s8, $0xFFFFF086  }
0x1c: {  	p1 =	slt.u32 s9, $0xF7A;
	s5 =	simm.s32 @!p2 $0x0  }
0x1d: {  	s5 =	simm.s32 @p1 $0x1;
	p0 =	seq.s32 s7, s2  }
0x1e: {  	s7 =	smul.u32 @!p0 $0xF7A, s2;
	p2 =	seq.s32 @!p0 s5, $0x0  }
0x1f: {  	s9 =	smul.u32 $0xF7A, s1;
	s8 =	simm.s32 @!p0 $0x1BF5;
	p2 =	por !p2, p0  }
0x20: {  	[sflag:s8] =	ssyncset.s32 @!p0 $0xFFFFF086;
	s6 =	sadd.s32 @!p0 s3, s7;
	s7 =	simm.s32 @!p0 $0x108  }
0x21: {  	s3 =	sadd.s32 s3, s9;
	s6 =	sadd.s32 @!p0 $0x88, s6;
	s7 =	simm.s32 @p2 $0x1082  }
0x22: {  	[simem:s7], [sflag:s8] =	dma.local @!p0 [hbm:s6], $0xF7A  }
0x23: {  	s9 =	sor.u32 $0xD0000000, s2;
	s6 =	simm.s32 $0x108;
	_ =	swait.ge @!p0 [sflag:s8], $0x0  }
0x24: {  	s3 =	sadd.s32 $0x88, s3;
	s6 =	simm.s32 @!p1 $0x1082;
	[sflag:s4] =	ssyncset.s32 $0xFFFFF086  }
0x25: {  	[simem:s6], [sflag:s4] =	dma.local [hbm:s3], $0xF7A  }
0x26: {  	[smem:$0x3F9B] =	sst s1;
	(tag) =	ssettag s2;
	_ =	strace s9  }
0x27: {  	s1 =	sld [smem:$0x3FAB]  }
0x28: {  	s2 =	sld [smem:$0x3FAC]  }
0x29: {  	s4 =	sld [smem:$0x3FAE]  }
0x2a: {  	p0 =	seq.s32 s5, $0x0;
	s5 =	sld [smem:$0x3FAF]  }
0x2b: {  	s6 =	sld [smem:$0x3FB0]  }
0x2c: {  	s7 =	sld [smem:$0x3FB1]  }
0x2d: {  	s3 =	simm.s32 $0x108;
	s8 =	sld [smem:$0x3FB2]  }
0x2e: {  	s3 =	simm.s32 @!p0 $0x1082;
	s9 =	sld [smem:$0x3FB3]  }
0x2f: {  	lr =	sadd.s32 s0, s3;
	s0 =	sld [smem:$0x3FAA]  }
0x30: {  	s3 =	sld [smem:$0x3FAD]  }
0x31: {  	[smem:$0x3FB6] =	sst s10  }
0x32: {  	s10 =	sld [smem:$0x3FB4];
	_ =	sdelay $0x3  }
0x33: {  	p0 =	seq.s32 s10, $0x1;
	s10 =	sld [smem:$0x3FB6];
	_ =	sdelay $0x3  }
0x34: {  	[smem:$0x3FB6] =	sst s10  }
0x35: {  	s10 =	sld [smem:$0x3FB5];
	_ =	sdelay $0x3  }
0x36: {  	p1 =	seq.s32 s10, $0x1;
	s10 =	sld [smem:$0x3FB6];
	_ =	sdelay $0x3  }
0x37: {  	[smem:$0x3FB6] =	sst s10  }
0x38: {  	s10 =	sld [smem:$0x3FB7]  }
0x39: {  	_ = 	snop;
	(pc) =	sbr.ind lr, $3  }
0x3a: {  	_ = 	snop  }
0x3b: {  	_ = 	snop  }
0x3c: {  	p2 =	seq.s32 s10, $0x1;
	s10 =	sld [smem:$0x3FB6]  }
0x3d: {  	_ =	shalt  }
0x3e: {  	_ =	shalt  }
0x3f: {  	_ =	shalt  }
0x40: {  	_ =	shalt  }
0x41: {  	_ =	shalt  }
0x42: {  	_ =	shalt  }
0x43: {  	_ =	shalt  }
0x44: {  	_ =	shalt  }
0x45: {  	_ =	shalt  }
0x46: {  	_ =	shalt  }
0x47: {  	_ =	shalt  }
0x48: {  	_ =	shalt  }
0x49: {  	_ =	shalt  }
0x4a: {  	_ =	shalt  }
0x4b: {  	_ =	shalt  }
0x4c: {  	_ =	shalt  }
0x4d: {  	_ =	shalt  }
0x4e: {  	_ =	shalt  }
0x4f: {  	_ =	shalt  }
0x50: {  	_ =	shalt  }
0x51: {  	_ =	shalt  }
0x52: {  	_ =	shalt  }
0x53: {  	_ =	shalt  }
0x54: {  	_ =	shalt  }
0x55: {  	_ =	shalt  }
0x56: {  	_ =	shalt  }
0x57: {  	_ =	shalt  }
0x58: {  	_ =	shalt  }
0x59: {  	_ =	shalt  }
0x5a: {  	_ =	shalt  }
0x5b: {  	_ =	shalt  }
0x5c: {  	_ =	shalt  }
0x5d: {  	_ =	shalt  }
0x5e: {  	_ =	shalt  }
0x5f: {  	_ =	shalt  }
0x60: {  	_ =	shalt  }
0x61: {  	_ =	shalt  }
0x62: {  	_ =	shalt  }
0x63: {  	_ =	shalt  }
0x64: {  	_ =	shalt  }
0x65: {  	_ =	shalt  }
0x66: {  	_ =	shalt  }
0x67: {  	_ =	shalt  }
0x68: {  	_ =	shalt  }
0x69: {  	_ =	shalt  }
0x6a: {  	_ =	shalt  }
0x6b: {  	_ =	shalt  }
0x6c: {  	_ =	shalt  }
0x6d: {  	_ =	shalt  }
0x6e: {  	_ =	shalt  }
0x6f: {  	_ =	shalt  }
0x70: {  	_ =	shalt  }
0x71: {  	_ =	shalt  }
0x72: {  	_ =	shalt  }
0x73: {  	_ =	shalt  }
0x74: {  	_ =	shalt  }
0x75: {  	_ =	shalt  }
0x76: {  	_ =	shalt  }
0x77: {  	_ =	shalt  }
0x78: {  	_ =	shalt  }
0x79: {  	_ =	shalt  }
0x7a: {  	_ =	shalt  }
0x7b: {  	_ =	shalt  }
0x7c: {  	_ =	shalt  }
0x7d: {  	_ =	shalt  }
0x7e: {  	_ =	shalt  }
0x7f: {  	_ =	shalt  }
0x80: {  	_ =	shalt  }
0x81: {  	_ =	shalt  }
0x82: {  	_ =	shalt  }
0x83: {  	_ =	shalt  }
0x84: {  	_ =	shalt  }
0x85: {  	_ =	shalt  }
0x86: {  	_ =	shalt  }
0x87: {  	_ =	shalt  }
.Lfunc_end0:
.L_simem_size_0:
called_computation.3_lowered:
.L_overlay_start_0:
0x88: {  	s2 =	sld [smem:$0x3FD9]  }
0x89: {  	s3 =	sld [smem:$0x3FFE];
	_ =	sdelay $0x1  }
0x8a: {  	s1 =	srdreg.scid  }
0x8b: {  	s0 =	sand.u32 $0x1, s1  }
0x8c: {  	s17 =	sshll.u32 s0, $0xA;
	s2 =	sadd.s32 s3, s2  }
0x8d: {  	s2 =	sadd.s32 s2, s17  }
0x8e: {  	[smem:$0x3FC2] =	sst s2  }
0x8f: {  	_ = 	snop  }
0x90: {  	s2 =	sld [smem:$0x3FD0];
	(tm) =	ssettm $0x1  }
0x91: {  	s18 =	sld [smem:$0x3FFB];
	_ =	sdelay $0x3  }
0x92: {  	_ =	strace s18  }
0x93: {  	s3 =	sld [smem:$0x3FFC];
	_ =	sdelay $0x3  }
0x94: {  	_ =	strace s3  }
0x95: {  	s3 =	sld [smem:$0x3FFD];
	_ =	sdelay $0x3  }
0x96: {  	_ =	strace s3  }
0x97: {  	_ =	strace $0x8FFFFFFF  }
0x98: {  	s19 =	sld [smem:$0x3FDB];
	_ =	sdelay $0x1  }
0x99: {  	s4 =	simm.s32 $_scs_section_size  }
0x9a: {  	s5 =	simm.s32 $_size__tile_overlayer_lowered;
	s6 =	simm.s32 $_tile_overlayer_lowered  }
0x9b: {  	s22 =	simm.s32 $0x1BFF;
	s21 =	sshll.u32 s6, $0x1;
	s3 =	sadd.s32 s4, s19  }
0x9c: {  	s7 =	simm.s32 $0x0;
	s20 =	sshll.u32 s5, $0x1;
	s5 =	sadd.s32 s21, s3  }
0x9d: {  	[timem:s7], [sflag:s22] =	dma.local [hbm:s5], s20  }
0x9e: {  	_ =	swait.ge [sflag:s22], s20  }
0x9f: {  	s4 =	ssub.s32 $0x0, s20;
	[sflag:s22] =	ssyncset.done $0x0  }
0xa0: {  	[sflag:s22] =	ssyncadd.s32 s4;
	_ =	sdelay $0x1  }
0xa1: {  	s23 =	simm.s32 $0x1B8B  }
0xa2: {  	_ =	swait.ge [sflag:s23], $0x1  }
0xa3: {  	[sflag:s23] =	ssyncset.done $0x0  }
0xa4: {  	s25 =	simm.s32 $0x1B8E;
	s24 =	sld [smem:$0x3FFE];
	[sflag:s23] =	ssyncadd.s32 $0xFFFFFFFF  }
0xa5: {  	s26 =	simm.s32 $execute0_lowered;
	[smem:$0x3FD2] =	sst s25  }
0xa6: {  	s5 =	sshll.u32 s26, $0x1;
	_ =	strace $0x8000004F;
	[dreg:$0x1] =	wrdreg $0xFFFFFFFF  }
0xa7: {  	s28 =	simm.s32 $_size_execute0_lowered;
	s3 =	sadd.s32 s3, s5;
	[dreg:$0x0] =	wrdreg $0x0  }
0xa8: {  	s5 =	sshll.u32 s28, $0x1;
	[dreg:$0x2] =	wrdreg s3  }
0xa9: {  	[dreg:$0x3] =	wrdreg s5  }
0xaa: {  	[dreg:$0x4] =	wrdreg $0xC0  }
0xab: {  	_ =	task [dreg:s7], $0x5FFFF  }
0xac: {  	[dreg:$0x1] =	wrdreg $0xFFFFFFFF  }
0xad: {  	[dreg:$0x0] =	wrdreg $0x60  }
0xae: {  	[dreg:$0x2] =	wrdreg s2  }
0xaf: {  	[dreg:$0x3] =	wrdreg s24  }
0xb0: {  	[dreg:$0x4] =	wrdreg $0xC0000  }
0xb1: {  	[dreg:$0x5] =	wrdreg $0x9  }
0xb2: {  	_ =	task.clear_ibuf [dreg:s7], $0x6FFFF;
	_ =	strace $0x9000004F  }
0xb3: {  	s29 =	simm.s32 $0x9;
	_ =	strace $0x80000051  }
0xb4: {  	_ =	swait.ge [sflag:s29], $0x1  }
0xb5: {  	[sflag:s29] =	ssyncadd.s32 $0xFFFFFFFF  }
0xb6: {  	_ =	strace $0x90000051  }
0xb7: {  	_ =	sfence  }
0xb8: {  	s30 =	sld [smem:$0x0];
	_ =	sdelay $0x2  }
0xb9: {  	s31 =	sshll.u32 s1, $0xD;
	s1 =	sshrl.u32 s1, $0x2  }
0xba: {  	s3 =	sand.u32 $0x4000, s31;
	s1 =	sadd.s32 s1, s30  }
0xbb: {  	s0 =	sor.u32 s3, s0;
	s1 =	sshll.u32 s1, $0x11  }
0xbc: {  	s0 =	sor.u32 s1, s0  }
0xbd: {  	s0 =	sadd.s32 $0x8F2B, s0  }
0xbe: {  	[sflag:s0] =	ssyncadd.remote.s32 $0x1  }
0xbf: {  	_ =	sfence.sel $0xFFFF  }
0xc0: {  	[dreg:$0x0] =	wrdreg $0xFFFFFFFF;
	(pc) =	sbr.abs _section_cstart, $3  }
0xc1: {  	[dreg:$0x1] =	wrdreg $0xFFFFFFFF  }
0xc2: {  	_ =	task.clear_ibuf [dreg:s7], $0x2FFFF;
	_ =	strace $0x9FFFFFFF  }
0xc3: {  	(tm) =	ssettm $0x7FFFFFFF  }
tec
execute0_lowered:
.L_overlay_start_1:
0x0: {  	(tag) =	ssettag $0x1  }
0x1: {  	s1 =	rddreg [dreg:$0x0]  }
0x2: {  	s0 =	rddreg [dreg:$0x1]  }
0x3: {  	s2 =	rddreg [dreg:$0x2]  }
0x4: {  	s4 =	simm.s32 $0x0;
	s3 =	srdreg.scid;
	s23 =	stileid.u32  }
0x5: {  	s20 =	simm.s32 $0x9;
	s21 =	simm.s32 $0x1000;
	s22 =	simm.s32 $0x50  }
0x6: {  	s30 =	simm.s32 $0x2000;
	s31 =	simm.s32 $0x1;
	s8 =	smul.u32 $0x14000, s23  }
0x7: {  	[smem:$0x7FF] =	sst s4;
	s3 =	sand.u32 $0x1, s3;
	s25 =	smul.u32 $0x50000, s23  }
0x8: {  	s5 =	sadd.s32 $0x24800, s0;
	s6 =	sadd.s32 $0x3E00, s0;
	s7 =	smul.u32 $0x140000, s3  }
0x9: {  	_ =	strace $0x80000050;
	s9 =	sshll.u32 s3, $0x4;
	s3 =	ssub.s32 $0x2, s3  }
0xa: {  	s24 =	sor.u32 s23, s9;
	s26 =	sshrl.u32 s3, $0x1;
	s9 =	sshrl.u32 s25, $0x2  }
0xb: {  	s7 =	sadd.s32 s8, s7;
	s3 =	ssub.s32 s3, s26;
	s8 =	sadd.s32 s9, s2  }
0xc: {  	s10 =	sshrl.u32 s7, $0x3;
	s7 =	smul.u32 $0x5000, s24;
	s11 =	sadd.s32 $0x2800, s8  }
0xd: {  	s12 =	sadd.s32 $0x5000, s8;
	s13 =	sadd.s32 $0x7800, s8;
	s14 =	sadd.s32 $0xA000, s8  }
0xe: {  	s15 =	sadd.s32 $0xC800, s8;
	s16 =	sadd.s32 $0xF000, s8;
	s17 =	sadd.s32 $0x11800, s8  }
0xf: {  	s19 =	smax.u32 s3, $0x1;
	s0 =	sadd.s32 s10, s0;
	s28 =	sshrl.u32 s7, $0x3  }
0x10: {  	s3 =	simm.s32 $0x0;
	s18 =	sadd.s32 $0x5FA00, s0;
	s29 =	sadd.s32 s5, s28  }
0x11: {  	v0 =	vimm.f32 $0.0e+00;
	s0 =	simm.s32 $0x5;
	s10 =	sadd.s32 s6, s28;
	[dreg:$0x4] =	wrdreg s29  }
.LBB2_1:
0x12: {  	s4 =	simm.s32 $0x0;
	s9 =	rddreg [dreg:$0x4]  }
0x13: {  	[tilespmem:s4], [sflag:$0x9] =	stream.linear.gather [hbm4b:s9+s4], $0xC80, $0x38;
	v63 =	vld [tilespmem:$0x0]  }
0x14: {  	_ =	swait.ge [sflag:s20], $0xC80  }
0x15: {  	[sflag:s20] =	ssyncset.done $0x0  }
0x16: {  	[sflag:s20] =	ssyncadd.s32 $0xFFFFF380  }
0x17: {  	[tilespmem:s21], [sflag:$0x9] =	stream.linear.gather [hbm4b:s10+s4], $0xC80, $0x38;
	v63 =	vld [tilespmem:$0x0]  }
0x18: {  	_ =	swait.ge [sflag:s20], $0xC80  }
0x19: {  	[sflag:s20] =	ssyncset.done $0x0  }
0x1a: {  	s23 =	simm.s32 $0x80;
	s24 =	simm.s32 $0x4800;
	[sflag:s20] =	ssyncadd.s32 $0xFFFFF380  }
0x1b: {  	[tilespmem:s24], [sflag:$0x2] =	stream.indirect.gather [hbm4b:s1+s22], $0x80, s23, s22, $0xb8;
	v63 =	vld [tilespmem:$0x0]  }
0x1c: {  	s25 =	simm.s32 $0x100;
	s26 =	simm.s32 $0x7000  }
0x1d: {  	[tilespmem:s26], [sflag:$0x3] =	stream.indirect.gather [hbm4b:s1+s22], $0x80, s25, s22, $0xb8;
	v63 =	vld [tilespmem:$0x0]  }
0x1e: {  	s28 =	simm.s32 $0x180;
	s29 =	simm.s32 $0x9800;
	s23 =	simm.s32 $0x2080  }
0x1f: {  	[tilespmem:s29], [sflag:$0x4] =	stream.indirect.gather [hbm4b:s1+s22], $0x80, s28, s22, $0xb8;
	v63 =	vld [tilespmem:$0x0]  }
0x20: {  	[tilespmem:s23+$0xFFFFFF80] =	vst v0  }
0x21: {  	[tilespmem:s23+$0x70] =	vst v0  }
0x22: {  	[tilespmem:s23+$0x60] =	vst v0  }
0x23: {  	[tilespmem:s23+$0x50] =	vst v0  }
0x24: {  	[tilespmem:s23+$0x40] =	vst v0  }
0x25: {  	[tilespmem:s23+$0x30] =	vst v0  }
0x26: {  	[tilespmem:s23+$0x20] =	vst v0  }
0x27: {  	[tilespmem:s23+$0x10] =	vst v0  }
0x28: {  	[tilespmem:s23+$0x0] =	vst v0  }
0x29: {  	[tilespmem:s23+$0xFFFFFFF0] =	vst v0  }
0x2a: {  	[tilespmem:s23+$0xFFFFFFE0] =	vst v0  }
0x2b: {  	[tilespmem:s23+$0xFFFFFFD0] =	vst v0  }
0x2c: {  	[tilespmem:s23+$0xFFFFFFC0] =	vst v0  }
0x2d: {  	[tilespmem:s23+$0xFFFFFFB0] =	vst v0  }
0x2e: {  	s24 =	simm.s32 $0x0;
	[tilespmem:s23+$0xFFFFFFA0] =	vst v0  }
.LBB2_2:
0x2f: {  	s24 =	sadd.s32 $0x2, s24;
	[tilespmem:s23+$0xFFFFFF90] =	vst v0;
	s23 =	sadd.s32 $0x100, s23  }
0x30: {  	[tilespmem:s23+$0xFFFFFF80] =	vst v0;
	p0 =	slt.u32 s24, $0x4E  }
0x31: {  	[tilespmem:s23+$0x70] =	vst v0  }
0x32: {  	[tilespmem:s23+$0x60] =	vst v0  }
0x33: {  	[tilespmem:s23+$0x50] =	vst v0  }
0x34: {  	[tilespmem:s23+$0x40] =	vst v0  }
0x35: {  	[tilespmem:s23+$0x30] =	vst v0  }
0x36: {  	[tilespmem:s23+$0x20] =	vst v0  }
0x37: {  	[tilespmem:s23+$0x10] =	vst v0  }
0x38: {  	[tilespmem:s23+$0x0] =	vst v0  }
0x39: {  	[tilespmem:s23+$0xFFFFFFF0] =	vst v0  }
.Ltmp0:
0x3a: {  	[tilespmem:s23+$0xFFFFFFE0] =	vst v0;
	(pc) =	sbr.rel @p0 .LBB2_2-.Ltmp0, $4  }
0x3b: {  	[tilespmem:s23+$0xFFFFFFD0] =	vst v0  }
0x3c: {  	[tilespmem:s23+$0xFFFFFFC0] =	vst v0  }
0x3d: {  	[tilespmem:s23+$0xFFFFFFB0] =	vst v0  }
0x3e: {  	[tilespmem:s23+$0xFFFFFFA0] =	vst v0  }
0x3f: {  	[tilespmem:s23+$0xFFFFFF90] =	vst v0  }
0x40: {  	[spmem:s8] =	stream.linear.scatter [tilespmem:s30], [sflag:$0x9], $0x2800, $0x38;
	v63 =	vld [tilespmem:$0x0]  }
0x41: {  	_ =	swait.ge [sflag:s20], $0x2800  }
0x42: {  	[sflag:s20] =	ssyncset.done $0x0  }
0x43: {  	[sflag:s20] =	ssyncadd.s32 $0xFFFFD800  }
0x44: {  	[spmem:s11] =	stream.linear.scatter [tilespmem:s30], [sflag:$0x9], $0x2800, $0x38;
	v63 =	vld [tilespmem:$0x0]  }
0x45: {  	_ =	swait.ge [sflag:s20], $0x2800  }
0x46: {  	[sflag:s20] =	ssyncset.done $0x0  }
0x47: {  	[sflag:s20] =	ssyncadd.s32 $0xFFFFD800  }
0x48: {  	[spmem:s12] =	stream.linear.scatter [tilespmem:s30], [sflag:$0x9], $0x2800, $0x38;
	v63 =	vld [tilespmem:$0x0]  }
0x49: {  	_ =	swait.ge [sflag:s20], $0x2800  }
0x4a: {  	[sflag:s20] =	ssyncset.done $0x0  }
0x4b: {  	[sflag:s20] =	ssyncadd.s32 $0xFFFFD800  }
0x4c: {  	[spmem:s13] =	stream.linear.scatter [tilespmem:s30], [sflag:$0x9], $0x2800, $0x38;
	v63 =	vld [tilespmem:$0x0]  }
0x4d: {  	_ =	swait.ge [sflag:s20], $0x2800  }
0x4e: {  	[sflag:s20] =	ssyncset.done $0x0  }
0x4f: {  	[sflag:s20] =	ssyncadd.s32 $0xFFFFD800  }
0x50: {  	[spmem:s14] =	stream.linear.scatter [tilespmem:s30], [sflag:$0x9], $0x2800, $0x38;
	v63 =	vld [tilespmem:$0x0]  }
0x51: {  	_ =	swait.ge [sflag:s20], $0x2800  }
0x52: {  	[sflag:s20] =	ssyncset.done $0x0  }
0x53: {  	[sflag:s20] =	ssyncadd.s32 $0xFFFFD800  }
0x54: {  	[spmem:s15] =	stream.linear.scatter [tilespmem:s30], [sflag:$0x9], $0x2800, $0x38;
	v63 =	vld [tilespmem:$0x0]  }
0x55: {  	_ =	swait.ge [sflag:s20], $0x2800  }
0x56: {  	[sflag:s20] =	ssyncset.done $0x0  }
0x57: {  	[sflag:s20] =	ssyncadd.s32 $0xFFFFD800  }
0x58: {  	[spmem:s16] =	stream.linear.scatter [tilespmem:s30], [sflag:$0x9], $0x2800, $0x38;
	v63 =	vld [tilespmem:$0x0]  }
0x59: {  	_ =	swait.ge [sflag:s20], $0x2800  }
0x5a: {  	[sflag:s20] =	ssyncset.done $0x0  }
0x5b: {  	[sflag:s20] =	ssyncadd.s32 $0xFFFFD800  }
0x5c: {  	[spmem:s17] =	stream.linear.scatter [tilespmem:s30], [sflag:$0x9], $0x2800, $0x38;
	v63 =	vld [tilespmem:$0x0]  }
0x5d: {  	_ =	swait.ge [sflag:s20], $0x2800  }
0x5e: {  	[sflag:s20] =	ssyncset.done $0x0  }
0x5f: {  	s23 =	simm.s32 $0x0;
	[sflag:s20] =	ssyncadd.s32 $0xFFFFD800  }
0x60: {  	[tilespmem:s30], [sflag:$0x1] =	stream.indirect.gather [hbm4b:s1+s22], $0x80, s23, s22, $0xb8;
	v63 =	vld [tilespmem:$0x0]  }
0x61: {  	[bflag:$0x0] =	sbarrier.arrive $0xFFFF  }
.LBB2_4:
0x62: {  	p0 =	seq.s32 s23, $0x0  }
0x63: {  	s24 =	sshll.u32 @!p0 s23, $0xC  }
0x64: {  	s24 =	sadd.s32 @!p0 s7, s24  }
0x65: {  	s24 =	sshrl.u32 @!p0 s24, $0x3  }
0x66: {  	s26 =	simm.s32 @!p0 $0x0;
	s25 =	sadd.s32 @!p0 s5, s24  }
0x67: {  	[tilespmem:s26], [sflag:$0x9] =	stream.linear.gather @!p0 [hbm4b:s25+s26], $0xC80, $0x38;
	v63 =	vld [tilespmem:$0x0]  }
0x68: {  	s25 =	simm.s32 @!p0 $0x9  }
0x69: {  	_ =	swait.ge @!p0 [sflag:s25], $0xC80  }
0x6a: {  	[sflag:s25] =	ssyncset.done @!p0 $0x0  }
0x6b: {  	s28 =	simm.s32 @!p0 $0x1000;
	s24 =	sadd.s32 @!p0 s6, s24;
	[sflag:s25] =	ssyncadd.s32 @!p0 $0xFFFFF380  }
0x6c: {  	[tilespmem:s28], [sflag:$0x9] =	stream.linear.gather @!p0 [hbm4b:s24+s26], $0xC80, $0x38;
	v63 =	vld [tilespmem:$0x0]  }
0x6d: {  	_ =	swait.ge @!p0 [sflag:s25], $0xC80  }
0x6e: {  	[sflag:s25] =	ssyncset.done @!p0 $0x0  }
0x6f: {  	s24 =	simm.s32 @!p0 $0x50;
	[sflag:s25] =	ssyncadd.s32 @!p0 $0xFFFFF380;
	s25 =	simm.s32 @!p0 $0x2000  }
0x70: {  	[tilespmem:s25], [sflag:$0x1] =	stream.indirect.gather @!p0 [hbm4b:s1+s24], $0x80, s26, s24, $0xb8;
	v63 =	vld [tilespmem:$0x0]  }
0x71: {  	s25 =	simm.s32 @!p0 $0x80;
	s26 =	simm.s32 @!p0 $0x4800  }
0x72: {  	[tilespmem:s26], [sflag:$0x2] =	stream.indirect.gather @!p0 [hbm4b:s1+s24], $0x80, s25, s24, $0xb8;
	v63 =	vld [tilespmem:$0x0]  }
0x73: {  	s25 =	simm.s32 @!p0 $0x100;
	s26 =	simm.s32 @!p0 $0x7000  }
0x74: {  	[tilespmem:s26], [sflag:$0x3] =	stream.indirect.gather @!p0 [hbm4b:s1+s24], $0x80, s25, s24, $0xb8;
	v63 =	vld [tilespmem:$0x0]  }
0x75: {  	s25 =	simm.s32 @!p0 $0x180;
	s26 =	simm.s32 @!p0 $0x9800  }
0x76: {  	[tilespmem:s26], [sflag:$0x4] =	stream.indirect.gather @!p0 [hbm4b:s1+s24], $0x80, s25, s24, $0xb8;
	v63 =	vld [tilespmem:$0x0]  }
0x77: {  	_ =	swait.ge [sflag:s31], $0x2800  }
0x78: {  	s24 =	simm.s32 $0x200;
	[sflag:s31] =	ssyncset.done $0x0  }
0x79: {  	s25 =	simm.s32 $0x4;
	s26 =	simm.s32 $0x1080;
	[sflag:s31] =	ssyncadd.s32 $0xFFFFD800  }
0x7a: {  	[spmem:s2] =	stream.indirect.scatter.add.f32 [tilespmem:s30], [sflag:$0x5], $0x80, s21, s22, $0xb8;
	v63 =	vld [tilespmem:$0x0]  }
.LBB2_5:
0x7b: {  	s29 =	sand.u32 $0x3, s25  }
0x7c: {  	p0 =	sgt.s32 s29, $0x1  }
0x7d: {  	p1 =	seq.s32 @p0 s29, $0x2  }
0x7e: {  	p2 =	por !p1, !p0  }
0x7f: {  	s28 =	sadd.s32 $0xFFFFFFFD, s25;
	s4 =	simm.s32 @!p2 $0x7  }
0x80: {  	p3 =	sgt.u32 @!p2 s28, $0x15;
	_ =	swait.ge @!p2 [sflag:s4], $0x2800  }
0x81: {  	p3 =	por @p0 p3, !p1;
	[sflag:s4] =	ssyncset.done @!p2 $0x0  }
0x82: {  	p3 =	por p3, !p0;
	[sflag:s4] =	ssyncadd.s32 @!p2 $0xFFFFD800  }
0x83: {  	s4 =	simm.s32 @!p3 $0x50;
	s9 =	simm.s32 @!p3 $0x7000;
	p2 =	por p1, !p0  }
0x84: {  	[tilespmem:s9], [sflag:$0x3] =	stream.indirect.gather @!p3 [hbm4b:s1+s4], $0x80, s24, s4, $0xb8;
	v63 =	vld [tilespmem:$0x0]  }
0x85: {  	p3 =	sgt.u32 @!p2 s28, $0x15;
	s4 =	simm.s32 @!p2 $0x8  }
0x86: {  	_ =	swait.ge @!p2 [sflag:s4], $0x2800;
	p1 =	por @p0 p3, p1  }
0x87: {  	[sflag:s4] =	ssyncset.done @!p2 $0x0;
	p1 =	por p1, !p0  }
0x88: {  	[sflag:s4] =	ssyncadd.s32 @!p2 $0xFFFFD800;
	s4 =	simm.s32 @!p1 $0x50;
	s9 =	simm.s32 @!p1 $0x9800  }
0x89: {  	[tilespmem:s9], [sflag:$0x4] =	stream.indirect.gather @!p1 [hbm4b:s1+s4], $0x80, s24, s4, $0xb8;
	v63 =	vld [tilespmem:$0x0]  }
0x8a: {  	p1 =	seq.s32 @!p0 s29, $0x0  }
0x8b: {  	p2 =	por !p1, p0  }
0x8c: {  	s4 =	simm.s32 @!p2 $0x5  }
0x8d: {  	p3 =	sgt.u32 @!p2 s28, $0x15;
	_ =	swait.ge @!p2 [sflag:s4], $0x2800  }
0x8e: {  	p3 =	por @!p0 p3, !p1;
	[sflag:s4] =	ssyncset.done @!p2 $0x0  }
0x8f: {  	p3 =	por p3, p0;
	[sflag:s4] =	ssyncadd.s32 @!p2 $0xFFFFD800  }
0x90: {  	s4 =	simm.s32 @!p3 $0x50;
	s9 =	simm.s32 @!p3 $0x2000;
	p2 =	por p1, p0  }
0x91: {  	[tilespmem:s9], [sflag:$0x1] =	stream.indirect.gather @!p3 [hbm4b:s1+s4], $0x80, s24, s4, $0xb8;
	v63 =	vld [tilespmem:$0x0]  }
0x92: {  	p3 =	sgt.u32 @!p2 s28, $0x15;
	s4 =	simm.s32 @!p2 $0x6  }
0x93: {  	_ =	swait.ge @!p2 [sflag:s4], $0x2800;
	p1 =	por @!p0 p3, p1  }
0x94: {  	[sflag:s4] =	ssyncset.done @!p2 $0x0;
	p0 =	por p1, p0  }
0x95: {  	[sflag:s4] =	ssyncadd.s32 @!p2 $0xFFFFD800;
	s4 =	simm.s32 @!p0 $0x50;
	s9 =	simm.s32 @!p0 $0x4800  }
0x96: {  	[tilespmem:s9], [sflag:$0x2] =	stream.indirect.gather @!p0 [hbm4b:s1+s4], $0x80, s24, s4, $0xb8;
	v63 =	vld [tilespmem:$0x0]  }
0x97: {  	s4 =	sand.u32 $0x3, s28  }
0x98: {  	p0 =	sgt.s32 s4, $0x1  }
0x99: {  	p1 =	seq.s32 @p0 s4, $0x2  }
0x9a: {  	p2 =	por !p1, !p0  }
0x9b: {  	s9 =	simm.s32 @!p2 $0x3  }
0x9c: {  	_ =	swait.ge @!p2 [sflag:s9], $0x2800  }
0x9d: {  	p1 =	por p1, !p0;
	[sflag:s9] =	ssyncset.done @!p2 $0x0  }
0x9e: {  	s28 =	simm.s32 @!p2 $0x7000;
	[sflag:s9] =	ssyncadd.s32 @!p2 $0xFFFFD800;
	s9 =	simm.s32 @!p2 $0x50  }
0x9f: {  	[spmem:s2] =	stream.indirect.scatter.add.f32 @!p2 [tilespmem:s28], [sflag:$0x7], $0x80, s26, s9, $0xb8;
	v63 =	vld [tilespmem:$0x0]  }
0xa0: {  	s9 =	simm.s32 @!p1 $0x4  }
0xa1: {  	_ =	swait.ge @!p1 [sflag:s9], $0x2800  }
0xa2: {  	[sflag:s9] =	ssyncset.done @!p1 $0x0  }
0xa3: {  	s28 =	simm.s32 @!p1 $0x9800;
	[sflag:s9] =	ssyncadd.s32 @!p1 $0xFFFFD800;
	s9 =	simm.s32 @!p1 $0x50  }
0xa4: {  	[spmem:s2] =	stream.indirect.scatter.add.f32 @!p1 [tilespmem:s28], [sflag:$0x8], $0x80, s26, s9, $0xb8;
	v63 =	vld [tilespmem:$0x0]  }
0xa5: {  	p1 =	seq.s32 @!p0 s4, $0x0  }
0xa6: {  	p2 =	por !p1, p0  }
0xa7: {  	s4 =	simm.s32 @!p2 $0x1  }
0xa8: {  	_ =	swait.ge @!p2 [sflag:s4], $0x2800  }
0xa9: {  	p0 =	por p1, p0;
	[sflag:s4] =	ssyncset.done @!p2 $0x0  }
0xaa: {  	s9 =	simm.s32 @!p2 $0x2000;
	[sflag:s4] =	ssyncadd.s32 @!p2 $0xFFFFD800;
	s4 =	simm.s32 @!p2 $0x50  }
0xab: {  	[spmem:s2] =	stream.indirect.scatter.add.f32 @!p2 [tilespmem:s9], [sflag:$0x5], $0x80, s26, s4, $0xb8;
	v63 =	vld [tilespmem:$0x0]  }
0xac: {  	s4 =	simm.s32 @!p0 $0x2  }
0xad: {  	_ =	swait.ge @!p0 [sflag:s4], $0x2800  }
0xae: {  	s25 =	sadd.s32 $0x1, s25;
	[sflag:s4] =	ssyncset.done @!p0 $0x0  }
0xaf: {  	s9 =	simm.s32 @!p0 $0x4800;
	[sflag:s4] =	ssyncadd.s32 @!p0 $0xFFFFD800;
	s4 =	simm.s32 @!p0 $0x50  }
0xb0: {  	[spmem:s2] =	stream.indirect.scatter.add.f32 @!p0 [tilespmem:s9], [sflag:$0x6], $0x80, s26, s4, $0xb8;
	v63 =	vld [tilespmem:$0x0]  }
0xb1: {  	p0 =	sne.s32 s25, $0x1C  }
.Ltmp1:
0xb2: {  	_ = 	snop;
	(pc) =	sbr.rel @p0 .LBB2_5-.Ltmp1, $2  }
0xb3: {  	_ =	sdelay $0x2  }
0xb4: {  	s24 =	sadd.s32 $0x80, s24;
	s26 =	sadd.s32 $0x80, s26  }
0xb5: {  	s23 =	sadd.s32 $0x1, s23  }
0xb6: {  	p0 =	sne.s32 s23, $0x5  }
.Ltmp2:
0xb7: {  	_ = 	snop;
	(pc) =	sbr.rel @p0 .LBB2_4-.Ltmp2, $4  }
0xb8: {  	_ = 	snop  }
0xb9: {  	_ =	swait.ge [sflag:s0], $0x2800  }
0xba: {  	[sflag:s0] =	ssyncset.done $0x0  }
0xbb: {  	[sflag:s0] =	ssyncadd.s32 $0xFFFFD800  }
0xbc: {  	s4 =	stileid.u32;
	s3 =	sadd.s32 $0x1, s3  }
0xbd: {  	[bflag:$0x0] =	sbarrier.arrive $0xFFFF;
	s4 =	sshll.u32 s4, $0x6;
	p0 =	sne.s32 s3, s19  }
.Ltmp3:
0xbe: {  	s9 =	sshrl.u32 s8, $0x3;
	s4 =	sor.u32 $0x1C09, s4;
	(pc) =	sbr.rel @p0 .LBB2_1-.Ltmp3, $4  }
0xbf: {  	[hbm:s18], [sflag:s4] =	dma.local [spmem:s9], $0x2800  }
0xc0: {  	_ =	swait.ge [sflag:s20], $0x2800  }
0xc1: {  	[sflag:s20] =	ssyncset.done $0x0  }
0xc2: {  	[sflag:s20] =	ssyncadd.s32 $0xFFFFD800  }
0xc3: {  	_ =	sfence.sel $0x180000  }
0xc4: {  	[bflag:$0x0] =	sbarrier.arrive $0xFFFF  }
0xc5: {  	_ =	strace $0x90000050  }
0xc6: {  	s0 =	stileid.u32;
	[bflag:$0x2] =	sbarrier.arrive $0xFFFF  }
0xc7: {  	p0 =	sne.s32 s0, $0x0;
	s0 =	rddreg [dreg:$0x3]  }
0xc8: {  	s0 =	sadd.s32 @!p0 $0x100000, s0  }
0xc9: {  	[sflag:s0] =	ssyncadd.tile.s32 @!p0 $0x1;
	_ =	shalt  }
.Lfunc_end2:
_tile_overlayer_lowered:
.L_overlay_start_2:
0xca: {  	(tag) =	ssettag $0x2  }
0xcb: {  	s0 =	rddreg [dreg:$0x0];
	s2 =	stileid.u32  }
0xcc: {  	s1 =	rddreg [dreg:$0x1];
	p0 =	sne.s32 s2, $0x0  }
0xcd: {  	s3 =	rddreg [dreg:$0x2];
	[bflag:$0x3] =	sbarrier.arrive $0xFFFF;
	s2 =	simm.s32 @!p0 $0x1C09  }
0xce: {  	[timem:s3], [sflag:s2] =	dma.local @!p0 [hbm:s0], s1  }
0xcf: {  	s0 =	simm.s32 @!p0 $0x9  }
0xd0: {  	_ =	swait.ge @!p0 [sflag:s0], s1  }
0xd1: {  	s1 =	ssub.s32 @!p0 $0x0, s1;
	[sflag:s0] =	ssyncset.done @!p0 $0x0  }
0xd2: {  	[sflag:s0] =	ssyncadd.s32 @!p0 s1  }
0xd3: {  	[bflag:$0x3] =	sbarrier.arrive $0xFFFF  }
0xd4: {  	_ =	shalt  }

// kernel: kernel.24.cloned.1.call-start
scs
__scs_entry_jumppad:
0x0: {  	(pc) =	sbr.rel $0x88, $3  }
0x1: {  	(tag) =	ssettag $0x0;
	lr =	simm.s32 $0x1  }
0x2: {  	[smem:$0x3F9B] =	sst lr;
	_ =	strace $0xD0000000  }
0x3: {  	_ = 	snop  }
0x4: {  	_ = 	snop  }
0x5: {  	_ = 	snop  }
0x6: {  	_ = 	snop  }
0x7: {  	_ = 	snop  }
__scs_overlays_trampoline_lowered:
0x8: {  	[smem:$0x3FAA] =	sst s0  }
0x9: {  	[smem:$0x3FAB] =	sst s1  }
0xa: {  	[smem:$0x3FAC] =	sst s2  }
0xb: {  	[smem:$0x3FAD] =	sst s3  }
0xc: {  	[smem:$0x3FAE] =	sst s4  }
0xd: {  	[smem:$0x3FAF] =	sst s5  }
0xe: {  	[smem:$0x3FB0] =	sst s6  }
0xf: {  	[smem:$0x3FB1] =	sst s7  }
0x10: {  	[smem:$0x3FB2] =	sst s8  }
0x11: {  	[smem:$0x3FB3] =	sst s9;
	s0 =	simm.s32 @!p0 $0x0  }
0x12: {  	s1 =	sld [smem:$0x3F99];
	s0 =	simm.s32 @p0 $0x1  }
0x13: {  	[smem:$0x3FB4] =	sst s0;
	s0 =	simm.s32 @!p1 $0x0  }
0x14: {  	s2 =	sld [smem:$0x3F98];
	s0 =	simm.s32 @p1 $0x1  }
0x15: {  	[smem:$0x3FB5] =	sst s0;
	s0 =	simm.s32 @!p2 $0x0  }
0x16: {  	s3 =	sld [smem:$0x3FDB];
	s0 =	simm.s32 @p2 $0x1  }
0x17: {  	s4 =	simm.s32 $0x1BF5;
	[smem:$0x3FB7] =	sst s0  }
0x18: {  	s0 =	sld [smem:$0x3F9A];
	_ =	swait.ge [sflag:s4], $0x0  }
0x19: {  	s7 =	sld [smem:$0x3F9B]  }
0x1a: {  	s8 =	sadd.s32 $0xFFFFE003, lr  }
0x1b: {  	s9 =	sadd.s32 $0xFFFFFEF7, lr;
	s5 =	simm.s32 $0xFFFFFFFF;
	p2 =	slt.u32 s8, $0xFFFFF086  }
0x1c: {  	p1 =	slt.u32 s9, $0xF7A;
	s5 =	simm.s32 @!p2 $0x0  }
0x1d: {  	s5 =	simm.s32 @p1 $0x1;
	p0 =	seq.s32 s7, s2  }
0x1e: {  	s7 =	smul.u32 @!p0 $0xF7A, s2;
	p2 =	seq.s32 @!p0 s5, $0x0  }
0x1f: {  	s9 =	smul.u32 $0xF7A, s1;
	s8 =	simm.s32 @!p0 $0x1BF5;
	p2 =	por !p2, p0  }
0x20: {  	[sflag:s8] =	ssyncset.s32 @!p0 $0xFFFFF086;
	s6 =	sadd.s32 @!p0 s3, s7;
	s7 =	simm.s32 @!p0 $0x108  }
0x21: {  	s3 =	sadd.s32 s3, s9;
	s6 =	sadd.s32 @!p0 $0x88, s6;
	s7 =	simm.s32 @p2 $0x1082  }
0x22: {  	[simem:s7], [sflag:s8] =	dma.local @!p0 [hbm:s6], $0xF7A  }
0x23: {  	s9 =	sor.u32 $0xD0000000, s2;
	s6 =	simm.s32 $0x108;
	_ =	swait.ge @!p0 [sflag:s8], $0x0  }
0x24: {  	s3 =	sadd.s32 $0x88, s3;
	s6 =	simm.s32 @!p1 $0x1082;
	[sflag:s4] =	ssyncset.s32 $0xFFFFF086  }
0x25: {  	[simem:s6], [sflag:s4] =	dma.local [hbm:s3], $0xF7A  }
0x26: {  	[smem:$0x3F9B] =	sst s1;
	(tag) =	ssettag s2;
	_ =	strace s9  }
0x27: {  	s1 =	sld [smem:$0x3FAB]  }
0x28: {  	s2 =	sld [smem:$0x3FAC]  }
0x29: {  	s4 =	sld [smem:$0x3FAE]  }
0x2a: {  	p0 =	seq.s32 s5, $0x0;
	s5 =	sld [smem:$0x3FAF]  }
0x2b: {  	s6 =	sld [smem:$0x3FB0]  }
0x2c: {  	s7 =	sld [smem:$0x3FB1]  }
0x2d: {  	s3 =	simm.s32 $0x108;
	s8 =	sld [smem:$0x3FB2]  }
0x2e: {  	s3 =	simm.s32 @!p0 $0x1082;
	s9 =	sld [smem:$0x3FB3]  }
0x2f: {  	lr =	sadd.s32 s0, s3;
	s0 =	sld [smem:$0x3FAA]  }
0x30: {  	s3 =	sld [smem:$0x3FAD]  }
0x31: {  	[smem:$0x3FB6] =	sst s10  }
0x32: {  	s10 =	sld [smem:$0x3FB4];
	_ =	sdelay $0x3  }
0x33: {  	p0 =	seq.s32 s10, $0x1;
	s10 =	sld [smem:$0x3FB6];
	_ =	sdelay $0x3  }
0x34: {  	[smem:$0x3FB6] =	sst s10  }
0x35: {  	s10 =	sld [smem:$0x3FB5];
	_ =	sdelay $0x3  }
0x36: {  	p1 =	seq.s32 s10, $0x1;
	s10 =	sld [smem:$0x3FB6];
	_ =	sdelay $0x3  }
0x37: {  	[smem:$0x3FB6] =	sst s10  }
0x38: {  	s10 =	sld [smem:$0x3FB7]  }
0x39: {  	_ = 	snop;
	(pc) =	sbr.ind lr, $3  }
0x3a: {  	_ = 	snop  }
0x3b: {  	_ = 	snop  }
0x3c: {  	p2 =	seq.s32 s10, $0x1;
	s10 =	sld [smem:$0x3FB6]  }
0x3d: {  	_ =	shalt  }
0x3e: {  	_ =	shalt  }
0x3f: {  	_ =	shalt  }
0x40: {  	_ =	shalt  }
0x41: {  	_ =	shalt  }
0x42: {  	_ =	shalt  }
0x43: {  	_ =	shalt  }
0x44: {  	_ =	shalt  }
0x45: {  	_ =	shalt  }
0x46: {  	_ =	shalt  }
0x47: {  	_ =	shalt  }
0x48: {  	_ =	shalt  }
0x49: {  	_ =	shalt  }
0x4a: {  	_ =	shalt  }
0x4b: {  	_ =	shalt  }
0x4c: {  	_ =	shalt  }
0x4d: {  	_ =	shalt  }
0x4e: {  	_ =	shalt  }
0x4f: {  	_ =	shalt  }
0x50: {  	_ =	shalt  }
0x51: {  	_ =	shalt  }
0x52: {  	_ =	shalt  }
0x53: {  	_ =	shalt  }
0x54: {  	_ =	shalt  }
0x55: {  	_ =	shalt  }
0x56: {  	_ =	shalt  }
0x57: {  	_ =	shalt  }
0x58: {  	_ =	shalt  }
0x59: {  	_ =	shalt  }
0x5a: {  	_ =	shalt  }
0x5b: {  	_ =	shalt  }
0x5c: {  	_ =	shalt  }
0x5d: {  	_ =	shalt  }
0x5e: {  	_ =	shalt  }
0x5f: {  	_ =	shalt  }
0x60: {  	_ =	shalt  }
0x61: {  	_ =	shalt  }
0x62: {  	_ =	shalt  }
0x63: {  	_ =	shalt  }
0x64: {  	_ =	shalt  }
0x65: {  	_ =	shalt  }
0x66: {  	_ =	shalt  }
0x67: {  	_ =	shalt  }
0x68: {  	_ =	shalt  }
0x69: {  	_ =	shalt  }
0x6a: {  	_ =	shalt  }
0x6b: {  	_ =	shalt  }
0x6c: {  	_ =	shalt  }
0x6d: {  	_ =	shalt  }
0x6e: {  	_ =	shalt  }
0x6f: {  	_ =	shalt  }
0x70: {  	_ =	shalt  }
0x71: {  	_ =	shalt  }
0x72: {  	_ =	shalt  }
0x73: {  	_ =	shalt  }
0x74: {  	_ =	shalt  }
0x75: {  	_ =	shalt  }
0x76: {  	_ =	shalt  }
0x77: {  	_ =	shalt  }
0x78: {  	_ =	shalt  }
0x79: {  	_ =	shalt  }
0x7a: {  	_ =	shalt  }
0x7b: {  	_ =	shalt  }
0x7c: {  	_ =	shalt  }
0x7d: {  	_ =	shalt  }
0x7e: {  	_ =	shalt  }
0x7f: {  	_ =	shalt  }
0x80: {  	_ =	shalt  }
0x81: {  	_ =	shalt  }
0x82: {  	_ =	shalt  }
0x83: {  	_ =	shalt  }
0x84: {  	_ =	shalt  }
0x85: {  	_ =	shalt  }
0x86: {  	_ =	shalt  }
0x87: {  	_ =	shalt  }
.Lfunc_end0:
.L_simem_size_0:
called_computation.4_lowered:
.L_overlay_start_0:
0x88: {  	s2 =	sld [smem:$0x3FD9]  }
0x89: {  	s3 =	sld [smem:$0x3FFE];
	_ =	sdelay $0x1  }
0x8a: {  	s1 =	srdreg.scid  }
0x8b: {  	s0 =	sand.u32 $0x1, s1  }
0x8c: {  	s17 =	sshll.u32 s0, $0xA;
	s2 =	sadd.s32 s3, s2  }
0x8d: {  	s2 =	sadd.s32 s2, s17  }
0x8e: {  	[smem:$0x3FC2] =	sst s2  }
0x8f: {  	_ = 	snop  }
0x90: {  	s2 =	sld [smem:$0x3FD0];
	(tm) =	ssettm $0x1  }
0x91: {  	s18 =	sld [smem:$0x3FFB];
	_ =	sdelay $0x3  }
0x92: {  	_ =	strace s18  }
0x93: {  	s3 =	sld [smem:$0x3FFC];
	_ =	sdelay $0x3  }
0x94: {  	_ =	strace s3  }
0x95: {  	s3 =	sld [smem:$0x3FFD];
	_ =	sdelay $0x3  }
0x96: {  	_ =	strace s3  }
0x97: {  	_ =	strace $0x8FFFFFFF  }
0x98: {  	s19 =	sld [smem:$0x3FDB];
	_ =	sdelay $0x1  }
0x99: {  	s4 =	simm.s32 $_scs_section_size  }
0x9a: {  	s5 =	simm.s32 $_size__tile_overlayer_lowered;
	s6 =	simm.s32 $_tile_overlayer_lowered  }
0x9b: {  	s22 =	simm.s32 $0x1BFF;
	s21 =	sshll.u32 s6, $0x1;
	s3 =	sadd.s32 s4, s19  }
0x9c: {  	s7 =	simm.s32 $0x0;
	s20 =	sshll.u32 s5, $0x1;
	s5 =	sadd.s32 s21, s3  }
0x9d: {  	[timem:s7], [sflag:s22] =	dma.local [hbm:s5], s20  }
0x9e: {  	_ =	swait.ge [sflag:s22], s20  }
0x9f: {  	s4 =	ssub.s32 $0x0, s20;
	[sflag:s22] =	ssyncset.done $0x0  }
0xa0: {  	[sflag:s22] =	ssyncadd.s32 s4;
	_ =	sdelay $0x1  }
0xa1: {  	s23 =	simm.s32 $0x1B8B  }
0xa2: {  	_ =	swait.ge [sflag:s23], $0x1  }
0xa3: {  	[sflag:s23] =	ssyncset.done $0x0  }
0xa4: {  	s25 =	simm.s32 $0x1B8E;
	s24 =	sld [smem:$0x3FFE];
	[sflag:s23] =	ssyncadd.s32 $0xFFFFFFFF  }
0xa5: {  	s26 =	simm.s32 $execute0_lowered;
	[smem:$0x3FD2] =	sst s25  }
0xa6: {  	s5 =	sshll.u32 s26, $0x1;
	_ =	strace $0x80000052;
	[dreg:$0x1] =	wrdreg $0xFFFFFFFF  }
0xa7: {  	s28 =	simm.s32 $_size_execute0_lowered;
	s3 =	sadd.s32 s3, s5;
	[dreg:$0x0] =	wrdreg $0x0  }
0xa8: {  	s5 =	sshll.u32 s28, $0x1;
	[dreg:$0x2] =	wrdreg s3  }
0xa9: {  	[dreg:$0x3] =	wrdreg s5  }
0xaa: {  	[dreg:$0x4] =	wrdreg $0xC0  }
0xab: {  	_ =	task [dreg:s7], $0x5FFFF  }
0xac: {  	[dreg:$0x1] =	wrdreg $0xFFFFFFFF  }
0xad: {  	[dreg:$0x0] =	wrdreg $0x60  }
0xae: {  	[dreg:$0x2] =	wrdreg s2  }
0xaf: {  	[dreg:$0x3] =	wrdreg s24  }
0xb0: {  	[dreg:$0x4] =	wrdreg $0xC0000  }
0xb1: {  	[dreg:$0x5] =	wrdreg $0x9  }
0xb2: {  	_ =	task.clear_ibuf [dreg:s7], $0x6FFFF;
	_ =	strace $0x90000052  }
0xb3: {  	s29 =	simm.s32 $0x9;
	_ =	strace $0x80000054  }
0xb4: {  	_ =	swait.ge [sflag:s29], $0x1  }
0xb5: {  	[sflag:s29] =	ssyncadd.s32 $0xFFFFFFFF  }
0xb6: {  	_ =	strace $0x90000054  }
0xb7: {  	_ =	sfence  }
0xb8: {  	s30 =	sld [smem:$0x0];
	_ =	sdelay $0x2  }
0xb9: {  	s31 =	sshll.u32 s1, $0xD;
	s1 =	sshrl.u32 s1, $0x2  }
0xba: {  	s3 =	sand.u32 $0x4000, s31;
	s1 =	sadd.s32 s1, s30  }
0xbb: {  	s0 =	sor.u32 s3, s0;
	s1 =	sshll.u32 s1, $0x11  }
0xbc: {  	s0 =	sor.u32 s1, s0  }
0xbd: {  	s0 =	sadd.s32 $0x8F2B, s0  }
0xbe: {  	[sflag:s0] =	ssyncadd.remote.s32 $0x1  }
0xbf: {  	_ =	sfence.sel $0xFFFF  }
0xc0: {  	[dreg:$0x0] =	wrdreg $0xFFFFFFFF;
	(pc) =	sbr.abs _section_cstart, $3  }
0xc1: {  	[dreg:$0x1] =	wrdreg $0xFFFFFFFF  }
0xc2: {  	_ =	task.clear_ibuf [dreg:s7], $0x2FFFF;
	_ =	strace $0x9FFFFFFF  }
0xc3: {  	(tm) =	ssettm $0x7FFFFFFF  }
tec
execute0_lowered:
.L_overlay_start_1:
0x0: {  	(tag) =	ssettag $0x1  }
0x1: {  	s1 =	rddreg [dreg:$0x0]  }
0x2: {  	s0 =	rddreg [dreg:$0x1]  }
0x3: {  	s2 =	rddreg [dreg:$0x2]  }
0x4: {  	s4 =	simm.s32 $0x0;
	s3 =	srdreg.scid;
	s23 =	stileid.u32  }
0x5: {  	s20 =	simm.s32 $0x9;
	s21 =	simm.s32 $0x1000;
	s22 =	simm.s32 $0x50  }
0x6: {  	s30 =	simm.s32 $0x2000;
	s31 =	simm.s32 $0x1;
	s8 =	smul.u32 $0x14000, s23  }
0x7: {  	[smem:$0x7FF] =	sst s4;
	s3 =	sand.u32 $0x1, s3;
	s25 =	smul.u32 $0x50000, s23  }
0x8: {  	s5 =	sadd.s32 $0x24800, s0;
	s6 =	sadd.s32 $0x3E00, s0;
	s7 =	smul.u32 $0x140000, s3  }
0x9: {  	_ =	strace $0x80000053;
	s9 =	sshll.u32 s3, $0x4;
	s3 =	ssub.s32 $0x2, s3  }
0xa: {  	s24 =	sor.u32 s23, s9;
	s26 =	sshrl.u32 s3, $0x1;
	s9 =	sshrl.u32 s25, $0x2  }
0xb: {  	s7 =	sadd.s32 s8, s7;
	s3 =	ssub.s32 s3, s26;
	s8 =	sadd.s32 s9, s2  }
0xc: {  	s10 =	sshrl.u32 s7, $0x3;
	s7 =	smul.u32 $0x5000, s24;
	s11 =	sadd.s32 $0x2800, s8  }
0xd: {  	s12 =	sadd.s32 $0x5000, s8;
	s13 =	sadd.s32 $0x7800, s8;
	s14 =	sadd.s32 $0xA000, s8  }
0xe: {  	s15 =	sadd.s32 $0xC800, s8;
	s16 =	sadd.s32 $0xF000, s8;
	s17 =	sadd.s32 $0x11800, s8  }
0xf: {  	s19 =	smax.u32 s3, $0x1;
	s0 =	sadd.s32 s10, s0;
	s28 =	sshrl.u32 s7, $0x3  }
0x10: {  	s3 =	simm.s32 $0x0;
	s18 =	sadd.s32 $0x5FA00, s0;
	s29 =	sadd.s32 s5, s28  }
0x11: {  	v0 =	vimm.f32 $0.0e+00;
	s0 =	simm.s32 $0x5;
	s10 =	sadd.s32 s6, s28;
	[dreg:$0x4] =	wrdreg s29  }
.LBB2_1:
0x12: {  	s4 =	simm.s32 $0x0;
	s9 =	rddreg [dreg:$0x4]  }
0x13: {  	[tilespmem:s4], [sflag:$0x9] =	stream.linear.gather [hbm4b:s9+s4], $0xC80, $0x38;
	v63 =	vld [tilespmem:$0x0]  }
0x14: {  	_ =	swait.ge [sflag:s20], $0xC80  }
0x15: {  	[sflag:s20] =	ssyncset.done $0x0  }
0x16: {  	[sflag:s20] =	ssyncadd.s32 $0xFFFFF380  }
0x17: {  	[tilespmem:s21], [sflag:$0x9] =	stream.linear.gather [hbm4b:s10+s4], $0xC80, $0x38;
	v63 =	vld [tilespmem:$0x0]  }
0x18: {  	_ =	swait.ge [sflag:s20], $0xC80  }
0x19: {  	[sflag:s20] =	ssyncset.done $0x0  }
0x1a: {  	s23 =	simm.s32 $0x80;
	s24 =	simm.s32 $0x4800;
	[sflag:s20] =	ssyncadd.s32 $0xFFFFF380  }
0x1b: {  	[tilespmem:s24], [sflag:$0x2] =	stream.indirect.gather [hbm4b:s1+s22], $0x80, s23, s22, $0xb8;
	v63 =	vld [tilespmem:$0x0]  }
0x1c: {  	s25 =	simm.s32 $0x100;
	s26 =	simm.s32 $0x7000  }
0x1d: {  	[tilespmem:s26], [sflag:$0x3] =	stream.indirect.gather [hbm4b:s1+s22], $0x80, s25, s22, $0xb8;
	v63 =	vld [tilespmem:$0x0]  }
0x1e: {  	s28 =	simm.s32 $0x180;
	s29 =	simm.s32 $0x9800;
	s23 =	simm.s32 $0x2080  }
0x1f: {  	[tilespmem:s29], [sflag:$0x4] =	stream.indirect.gather [hbm4b:s1+s22], $0x80, s28, s22, $0xb8;
	v63 =	vld [tilespmem:$0x0]  }
0x20: {  	[tilespmem:s23+$0xFFFFFF80] =	vst v0  }
0x21: {  	[tilespmem:s23+$0x70] =	vst v0  }
0x22: {  	[tilespmem:s23+$0x60] =	vst v0  }
0x23: {  	[tilespmem:s23+$0x50] =	vst v0  }
0x24: {  	[tilespmem:s23+$0x40] =	vst v0  }
0x25: {  	[tilespmem:s23+$0x30] =	vst v0  }
0x26: {  	[tilespmem:s23+$0x20] =	vst v0  }
0x27: {  	[tilespmem:s23+$0x10] =	vst v0  }
0x28: {  	[tilespmem:s23+$0x0] =	vst v0  }
0x29: {  	[tilespmem:s23+$0xFFFFFFF0] =	vst v0  }
0x2a: {  	[tilespmem:s23+$0xFFFFFFE0] =	vst v0  }
0x2b: {  	[tilespmem:s23+$0xFFFFFFD0] =	vst v0  }
0x2c: {  	[tilespmem:s23+$0xFFFFFFC0] =	vst v0  }
0x2d: {  	[tilespmem:s23+$0xFFFFFFB0] =	vst v0  }
0x2e: {  	s24 =	simm.s32 $0x0;
	[tilespmem:s23+$0xFFFFFFA0] =	vst v0  }
.LBB2_2:
0x2f: {  	s24 =	sadd.s32 $0x2, s24;
	[tilespmem:s23+$0xFFFFFF90] =	vst v0;
	s23 =	sadd.s32 $0x100, s23  }
0x30: {  	[tilespmem:s23+$0xFFFFFF80] =	vst v0;
	p0 =	slt.u32 s24, $0x4E  }
0x31: {  	[tilespmem:s23+$0x70] =	vst v0  }
0x32: {  	[tilespmem:s23+$0x60] =	vst v0  }
0x33: {  	[tilespmem:s23+$0x50] =	vst v0  }
0x34: {  	[tilespmem:s23+$0x40] =	vst v0  }
0x35: {  	[tilespmem:s23+$0x30] =	vst v0  }
0x36: {  	[tilespmem:s23+$0x20] =	vst v0  }
0x37: {  	[tilespmem:s23+$0x10] =	vst v0  }
0x38: {  	[tilespmem:s23+$0x0] =	vst v0  }
0x39: {  	[tilespmem:s23+$0xFFFFFFF0] =	vst v0  }
.Ltmp0:
0x3a: {  	[tilespmem:s23+$0xFFFFFFE0] =	vst v0;
	(pc) =	sbr.rel @p0 .LBB2_2-.Ltmp0, $4  }
0x3b: {  	[tilespmem:s23+$0xFFFFFFD0] =	vst v0  }
0x3c: {  	[tilespmem:s23+$0xFFFFFFC0] =	vst v0  }
0x3d: {  	[tilespmem:s23+$0xFFFFFFB0] =	vst v0  }
0x3e: {  	[tilespmem:s23+$0xFFFFFFA0] =	vst v0  }
0x3f: {  	[tilespmem:s23+$0xFFFFFF90] =	vst v0  }
0x40: {  	[spmem:s8] =	stream.linear.scatter [tilespmem:s30], [sflag:$0x9], $0x2800, $0x38;
	v63 =	vld [tilespmem:$0x0]  }
0x41: {  	_ =	swait.ge [sflag:s20], $0x2800  }
0x42: {  	[sflag:s20] =	ssyncset.done $0x0  }
0x43: {  	[sflag:s20] =	ssyncadd.s32 $0xFFFFD800  }
0x44: {  	[spmem:s11] =	stream.linear.scatter [tilespmem:s30], [sflag:$0x9], $0x2800, $0x38;
	v63 =	vld [tilespmem:$0x0]  }
0x45: {  	_ =	swait.ge [sflag:s20], $0x2800  }
0x46: {  	[sflag:s20] =	ssyncset.done $0x0  }
0x47: {  	[sflag:s20] =	ssyncadd.s32 $0xFFFFD800  }
0x48: {  	[spmem:s12] =	stream.linear.scatter [tilespmem:s30], [sflag:$0x9], $0x2800, $0x38;
	v63 =	vld [tilespmem:$0x0]  }
0x49: {  	_ =	swait.ge [sflag:s20], $0x2800  }
0x4a: {  	[sflag:s20] =	ssyncset.done $0x0  }
0x4b: {  	[sflag:s20] =	ssyncadd.s32 $0xFFFFD800  }
0x4c: {  	[spmem:s13] =	stream.linear.scatter [tilespmem:s30], [sflag:$0x9], $0x2800, $0x38;
	v63 =	vld [tilespmem:$0x0]  }
0x4d: {  	_ =	swait.ge [sflag:s20], $0x2800  }
0x4e: {  	[sflag:s20] =	ssyncset.done $0x0  }
0x4f: {  	[sflag:s20] =	ssyncadd.s32 $0xFFFFD800  }
0x50: {  	[spmem:s14] =	stream.linear.scatter [tilespmem:s30], [sflag:$0x9], $0x2800, $0x38;
	v63 =	vld [tilespmem:$0x0]  }
0x51: {  	_ =	swait.ge [sflag:s20], $0x2800  }
0x52: {  	[sflag:s20] =	ssyncset.done $0x0  }
0x53: {  	[sflag:s20] =	ssyncadd.s32 $0xFFFFD800  }
0x54: {  	[spmem:s15] =	stream.linear.scatter [tilespmem:s30], [sflag:$0x9], $0x2800, $0x38;
	v63 =	vld [tilespmem:$0x0]  }
0x55: {  	_ =	swait.ge [sflag:s20], $0x2800  }
0x56: {  	[sflag:s20] =	ssyncset.done $0x0  }
0x57: {  	[sflag:s20] =	ssyncadd.s32 $0xFFFFD800  }
0x58: {  	[spmem:s16] =	stream.linear.scatter [tilespmem:s30], [sflag:$0x9], $0x2800, $0x38;
	v63 =	vld [tilespmem:$0x0]  }
0x59: {  	_ =	swait.ge [sflag:s20], $0x2800  }
0x5a: {  	[sflag:s20] =	ssyncset.done $0x0  }
0x5b: {  	[sflag:s20] =	ssyncadd.s32 $0xFFFFD800  }
0x5c: {  	[spmem:s17] =	stream.linear.scatter [tilespmem:s30], [sflag:$0x9], $0x2800, $0x38;
	v63 =	vld [tilespmem:$0x0]  }
0x5d: {  	_ =	swait.ge [sflag:s20], $0x2800  }
0x5e: {  	[sflag:s20] =	ssyncset.done $0x0  }
0x5f: {  	s23 =	simm.s32 $0x0;
	[sflag:s20] =	ssyncadd.s32 $0xFFFFD800  }
0x60: {  	[tilespmem:s30], [sflag:$0x1] =	stream.indirect.gather [hbm4b:s1+s22], $0x80, s23, s22, $0xb8;
	v63 =	vld [tilespmem:$0x0]  }
0x61: {  	[bflag:$0x0] =	sbarrier.arrive $0xFFFF  }
.LBB2_4:
0x62: {  	p0 =	seq.s32 s23, $0x0  }
0x63: {  	s24 =	sshll.u32 @!p0 s23, $0xC  }
0x64: {  	s24 =	sadd.s32 @!p0 s7, s24  }
0x65: {  	s24 =	sshrl.u32 @!p0 s24, $0x3  }
0x66: {  	s26 =	simm.s32 @!p0 $0x0;
	s25 =	sadd.s32 @!p0 s5, s24  }
0x67: {  	[tilespmem:s26], [sflag:$0x9] =	stream.linear.gather @!p0 [hbm4b:s25+s26], $0xC80, $0x38;
	v63 =	vld [tilespmem:$0x0]  }
0x68: {  	s25 =	simm.s32 @!p0 $0x9  }
0x69: {  	_ =	swait.ge @!p0 [sflag:s25], $0xC80  }
0x6a: {  	[sflag:s25] =	ssyncset.done @!p0 $0x0  }
0x6b: {  	s28 =	simm.s32 @!p0 $0x1000;
	s24 =	sadd.s32 @!p0 s6, s24;
	[sflag:s25] =	ssyncadd.s32 @!p0 $0xFFFFF380  }
0x6c: {  	[tilespmem:s28], [sflag:$0x9] =	stream.linear.gather @!p0 [hbm4b:s24+s26], $0xC80, $0x38;
	v63 =	vld [tilespmem:$0x0]  }
0x6d: {  	_ =	swait.ge @!p0 [sflag:s25], $0xC80  }
0x6e: {  	[sflag:s25] =	ssyncset.done @!p0 $0x0  }
0x6f: {  	s24 =	simm.s32 @!p0 $0x50;
	[sflag:s25] =	ssyncadd.s32 @!p0 $0xFFFFF380;
	s25 =	simm.s32 @!p0 $0x2000  }
0x70: {  	[tilespmem:s25], [sflag:$0x1] =	stream.indirect.gather @!p0 [hbm4b:s1+s24], $0x80, s26, s24, $0xb8;
	v63 =	vld [tilespmem:$0x0]  }
0x71: {  	s25 =	simm.s32 @!p0 $0x80;
	s26 =	simm.s32 @!p0 $0x4800  }
0x72: {  	[tilespmem:s26], [sflag:$0x2] =	stream.indirect.gather @!p0 [hbm4b:s1+s24], $0x80, s25, s24, $0xb8;
	v63 =	vld [tilespmem:$0x0]  }
0x73: {  	s25 =	simm.s32 @!p0 $0x100;
	s26 =	simm.s32 @!p0 $0x7000  }
0x74: {  	[tilespmem:s26], [sflag:$0x3] =	stream.indirect.gather @!p0 [hbm4b:s1+s24], $0x80, s25, s24, $0xb8;
	v63 =	vld [tilespmem:$0x0]  }
0x75: {  	s25 =	simm.s32 @!p0 $0x180;
	s26 =	simm.s32 @!p0 $0x9800  }
0x76: {  	[tilespmem:s26], [sflag:$0x4] =	stream.indirect.gather @!p0 [hbm4b:s1+s24], $0x80, s25, s24, $0xb8;
	v63 =	vld [tilespmem:$0x0]  }
0x77: {  	_ =	swait.ge [sflag:s31], $0x2800  }
0x78: {  	s24 =	simm.s32 $0x200;
	[sflag:s31] =	ssyncset.done $0x0  }
0x79: {  	s25 =	simm.s32 $0x4;
	s26 =	simm.s32 $0x1080;
	[sflag:s31] =	ssyncadd.s32 $0xFFFFD800  }
0x7a: {  	[spmem:s2] =	stream.indirect.scatter.add.f32 [tilespmem:s30], [sflag:$0x5], $0x80, s21, s22, $0xb8;
	v63 =	vld [tilespmem:$0x0]  }
.LBB2_5:
0x7b: {  	s29 =	sand.u32 $0x3, s25  }
0x7c: {  	p0 =	sgt.s32 s29, $0x1  }
0x7d: {  	p1 =	seq.s32 @p0 s29, $0x2  }
0x7e: {  	p2 =	por !p1, !p0  }
0x7f: {  	s28 =	sadd.s32 $0xFFFFFFFD, s25;
	s4 =	simm.s32 @!p2 $0x7  }
0x80: {  	p3 =	sgt.u32 @!p2 s28, $0x15;
	_ =	swait.ge @!p2 [sflag:s4], $0x2800  }
0x81: {  	p3 =	por @p0 p3, !p1;
	[sflag:s4] =	ssyncset.done @!p2 $0x0  }
0x82: {  	p3 =	por p3, !p0;
	[sflag:s4] =	ssyncadd.s32 @!p2 $0xFFFFD800  }
0x83: {  	s4 =	simm.s32 @!p3 $0x50;
	s9 =	simm.s32 @!p3 $0x7000;
	p2 =	por p1, !p0  }
0x84: {  	[tilespmem:s9], [sflag:$0x3] =	stream.indirect.gather @!p3 [hbm4b:s1+s4], $0x80, s24, s4, $0xb8;
	v63 =	vld [tilespmem:$0x0]  }
0x85: {  	p3 =	sgt.u32 @!p2 s28, $0x15;
	s4 =	simm.s32 @!p2 $0x8  }
0x86: {  	_ =	swait.ge @!p2 [sflag:s4], $0x2800;
	p1 =	por @p0 p3, p1  }
0x87: {  	[sflag:s4] =	ssyncset.done @!p2 $0x0;
	p1 =	por p1, !p0  }
0x88: {  	[sflag:s4] =	ssyncadd.s32 @!p2 $0xFFFFD800;
	s4 =	simm.s32 @!p1 $0x50;
	s9 =	simm.s32 @!p1 $0x9800  }
0x89: {  	[tilespmem:s9], [sflag:$0x4] =	stream.indirect.gather @!p1 [hbm4b:s1+s4], $0x80, s24, s4, $0xb8;
	v63 =	vld [tilespmem:$0x0]  }
0x8a: {  	p1 =	seq.s32 @!p0 s29, $0x0  }
0x8b: {  	p2 =	por !p1, p0  }
0x8c: {  	s4 =	simm.s32 @!p2 $0x5  }
0x8d: {  	p3 =	sgt.u32 @!p2 s28, $0x15;
	_ =	swait.ge @!p2 [sflag:s4], $0x2800  }
0x8e: {  	p3 =	por @!p0 p3, !p1;
	[sflag:s4] =	ssyncset.done @!p2 $0x0  }
0x8f: {  	p3 =	por p3, p0;
	[sflag:s4] =	ssyncadd.s32 @!p2 $0xFFFFD800  }
0x90: {  	s4 =	simm.s32 @!p3 $0x50;
	s9 =	simm.s32 @!p3 $0x2000;
	p2 =	por p1, p0  }
0x91: {  	[tilespmem:s9], [sflag:$0x1] =	stream.indirect.gather @!p3 [hbm4b:s1+s4], $0x80, s24, s4, $0xb8;
	v63 =	vld [tilespmem:$0x0]  }
0x92: {  	p3 =	sgt.u32 @!p2 s28, $0x15;
	s4 =	simm.s32 @!p2 $0x6  }
0x93: {  	_ =	swait.ge @!p2 [sflag:s4], $0x2800;
	p1 =	por @!p0 p3, p1  }
0x94: {  	[sflag:s4] =	ssyncset.done @!p2 $0x0;
	p0 =	por p1, p0  }
0x95: {  	[sflag:s4] =	ssyncadd.s32 @!p2 $0xFFFFD800;
	s4 =	simm.s32 @!p0 $0x50;
	s9 =	simm.s32 @!p0 $0x4800  }
0x96: {  	[tilespmem:s9], [sflag:$0x2] =	stream.indirect.gather @!p0 [hbm4b:s1+s4], $0x80, s24, s4, $0xb8;
	v63 =	vld [tilespmem:$0x0]  }
0x97: {  	s4 =	sand.u32 $0x3, s28  }
0x98: {  	p0 =	sgt.s32 s4, $0x1  }
0x99: {  	p1 =	seq.s32 @p0 s4, $0x2  }
0x9a: {  	p2 =	por !p1, !p0  }
0x9b: {  	s9 =	simm.s32 @!p2 $0x3  }
0x9c: {  	_ =	swait.ge @!p2 [sflag:s9], $0x2800  }
0x9d: {  	p1 =	por p1, !p0;
	[sflag:s9] =	ssyncset.done @!p2 $0x0  }
0x9e: {  	s28 =	simm.s32 @!p2 $0x7000;
	[sflag:s9] =	ssyncadd.s32 @!p2 $0xFFFFD800;
	s9 =	simm.s32 @!p2 $0x50  }
0x9f: {  	[spmem:s2] =	stream.indirect.scatter.add.f32 @!p2 [tilespmem:s28], [sflag:$0x7], $0x80, s26, s9, $0xb8;
	v63 =	vld [tilespmem:$0x0]  }
0xa0: {  	s9 =	simm.s32 @!p1 $0x4  }
0xa1: {  	_ =	swait.ge @!p1 [sflag:s9], $0x2800  }
0xa2: {  	[sflag:s9] =	ssyncset.done @!p1 $0x0  }
0xa3: {  	s28 =	simm.s32 @!p1 $0x9800;
	[sflag:s9] =	ssyncadd.s32 @!p1 $0xFFFFD800;
	s9 =	simm.s32 @!p1 $0x50  }
0xa4: {  	[spmem:s2] =	stream.indirect.scatter.add.f32 @!p1 [tilespmem:s28], [sflag:$0x8], $0x80, s26, s9, $0xb8;
	v63 =	vld [tilespmem:$0x0]  }
0xa5: {  	p1 =	seq.s32 @!p0 s4, $0x0  }
0xa6: {  	p2 =	por !p1, p0  }
0xa7: {  	s4 =	simm.s32 @!p2 $0x1  }
0xa8: {  	_ =	swait.ge @!p2 [sflag:s4], $0x2800  }
0xa9: {  	p0 =	por p1, p0;
	[sflag:s4] =	ssyncset.done @!p2 $0x0  }
0xaa: {  	s9 =	simm.s32 @!p2 $0x2000;
	[sflag:s4] =	ssyncadd.s32 @!p2 $0xFFFFD800;
	s4 =	simm.s32 @!p2 $0x50  }
0xab: {  	[spmem:s2] =	stream.indirect.scatter.add.f32 @!p2 [tilespmem:s9], [sflag:$0x5], $0x80, s26, s4, $0xb8;
	v63 =	vld [tilespmem:$0x0]  }
0xac: {  	s4 =	simm.s32 @!p0 $0x2  }
0xad: {  	_ =	swait.ge @!p0 [sflag:s4], $0x2800  }
0xae: {  	s25 =	sadd.s32 $0x1, s25;
	[sflag:s4] =	ssyncset.done @!p0 $0x0  }
0xaf: {  	s9 =	simm.s32 @!p0 $0x4800;
	[sflag:s4] =	ssyncadd.s32 @!p0 $0xFFFFD800;
	s4 =	simm.s32 @!p0 $0x50  }
0xb0: {  	[spmem:s2] =	stream.indirect.scatter.add.f32 @!p0 [tilespmem:s9], [sflag:$0x6], $0x80, s26, s4, $0xb8;
	v63 =	vld [tilespmem:$0x0]  }
0xb1: {  	p0 =	sne.s32 s25, $0x1C  }
.Ltmp1:
0xb2: {  	_ = 	snop;
	(pc) =	sbr.rel @p0 .LBB2_5-.Ltmp1, $2  }
0xb3: {  	_ =	sdelay $0x2  }
0xb4: {  	s24 =	sadd.s32 $0x80, s24;
	s26 =	sadd.s32 $0x80, s26  }
0xb5: {  	s23 =	sadd.s32 $0x1, s23  }
0xb6: {  	p0 =	sne.s32 s23, $0x5  }
.Ltmp2:
0xb7: {  	_ = 	snop;
	(pc) =	sbr.rel @p0 .LBB2_4-.Ltmp2, $4  }
0xb8: {  	_ = 	snop  }
0xb9: {  	_ =	swait.ge [sflag:s0], $0x2800  }
0xba: {  	[sflag:s0] =	ssyncset.done $0x0  }
0xbb: {  	[sflag:s0] =	ssyncadd.s32 $0xFFFFD800  }
0xbc: {  	s4 =	stileid.u32;
	s3 =	sadd.s32 $0x1, s3  }
0xbd: {  	[bflag:$0x0] =	sbarrier.arrive $0xFFFF;
	s4 =	sshll.u32 s4, $0x6;
	p0 =	sne.s32 s3, s19  }
.Ltmp3:
0xbe: {  	s9 =	sshrl.u32 s8, $0x3;
	s4 =	sor.u32 $0x1C09, s4;
	(pc) =	sbr.rel @p0 .LBB2_1-.Ltmp3, $4  }
0xbf: {  	[hbm:s18], [sflag:s4] =	dma.local [spmem:s9], $0x2800  }
0xc0: {  	_ =	swait.ge [sflag:s20], $0x2800  }
0xc1: {  	[sflag:s20] =	ssyncset.done $0x0  }
0xc2: {  	[sflag:s20] =	ssyncadd.s32 $0xFFFFD800  }
0xc3: {  	_ =	sfence.sel $0x180000  }
0xc4: {  	[bflag:$0x0] =	sbarrier.arrive $0xFFFF  }
0xc5: {  	_ =	strace $0x90000053  }
0xc6: {  	s0 =	stileid.u32;
	[bflag:$0x2] =	sbarrier.arrive $0xFFFF  }
0xc7: {  	p0 =	sne.s32 s0, $0x0;
	s0 =	rddreg [dreg:$0x3]  }
0xc8: {  	s0 =	sadd.s32 @!p0 $0x100000, s0  }
0xc9: {  	[sflag:s0] =	ssyncadd.tile.s32 @!p0 $0x1;
	_ =	shalt  }
.Lfunc_end2:
_tile_overlayer_lowered:
.L_overlay_start_2:
0xca: {  	(tag) =	ssettag $0x2  }
0xcb: {  	s0 =	rddreg [dreg:$0x0];
	s2 =	stileid.u32  }
0xcc: {  	s1 =	rddreg [dreg:$0x1];
	p0 =	sne.s32 s2, $0x0  }
0xcd: {  	s3 =	rddreg [dreg:$0x2];
	[bflag:$0x3] =	sbarrier.arrive $0xFFFF;
	s2 =	simm.s32 @!p0 $0x1C09  }
0xce: {  	[timem:s3], [sflag:s2] =	dma.local @!p0 [hbm:s0], s1  }
0xcf: {  	s0 =	simm.s32 @!p0 $0x9  }
0xd0: {  	_ =	swait.ge @!p0 [sflag:s0], s1  }
0xd1: {  	s1 =	ssub.s32 @!p0 $0x0, s1;
	[sflag:s0] =	ssyncset.done @!p0 $0x0  }
0xd2: {  	[sflag:s0] =	ssyncadd.s32 @!p0 s1  }
0xd3: {  	[bflag:$0x3] =	sbarrier.arrive $0xFFFF  }
0xd4: {  	_ =	shalt  }

</sc_bundles>
